<compile_context>
chip_gen: v7x
topology: tpu7x:2x2x1
jax: 0.10.2.dev20260603
libtpu: 0.0.44.dev20260713+nightly
codegen_flags: <defaults>
</compile_context>

<pallas_src>
import functools

import jax
import jax.numpy as jnp
from jax import lax
from jax.experimental import pallas as pl
from jax.experimental.pallas import tpu as pltpu
from jax.experimental.pallas import tpu_sc as plsc

EPS = 1e-5
NC, NS = 2, 16
NW = NC * NS

N0, N1, N2, N3 = 10000, 2500, 640, 160
N0P, N1P, N2G = 10240, 2560, 1024
E, EP = 160000, 163840
LD = 128
ACC_R = 10240
DUMMY_DST = 10200


def _rsqrt(v):
    return jax.lax.rsqrt(v + EPS)



def _tc_a(x3_ref, w_ref, g_ref, v_ref, o_ref):
    a = g_ref[...] * _rsqrt(v_ref[...])
    x = x3_ref[...]
    for k in range(8):
        o_ref[k] = jnp.dot(x, w_ref[k] * a, preferred_element_type=jnp.float32)


def _tc_b(up_ref, g2, b2, m2, v2, x2_ref, w_ref, g1, v1, o_ref):
    a2 = g2[...] * _rsqrt(v2[...])
    c2 = b2[...] - m2[...] * a2
    u = jnp.maximum(up_ref[0:N2] + c2, 0.0)
    r = jnp.concatenate([u, x2_ref[...]], axis=1)
    a1 = g1[...] * _rsqrt(v1[...])
    z = jnp.zeros((N2, 64), jnp.float32)
    for k in range(8):
        h = jnp.dot(r, w_ref[k] * a1, preferred_element_type=jnp.float32)
        o_ref[k] = jnp.concatenate([h, z], axis=1)


def _tc_c(up_ref, g1, b1, m1, v1, x1_ref, w_ref, g0, v0, o_ref):
    a1 = g1[...] * _rsqrt(v1[...])
    c1 = b1[...] - m1[...] * a1
    u = jnp.maximum(up_ref[:, 0:192] + c1, 0.0)
    r = jnp.concatenate([u, x1_ref[...]], axis=1)
    a0 = g0[...] * _rsqrt(v0[...])
    o_ref[0] = jnp.dot(r, w_ref[0] * a0, preferred_element_type=jnp.float32)


def _tc_d(up_ref, g0, b0, m0, v0, x0_ref, w_ref, gs, vs, o_ref):
    a0 = g0[...] * _rsqrt(v0[...])
    c0 = b0[...] - m0[...] * a0
    u = jnp.maximum(up_ref[...] + c0, 0.0)
    r = jnp.concatenate([u, x0_ref[...]], axis=1)
    asm = gs[...] * _rsqrt(vs[...])
    o_ref[0] = jnp.dot(r, w_ref[0] * asm, preferred_element_type=jnp.float32)


def _tc_e(p_ref, gs, bs, ms, vs, o_ref):
    asm = gs[...] * _rsqrt(vs[...])
    cs = bs[...] - ms[...] * asm
    s = p_ref[0] + p_ref[1]
    o_ref[...] = jnp.maximum(s[0:N0] + cs, 0.0)



def _make_gather(T, D, NTOT, MULT, CH):
    NB = NTOT // NW
    nchunks = NB // CH
    mesh = plsc.VectorSubcoreMesh(core_axis_name="c", subcore_axis_name="s")

    @functools.partial(
        pl.kernel,
        out_type=jax.ShapeDtypeStruct((NTOT, D), jnp.float32),
        mesh=mesh,
        scratch_types=[
            pltpu.VMEM((NB,), jnp.int32),
            pltpu.VMEM((NB,), jnp.int32),
            pltpu.VMEM((nchunks, CH), jnp.int32),
            pltpu.VMEM((CH, D), jnp.float32),
            pltpu.SemaphoreType.DMA,
        ],
    )
    def g(table, parent, off, out, par_v, off_v, idx_v, rows_v, sem):
        wid = lax.axis_index("s") * NC + lax.axis_index("c")
        base = wid * NB
        pltpu.sync_copy(parent.at[pl.ds(base, NB)], par_v)
        pltpu.sync_copy(off.at[pl.ds(base, NB)], off_v)
        for j in range(nchunks):
            for t in range(CH // 16):
                s0 = j * CH + t * 16
                idx_v[j, pl.ds(t * 16, 16)] = (
                    off_v[pl.ds(s0, 16)] * MULT + par_v[pl.ds(s0, 16)])
            pltpu.async_copy(table.at[idx_v.at[j]], rows_v, sem).wait()
            pltpu.sync_copy(rows_v, out.at[pl.ds(base + j * CH, CH)])

    return g


_CH_SM = 128
_NCHT = EP // _CH_SM
_CH_A = 60
_CH_B = _NCHT // NS - _CH_A
_ZCH = 128


def _sc_smooth(table, esk, zrows):
    mesh = plsc.VectorSubcoreMesh(core_axis_name="c", subcore_axis_name="s")
    rows_per_tile = ACC_R // NS

    @functools.partial(
        pl.kernel,
        out_type=jax.ShapeDtypeStruct((NC, ACC_R, LD), jnp.float32),
        mesh=mesh,
        scratch_types=[
            [pltpu.VMEM((1, 3, _CH_SM), jnp.int32) for _ in range(2)],
            [pltpu.VMEM((1, _CH_SM), jnp.int32) for _ in range(2)],
            [pltpu.VMEM((1, _CH_SM), jnp.int32) for _ in range(2)],
            [pltpu.VMEM((_CH_SM, LD), jnp.float32) for _ in range(2)],
            [pltpu.SemaphoreType.DMA for _ in range(2)],
            [pltpu.SemaphoreType.DMA for _ in range(2)],
            [pltpu.SemaphoreType.DMA for _ in range(2)],
            pltpu.VMEM_SHARED((ACC_R, LD), jnp.float32),
            pltpu.SemaphoreType.DMA,
        ],
    )
    def k(tab, ed, zr, out, ebufs, gixs, dixs, rows, isems, gsems, ssems,
          acc, psem):
        cid = lax.axis_index("c")
        sid = lax.axis_index("s")
        start = jnp.where(cid == 0, sid * _CH_A, NS * _CH_A + sid * _CH_B)
        n2 = jnp.where(cid == 0, _CH_A // 2, _CH_B // 2)

        nz = rows_per_tile // _ZCH
        for j in range(nz):
            pltpu.async_copy(zr, acc.at[pl.ds(sid * rows_per_tile + j * _ZCH,
                                              _ZCH)], psem)
        for t in range(2):
            pltpu.async_copy(ed.at[pl.ds(start + t, 1)], ebufs[t], isems[t])
        for j in range(nz):
            pltpu.make_async_copy(zr, acc.at[pl.ds(0, _ZCH)], psem).wait()
        plsc.subcore_barrier()

        def gbody(i, carry):
            for t in range(2):
                c = start + i * 2 + t
                pltpu.make_async_copy(ed.at[pl.ds(c, 1)], ebufs[t],
                                      isems[t]).wait()

                @pl.when(i > 0)
                def _():
                    pltpu.make_async_copy(rows[t], acc.at[dixs[t].at[0]],
                                          ssems[t]).wait()

                for v in range(_CH_SM // 16):
                    sl = pl.ds(v * 16, 16)
                    gixs[t][0, sl] = (ebufs[t][0, 1, sl] * N0P
                                      + ebufs[t][0, 0, sl])
                    dixs[t][0, sl] = ebufs[t][0, 2, sl]
                pltpu.async_copy(tab.at[gixs[t].at[0]], rows[t], gsems[t])
            for t in range(2):
                c = start + i * 2 + t
                pltpu.make_async_copy(tab.at[gixs[t].at[0]], rows[t],
                                      gsems[t]).wait()
                pltpu.async_copy(rows[t], acc.at[dixs[t].at[0]], ssems[t],
                                 add=True)

                @pl.when(i + 1 < n2)
                def _():
                    pltpu.async_copy(ed.at[pl.ds(c + 2, 1)], ebufs[t],
                                     isems[t])
            return carry

        lax.fori_loop(0, n2, gbody, 0)
        for t in range(2):
            pltpu.make_async_copy(rows[t], acc.at[dixs[t].at[0]],
                                  ssems[t]).wait()
        plsc.subcore_barrier()
        pltpu.sync_copy(acc.at[pl.ds(sid * rows_per_tile, rows_per_tile)],
                        out.at[cid, pl.ds(sid * rows_per_tile, rows_per_tile)])

    return k(table, esk, zrows)



def kernel(x0, x1, x2, x3, parent0, parent1, parent2, off0, off1, off2,
           edge_src, edge_dst, kidx,
           Wup0, gup0, bup0, mup0, vup0, Wup1, gup1, bup1, mup1, vup1,
           Wup2, gup2, bup2, mup2, vup2, Wsm, gsm, bsm, msm, vsm):
    r2 = lambda p: p.reshape(1, -1)
    g0r, b0r, m0r, v0r = r2(gup0), r2(bup0), r2(mup0), r2(vup0)
    g1r, b1r, m1r, v1r = r2(gup1), r2(bup1), r2(mup1), r2(vup1)
    g2r, b2r, m2r, v2r = r2(gup2), r2(bup2), r2(mup2), r2(vup2)
    gsr, bsr, msr, vsr = r2(gsm), r2(bsm), r2(msm), r2(vsm)

    p2p = jnp.pad(parent2, (0, N2G - N2))
    o2p = jnp.pad(off2, (0, N2G - N2))
    p1p = jnp.pad(parent1, (0, N1P - N1))
    o1p = jnp.pad(off1, (0, N1P - N1))
    p0p = jnp.pad(parent0, (0, N0P - N0))
    o0p = jnp.pad(off0, (0, N0P - N0))
    x1p = jnp.pad(x1, ((0, N1P - N1), (0, 0)))
    x0p = jnp.pad(x0, ((0, N0P - N0), (0, 0)))
    src2 = jnp.pad(edge_src, (0, EP - E)).reshape(_NCHT, _CH_SM)
    kid2 = jnp.pad(kidx, (0, EP - E)).reshape(_NCHT, _CH_SM)
    dst2 = jnp.pad(edge_dst, (0, EP - E),
                   constant_values=DUMMY_DST).reshape(_NCHT, _CH_SM)
    esk = jnp.stack([src2, kid2, dst2], axis=1)
    zrows = jnp.zeros((_ZCH, LD), jnp.float32)

    h2 = pl.pallas_call(
        _tc_a,
        out_shape=jax.ShapeDtypeStruct((8, N3, 128), jnp.float32),
    )(x3, Wup2, g2r, v2r)
    up2 = _make_gather(8 * N3, 128, N2G, N3, 32)(h2.reshape(8 * N3, 128),
                                                 p2p, o2p)

    h1 = pl.pallas_call(
        _tc_b,
        out_shape=jax.ShapeDtypeStruct((8, N2, 256), jnp.float32),
    )(up2, g2r, b2r, m2r, v2r, x2, Wup1, g1r, v1r)
    up1 = _make_gather(8 * N2, 256, N1P, N2, 80)(h1.reshape(8 * N2, 256),
                                                 p1p, o1p)

    h0 = pl.pallas_call(
        _tc_c,
        grid=(8,),
        in_specs=[
            pl.BlockSpec((N1P, 256), lambda k: (0, 0)),
            pl.BlockSpec((1, 192), lambda k: (0, 0)),
            pl.BlockSpec((1, 192), lambda k: (0, 0)),
            pl.BlockSpec((1, 192), lambda k: (0, 0)),
            pl.BlockSpec((1, 192), lambda k: (0, 0)),
            pl.BlockSpec((N1P, 64), lambda k: (0, 0)),
            pl.BlockSpec((1, 256, 256), lambda k: (k, 0, 0)),
            pl.BlockSpec((1, 256), lambda k: (0, 0)),
            pl.BlockSpec((1, 256), lambda k: (0, 0)),
        ],
        out_specs=pl.BlockSpec((1, N1P, 256), lambda k: (k, 0, 0)),
        out_shape=jax.ShapeDtypeStruct((8, N1P, 256), jnp.float32),
    )(up1, g1r, b1r, m1r, v1r, x1p, Wup0, g0r, v0r)
    up0 = _make_gather(8 * N1P, 256, N0P, N1P, 80)(h0.reshape(8 * N1P, 256),
                                                   p0p, o0p)

    TB = 2048
    hs = pl.pallas_call(
        _tc_d,
        grid=(N0P // TB, 27),
        in_specs=[
            pl.BlockSpec((TB, 256), lambda t, k: (t, 0)),
            pl.BlockSpec((1, 256), lambda t, k: (0, 0)),
            pl.BlockSpec((1, 256), lambda t, k: (0, 0)),
            pl.BlockSpec((1, 256), lambda t, k: (0, 0)),
            pl.BlockSpec((1, 256), lambda t, k: (0, 0)),
            pl.BlockSpec((TB, 64), lambda t, k: (t, 0)),
            pl.BlockSpec((1, 320, 128), lambda t, k: (k, 0, 0)),
            pl.BlockSpec((1, 128), lambda t, k: (0, 0)),
            pl.BlockSpec((1, 128), lambda t, k: (0, 0)),
        ],
        out_specs=pl.BlockSpec((1, TB, 128), lambda t, k: (k, t, 0)),
        out_shape=jax.ShapeDtypeStruct((27, N0P, 128), jnp.float32),
    )(up0, g0r, b0r, m0r, v0r, x0p, Wsm, gsr, vsr)

    parts = _sc_smooth(hs.reshape(27 * N0P, 128), esk, zrows)

    out = pl.pallas_call(
        _tc_e,
        out_shape=jax.ShapeDtypeStruct((N0, LD), jnp.float32),
    )(parts, gsr, bsr, msr, vsr)
    return out

# --- scband reference (transcript-rebuilt; emitter-appended) ---
"""Pipeline reference for scband-pixel-decoder-alt-5720896438576 (READ-ONLY COPY).

The authoritative reference and input builder live on the scoring server;
editing this copy changes nothing except your own understanding.
"""

import jax, jax.numpy as jnp
import numpy as np

IN_CHANNELS = 64
CHANNELS = (64, 64, 128)
LATENT_DIM = 128
N_LEVELS = (10000, 2500, 640, 160)
N_EDGES = 160000
K_SMOOTH = 27
K_UP = 8
EPS = 1e-5


def _bn(x, g, b, m, v):
    return g * (x - m) * jax.lax.rsqrt(v + EPS) + b


def setup_inputs(seed: int = 0):
    key = jax.random.key(seed)
    ks = jax.random.split(key, 64)
    feat_dims = (IN_CHANNELS, CHANNELS[0], CHANNELS[1], CHANNELS[2])
    inp = {}
    for i in range(4):
        inp[f'x{i}'] = jax.random.normal(ks[i], (N_LEVELS[i], feat_dims[i]), dtype=jnp.float32)
    for i in range(3):
        inp[f'parent{i}'] = jax.random.randint(ks[4 + i], (N_LEVELS[i],), 0, N_LEVELS[i + 1], dtype=jnp.int32)
        inp[f'off{i}'] = jax.random.randint(ks[7 + i], (N_LEVELS[i],), 0, K_UP, dtype=jnp.int32)
    inp['edge_src'] = jax.random.randint(ks[10], (N_EDGES,), 0, N_LEVELS[0], dtype=jnp.int32)
    inp['edge_dst'] = jax.random.randint(ks[11], (N_EDGES,), 0, N_LEVELS[0], dtype=jnp.int32)
    inp['kidx'] = jax.random.randint(ks[12], (N_EDGES,), 0, K_SMOOTH, dtype=jnp.int32)
    kk = 13
    for i in range(3):
        c = sum(CHANNELS[i:])
        inp[f'Wup{i}'] = jax.random.normal(ks[kk], (K_UP, c, c), dtype=jnp.float32) / np.sqrt(c)
        kk += 1
        inp[f'gup{i}'] = jnp.ones((c,), jnp.float32)
        inp[f'bup{i}'] = jnp.zeros((c,), jnp.float32)
        inp[f'mup{i}'] = jax.random.normal(ks[kk], (c,), dtype=jnp.float32) * 0.1
        kk += 1
        inp[f'vup{i}'] = jax.random.uniform(ks[kk], (c,), minval=0.5, maxval=1.5, dtype=jnp.float32)
        kk += 1
    cs = sum(CHANNELS) + IN_CHANNELS
    inp['Wsm'] = jax.random.normal(ks[kk], (K_SMOOTH, cs, LATENT_DIM), dtype=jnp.float32) / np.sqrt(cs)
    kk += 1
    inp['gsm'] = jnp.ones((LATENT_DIM,), jnp.float32)
    inp['bsm'] = jnp.zeros((LATENT_DIM,), jnp.float32)
    inp['msm'] = jax.random.normal(ks[kk], (LATENT_DIM,), dtype=jnp.float32) * 0.1
    kk += 1
    inp['vsm'] = jax.random.uniform(ks[kk], (LATENT_DIM,), minval=0.5, maxval=1.5, dtype=jnp.float32)
    return inp


def reference(x0, x1, x2, x3, parent0, parent1, parent2, off0, off1, off2, edge_src, edge_dst, kidx,
              Wup0, gup0, bup0, mup0, vup0, Wup1, gup1, bup1, mup1, vup1, Wup2, gup2, bup2, mup2, vup2,
              Wsm, gsm, bsm, msm, vsm):
    feats = (x0, x1, x2)
    parents = (parent0, parent1, parent2)
    offs = (off0, off1, off2)
    Wups = (Wup0, Wup1, Wup2)
    bns = ((gup0, bup0, mup0, vup0), (gup1, bup1, mup1, vup1), (gup2, bup2, mup2, vup2))
    result = x3
    for i in range(2, -1, -1):
        # transposed stride-2 sparse conv: each fine voxel reads its unique coarse parent
        # through the kernel-offset weight selected by its coordinate parity (off in [0,8))
        H = jnp.einsum('nc,kcd->knd', result, Wups[i])
        up = H[offs[i], parents[i]]
        up = jax.nn.relu(_bn(up, *bns[i]))
        result = jnp.concatenate([up, feats[i]], axis=1)
    # 3x3x3 sparse conv (smooth): transform-then-gather per kernel offset, scatter-add to dst
    H = jnp.einsum('nc,kcd->knd', result, Wsm)
    msgs = H[kidx, edge_src]
    out = jnp.zeros((result.shape[0], LATENT_DIM), dtype=result.dtype).at[edge_dst].add(msgs)
    return jax.nn.relu(_bn(out, gsm, bsm, msm, vsm))

if __name__ == "__main__":
    import jax
    _d = setup_inputs()
    print(jax.jit(kernel)(*tuple(_d.values())))

</pallas_src>

<mosaic_0001>
#map = affine_map<(d0, d1) -> (0, 0)>
#map1 = affine_map<(d0, d1) -> (0)>
module attributes {stable_mosaic.version = 14 : i64} {
  func.func @g(%arg0: i32, %arg1: i32, %arg2: memref<20480x256xf32, #tpu.memory_space<hbm>>, %arg3: memref<10240xi32, #tpu.memory_space<hbm>>, %arg4: memref<2740xi32, #tpu.memory_space<hbm>>, %arg5: memref<10240x256xf32, #tpu.memory_space<hbm>>, %arg6: memref<320xi32, #tpu.memory_space<vmem>>, %arg7: memref<320xi32, #tpu.memory_space<vmem>>, %arg8: memref<4x80xi32, #tpu.memory_space<vmem>>, %arg9: memref<80x256xf32, #tpu.memory_space<vmem>>, %arg10: memref<!tpu.dma_semaphore, #tpu.memory_space<semaphore_mem>>) attributes {dimension_semantics = [#tpu.dimension_semantics<core_parallel>, #tpu.dimension_semantics<subcore_parallel>], iteration_bounds = array<i64: 2, 16>, scalar_prefetch = 0 : i64, scratch_operands = 5 : i64, tpu.core_type = #tpu.core_type<sc_vector_subcore>, window_params = [{transform_indices = #map}, {transform_indices = #map1}, {transform_indices = #map1}, {transform_indices = #map}]} {
    %mul3A = arith.constant 2 : i32
    %mul3A_0 = arith.muli %arg1, %mul3A : i32
    %add3A = arith.addi %mul3A_0, %arg0 : i32
    %mul3A_1 = arith.constant 320 : i32
    %mul3A_2 = arith.muli %add3A, %mul3A_1 : i32
    "tpu.region"() ({
      %run_scoped3A = tpu.sem_alloc : memref<!tpu.dma_semaphore, #tpu.memory_space<semaphore_mem>>
      %dma_start3A_383 = tpu.memref_slice %arg3[%mul3A_2] : memref<10240xi32, #tpu.memory_space<hbm>> -> memref<320xi32, #tpu.memory_space<hbm>>
      %dma_start3A_384 = tpu.memref_slice %arg3[%mul3A_2] : memref<10240xi32, #tpu.memory_space<hbm>> -> memref<320xi32, #tpu.memory_space<hbm>>
      tpu.enqueue_dma source(%dma_start3A_384 : memref<320xi32, #tpu.memory_space<hbm>>) target(%arg6 : memref<320xi32, #tpu.memory_space<vmem>>) target_semaphore(%run_scoped3A : memref<!tpu.dma_semaphore, #tpu.memory_space<semaphore_mem>>)
      %dma_wait3A_385 = tpu.memref_slice %arg3[%mul3A_2] : memref<10240xi32, #tpu.memory_space<hbm>> -> memref<320xi32, #tpu.memory_space<hbm>>
      %dma_wait3A_386 = tpu.memref_slice %arg3[%mul3A_2] : memref<10240xi32, #tpu.memory_space<hbm>> -> memref<320xi32, #tpu.memory_space<hbm>>
      tpu.wait_dma2 semaphore(%run_scoped3A : memref<!tpu.dma_semaphore, #tpu.memory_space<semaphore_mem>>) src(%dma_wait3A_386 : memref<320xi32, #tpu.memory_space<hbm>>) dst(%arg6 : memref<320xi32, #tpu.memory_space<vmem>>)
      tpu.yield
    }) : () -> ()
    "tpu.region"() ({
      %run_scoped3A = tpu.sem_alloc : memref<!tpu.dma_semaphore, #tpu.memory_space<semaphore_mem>>
      %dma_start3A_383 = tpu.memref_slice %arg4[%mul3A_2] : memref<2740xi32, #tpu.memory_space<hbm>> -> memref<320xi32, #tpu.memory_space<hbm>>
      %dma_start3A_384 = tpu.memref_slice %arg4[%mul3A_2] : memref<2740xi32, #tpu.memory_space<hbm>> -> memref<320xi32, #tpu.memory_space<hbm>>
      tpu.enqueue_dma source(%dma_start3A_384 : memref<320xi32, #tpu.memory_space<hbm>>) target(%arg7 : memref<320xi32, #tpu.memory_space<vmem>>) target_semaphore(%run_scoped3A : memref<!tpu.dma_semaphore, #tpu.memory_space<semaphore_mem>>)
      %dma_wait3A_385 = tpu.memref_slice %arg4[%mul3A_2] : memref<2740xi32, #tpu.memory_space<hbm>> -> memref<320xi32, #tpu.memory_space<hbm>>
      %dma_wait3A_386 = tpu.memref_slice %arg4[%mul3A_2] : memref<2740xi32, #tpu.memory_space<hbm>> -> memref<320xi32, #tpu.memory_space<hbm>>
      tpu.wait_dma2 semaphore(%run_scoped3A : memref<!tpu.dma_semaphore, #tpu.memory_space<semaphore_mem>>) src(%dma_wait3A_386 : memref<320xi32, #tpu.memory_space<hbm>>) dst(%arg7 : memref<320xi32, #tpu.memory_space<vmem>>)
      tpu.yield
    }) : () -> ()
    %get3A = arith.constant 0 : index
    %get3A_3 = tpu.vector_load %arg7[%get3A] {strides = array<i32>} : memref<320xi32, #tpu.memory_space<vmem>>, vector<16xi32>,
    %get3A_4 = vector.shape_cast %get3A_3 : vector<16xi32> to vector<16xi32>
    %mul3A_5 = arith.constant 2560 : i32
    %mul3A_6 = vector.broadcast %mul3A_5 : i32 to vector<16xi32>
    %mul3A_7 = arith.muli %get3A_4, %mul3A_6 : vector<16xi32>
    %get3A_8 = arith.constant 0 : index
    %get3A_9 = tpu.vector_load %arg6[%get3A_8] {strides = array<i32>} : memref<320xi32, #tpu.memory_space<vmem>>, vector<16xi32>,
    %get3A_10 = vector.shape_cast %get3A_9 : vector<16xi32> to vector<16xi32>
    %add3A_11 = arith.addi %mul3A_7, %get3A_10 : vector<16xi32>
    %swap3A = arith.constant 0 : i32
    %swap3A_12 = arith.index_cast %swap3A : i32 to index
    %swap3A_13 = arith.constant 0 : index
    %swap3A_14 = tpu.vector_load %arg8[%swap3A_12, %swap3A_13] {strides = array<i32>} : memref<4x80xi32, #tpu.memory_space<vmem>>, vector<1x16xi32>,
    %swap3A_15 = vector.shape_cast %swap3A_14 : vector<1x16xi32> to vector<16xi32>
    %swap3A_16 = vector.shape_cast %add3A_11 : vector<16xi32> to vector<1x16xi32>
    tpu.vector_store %arg8[%swap3A_12, %swap3A_13], %swap3A_16 {strides = array<i32>} : memref<4x80xi32, #tpu.memory_space<vmem>>, vector<1x16xi32>,
    %get3A_17 = arith.constant 16 : index
    %get3A_18 = tpu.vector_load %arg7[%get3A_17] {strides = array<i32>} : memref<320xi32, #tpu.memory_space<vmem>>, vector<16xi32>,
    %get3A_19 = vector.shape_cast %get3A_18 : vector<16xi32> to vector<16xi32>
    %mul3A_20 = arith.constant 2560 : i32
    %mul3A_21 = vector.broadcast %mul3A_20 : i32 to vector<16xi32>
    %mul3A_22 = arith.muli %get3A_19, %mul3A_21 : vector<16xi32>
    %get3A_23 = arith.constant 16 : index
    %get3A_24 = tpu.vector_load %arg6[%get3A_23] {strides = array<i32>} : memref<320xi32, #tpu.memory_space<vmem>>, vector<16xi32>,
    %get3A_25 = vector.shape_cast %get3A_24 : vector<16xi32> to vector<16xi32>
    %add3A_26 = arith.addi %mul3A_22, %get3A_25 : vector<16xi32>
    %swap3A_27 = arith.constant 0 : i32
    %swap3A_28 = arith.index_cast %swap3A_27 : i32 to index
    %swap3A_29 = arith.constant 16 : index
    %swap3A_30 = tpu.vector_load %arg8[%swap3A_28, %swap3A_29] {strides = array<i32>} : memref<4x80xi32, #tpu.memory_space<vmem>>, vector<1x16xi32>,
    %swap3A_31 = vector.shape_cast %swap3A_30 : vector<1x16xi32> to vector<16xi32>
    %swap3A_32 = vector.shape_cast %add3A_26 : vector<16xi32> to vector<1x16xi32>
    tpu.vector_store %arg8[%swap3A_28, %swap3A_29], %swap3A_32 {strides = array<i32>} : memref<4x80xi32, #tpu.memory_space<vmem>>, vector<1x16xi32>,
    %get3A_33 = arith.constant 32 : index
    %get3A_34 = tpu.vector_load %arg7[%get3A_33] {strides = array<i32>} : memref<320xi32, #tpu.memory_space<vmem>>, vector<16xi32>,
    %get3A_35 = vector.shape_cast %get3A_34 : vector<16xi32> to vector<16xi32>
    %mul3A_36 = arith.constant 2560 : i32
    %mul3A_37 = vector.broadcast %mul3A_36 : i32 to vector<16xi32>
    %mul3A_38 = arith.muli %get3A_35, %mul3A_37 : vector<16xi32>
    %get3A_39 = arith.constant 32 : index
    %get3A_40 = tpu.vector_load %arg6[%get3A_39] {strides = array<i32>} : memref<320xi32, #tpu.memory_space<vmem>>, vector<16xi32>,
    %get3A_41 = vector.shape_cast %get3A_40 : vector<16xi32> to vector<16xi32>
    %add3A_42 = arith.addi %mul3A_38, %get3A_41 : vector<16xi32>
    %swap3A_43 = arith.constant 0 : i32
    %swap3A_44 = arith.index_cast %swap3A_43 : i32 to index
    %swap3A_45 = arith.constant 32 : index
    %swap3A_46 = tpu.vector_load %arg8[%swap3A_44, %swap3A_45] {strides = array<i32>} : memref<4x80xi32, #tpu.memory_space<vmem>>, vector<1x16xi32>,
    %swap3A_47 = vector.shape_cast %swap3A_46 : vector<1x16xi32> to vector<16xi32>
    %swap3A_48 = vector.shape_cast %add3A_42 : vector<16xi32> to vector<1x16xi32>
    tpu.vector_store %arg8[%swap3A_44, %swap3A_45], %swap3A_48 {strides = array<i32>} : memref<4x80xi32, #tpu.memory_space<vmem>>, vector<1x16xi32>,
    %get3A_49 = arith.constant 48 : index
    %get3A_50 = tpu.vector_load %arg7[%get3A_49] {strides = array<i32>} : memref<320xi32, #tpu.memory_space<vmem>>, vector<16xi32>,
    %get3A_51 = vector.shape_cast %get3A_50 : vector<16xi32> to vector<16xi32>
    %mul3A_52 = arith.constant 2560 : i32
    %mul3A_53 = vector.broadcast %mul3A_52 : i32 to vector<16xi32>
    %mul3A_54 = arith.muli %get3A_51, %mul3A_53 : vector<16xi32>
    %get3A_55 = arith.constant 48 : index
    %get3A_56 = tpu.vector_load %arg6[%get3A_55] {strides = array<i32>} : memref<320xi32, #tpu.memory_space<vmem>>, vector<16xi32>,
    %get3A_57 = vector.shape_cast %get3A_56 : vector<16xi32> to vector<16xi32>
    %add3A_58 = arith.addi %mul3A_54, %get3A_57 : vector<16xi32>
    %swap3A_59 = arith.constant 0 : i32
    %swap3A_60 = arith.index_cast %swap3A_59 : i32 to index
    %swap3A_61 = arith.constant 48 : index
    %swap3A_62 = tpu.vector_load %arg8[%swap3A_60, %swap3A_61] {strides = array<i32>} : memref<4x80xi32, #tpu.memory_space<vmem>>, vector<1x16xi32>,
    %swap3A_63 = vector.shape_cast %swap3A_62 : vector<1x16xi32> to vector<16xi32>
    %swap3A_64 = vector.shape_cast %add3A_58 : vector<16xi32> to vector<1x16xi32>
    tpu.vector_store %arg8[%swap3A_60, %swap3A_61], %swap3A_64 {strides = array<i32>} : memref<4x80xi32, #tpu.memory_space<vmem>>, vector<1x16xi32>,
    %get3A_65 = arith.constant 64 : index
    %get3A_66 = tpu.vector_load %arg7[%get3A_65] {strides = array<i32>} : memref<320xi32, #tpu.memory_space<vmem>>, vector<16xi32>,
    %get3A_67 = vector.shape_cast %get3A_66 : vector<16xi32> to vector<16xi32>
    %mul3A_68 = arith.constant 2560 : i32
    %mul3A_69 = vector.broadcast %mul3A_68 : i32 to vector<16xi32>
    %mul3A_70 = arith.muli %get3A_67, %mul3A_69 : vector<16xi32>
    %get3A_71 = arith.constant 64 : index
    %get3A_72 = tpu.vector_load %arg6[%get3A_71] {strides = array<i32>} : memref<320xi32, #tpu.memory_space<vmem>>, vector<16xi32>,
    %get3A_73 = vector.shape_cast %get3A_72 : vector<16xi32> to vector<16xi32>
    %add3A_74 = arith.addi %mul3A_70, %get3A_73 : vector<16xi32>
    %swap3A_75 = arith.constant 0 : i32
    %swap3A_76 = arith.index_cast %swap3A_75 : i32 to index
    %swap3A_77 = arith.constant 64 : index
    %swap3A_78 = tpu.vector_load %arg8[%swap3A_76, %swap3A_77] {strides = array<i32>} : memref<4x80xi32, #tpu.memory_space<vmem>>, vector<1x16xi32>,
    %swap3A_79 = vector.shape_cast %swap3A_78 : vector<1x16xi32> to vector<16xi32>
    %swap3A_80 = vector.shape_cast %add3A_74 : vector<16xi32> to vector<1x16xi32>
    tpu.vector_store %arg8[%swap3A_76, %swap3A_77], %swap3A_80 {strides = array<i32>} : memref<4x80xi32, #tpu.memory_space<vmem>>, vector<1x16xi32>,
    %dma_start3A = arith.constant 0 : i32
    %dma_start3A_81 = arith.constant 0 : i32
    %dma_start3A_82 = tpu.memref_slice %arg8[%dma_start3A, %dma_start3A_81] : memref<4x80xi32, #tpu.memory_space<vmem>> -> memref<1x80xi32, #tpu.memory_space<vmem>>
    %dma_start3A_83 = tpu.memref_squeeze %dma_start3A_82 : memref<1x80xi32, #tpu.memory_space<vmem>> -> memref<80xi32, #tpu.memory_space<vmem>>
    %dma_start3A_84 = arith.constant 0 : i32
    %dma_start3A_85 = arith.constant 0 : i32
    %dma_start3A_86 = tpu.memref_slice %arg2[%dma_start3A_84, %dma_start3A_85] : memref<20480x256xf32, #tpu.memory_space<hbm>> -> memref<20480x256xf32, #tpu.memory_space<hbm>>
    tpu.enqueue_indirect_dma source(%dma_start3A_86 : memref<20480x256xf32, #tpu.memory_space<hbm>>) target(%arg9 : memref<80x256xf32, #tpu.memory_space<vmem>>) offsets(%dma_start3A_83 : memref<80xi32, #tpu.memory_space<vmem>>) semaphore(%arg10 : memref<!tpu.dma_semaphore, #tpu.memory_space<semaphore_mem>>)
    %dma_wait3A = arith.constant 0 : i32
    %dma_wait3A_87 = arith.constant 0 : i32
    %dma_wait3A_88 = tpu.memref_slice %arg8[%dma_wait3A, %dma_wait3A_87] : memref<4x80xi32, #tpu.memory_space<vmem>> -> memref<1x80xi32, #tpu.memory_space<vmem>>
    %dma_wait3A_89 = tpu.memref_squeeze %dma_wait3A_88 : memref<1x80xi32, #tpu.memory_space<vmem>> -> memref<80xi32, #tpu.memory_space<vmem>>
    %dma_wait3A_90 = arith.constant 0 : i32
    %dma_wait3A_91 = arith.constant 0 : i32
    %dma_wait3A_92 = tpu.memref_slice %arg2[%dma_wait3A_90, %dma_wait3A_91] : memref<20480x256xf32, #tpu.memory_space<hbm>> -> memref<20480x256xf32, #tpu.memory_space<hbm>>
    tpu.wait_indirect_dma semaphore(%arg10 : memref<!tpu.dma_semaphore, #tpu.memory_space<semaphore_mem>>) src(%dma_wait3A_92 : memref<20480x256xf32, #tpu.memory_space<hbm>>) dst(%arg9 : memref<80x256xf32, #tpu.memory_space<vmem>>)
    %add3A_93 = arith.constant 0 : i32
    %add3A_94 = arith.addi %mul3A_2, %add3A_93 : i32
    "tpu.region"() ({
      %run_scoped3A = tpu.sem_alloc : memref<!tpu.dma_semaphore, #tpu.memory_space<semaphore_mem>>
      %dma_start3A_383 = arith.constant 0 : i32
      %dma_start3A_384 = tpu.memref_slice %arg5[%add3A_94, %dma_start3A_383] : memref<10240x256xf32, #tpu.memory_space<hbm>> -> memref<80x256xf32, #tpu.memory_space<hbm>>
      %dma_start3A_385 = arith.constant 0 : i32
      %dma_start3A_386 = tpu.memref_slice %arg5[%add3A_94, %dma_start3A_385] : memref<10240x256xf32, #tpu.memory_space<hbm>> -> memref<80x256xf32, #tpu.memory_space<hbm>>
      tpu.enqueue_dma source(%arg9 : memref<80x256xf32, #tpu.memory_space<vmem>>) target(%dma_start3A_386 : memref<80x256xf32, #tpu.memory_space<hbm>>) target_semaphore(%run_scoped3A : memref<!tpu.dma_semaphore, #tpu.memory_space<semaphore_mem>>)
      %dma_wait3A_387 = arith.constant 0 : i32
      %dma_wait3A_388 = tpu.memref_slice %arg5[%add3A_94, %dma_wait3A_387] : memref<10240x256xf32, #tpu.memory_space<hbm>> -> memref<80x256xf32, #tpu.memory_space<hbm>>
      %dma_wait3A_389 = arith.constant 0 : i32
      %dma_wait3A_390 = tpu.memref_slice %arg5[%add3A_94, %dma_wait3A_389] : memref<10240x256xf32, #tpu.memory_space<hbm>> -> memref<80x256xf32, #tpu.memory_space<hbm>>
      tpu.wait_dma2 semaphore(%run_scoped3A : memref<!tpu.dma_semaphore, #tpu.memory_space<semaphore_mem>>) src(%arg9 : memref<80x256xf32, #tpu.memory_space<vmem>>) dst(%dma_wait3A_390 : memref<80x256xf32, #tpu.memory_space<hbm>>)
      tpu.yield
    }) : () -> ()
    %get3A_95 = arith.constant 80 : index
    %get3A_96 = tpu.vector_load %arg7[%get3A_95] {strides = array<i32>} : memref<320xi32, #tpu.memory_space<vmem>>, vector<16xi32>,
    %get3A_97 = vector.shape_cast %get3A_96 : vector<16xi32> to vector<16xi32>
    %mul3A_98 = arith.constant 2560 : i32
    %mul3A_99 = vector.broadcast %mul3A_98 : i32 to vector<16xi32>
    %mul3A_100 = arith.muli %get3A_97, %mul3A_99 : vector<16xi32>
    %get3A_101 = arith.constant 80 : index
    %get3A_102 = tpu.vector_load %arg6[%get3A_101] {strides = array<i32>} : memref<320xi32, #tpu.memory_space<vmem>>, vector<16xi32>,
    %get3A_103 = vector.shape_cast %get3A_102 : vector<16xi32> to vector<16xi32>
    %add3A_104 = arith.addi %mul3A_100, %get3A_103 : vector<16xi32>
    %swap3A_105 = arith.constant 1 : i32
    %swap3A_106 = arith.index_cast %swap3A_105 : i32 to index
    %swap3A_107 = arith.constant 0 : index
    %swap3A_108 = tpu.vector_load %arg8[%swap3A_106, %swap3A_107] {strides = array<i32>} : memref<4x80xi32, #tpu.memory_space<vmem>>, vector<1x16xi32>,
    %swap3A_109 = vector.shape_cast %swap3A_108 : vector<1x16xi32> to vector<16xi32>
    %swap3A_110 = vector.shape_cast %add3A_104 : vector<16xi32> to vector<1x16xi32>
    tpu.vector_store %arg8[%swap3A_106, %swap3A_107], %swap3A_110 {strides = array<i32>} : memref<4x80xi32, #tpu.memory_space<vmem>>, vector<1x16xi32>,
    %get3A_111 = arith.constant 96 : index
    %get3A_112 = tpu.vector_load %arg7[%get3A_111] {strides = array<i32>} : memref<320xi32, #tpu.memory_space<vmem>>, vector<16xi32>,
    %get3A_113 = vector.shape_cast %get3A_112 : vector<16xi32> to vector<16xi32>
    %mul3A_114 = arith.constant 2560 : i32
    %mul3A_115 = vector.broadcast %mul3A_114 : i32 to vector<16xi32>
    %mul3A_116 = arith.muli %get3A_113, %mul3A_115 : vector<16xi32>
    %get3A_117 = arith.constant 96 : index
    %get3A_118 = tpu.vector_load %arg6[%get3A_117] {strides = array<i32>} : memref<320xi32, #tpu.memory_space<vmem>>, vector<16xi32>,
    %get3A_119 = vector.shape_cast %get3A_118 : vector<16xi32> to vector<16xi32>
    %add3A_120 = arith.addi %mul3A_116, %get3A_119 : vector<16xi32>
    %swap3A_121 = arith.constant 1 : i32
    %swap3A_122 = arith.index_cast %swap3A_121 : i32 to index
    %swap3A_123 = arith.constant 16 : index
    %swap3A_124 = tpu.vector_load %arg8[%swap3A_122, %swap3A_123] {strides = array<i32>} : memref<4x80xi32, #tpu.memory_space<vmem>>, vector<1x16xi32>,
    %swap3A_125 = vector.shape_cast %swap3A_124 : vector<1x16xi32> to vector<16xi32>
    %swap3A_126 = vector.shape_cast %add3A_120 : vector<16xi32> to vector<1x16xi32>
    tpu.vector_store %arg8[%swap3A_122, %swap3A_123], %swap3A_126 {strides = array<i32>} : memref<4x80xi32, #tpu.memory_space<vmem>>, vector<1x16xi32>,
    %get3A_127 = arith.constant 112 : index
    %get3A_128 = tpu.vector_load %arg7[%get3A_127] {strides = array<i32>} : memref<320xi32, #tpu.memory_space<vmem>>, vector<16xi32>,
    %get3A_129 = vector.shape_cast %get3A_128 : vector<16xi32> to vector<16xi32>
    %mul3A_130 = arith.constant 2560 : i32
    %mul3A_131 = vector.broadcast %mul3A_130 : i32 to vector<16xi32>
    %mul3A_132 = arith.muli %get3A_129, %mul3A_131 : vector<16xi32>
    %get3A_133 = arith.constant 112 : index
    %get3A_134 = tpu.vector_load %arg6[%get3A_133] {strides = array<i32>} : memref<320xi32, #tpu.memory_space<vmem>>, vector<16xi32>,
    %get3A_135 = vector.shape_cast %get3A_134 : vector<16xi32> to vector<16xi32>
    %add3A_136 = arith.addi %mul3A_132, %get3A_135 : vector<16xi32>
    %swap3A_137 = arith.constant 1 : i32
    %swap3A_138 = arith.index_cast %swap3A_137 : i32 to index
    %swap3A_139 = arith.constant 32 : index
    %swap3A_140 = tpu.vector_load %arg8[%swap3A_138, %swap3A_139] {strides = array<i32>} : memref<4x80xi32, #tpu.memory_space<vmem>>, vector<1x16xi32>,
    %swap3A_141 = vector.shape_cast %swap3A_140 : vector<1x16xi32> to vector<16xi32>
    %swap3A_142 = vector.shape_cast %add3A_136 : vector<16xi32> to vector<1x16xi32>
    tpu.vector_store %arg8[%swap3A_138, %swap3A_139], %swap3A_142 {strides = array<i32>} : memref<4x80xi32, #tpu.memory_space<vmem>>, vector<1x16xi32>,
    %get3A_143 = arith.constant 128 : index
    %get3A_144 = tpu.vector_load %arg7[%get3A_143] {strides = array<i32>} : memref<320xi32, #tpu.memory_space<vmem>>, vector<16xi32>,
    %get3A_145 = vector.shape_cast %get3A_144 : vector<16xi32> to vector<16xi32>
    %mul3A_146 = arith.constant 2560 : i32
    %mul3A_147 = vector.broadcast %mul3A_146 : i32 to vector<16xi32>
    %mul3A_148 = arith.muli %get3A_145, %mul3A_147 : vector<16xi32>
    %get3A_149 = arith.constant 128 : index
    %get3A_150 = tpu.vector_load %arg6[%get3A_149] {strides = array<i32>} : memref<320xi32, #tpu.memory_space<vmem>>, vector<16xi32>,
    %get3A_151 = vector.shape_cast %get3A_150 : vector<16xi32> to vector<16xi32>
    %add3A_152 = arith.addi %mul3A_148, %get3A_151 : vector<16xi32>
    %swap3A_153 = arith.constant 1 : i32
    %swap3A_154 = arith.index_cast %swap3A_153 : i32 to index
    %swap3A_155 = arith.constant 48 : index
    %swap3A_156 = tpu.vector_load %arg8[%swap3A_154, %swap3A_155] {strides = array<i32>} : memref<4x80xi32, #tpu.memory_space<vmem>>, vector<1x16xi32>,
    %swap3A_157 = vector.shape_cast %swap3A_156 : vector<1x16xi32> to vector<16xi32>
    %swap3A_158 = vector.shape_cast %add3A_152 : vector<16xi32> to vector<1x16xi32>
    tpu.vector_store %arg8[%swap3A_154, %swap3A_155], %swap3A_158 {strides = array<i32>} : memref<4x80xi32, #tpu.memory_space<vmem>>, vector<1x16xi32>,
    %get3A_159 = arith.constant 144 : index
    %get3A_160 = tpu.vector_load %arg7[%get3A_159] {strides = array<i32>} : memref<320xi32, #tpu.memory_space<vmem>>, vector<16xi32>,
    %get3A_161 = vector.shape_cast %get3A_160 : vector<16xi32> to vector<16xi32>
    %mul3A_162 = arith.constant 2560 : i32
    %mul3A_163 = vector.broadcast %mul3A_162 : i32 to vector<16xi32>
    %mul3A_164 = arith.muli %get3A_161, %mul3A_163 : vector<16xi32>
    %get3A_165 = arith.constant 144 : index
    %get3A_166 = tpu.vector_load %arg6[%get3A_165] {strides = array<i32>} : memref<320xi32, #tpu.memory_space<vmem>>, vector<16xi32>,
    %get3A_167 = vector.shape_cast %get3A_166 : vector<16xi32> to vector<16xi32>
    %add3A_168 = arith.addi %mul3A_164, %get3A_167 : vector<16xi32>
    %swap3A_169 = arith.constant 1 : i32
    %swap3A_170 = arith.index_cast %swap3A_169 : i32 to index
    %swap3A_171 = arith.constant 64 : index
    %swap3A_172 = tpu.vector_load %arg8[%swap3A_170, %swap3A_171] {strides = array<i32>} : memref<4x80xi32, #tpu.memory_space<vmem>>, vector<1x16xi32>,
    %swap3A_173 = vector.shape_cast %swap3A_172 : vector<1x16xi32> to vector<16xi32>
    %swap3A_174 = vector.shape_cast %add3A_168 : vector<16xi32> to vector<1x16xi32>
    tpu.vector_store %arg8[%swap3A_170, %swap3A_171], %swap3A_174 {strides = array<i32>} : memref<4x80xi32, #tpu.memory_space<vmem>>, vector<1x16xi32>,
    %dma_start3A_175 = arith.constant 1 : i32
    %dma_start3A_176 = arith.constant 0 : i32
    %dma_start3A_177 = tpu.memref_slice %arg8[%dma_start3A_175, %dma_start3A_176] : memref<4x80xi32, #tpu.memory_space<vmem>> -> memref<1x80xi32, #tpu.memory_space<vmem>>
    %dma_start3A_178 = tpu.memref_squeeze %dma_start3A_177 : memref<1x80xi32, #tpu.memory_space<vmem>> -> memref<80xi32, #tpu.memory_space<vmem>>
    %dma_start3A_179 = arith.constant 0 : i32
    %dma_start3A_180 = arith.constant 0 : i32
    %dma_start3A_181 = tpu.memref_slice %arg2[%dma_start3A_179, %dma_start3A_180] : memref<20480x256xf32, #tpu.memory_space<hbm>> -> memref<20480x256xf32, #tpu.memory_space<hbm>>
    tpu.enqueue_indirect_dma source(%dma_start3A_181 : memref<20480x256xf32, #tpu.memory_space<hbm>>) target(%arg9 : memref<80x256xf32, #tpu.memory_space<vmem>>) offsets(%dma_start3A_178 : memref<80xi32, #tpu.memory_space<vmem>>) semaphore(%arg10 : memref<!tpu.dma_semaphore, #tpu.memory_space<semaphore_mem>>)
    %dma_wait3A_182 = arith.constant 1 : i32
    %dma_wait3A_183 = arith.constant 0 : i32
    %dma_wait3A_184 = tpu.memref_slice %arg8[%dma_wait3A_182, %dma_wait3A_183] : memref<4x80xi32, #tpu.memory_space<vmem>> -> memref<1x80xi32, #tpu.memory_space<vmem>>
    %dma_wait3A_185 = tpu.memref_squeeze %dma_wait3A_184 : memref<1x80xi32, #tpu.memory_space<vmem>> -> memref<80xi32, #tpu.memory_space<vmem>>
    %dma_wait3A_186 = arith.constant 0 : i32
    %dma_wait3A_187 = arith.constant 0 : i32
    %dma_wait3A_188 = tpu.memref_slice %arg2[%dma_wait3A_186, %dma_wait3A_187] : memref<20480x256xf32, #tpu.memory_space<hbm>> -> memref<20480x256xf32, #tpu.memory_space<hbm>>
    tpu.wait_indirect_dma semaphore(%arg10 : memref<!tpu.dma_semaphore, #tpu.memory_space<semaphore_mem>>) src(%dma_wait3A_188 : memref<20480x256xf32, #tpu.memory_space<hbm>>) dst(%arg9 : memref<80x256xf32, #tpu.memory_space<vmem>>)
    %add3A_189 = arith.constant 80 : i32
    %add3A_190 = arith.addi %mul3A_2, %add3A_189 : i32
    "tpu.region"() ({
      %run_scoped3A = tpu.sem_alloc : memref<!tpu.dma_semaphore, #tpu.memory_space<semaphore_mem>>
      %dma_start3A_383 = arith.constant 0 : i32
      %dma_start3A_384 = tpu.memref_slice %arg5[%add3A_190, %dma_start3A_383] : memref<10240x256xf32, #tpu.memory_space<hbm>> -> memref<80x256xf32, #tpu.memory_space<hbm>>
      %dma_start3A_385 = arith.constant 0 : i32
      %dma_start3A_386 = tpu.memref_slice %arg5[%add3A_190, %dma_start3A_385] : memref<10240x256xf32, #tpu.memory_space<hbm>> -> memref<80x256xf32, #tpu.memory_space<hbm>>
      tpu.enqueue_dma source(%arg9 : memref<80x256xf32, #tpu.memory_space<vmem>>) target(%dma_start3A_386 : memref<80x256xf32, #tpu.memory_space<hbm>>) target_semaphore(%run_scoped3A : memref<!tpu.dma_semaphore, #tpu.memory_space<semaphore_mem>>)
      %dma_wait3A_387 = arith.constant 0 : i32
      %dma_wait3A_388 = tpu.memref_slice %arg5[%add3A_190, %dma_wait3A_387] : memref<10240x256xf32, #tpu.memory_space<hbm>> -> memref<80x256xf32, #tpu.memory_space<hbm>>
      %dma_wait3A_389 = arith.constant 0 : i32
      %dma_wait3A_390 = tpu.memref_slice %arg5[%add3A_190, %dma_wait3A_389] : memref<10240x256xf32, #tpu.memory_space<hbm>> -> memref<80x256xf32, #tpu.memory_space<hbm>>
      tpu.wait_dma2 semaphore(%run_scoped3A : memref<!tpu.dma_semaphore, #tpu.memory_space<semaphore_mem>>) src(%arg9 : memref<80x256xf32, #tpu.memory_space<vmem>>) dst(%dma_wait3A_390 : memref<80x256xf32, #tpu.memory_space<hbm>>)
      tpu.yield
    }) : () -> ()
    %get3A_191 = arith.constant 160 : index
    %get3A_192 = tpu.vector_load %arg7[%get3A_191] {strides = array<i32>} : memref<320xi32, #tpu.memory_space<vmem>>, vector<16xi32>,
    %get3A_193 = vector.shape_cast %get3A_192 : vector<16xi32> to vector<16xi32>
    %mul3A_194 = arith.constant 2560 : i32
    %mul3A_195 = vector.broadcast %mul3A_194 : i32 to vector<16xi32>
    %mul3A_196 = arith.muli %get3A_193, %mul3A_195 : vector<16xi32>
    %get3A_197 = arith.constant 160 : index
    %get3A_198 = tpu.vector_load %arg6[%get3A_197] {strides = array<i32>} : memref<320xi32, #tpu.memory_space<vmem>>, vector<16xi32>,
    %get3A_199 = vector.shape_cast %get3A_198 : vector<16xi32> to vector<16xi32>
    %add3A_200 = arith.addi %mul3A_196, %get3A_199 : vector<16xi32>
    %swap3A_201 = arith.constant 2 : i32
    %swap3A_202 = arith.index_cast %swap3A_201 : i32 to index
    %swap3A_203 = arith.constant 0 : index
    %swap3A_204 = tpu.vector_load %arg8[%swap3A_202, %swap3A_203] {strides = array<i32>} : memref<4x80xi32, #tpu.memory_space<vmem>>, vector<1x16xi32>,
    %swap3A_205 = vector.shape_cast %swap3A_204 : vector<1x16xi32> to vector<16xi32>
    %swap3A_206 = vector.shape_cast %add3A_200 : vector<16xi32> to vector<1x16xi32>
    tpu.vector_store %arg8[%swap3A_202, %swap3A_203], %swap3A_206 {strides = array<i32>} : memref<4x80xi32, #tpu.memory_space<vmem>>, vector<1x16xi32>,
    %get3A_207 = arith.constant 176 : index
    %get3A_208 = tpu.vector_load %arg7[%get3A_207] {strides = array<i32>} : memref<320xi32, #tpu.memory_space<vmem>>, vector<16xi32>,
    %get3A_209 = vector.shape_cast %get3A_208 : vector<16xi32> to vector<16xi32>
    %mul3A_210 = arith.constant 2560 : i32
    %mul3A_211 = vector.broadcast %mul3A_210 : i32 to vector<16xi32>
    %mul3A_212 = arith.muli %get3A_209, %mul3A_211 : vector<16xi32>
    %get3A_213 = arith.constant 176 : index
    %get3A_214 = tpu.vector_load %arg6[%get3A_213] {strides = array<i32>} : memref<320xi32, #tpu.memory_space<vmem>>, vector<16xi32>,
    %get3A_215 = vector.shape_cast %get3A_214 : vector<16xi32> to vector<16xi32>
    %add3A_216 = arith.addi %mul3A_212, %get3A_215 : vector<16xi32>
    %swap3A_217 = arith.constant 2 : i32
    %swap3A_218 = arith.index_cast %swap3A_217 : i32 to index
    %swap3A_219 = arith.constant 16 : index
    %swap3A_220 = tpu.vector_load %arg8[%swap3A_218, %swap3A_219] {strides = array<i32>} : memref<4x80xi32, #tpu.memory_space<vmem>>, vector<1x16xi32>,
    %swap3A_221 = vector.shape_cast %swap3A_220 : vector<1x16xi32> to vector<16xi32>
    %swap3A_222 = vector.shape_cast %add3A_216 : vector<16xi32> to vector<1x16xi32>
    tpu.vector_store %arg8[%swap3A_218, %swap3A_219], %swap3A_222 {strides = array<i32>} : memref<4x80xi32, #tpu.memory_space<vmem>>, vector<1x16xi32>,
    %get3A_223 = arith.constant 192 : index
    %get3A_224 = tpu.vector_load %arg7[%get3A_223] {strides = array<i32>} : memref<320xi32, #tpu.memory_space<vmem>>, vector<16xi32>,
    %get3A_225 = vector.shape_cast %get3A_224 : vector<16xi32> to vector<16xi32>
    %mul3A_226 = arith.constant 2560 : i32
    %mul3A_227 = vector.broadcast %mul3A_226 : i32 to vector<16xi32>
    %mul3A_228 = arith.muli %get3A_225, %mul3A_227 : vector<16xi32>
    %get3A_229 = arith.constant 192 : index
    %get3A_230 = tpu.vector_load %arg6[%get3A_229] {strides = array<i32>} : memref<320xi32, #tpu.memory_space<vmem>>, vector<16xi32>,
    %get3A_231 = vector.shape_cast %get3A_230 : vector<16xi32> to vector<16xi32>
    %add3A_232 = arith.addi %mul3A_228, %get3A_231 : vector<16xi32>
    %swap3A_233 = arith.constant 2 : i32
    %swap3A_234 = arith.index_cast %swap3A_233 : i32 to index
    %swap3A_235 = arith.constant 32 : index
    %swap3A_236 = tpu.vector_load %arg8[%swap3A_234, %swap3A_235] {strides = array<i32>} : memref<4x80xi32, #tpu.memory_space<vmem>>, vector<1x16xi32>,
    %swap3A_237 = vector.shape_cast %swap3A_236 : vector<1x16xi32> to vector<16xi32>
    %swap3A_238 = vector.shape_cast %add3A_232 : vector<16xi32> to vector<1x16xi32>
    tpu.vector_store %arg8[%swap3A_234, %swap3A_235], %swap3A_238 {strides = array<i32>} : memref<4x80xi32, #tpu.memory_space<vmem>>, vector<1x16xi32>,
    %get3A_239 = arith.constant 208 : index
    %get3A_240 = tpu.vector_load %arg7[%get3A_239] {strides = array<i32>} : memref<320xi32, #tpu.memory_space<vmem>>, vector<16xi32>,
    %get3A_241 = vector.shape_cast %get3A_240 : vector<16xi32> to vector<16xi32>
    %mul3A_242 = arith.constant 2560 : i32
    %mul3A_243 = vector.broadcast %mul3A_242 : i32 to vector<16xi32>
    %mul3A_244 = arith.muli %get3A_241, %mul3A_243 : vector<16xi32>
    %get3A_245 = arith.constant 208 : index
    %get3A_246 = tpu.vector_load %arg6[%get3A_245] {strides = array<i32>} : memref<320xi32, #tpu.memory_space<vmem>>, vector<16xi32>,
    %get3A_247 = vector.shape_cast %get3A_246 : vector<16xi32> to vector<16xi32>
    %add3A_248 = arith.addi %mul3A_244, %get3A_247 : vector<16xi32>
    %swap3A_249 = arith.constant 2 : i32
    %swap3A_250 = arith.index_cast %swap3A_249 : i32 to index
    %swap3A_251 = arith.constant 48 : index
    %swap3A_252 = tpu.vector_load %arg8[%swap3A_250, %swap3A_251] {strides = array<i32>} : memref<4x80xi32, #tpu.memory_space<vmem>>, vector<1x16xi32>,
    %swap3A_253 = vector.shape_cast %swap3A_252 : vector<1x16xi32> to vector<16xi32>
    %swap3A_254 = vector.shape_cast %add3A_248 : vector<16xi32> to vector<1x16xi32>
    tpu.vector_store %arg8[%swap3A_250, %swap3A_251], %swap3A_254 {strides = array<i32>} : memref<4x80xi32, #tpu.memory_space<vmem>>, vector<1x16xi32>,
    %get3A_255 = arith.constant 224 : index
    %get3A_256 = tpu.vector_load %arg7[%get3A_255] {strides = array<i32>} : memref<320xi32, #tpu.memory_space<vmem>>, vector<16xi32>,
    %get3A_257 = vector.shape_cast %get3A_256 : vector<16xi32> to vector<16xi32>
    %mul3A_258 = arith.constant 2560 : i32
    %mul3A_259 = vector.broadcast %mul3A_258 : i32 to vector<16xi32>
    %mul3A_260 = arith.muli %get3A_257, %mul3A_259 : vector<16xi32>
    %get3A_261 = arith.constant 224 : index
    %get3A_262 = tpu.vector_load %arg6[%get3A_261] {strides = array<i32>} : memref<320xi32, #tpu.memory_space<vmem>>, vector<16xi32>,
    %get3A_263 = vector.shape_cast %get3A_262 : vector<16xi32> to vector<16xi32>
    %add3A_264 = arith.addi %mul3A_260, %get3A_263 : vector<16xi32>
    %swap3A_265 = arith.constant 2 : i32
    %swap3A_266 = arith.index_cast %swap3A_265 : i32 to index
    %swap3A_267 = arith.constant 64 : index
    %swap3A_268 = tpu.vector_load %arg8[%swap3A_266, %swap3A_267] {strides = array<i32>} : memref<4x80xi32, #tpu.memory_space<vmem>>, vector<1x16xi32>,
    %swap3A_269 = vector.shape_cast %swap3A_268 : vector<1x16xi32> to vector<16xi32>
    %swap3A_270 = vector.shape_cast %add3A_264 : vector<16xi32> to vector<1x16xi32>
    tpu.vector_store %arg8[%swap3A_266, %swap3A_267], %swap3A_270 {strides = array<i32>} : memref<4x80xi32, #tpu.memory_space<vmem>>, vector<1x16xi32>,
    %dma_start3A_271 = arith.constant 2 : i32
    %dma_start3A_272 = arith.constant 0 : i32
    %dma_start3A_273 = tpu.memref_slice %arg8[%dma_start3A_271, %dma_start3A_272] : memref<4x80xi32, #tpu.memory_space<vmem>> -> memref<1x80xi32, #tpu.memory_space<vmem>>
    %dma_start3A_274 = tpu.memref_squeeze %dma_start3A_273 : memref<1x80xi32, #tpu.memory_space<vmem>> -> memref<80xi32, #tpu.memory_space<vmem>>
    %dma_start3A_275 = arith.constant 0 : i32
    %dma_start3A_276 = arith.constant 0 : i32
    %dma_start3A_277 = tpu.memref_slice %arg2[%dma_start3A_275, %dma_start3A_276] : memref<20480x256xf32, #tpu.memory_space<hbm>> -> memref<20480x256xf32, #tpu.memory_space<hbm>>
    tpu.enqueue_indirect_dma source(%dma_start3A_277 : memref<20480x256xf32, #tpu.memory_space<hbm>>) target(%arg9 : memref<80x256xf32, #tpu.memory_space<vmem>>) offsets(%dma_start3A_274 : memref<80xi32, #tpu.memory_space<vmem>>) semaphore(%arg10 : memref<!tpu.dma_semaphore, #tpu.memory_space<semaphore_mem>>)
    %dma_wait3A_278 = arith.constant 2 : i32
    %dma_wait3A_279 = arith.constant 0 : i32
    %dma_wait3A_280 = tpu.memref_slice %arg8[%dma_wait3A_278, %dma_wait3A_279] : memref<4x80xi32, #tpu.memory_space<vmem>> -> memref<1x80xi32, #tpu.memory_space<vmem>>
    %dma_wait3A_281 = tpu.memref_squeeze %dma_wait3A_280 : memref<1x80xi32, #tpu.memory_space<vmem>> -> memref<80xi32, #tpu.memory_space<vmem>>
    %dma_wait3A_282 = arith.constant 0 : i32
    %dma_wait3A_283 = arith.constant 0 : i32
    %dma_wait3A_284 = tpu.memref_slice %arg2[%dma_wait3A_282, %dma_wait3A_283] : memref<20480x256xf32, #tpu.memory_space<hbm>> -> memref<20480x256xf32, #tpu.memory_space<hbm>>
    tpu.wait_indirect_dma semaphore(%arg10 : memref<!tpu.dma_semaphore, #tpu.memory_space<semaphore_mem>>) src(%dma_wait3A_284 : memref<20480x256xf32, #tpu.memory_space<hbm>>) dst(%arg9 : memref<80x256xf32, #tpu.memory_space<vmem>>)
    %add3A_285 = arith.constant 160 : i32
    %add3A_286 = arith.addi %mul3A_2, %add3A_285 : i32
    "tpu.region"() ({
      %run_scoped3A = tpu.sem_alloc : memref<!tpu.dma_semaphore, #tpu.memory_space<semaphore_mem>>
      %dma_start3A_383 = arith.constant 0 : i32
      %dma_start3A_384 = tpu.memref_slice %arg5[%add3A_286, %dma_start3A_383] : memref<10240x256xf32, #tpu.memory_space<hbm>> -> memref<80x256xf32, #tpu.memory_space<hbm>>
      %dma_start3A_385 = arith.constant 0 : i32
      %dma_start3A_386 = tpu.memref_slice %arg5[%add3A_286, %dma_start3A_385] : memref<10240x256xf32, #tpu.memory_space<hbm>> -> memref<80x256xf32, #tpu.memory_space<hbm>>
      tpu.enqueue_dma source(%arg9 : memref<80x256xf32, #tpu.memory_space<vmem>>) target(%dma_start3A_386 : memref<80x256xf32, #tpu.memory_space<hbm>>) target_semaphore(%run_scoped3A : memref<!tpu.dma_semaphore, #tpu.memory_space<semaphore_mem>>)
      %dma_wait3A_387 = arith.constant 0 : i32
      %dma_wait3A_388 = tpu.memref_slice %arg5[%add3A_286, %dma_wait3A_387] : memref<10240x256xf32, #tpu.memory_space<hbm>> -> memref<80x256xf32, #tpu.memory_space<hbm>>
      %dma_wait3A_389 = arith.constant 0 : i32
      %dma_wait3A_390 = tpu.memref_slice %arg5[%add3A_286, %dma_wait3A_389] : memref<10240x256xf32, #tpu.memory_space<hbm>> -> memref<80x256xf32, #tpu.memory_space<hbm>>
      tpu.wait_dma2 semaphore(%run_scoped3A : memref<!tpu.dma_semaphore, #tpu.memory_space<semaphore_mem>>) src(%arg9 : memref<80x256xf32, #tpu.memory_space<vmem>>) dst(%dma_wait3A_390 : memref<80x256xf32, #tpu.memory_space<hbm>>)
      tpu.yield
    }) : () -> ()
    %get3A_287 = arith.constant 240 : index
    %get3A_288 = tpu.vector_load %arg7[%get3A_287] {strides = array<i32>} : memref<320xi32, #tpu.memory_space<vmem>>, vector<16xi32>,
    %get3A_289 = vector.shape_cast %get3A_288 : vector<16xi32> to vector<16xi32>
    %mul3A_290 = arith.constant 2560 : i32
    %mul3A_291 = vector.broadcast %mul3A_290 : i32 to vector<16xi32>
    %mul3A_292 = arith.muli %get3A_289, %mul3A_291 : vector<16xi32>
    %get3A_293 = arith.constant 240 : index
    %get3A_294 = tpu.vector_load %arg6[%get3A_293] {strides = array<i32>} : memref<320xi32, #tpu.memory_space<vmem>>, vector<16xi32>,
    %get3A_295 = vector.shape_cast %get3A_294 : vector<16xi32> to vector<16xi32>
    %add3A_296 = arith.addi %mul3A_292, %get3A_295 : vector<16xi32>
    %swap3A_297 = arith.constant 3 : i32
    %swap3A_298 = arith.index_cast %swap3A_297 : i32 to index
    %swap3A_299 = arith.constant 0 : index
    %swap3A_300 = tpu.vector_load %arg8[%swap3A_298, %swap3A_299] {strides = array<i32>} : memref<4x80xi32, #tpu.memory_space<vmem>>, vector<1x16xi32>,
    %swap3A_301 = vector.shape_cast %swap3A_300 : vector<1x16xi32> to vector<16xi32>
    %swap3A_302 = vector.shape_cast %add3A_296 : vector<16xi32> to vector<1x16xi32>
    tpu.vector_store %arg8[%swap3A_298, %swap3A_299], %swap3A_302 {strides = array<i32>} : memref<4x80xi32, #tpu.memory_space<vmem>>, vector<1x16xi32>,
    %get3A_303 = arith.constant 256 : index
    %get3A_304 = tpu.vector_load %arg7[%get3A_303] {strides = array<i32>} : memref<320xi32, #tpu.memory_space<vmem>>, vector<16xi32>,
    %get3A_305 = vector.shape_cast %get3A_304 : vector<16xi32> to vector<16xi32>
    %mul3A_306 = arith.constant 2560 : i32
    %mul3A_307 = vector.broadcast %mul3A_306 : i32 to vector<16xi32>
    %mul3A_308 = arith.muli %get3A_305, %mul3A_307 : vector<16xi32>
    %get3A_309 = arith.constant 256 : index
    %get3A_310 = tpu.vector_load %arg6[%get3A_309] {strides = array<i32>} : memref<320xi32, #tpu.memory_space<vmem>>, vector<16xi32>,
    %get3A_311 = vector.shape_cast %get3A_310 : vector<16xi32> to vector<16xi32>
    %add3A_312 = arith.addi %mul3A_308, %get3A_311 : vector<16xi32>
    %swap3A_313 = arith.constant 3 : i32
    %swap3A_314 = arith.index_cast %swap3A_313 : i32 to index
    %swap3A_315 = arith.constant 16 : index
    %swap3A_316 = tpu.vector_load %arg8[%swap3A_314, %swap3A_315] {strides = array<i32>} : memref<4x80xi32, #tpu.memory_space<vmem>>, vector<1x16xi32>,
    %swap3A_317 = vector.shape_cast %swap3A_316 : vector<1x16xi32> to vector<16xi32>
    %swap3A_318 = vector.shape_cast %add3A_312 : vector<16xi32> to vector<1x16xi32>
    tpu.vector_store %arg8[%swap3A_314, %swap3A_315], %swap3A_318 {strides = array<i32>} : memref<4x80xi32, #tpu.memory_space<vmem>>, vector<1x16xi32>,
    %get3A_319 = arith.constant 272 : index
    %get3A_320 = tpu.vector_load %arg7[%get3A_319] {strides = array<i32>} : memref<320xi32, #tpu.memory_space<vmem>>, vector<16xi32>,
    %get3A_321 = vector.shape_cast %get3A_320 : vector<16xi32> to vector<16xi32>
    %mul3A_322 = arith.constant 2560 : i32
    %mul3A_323 = vector.broadcast %mul3A_322 : i32 to vector<16xi32>
    %mul3A_324 = arith.muli %get3A_321, %mul3A_323 : vector<16xi32>
    %get3A_325 = arith.constant 272 : index
    %get3A_326 = tpu.vector_load %arg6[%get3A_325] {strides = array<i32>} : memref<320xi32, #tpu.memory_space<vmem>>, vector<16xi32>,
    %get3A_327 = vector.shape_cast %get3A_326 : vector<16xi32> to vector<16xi32>
    %add3A_328 = arith.addi %mul3A_324, %get3A_327 : vector<16xi32>
    %swap3A_329 = arith.constant 3 : i32
    %swap3A_330 = arith.index_cast %swap3A_329 : i32 to index
    %swap3A_331 = arith.constant 32 : index
    %swap3A_332 = tpu.vector_load %arg8[%swap3A_330, %swap3A_331] {strides = array<i32>} : memref<4x80xi32, #tpu.memory_space<vmem>>, vector<1x16xi32>,
    %swap3A_333 = vector.shape_cast %swap3A_332 : vector<1x16xi32> to vector<16xi32>
    %swap3A_334 = vector.shape_cast %add3A_328 : vector<16xi32> to vector<1x16xi32>
    tpu.vector_store %arg8[%swap3A_330, %swap3A_331], %swap3A_334 {strides = array<i32>} : memref<4x80xi32, #tpu.memory_space<vmem>>, vector<1x16xi32>,
    %get3A_335 = arith.constant 288 : index
    %get3A_336 = tpu.vector_load %arg7[%get3A_335] {strides = array<i32>} : memref<320xi32, #tpu.memory_space<vmem>>, vector<16xi32>,
    %get3A_337 = vector.shape_cast %get3A_336 : vector<16xi32> to vector<16xi32>
    %mul3A_338 = arith.constant 2560 : i32
    %mul3A_339 = vector.broadcast %mul3A_338 : i32 to vector<16xi32>
    %mul3A_340 = arith.muli %get3A_337, %mul3A_339 : vector<16xi32>
    %get3A_341 = arith.constant 288 : index
    %get3A_342 = tpu.vector_load %arg6[%get3A_341] {strides = array<i32>} : memref<320xi32, #tpu.memory_space<vmem>>, vector<16xi32>,
    %get3A_343 = vector.shape_cast %get3A_342 : vector<16xi32> to vector<16xi32>
    %add3A_344 = arith.addi %mul3A_340, %get3A_343 : vector<16xi32>
    %swap3A_345 = arith.constant 3 : i32
    %swap3A_346 = arith.index_cast %swap3A_345 : i32 to index
    %swap3A_347 = arith.constant 48 : index
    %swap3A_348 = tpu.vector_load %arg8[%swap3A_346, %swap3A_347] {strides = array<i32>} : memref<4x80xi32, #tpu.memory_space<vmem>>, vector<1x16xi32>,
    %swap3A_349 = vector.shape_cast %swap3A_348 : vector<1x16xi32> to vector<16xi32>
    %swap3A_350 = vector.shape_cast %add3A_344 : vector<16xi32> to vector<1x16xi32>
    tpu.vector_store %arg8[%swap3A_346, %swap3A_347], %swap3A_350 {strides = array<i32>} : memref<4x80xi32, #tpu.memory_space<vmem>>, vector<1x16xi32>,
    %get3A_351 = arith.constant 304 : index
    %get3A_352 = tpu.vector_load %arg7[%get3A_351] {strides = array<i32>} : memref<320xi32, #tpu.memory_space<vmem>>, vector<16xi32>,
    %get3A_353 = vector.shape_cast %get3A_352 : vector<16xi32> to vector<16xi32>
    %mul3A_354 = arith.constant 2560 : i32
    %mul3A_355 = vector.broadcast %mul3A_354 : i32 to vector<16xi32>
    %mul3A_356 = arith.muli %get3A_353, %mul3A_355 : vector<16xi32>
    %get3A_357 = arith.constant 304 : index
    %get3A_358 = tpu.vector_load %arg6[%get3A_357] {strides = array<i32>} : memref<320xi32, #tpu.memory_space<vmem>>, vector<16xi32>,
    %get3A_359 = vector.shape_cast %get3A_358 : vector<16xi32> to vector<16xi32>
    %add3A_360 = arith.addi %mul3A_356, %get3A_359 : vector<16xi32>
    %swap3A_361 = arith.constant 3 : i32
    %swap3A_362 = arith.index_cast %swap3A_361 : i32 to index
    %swap3A_363 = arith.constant 64 : index
    %swap3A_364 = tpu.vector_load %arg8[%swap3A_362, %swap3A_363] {strides = array<i32>} : memref<4x80xi32, #tpu.memory_space<vmem>>, vector<1x16xi32>,
    %swap3A_365 = vector.shape_cast %swap3A_364 : vector<1x16xi32> to vector<16xi32>
    %swap3A_366 = vector.shape_cast %add3A_360 : vector<16xi32> to vector<1x16xi32>
    tpu.vector_store %arg8[%swap3A_362, %swap3A_363], %swap3A_366 {strides = array<i32>} : memref<4x80xi32, #tpu.memory_space<vmem>>, vector<1x16xi32>,
    %dma_start3A_367 = arith.constant 3 : i32
    %dma_start3A_368 = arith.constant 0 : i32
    %dma_start3A_369 = tpu.memref_slice %arg8[%dma_start3A_367, %dma_start3A_368] : memref<4x80xi32, #tpu.memory_space<vmem>> -> memref<1x80xi32, #tpu.memory_space<vmem>>
    %dma_start3A_370 = tpu.memref_squeeze %dma_start3A_369 : memref<1x80xi32, #tpu.memory_space<vmem>> -> memref<80xi32, #tpu.memory_space<vmem>>
    %dma_start3A_371 = arith.constant 0 : i32
    %dma_start3A_372 = arith.constant 0 : i32
    %dma_start3A_373 = tpu.memref_slice %arg2[%dma_start3A_371, %dma_start3A_372] : memref<20480x256xf32, #tpu.memory_space<hbm>> -> memref<20480x256xf32, #tpu.memory_space<hbm>>
    tpu.enqueue_indirect_dma source(%dma_start3A_373 : memref<20480x256xf32, #tpu.memory_space<hbm>>) target(%arg9 : memref<80x256xf32, #tpu.memory_space<vmem>>) offsets(%dma_start3A_370 : memref<80xi32, #tpu.memory_space<vmem>>) semaphore(%arg10 : memref<!tpu.dma_semaphore, #tpu.memory_space<semaphore_mem>>)
    %dma_wait3A_374 = arith.constant 3 : i32
    %dma_wait3A_375 = arith.constant 0 : i32
    %dma_wait3A_376 = tpu.memref_slice %arg8[%dma_wait3A_374, %dma_wait3A_375] : memref<4x80xi32, #tpu.memory_space<vmem>> -> memref<1x80xi32, #tpu.memory_space<vmem>>
    %dma_wait3A_377 = tpu.memref_squeeze %dma_wait3A_376 : memref<1x80xi32, #tpu.memory_space<vmem>> -> memref<80xi32, #tpu.memory_space<vmem>>
    %dma_wait3A_378 = arith.constant 0 : i32
    %dma_wait3A_379 = arith.constant 0 : i32
    %dma_wait3A_380 = tpu.memref_slice %arg2[%dma_wait3A_378, %dma_wait3A_379] : memref<20480x256xf32, #tpu.memory_space<hbm>> -> memref<20480x256xf32, #tpu.memory_space<hbm>>
    tpu.wait_indirect_dma semaphore(%arg10 : memref<!tpu.dma_semaphore, #tpu.memory_space<semaphore_mem>>) src(%dma_wait3A_380 : memref<20480x256xf32, #tpu.memory_space<hbm>>) dst(%arg9 : memref<80x256xf32, #tpu.memory_space<vmem>>)
    %add3A_381 = arith.constant 240 : i32
    %add3A_382 = arith.addi %mul3A_2, %add3A_381 : i32
    "tpu.region"() ({
      %run_scoped3A = tpu.sem_alloc : memref<!tpu.dma_semaphore, #tpu.memory_space<semaphore_mem>>
      %dma_start3A_383 = arith.constant 0 : i32
      %dma_start3A_384 = tpu.memref_slice %arg5[%add3A_382, %dma_start3A_383] : memref<10240x256xf32, #tpu.memory_space<hbm>> -> memref<80x256xf32, #tpu.memory_space<hbm>>
      %dma_start3A_385 = arith.constant 0 : i32
      %dma_start3A_386 = tpu.memref_slice %arg5[%add3A_382, %dma_start3A_385] : memref<10240x256xf32, #tpu.memory_space<hbm>> -> memref<80x256xf32, #tpu.memory_space<hbm>>
      tpu.enqueue_dma source(%arg9 : memref<80x256xf32, #tpu.memory_space<vmem>>) target(%dma_start3A_386 : memref<80x256xf32, #tpu.memory_space<hbm>>) target_semaphore(%run_scoped3A : memref<!tpu.dma_semaphore, #tpu.memory_space<semaphore_mem>>)
      %dma_wait3A_387 = arith.constant 0 : i32
      %dma_wait3A_388 = tpu.memref_slice %arg5[%add3A_382, %dma_wait3A_387] : memref<10240x256xf32, #tpu.memory_space<hbm>> -> memref<80x256xf32, #tpu.memory_space<hbm>>
      %dma_wait3A_389 = arith.constant 0 : i32
      %dma_wait3A_390 = tpu.memref_slice %arg5[%add3A_382, %dma_wait3A_389] : memref<10240x256xf32, #tpu.memory_space<hbm>> -> memref<80x256xf32, #tpu.memory_space<hbm>>
      tpu.wait_dma2 semaphore(%run_scoped3A : memref<!tpu.dma_semaphore, #tpu.memory_space<semaphore_mem>>) src(%arg9 : memref<80x256xf32, #tpu.memory_space<vmem>>) dst(%dma_wait3A_390 : memref<80x256xf32, #tpu.memory_space<hbm>>)
      tpu.yield
    }) : () -> ()
    return
  }
}

#map = affine_map<(d0, d1) -> (0, 0)>
#map1 = affine_map<(d0, d1) -> (0)>
module attributes {stable_mosaic.version = 14 : i64} {
  func.func @g(%arg0: i32, %arg1: i32, %arg2: memref<1280x128xf32, #tpu.memory_space<hbm>>, %arg3: memref<2884xi32, #tpu.memory_space<hbm>>, %arg4: memref<1024xi32, #tpu.memory_space<hbm>>, %arg5: memref<1024x128xf32, #tpu.memory_space<hbm>>, %arg6: memref<32xi32, #tpu.memory_space<vmem>>, %arg7: memref<32xi32, #tpu.memory_space<vmem>>, %arg8: memref<1x32xi32, #tpu.memory_space<vmem>>, %arg9: memref<32x128xf32, #tpu.memory_space<vmem>>, %arg10: memref<!tpu.dma_semaphore, #tpu.memory_space<semaphore_mem>>) attributes {dimension_semantics = [#tpu.dimension_semantics<core_parallel>, #tpu.dimension_semantics<subcore_parallel>], iteration_bounds = array<i64: 2, 16>, scalar_prefetch = 0 : i64, scratch_operands = 5 : i64, tpu.core_type = #tpu.core_type<sc_vector_subcore>, window_params = [{transform_indices = #map}, {transform_indices = #map1}, {transform_indices = #map1}, {transform_indices = #map}]} {
    %mul3A = arith.constant 2 : i32
    %mul3A_0 = arith.muli %arg1, %mul3A : i32
    %add3A = arith.addi %mul3A_0, %arg0 : i32
    %mul3A_1 = arith.constant 32 : i32
    %mul3A_2 = arith.muli %add3A, %mul3A_1 : i32
    "tpu.region"() ({
      %run_scoped3A = tpu.sem_alloc : memref<!tpu.dma_semaphore, #tpu.memory_space<semaphore_mem>>
      %dma_start3A_47 = tpu.memref_slice %arg3[%mul3A_2] : memref<2884xi32, #tpu.memory_space<hbm>> -> memref<32xi32, #tpu.memory_space<hbm>>
      %dma_start3A_48 = tpu.memref_slice %arg3[%mul3A_2] : memref<2884xi32, #tpu.memory_space<hbm>> -> memref<32xi32, #tpu.memory_space<hbm>>
      tpu.enqueue_dma source(%dma_start3A_48 : memref<32xi32, #tpu.memory_space<hbm>>) target(%arg6 : memref<32xi32, #tpu.memory_space<vmem>>) target_semaphore(%run_scoped3A : memref<!tpu.dma_semaphore, #tpu.memory_space<semaphore_mem>>)
      %dma_wait3A_49 = tpu.memref_slice %arg3[%mul3A_2] : memref<2884xi32, #tpu.memory_space<hbm>> -> memref<32xi32, #tpu.memory_space<hbm>>
      %dma_wait3A_50 = tpu.memref_slice %arg3[%mul3A_2] : memref<2884xi32, #tpu.memory_space<hbm>> -> memref<32xi32, #tpu.memory_space<hbm>>
      tpu.wait_dma2 semaphore(%run_scoped3A : memref<!tpu.dma_semaphore, #tpu.memory_space<semaphore_mem>>) src(%dma_wait3A_50 : memref<32xi32, #tpu.memory_space<hbm>>) dst(%arg6 : memref<32xi32, #tpu.memory_space<vmem>>)
      tpu.yield
    }) : () -> ()
    "tpu.region"() ({
      %run_scoped3A = tpu.sem_alloc : memref<!tpu.dma_semaphore, #tpu.memory_space<semaphore_mem>>
      %dma_start3A_47 = tpu.memref_slice %arg4[%mul3A_2] : memref<1024xi32, #tpu.memory_space<hbm>> -> memref<32xi32, #tpu.memory_space<hbm>>
      %dma_start3A_48 = tpu.memref_slice %arg4[%mul3A_2] : memref<1024xi32, #tpu.memory_space<hbm>> -> memref<32xi32, #tpu.memory_space<hbm>>
      tpu.enqueue_dma source(%dma_start3A_48 : memref<32xi32, #tpu.memory_space<hbm>>) target(%arg7 : memref<32xi32, #tpu.memory_space<vmem>>) target_semaphore(%run_scoped3A : memref<!tpu.dma_semaphore, #tpu.memory_space<semaphore_mem>>)
      %dma_wait3A_49 = tpu.memref_slice %arg4[%mul3A_2] : memref<1024xi32, #tpu.memory_space<hbm>> -> memref<32xi32, #tpu.memory_space<hbm>>
      %dma_wait3A_50 = tpu.memref_slice %arg4[%mul3A_2] : memref<1024xi32, #tpu.memory_space<hbm>> -> memref<32xi32, #tpu.memory_space<hbm>>
      tpu.wait_dma2 semaphore(%run_scoped3A : memref<!tpu.dma_semaphore, #tpu.memory_space<semaphore_mem>>) src(%dma_wait3A_50 : memref<32xi32, #tpu.memory_space<hbm>>) dst(%arg7 : memref<32xi32, #tpu.memory_space<vmem>>)
      tpu.yield
    }) : () -> ()
    %get3A = arith.constant 0 : index
    %get3A_3 = tpu.vector_load %arg7[%get3A] {strides = array<i32>} : memref<32xi32, #tpu.memory_space<vmem>>, vector<16xi32>,
    %get3A_4 = vector.shape_cast %get3A_3 : vector<16xi32> to vector<16xi32>
    %mul3A_5 = arith.constant 160 : i32
    %mul3A_6 = vector.broadcast %mul3A_5 : i32 to vector<16xi32>
    %mul3A_7 = arith.muli %get3A_4, %mul3A_6 : vector<16xi32>
    %get3A_8 = arith.constant 0 : index
    %get3A_9 = tpu.vector_load %arg6[%get3A_8] {strides = array<i32>} : memref<32xi32, #tpu.memory_space<vmem>>, vector<16xi32>,
    %get3A_10 = vector.shape_cast %get3A_9 : vector<16xi32> to vector<16xi32>
    %add3A_11 = arith.addi %mul3A_7, %get3A_10 : vector<16xi32>
    %swap3A = arith.constant 0 : i32
    %swap3A_12 = arith.index_cast %swap3A : i32 to index
    %swap3A_13 = arith.constant 0 : index
    %swap3A_14 = tpu.vector_load %arg8[%swap3A_12, %swap3A_13] {strides = array<i32>} : memref<1x32xi32, #tpu.memory_space<vmem>>, vector<1x16xi32>,
    %swap3A_15 = vector.shape_cast %swap3A_14 : vector<1x16xi32> to vector<16xi32>
    %swap3A_16 = vector.shape_cast %add3A_11 : vector<16xi32> to vector<1x16xi32>
    tpu.vector_store %arg8[%swap3A_12, %swap3A_13], %swap3A_16 {strides = array<i32>} : memref<1x32xi32, #tpu.memory_space<vmem>>, vector<1x16xi32>,
    %get3A_17 = arith.constant 16 : index
    %get3A_18 = tpu.vector_load %arg7[%get3A_17] {strides = array<i32>} : memref<32xi32, #tpu.memory_space<vmem>>, vector<16xi32>,
    %get3A_19 = vector.shape_cast %get3A_18 : vector<16xi32> to vector<16xi32>
    %mul3A_20 = arith.constant 160 : i32
    %mul3A_21 = vector.broadcast %mul3A_20 : i32 to vector<16xi32>
    %mul3A_22 = arith.muli %get3A_19, %mul3A_21 : vector<16xi32>
    %get3A_23 = arith.constant 16 : index
    %get3A_24 = tpu.vector_load %arg6[%get3A_23] {strides = array<i32>} : memref<32xi32, #tpu.memory_space<vmem>>, vector<16xi32>,
    %get3A_25 = vector.shape_cast %get3A_24 : vector<16xi32> to vector<16xi32>
    %add3A_26 = arith.addi %mul3A_22, %get3A_25 : vector<16xi32>
    %swap3A_27 = arith.constant 0 : i32
    %swap3A_28 = arith.index_cast %swap3A_27 : i32 to index
    %swap3A_29 = arith.constant 16 : index
    %swap3A_30 = tpu.vector_load %arg8[%swap3A_28, %swap3A_29] {strides = array<i32>} : memref<1x32xi32, #tpu.memory_space<vmem>>, vector<1x16xi32>,
    %swap3A_31 = vector.shape_cast %swap3A_30 : vector<1x16xi32> to vector<16xi32>
    %swap3A_32 = vector.shape_cast %add3A_26 : vector<16xi32> to vector<1x16xi32>
    tpu.vector_store %arg8[%swap3A_28, %swap3A_29], %swap3A_32 {strides = array<i32>} : memref<1x32xi32, #tpu.memory_space<vmem>>, vector<1x16xi32>,
    %dma_start3A = arith.constant 0 : i32
    %dma_start3A_33 = arith.constant 0 : i32
    %dma_start3A_34 = tpu.memref_slice %arg8[%dma_start3A, %dma_start3A_33] : memref<1x32xi32, #tpu.memory_space<vmem>> -> memref<1x32xi32, #tpu.memory_space<vmem>>
    %dma_start3A_35 = tpu.memref_squeeze %dma_start3A_34 : memref<1x32xi32, #tpu.memory_space<vmem>> -> memref<32xi32, #tpu.memory_space<vmem>>
    %dma_start3A_36 = arith.constant 0 : i32
    %dma_start3A_37 = arith.constant 0 : i32
    %dma_start3A_38 = tpu.memref_slice %arg2[%dma_start3A_36, %dma_start3A_37] : memref<1280x128xf32, #tpu.memory_space<hbm>> -> memref<1280x128xf32, #tpu.memory_space<hbm>>
    tpu.enqueue_indirect_dma source(%dma_start3A_38 : memref<1280x128xf32, #tpu.memory_space<hbm>>) target(%arg9 : memref<32x128xf32, #tpu.memory_space<vmem>>) offsets(%dma_start3A_35 : memref<32xi32, #tpu.memory_space<vmem>>) semaphore(%arg10 : memref<!tpu.dma_semaphore, #tpu.memory_space<semaphore_mem>>)
    %dma_wait3A = arith.constant 0 : i32
    %dma_wait3A_39 = arith.constant 0 : i32
    %dma_wait3A_40 = tpu.memref_slice %arg8[%dma_wait3A, %dma_wait3A_39] : memref<1x32xi32, #tpu.memory_space<vmem>> -> memref<1x32xi32, #tpu.memory_space<vmem>>
    %dma_wait3A_41 = tpu.memref_squeeze %dma_wait3A_40 : memref<1x32xi32, #tpu.memory_space<vmem>> -> memref<32xi32, #tpu.memory_space<vmem>>
    %dma_wait3A_42 = arith.constant 0 : i32
    %dma_wait3A_43 = arith.constant 0 : i32
    %dma_wait3A_44 = tpu.memref_slice %arg2[%dma_wait3A_42, %dma_wait3A_43] : memref<1280x128xf32, #tpu.memory_space<hbm>> -> memref<1280x128xf32, #tpu.memory_space<hbm>>
    tpu.wait_indirect_dma semaphore(%arg10 : memref<!tpu.dma_semaphore, #tpu.memory_space<semaphore_mem>>) src(%dma_wait3A_44 : memref<1280x128xf32, #tpu.memory_space<hbm>>) dst(%arg9 : memref<32x128xf32, #tpu.memory_space<vmem>>)
    %add3A_45 = arith.constant 0 : i32
    %add3A_46 = arith.addi %mul3A_2, %add3A_45 : i32
    "tpu.region"() ({
      %run_scoped3A = tpu.sem_alloc : memref<!tpu.dma_semaphore, #tpu.memory_space<semaphore_mem>>
      %dma_start3A_47 = arith.constant 0 : i32
      %dma_start3A_48 = tpu.memref_slice %arg5[%add3A_46, %dma_start3A_47] : memref<1024x128xf32, #tpu.memory_space<hbm>> -> memref<32x128xf32, #tpu.memory_space<hbm>>
      %dma_start3A_49 = arith.constant 0 : i32
      %dma_start3A_50 = tpu.memref_slice %arg5[%add3A_46, %dma_start3A_49] : memref<1024x128xf32, #tpu.memory_space<hbm>> -> memref<32x128xf32, #tpu.memory_space<hbm>>
      tpu.enqueue_dma source(%arg9 : memref<32x128xf32, #tpu.memory_space<vmem>>) target(%dma_start3A_50 : memref<32x128xf32, #tpu.memory_space<hbm>>) target_semaphore(%run_scoped3A : memref<!tpu.dma_semaphore, #tpu.memory_space<semaphore_mem>>)
      %dma_wait3A_51 = arith.constant 0 : i32
      %dma_wait3A_52 = tpu.memref_slice %arg5[%add3A_46, %dma_wait3A_51] : memref<1024x128xf32, #tpu.memory_space<hbm>> -> memref<32x128xf32, #tpu.memory_space<hbm>>
      %dma_wait3A_53 = arith.constant 0 : i32
      %dma_wait3A_54 = tpu.memref_slice %arg5[%add3A_46, %dma_wait3A_53] : memref<1024x128xf32, #tpu.memory_space<hbm>> -> memref<32x128xf32, #tpu.memory_space<hbm>>
      tpu.wait_dma2 semaphore(%run_scoped3A : memref<!tpu.dma_semaphore, #tpu.memory_space<semaphore_mem>>) src(%arg9 : memref<32x128xf32, #tpu.memory_space<vmem>>) dst(%dma_wait3A_54 : memref<32x128xf32, #tpu.memory_space<hbm>>)
      tpu.yield
    }) : () -> ()
    return
  }
}

#map = affine_map<(d0, d1) -> (0, 0)>
#map1 = affine_map<(d0, d1) -> (0)>
module attributes {stable_mosaic.version = 14 : i64} {
  func.func @g(%arg0: i32, %arg1: i32, %arg2: memref<5120x256xf32, #tpu.memory_space<hbm>>, %arg3: memref<10060xi32, #tpu.memory_space<hbm>>, %arg4: memref<700xi32, #tpu.memory_space<hbm>>, %arg5: memref<2560x256xf32, #tpu.memory_space<hbm>>, %arg6: memref<80xi32, #tpu.memory_space<vmem>>, %arg7: memref<80xi32, #tpu.memory_space<vmem>>, %arg8: memref<1x80xi32, #tpu.memory_space<vmem>>, %arg9: memref<80x256xf32, #tpu.memory_space<vmem>>, %arg10: memref<!tpu.dma_semaphore, #tpu.memory_space<semaphore_mem>>) attributes {dimension_semantics = [#tpu.dimension_semantics<core_parallel>, #tpu.dimension_semantics<subcore_parallel>], iteration_bounds = array<i64: 2, 16>, scalar_prefetch = 0 : i64, scratch_operands = 5 : i64, tpu.core_type = #tpu.core_type<sc_vector_subcore>, window_params = [{transform_indices = #map}, {transform_indices = #map1}, {transform_indices = #map1}, {transform_indices = #map}]} {
    %mul3A = arith.constant 2 : i32
    %mul3A_0 = arith.muli %arg1, %mul3A : i32
    %add3A = arith.addi %mul3A_0, %arg0 : i32
    %mul3A_1 = arith.constant 80 : i32
    %mul3A_2 = arith.muli %add3A, %mul3A_1 : i32
    "tpu.region"() ({
      %run_scoped3A = tpu.sem_alloc : memref<!tpu.dma_semaphore, #tpu.memory_space<semaphore_mem>>
      %dma_start3A_95 = tpu.memref_slice %arg3[%mul3A_2] : memref<10060xi32, #tpu.memory_space<hbm>> -> memref<80xi32, #tpu.memory_space<hbm>>
      %dma_start3A_96 = tpu.memref_slice %arg3[%mul3A_2] : memref<10060xi32, #tpu.memory_space<hbm>> -> memref<80xi32, #tpu.memory_space<hbm>>
      tpu.enqueue_dma source(%dma_start3A_96 : memref<80xi32, #tpu.memory_space<hbm>>) target(%arg6 : memref<80xi32, #tpu.memory_space<vmem>>) target_semaphore(%run_scoped3A : memref<!tpu.dma_semaphore, #tpu.memory_space<semaphore_mem>>)
      %dma_wait3A_97 = tpu.memref_slice %arg3[%mul3A_2] : memref<10060xi32, #tpu.memory_space<hbm>> -> memref<80xi32, #tpu.memory_space<hbm>>
      %dma_wait3A_98 = tpu.memref_slice %arg3[%mul3A_2] : memref<10060xi32, #tpu.memory_space<hbm>> -> memref<80xi32, #tpu.memory_space<hbm>>
      tpu.wait_dma2 semaphore(%run_scoped3A : memref<!tpu.dma_semaphore, #tpu.memory_space<semaphore_mem>>) src(%dma_wait3A_98 : memref<80xi32, #tpu.memory_space<hbm>>) dst(%arg6 : memref<80xi32, #tpu.memory_space<vmem>>)
      tpu.yield
    }) : () -> ()
    "tpu.region"() ({
      %run_scoped3A = tpu.sem_alloc : memref<!tpu.dma_semaphore, #tpu.memory_space<semaphore_mem>>
      %dma_start3A_95 = tpu.memref_slice %arg4[%mul3A_2] : memref<700xi32, #tpu.memory_space<hbm>> -> memref<80xi32, #tpu.memory_space<hbm>>
      %dma_start3A_96 = tpu.memref_slice %arg4[%mul3A_2] : memref<700xi32, #tpu.memory_space<hbm>> -> memref<80xi32, #tpu.memory_space<hbm>>
      tpu.enqueue_dma source(%dma_start3A_96 : memref<80xi32, #tpu.memory_space<hbm>>) target(%arg7 : memref<80xi32, #tpu.memory_space<vmem>>) target_semaphore(%run_scoped3A : memref<!tpu.dma_semaphore, #tpu.memory_space<semaphore_mem>>)
      %dma_wait3A_97 = tpu.memref_slice %arg4[%mul3A_2] : memref<700xi32, #tpu.memory_space<hbm>> -> memref<80xi32, #tpu.memory_space<hbm>>
      %dma_wait3A_98 = tpu.memref_slice %arg4[%mul3A_2] : memref<700xi32, #tpu.memory_space<hbm>> -> memref<80xi32, #tpu.memory_space<hbm>>
      tpu.wait_dma2 semaphore(%run_scoped3A : memref<!tpu.dma_semaphore, #tpu.memory_space<semaphore_mem>>) src(%dma_wait3A_98 : memref<80xi32, #tpu.memory_space<hbm>>) dst(%arg7 : memref<80xi32, #tpu.memory_space<vmem>>)
      tpu.yield
    }) : () -> ()
    %get3A = arith.constant 0 : index
    %get3A_3 = tpu.vector_load %arg7[%get3A] {strides = array<i32>} : memref<80xi32, #tpu.memory_space<vmem>>, vector<16xi32>,
    %get3A_4 = vector.shape_cast %get3A_3 : vector<16xi32> to vector<16xi32>
    %mul3A_5 = arith.constant 640 : i32
    %mul3A_6 = vector.broadcast %mul3A_5 : i32 to vector<16xi32>
    %mul3A_7 = arith.muli %get3A_4, %mul3A_6 : vector<16xi32>
    %get3A_8 = arith.constant 0 : index
    %get3A_9 = tpu.vector_load %arg6[%get3A_8] {strides = array<i32>} : memref<80xi32, #tpu.memory_space<vmem>>, vector<16xi32>,
    %get3A_10 = vector.shape_cast %get3A_9 : vector<16xi32> to vector<16xi32>
    %add3A_11 = arith.addi %mul3A_7, %get3A_10 : vector<16xi32>
    %swap3A = arith.constant 0 : i32
    %swap3A_12 = arith.index_cast %swap3A : i32 to index
    %swap3A_13 = arith.constant 0 : index
    %swap3A_14 = tpu.vector_load %arg8[%swap3A_12, %swap3A_13] {strides = array<i32>} : memref<1x80xi32, #tpu.memory_space<vmem>>, vector<1x16xi32>,
    %swap3A_15 = vector.shape_cast %swap3A_14 : vector<1x16xi32> to vector<16xi32>
    %swap3A_16 = vector.shape_cast %add3A_11 : vector<16xi32> to vector<1x16xi32>
    tpu.vector_store %arg8[%swap3A_12, %swap3A_13], %swap3A_16 {strides = array<i32>} : memref<1x80xi32, #tpu.memory_space<vmem>>, vector<1x16xi32>,
    %get3A_17 = arith.constant 16 : index
    %get3A_18 = tpu.vector_load %arg7[%get3A_17] {strides = array<i32>} : memref<80xi32, #tpu.memory_space<vmem>>, vector<16xi32>,
    %get3A_19 = vector.shape_cast %get3A_18 : vector<16xi32> to vector<16xi32>
    %mul3A_20 = arith.constant 640 : i32
    %mul3A_21 = vector.broadcast %mul3A_20 : i32 to vector<16xi32>
    %mul3A_22 = arith.muli %get3A_19, %mul3A_21 : vector<16xi32>
    %get3A_23 = arith.constant 16 : index
    %get3A_24 = tpu.vector_load %arg6[%get3A_23] {strides = array<i32>} : memref<80xi32, #tpu.memory_space<vmem>>, vector<16xi32>,
    %get3A_25 = vector.shape_cast %get3A_24 : vector<16xi32> to vector<16xi32>
    %add3A_26 = arith.addi %mul3A_22, %get3A_25 : vector<16xi32>
    %swap3A_27 = arith.constant 0 : i32
    %swap3A_28 = arith.index_cast %swap3A_27 : i32 to index
    %swap3A_29 = arith.constant 16 : index
    %swap3A_30 = tpu.vector_load %arg8[%swap3A_28, %swap3A_29] {strides = array<i32>} : memref<1x80xi32, #tpu.memory_space<vmem>>, vector<1x16xi32>,
    %swap3A_31 = vector.shape_cast %swap3A_30 : vector<1x16xi32> to vector<16xi32>
    %swap3A_32 = vector.shape_cast %add3A_26 : vector<16xi32> to vector<1x16xi32>
    tpu.vector_store %arg8[%swap3A_28, %swap3A_29], %swap3A_32 {strides = array<i32>} : memref<1x80xi32, #tpu.memory_space<vmem>>, vector<1x16xi32>,
    %get3A_33 = arith.constant 32 : index
    %get3A_34 = tpu.vector_load %arg7[%get3A_33] {strides = array<i32>} : memref<80xi32, #tpu.memory_space<vmem>>, vector<16xi32>,
    %get3A_35 = vector.shape_cast %get3A_34 : vector<16xi32> to vector<16xi32>
    %mul3A_36 = arith.constant 640 : i32
    %mul3A_37 = vector.broadcast %mul3A_36 : i32 to vector<16xi32>
    %mul3A_38 = arith.muli %get3A_35, %mul3A_37 : vector<16xi32>
    %get3A_39 = arith.constant 32 : index
    %get3A_40 = tpu.vector_load %arg6[%get3A_39] {strides = array<i32>} : memref<80xi32, #tpu.memory_space<vmem>>, vector<16xi32>,
    %get3A_41 = vector.shape_cast %get3A_40 : vector<16xi32> to vector<16xi32>
    %add3A_42 = arith.addi %mul3A_38, %get3A_41 : vector<16xi32>
    %swap3A_43 = arith.constant 0 : i32
    %swap3A_44 = arith.index_cast %swap3A_43 : i32 to index
    %swap3A_45 = arith.constant 32 : index
    %swap3A_46 = tpu.vector_load %arg8[%swap3A_44, %swap3A_45] {strides = array<i32>} : memref<1x80xi32, #tpu.memory_space<vmem>>, vector<1x16xi32>,
    %swap3A_47 = vector.shape_cast %swap3A_46 : vector<1x16xi32> to vector<16xi32>
    %swap3A_48 = vector.shape_cast %add3A_42 : vector<16xi32> to vector<1x16xi32>
    tpu.vector_store %arg8[%swap3A_44, %swap3A_45], %swap3A_48 {strides = array<i32>} : memref<1x80xi32, #tpu.memory_space<vmem>>, vector<1x16xi32>,
    %get3A_49 = arith.constant 48 : index
    %get3A_50 = tpu.vector_load %arg7[%get3A_49] {strides = array<i32>} : memref<80xi32, #tpu.memory_space<vmem>>, vector<16xi32>,
    %get3A_51 = vector.shape_cast %get3A_50 : vector<16xi32> to vector<16xi32>
    %mul3A_52 = arith.constant 640 : i32
    %mul3A_53 = vector.broadcast %mul3A_52 : i32 to vector<16xi32>
    %mul3A_54 = arith.muli %get3A_51, %mul3A_53 : vector<16xi32>
    %get3A_55 = arith.constant 48 : index
    %get3A_56 = tpu.vector_load %arg6[%get3A_55] {strides = array<i32>} : memref<80xi32, #tpu.memory_space<vmem>>, vector<16xi32>,
    %get3A_57 = vector.shape_cast %get3A_56 : vector<16xi32> to vector<16xi32>
    %add3A_58 = arith.addi %mul3A_54, %get3A_57 : vector<16xi32>
    %swap3A_59 = arith.constant 0 : i32
    %swap3A_60 = arith.index_cast %swap3A_59 : i32 to index
    %swap3A_61 = arith.constant 48 : index
    %swap3A_62 = tpu.vector_load %arg8[%swap3A_60, %swap3A_61] {strides = array<i32>} : memref<1x80xi32, #tpu.memory_space<vmem>>, vector<1x16xi32>,
    %swap3A_63 = vector.shape_cast %swap3A_62 : vector<1x16xi32> to vector<16xi32>
    %swap3A_64 = vector.shape_cast %add3A_58 : vector<16xi32> to vector<1x16xi32>
    tpu.vector_store %arg8[%swap3A_60, %swap3A_61], %swap3A_64 {strides = array<i32>} : memref<1x80xi32, #tpu.memory_space<vmem>>, vector<1x16xi32>,
    %get3A_65 = arith.constant 64 : index
    %get3A_66 = tpu.vector_load %arg7[%get3A_65] {strides = array<i32>} : memref<80xi32, #tpu.memory_space<vmem>>, vector<16xi32>,
    %get3A_67 = vector.shape_cast %get3A_66 : vector<16xi32> to vector<16xi32>
    %mul3A_68 = arith.constant 640 : i32
    %mul3A_69 = vector.broadcast %mul3A_68 : i32 to vector<16xi32>
    %mul3A_70 = arith.muli %get3A_67, %mul3A_69 : vector<16xi32>
    %get3A_71 = arith.constant 64 : index
    %get3A_72 = tpu.vector_load %arg6[%get3A_71] {strides = array<i32>} : memref<80xi32, #tpu.memory_space<vmem>>, vector<16xi32>,
    %get3A_73 = vector.shape_cast %get3A_72 : vector<16xi32> to vector<16xi32>
    %add3A_74 = arith.addi %mul3A_70, %get3A_73 : vector<16xi32>
    %swap3A_75 = arith.constant 0 : i32
    %swap3A_76 = arith.index_cast %swap3A_75 : i32 to index
    %swap3A_77 = arith.constant 64 : index
    %swap3A_78 = tpu.vector_load %arg8[%swap3A_76, %swap3A_77] {strides = array<i32>} : memref<1x80xi32, #tpu.memory_space<vmem>>, vector<1x16xi32>,
    %swap3A_79 = vector.shape_cast %swap3A_78 : vector<1x16xi32> to vector<16xi32>
    %swap3A_80 = vector.shape_cast %add3A_74 : vector<16xi32> to vector<1x16xi32>
    tpu.vector_store %arg8[%swap3A_76, %swap3A_77], %swap3A_80 {strides = array<i32>} : memref<1x80xi32, #tpu.memory_space<vmem>>, vector<1x16xi32>,
    %dma_start3A = arith.constant 0 : i32
    %dma_start3A_81 = arith.constant 0 : i32
    %dma_start3A_82 = tpu.memref_slice %arg8[%dma_start3A, %dma_start3A_81] : memref<1x80xi32, #tpu.memory_space<vmem>> -> memref<1x80xi32, #tpu.memory_space<vmem>>
    %dma_start3A_83 = tpu.memref_squeeze %dma_start3A_82 : memref<1x80xi32, #tpu.memory_space<vmem>> -> memref<80xi32, #tpu.memory_space<vmem>>
    %dma_start3A_84 = arith.constant 0 : i32
    %dma_start3A_85 = arith.constant 0 : i32
    %dma_start3A_86 = tpu.memref_slice %arg2[%dma_start3A_84, %dma_start3A_85] : memref<5120x256xf32, #tpu.memory_space<hbm>> -> memref<5120x256xf32, #tpu.memory_space<hbm>>
    tpu.enqueue_indirect_dma source(%dma_start3A_86 : memref<5120x256xf32, #tpu.memory_space<hbm>>) target(%arg9 : memref<80x256xf32, #tpu.memory_space<vmem>>) offsets(%dma_start3A_83 : memref<80xi32, #tpu.memory_space<vmem>>) semaphore(%arg10 : memref<!tpu.dma_semaphore, #tpu.memory_space<semaphore_mem>>)
    %dma_wait3A = arith.constant 0 : i32
    %dma_wait3A_87 = arith.constant 0 : i32
    %dma_wait3A_88 = tpu.memref_slice %arg8[%dma_wait3A, %dma_wait3A_87] : memref<1x80xi32, #tpu.memory_space<vmem>> -> memref<1x80xi32, #tpu.memory_space<vmem>>
    %dma_wait3A_89 = tpu.memref_squeeze %dma_wait3A_88 : memref<1x80xi32, #tpu.memory_space<vmem>> -> memref<80xi32, #tpu.memory_space<vmem>>
    %dma_wait3A_90 = arith.constant 0 : i32
    %dma_wait3A_91 = arith.constant 0 : i32
    %dma_wait3A_92 = tpu.memref_slice %arg2[%dma_wait3A_90, %dma_wait3A_91] : memref<5120x256xf32, #tpu.memory_space<hbm>> -> memref<5120x256xf32, #tpu.memory_space<hbm>>
    tpu.wait_indirect_dma semaphore(%arg10 : memref<!tpu.dma_semaphore, #tpu.memory_space<semaphore_mem>>) src(%dma_wait3A_92 : memref<5120x256xf32, #tpu.memory_space<hbm>>) dst(%arg9 : memref<80x256xf32, #tpu.memory_space<vmem>>)
    %add3A_93 = arith.constant 0 : i32
    %add3A_94 = arith.addi %mul3A_2, %add3A_93 : i32
    "tpu.region"() ({
      %run_scoped3A = tpu.sem_alloc : memref<!tpu.dma_semaphore, #tpu.memory_space<semaphore_mem>>
      %dma_start3A_95 = arith.constant 0 : i32
      %dma_start3A_96 = tpu.memref_slice %arg5[%add3A_94, %dma_start3A_95] : memref<2560x256xf32, #tpu.memory_space<hbm>> -> memref<80x256xf32, #tpu.memory_space<hbm>>
      %dma_start3A_97 = arith.constant 0 : i32
      %dma_start3A_98 = tpu.memref_slice %arg5[%add3A_94, %dma_start3A_97] : memref<2560x256xf32, #tpu.memory_space<hbm>> -> memref<80x256xf32, #tpu.memory_space<hbm>>
      tpu.enqueue_dma source(%arg9 : memref<80x256xf32, #tpu.memory_space<vmem>>) target(%dma_start3A_98 : memref<80x256xf32, #tpu.memory_space<hbm>>) target_semaphore(%run_scoped3A : memref<!tpu.dma_semaphore, #tpu.memory_space<semaphore_mem>>)
      %dma_wait3A_99 = arith.constant 0 : i32
      %dma_wait3A_100 = tpu.memref_slice %arg5[%add3A_94, %dma_wait3A_99] : memref<2560x256xf32, #tpu.memory_space<hbm>> -> memref<80x256xf32, #tpu.memory_space<hbm>>
      %dma_wait3A_101 = arith.constant 0 : i32
      %dma_wait3A_102 = tpu.memref_slice %arg5[%add3A_94, %dma_wait3A_101] : memref<2560x256xf32, #tpu.memory_space<hbm>> -> memref<80x256xf32, #tpu.memory_space<hbm>>
      tpu.wait_dma2 semaphore(%run_scoped3A : memref<!tpu.dma_semaphore, #tpu.memory_space<semaphore_mem>>) src(%arg9 : memref<80x256xf32, #tpu.memory_space<vmem>>) dst(%dma_wait3A_102 : memref<80x256xf32, #tpu.memory_space<hbm>>)
      tpu.yield
    }) : () -> ()
    return
  }
}

#map = affine_map<(d0, d1) -> (0, 0)>
#map1 = affine_map<(d0, d1) -> (0, 0, 0)>
module attributes {stable_mosaic.version = 14 : i64} {
  func.func @k(%arg0: i32, %arg1: i32, %arg2: memref<276480x128xf32, #tpu.memory_space<hbm>>, %arg3: memref<1280x3x128xi32, #tpu.memory_space<hbm>>, %arg4: memref<128x128xf32, #tpu.memory_space<hbm>>, %arg5: memref<2x10240x128xf32, #tpu.memory_space<hbm>>, %arg6: memref<1x3x128xi32, #tpu.memory_space<vmem>>, %arg7: memref<1x3x128xi32, #tpu.memory_space<vmem>>, %arg8: memref<1x128xi32, #tpu.memory_space<vmem>>, %arg9: memref<1x128xi32, #tpu.memory_space<vmem>>, %arg10: memref<1x128xi32, #tpu.memory_space<vmem>>, %arg11: memref<1x128xi32, #tpu.memory_space<vmem>>, %arg12: memref<128x128xf32, #tpu.memory_space<vmem>>, %arg13: memref<128x128xf32, #tpu.memory_space<vmem>>, %arg14: memref<!tpu.dma_semaphore, #tpu.memory_space<semaphore_mem>>, %arg15: memref<!tpu.dma_semaphore, #tpu.memory_space<semaphore_mem>>, %arg16: memref<!tpu.dma_semaphore, #tpu.memory_space<semaphore_mem>>, %arg17: memref<!tpu.dma_semaphore, #tpu.memory_space<semaphore_mem>>, %arg18: memref<!tpu.dma_semaphore, #tpu.memory_space<semaphore_mem>>, %arg19: memref<!tpu.dma_semaphore, #tpu.memory_space<semaphore_mem>>, %arg20: memref<10240x128xf32, #tpu.memory_space<vmem_shared>>, %arg21: memref<!tpu.dma_semaphore, #tpu.memory_space<semaphore_mem>>) attributes {dimension_semantics = [#tpu.dimension_semantics<core_parallel>, #tpu.dimension_semantics<subcore_parallel>], iteration_bounds = array<i64: 2, 16>, scalar_prefetch = 0 : i64, scratch_operands = 16 : i64, tpu.core_type = #tpu.core_type<sc_vector_subcore>, window_params = [{transform_indices = #map}, {transform_indices = #map1}, {transform_indices = #map}, {transform_indices = #map1}]} {
    %eq3A = arith.constant 0 : i32
    %eq3A_0 = arith.cmpi eq, %arg0, %eq3A : i32
    %mul3A = arith.constant 60 : i32
    %mul3A_1 = arith.muli %arg1, %mul3A : i32
    %mul3A_2 = arith.constant 20 : i32
    %mul3A_3 = arith.muli %arg1, %mul3A_2 : i32
    %add3A = arith.constant 960 : i32
    %add3A_4 = arith.addi %add3A, %mul3A_3 : i32
    %select_n3A = arith.select %eq3A_0, %mul3A_1, %add3A_4 : i32
    %eq3A_5 = arith.constant 0 : i32
    %eq3A_6 = arith.cmpi eq, %arg0, %eq3A_5 : i32
    %jit3A = arith.constant 30 : i32
    %jit3A_7 = arith.constant 10 : i32
    %select_n3A_8 = arith.select %eq3A_6, %jit3A, %jit3A_7 : i32
    %mul3A_9 = arith.constant 640 : i32
    %mul3A_10 = arith.muli %arg1, %mul3A_9 : i32
    %add3A_11 = arith.constant 0 : i32
    %add3A_12 = arith.addi %mul3A_10, %add3A_11 : i32
    %dma_start3A = arith.constant 0 : i32
    %dma_start3A_13 = tpu.memref_slice %arg20[%add3A_12, %dma_start3A] : memref<10240x128xf32, #tpu.memory_space<vmem_shared>> -> memref<128x128xf32, #tpu.memory_space<vmem_shared>>
    tpu.enqueue_dma source(%arg4 : memref<128x128xf32, #tpu.memory_space<hbm>>) target(%dma_start3A_13 : memref<128x128xf32, #tpu.memory_space<vmem_shared>>) target_semaphore(%arg21 : memref<!tpu.dma_semaphore, #tpu.memory_space<semaphore_mem>>)
    %mul3A_14 = arith.constant 640 : i32
    %mul3A_15 = arith.muli %arg1, %mul3A_14 : i32
    %add3A_16 = arith.constant 128 : i32
    %add3A_17 = arith.addi %mul3A_15, %add3A_16 : i32
    %dma_start3A_18 = arith.constant 0 : i32
    %dma_start3A_19 = tpu.memref_slice %arg20[%add3A_17, %dma_start3A_18] : memref<10240x128xf32, #tpu.memory_space<vmem_shared>> -> memref<128x128xf32, #tpu.memory_space<vmem_shared>>
    tpu.enqueue_dma source(%arg4 : memref<128x128xf32, #tpu.memory_space<hbm>>) target(%dma_start3A_19 : memref<128x128xf32, #tpu.memory_space<vmem_shared>>) target_semaphore(%arg21 : memref<!tpu.dma_semaphore, #tpu.memory_space<semaphore_mem>>)
    %mul3A_20 = arith.constant 640 : i32
    %mul3A_21 = arith.muli %arg1, %mul3A_20 : i32
    %add3A_22 = arith.constant 256 : i32
    %add3A_23 = arith.addi %mul3A_21, %add3A_22 : i32
    %dma_start3A_24 = arith.constant 0 : i32
    %dma_start3A_25 = tpu.memref_slice %arg20[%add3A_23, %dma_start3A_24] : memref<10240x128xf32, #tpu.memory_space<vmem_shared>> -> memref<128x128xf32, #tpu.memory_space<vmem_shared>>
    tpu.enqueue_dma source(%arg4 : memref<128x128xf32, #tpu.memory_space<hbm>>) target(%dma_start3A_25 : memref<128x128xf32, #tpu.memory_space<vmem_shared>>) target_semaphore(%arg21 : memref<!tpu.dma_semaphore, #tpu.memory_space<semaphore_mem>>)
    %mul3A_26 = arith.constant 640 : i32
    %mul3A_27 = arith.muli %arg1, %mul3A_26 : i32
    %add3A_28 = arith.constant 384 : i32
    %add3A_29 = arith.addi %mul3A_27, %add3A_28 : i32
    %dma_start3A_30 = arith.constant 0 : i32
    %dma_start3A_31 = tpu.memref_slice %arg20[%add3A_29, %dma_start3A_30] : memref<10240x128xf32, #tpu.memory_space<vmem_shared>> -> memref<128x128xf32, #tpu.memory_space<vmem_shared>>
    tpu.enqueue_dma source(%arg4 : memref<128x128xf32, #tpu.memory_space<hbm>>) target(%dma_start3A_31 : memref<128x128xf32, #tpu.memory_space<vmem_shared>>) target_semaphore(%arg21 : memref<!tpu.dma_semaphore, #tpu.memory_space<semaphore_mem>>)
    %mul3A_32 = arith.constant 640 : i32
    %mul3A_33 = arith.muli %arg1, %mul3A_32 : i32
    %add3A_34 = arith.constant 512 : i32
    %add3A_35 = arith.addi %mul3A_33, %add3A_34 : i32
    %dma_start3A_36 = arith.constant 0 : i32
    %dma_start3A_37 = tpu.memref_slice %arg20[%add3A_35, %dma_start3A_36] : memref<10240x128xf32, #tpu.memory_space<vmem_shared>> -> memref<128x128xf32, #tpu.memory_space<vmem_shared>>
    tpu.enqueue_dma source(%arg4 : memref<128x128xf32, #tpu.memory_space<hbm>>) target(%dma_start3A_37 : memref<128x128xf32, #tpu.memory_space<vmem_shared>>) target_semaphore(%arg21 : memref<!tpu.dma_semaphore, #tpu.memory_space<semaphore_mem>>)
    %add3A_38 = arith.constant 0 : i32
    %add3A_39 = arith.addi %select_n3A, %add3A_38 : i32
    %dma_start3A_40 = arith.constant 0 : i32
    %dma_start3A_41 = arith.constant 0 : i32
    %dma_start3A_42 = tpu.memref_slice %arg3[%add3A_39, %dma_start3A_40, %dma_start3A_41] : memref<1280x3x128xi32, #tpu.memory_space<hbm>> -> memref<1x3x128xi32, #tpu.memory_space<hbm>>
    %dma_start3A_43 = arith.constant 0 : i32
    %dma_start3A_44 = arith.constant 0 : i32
    %dma_start3A_45 = tpu.memref_slice %arg3[%add3A_39, %dma_start3A_43, %dma_start3A_44] : memref<1280x3x128xi32, #tpu.memory_space<hbm>> -> memref<1x3x128xi32, #tpu.memory_space<hbm>>
    tpu.enqueue_dma source(%dma_start3A_45 : memref<1x3x128xi32, #tpu.memory_space<hbm>>) target(%arg6 : memref<1x3x128xi32, #tpu.memory_space<vmem>>) target_semaphore(%arg14 : memref<!tpu.dma_semaphore, #tpu.memory_space<semaphore_mem>>)
    %add3A_46 = arith.constant 1 : i32
    %add3A_47 = arith.addi %select_n3A, %add3A_46 : i32
    %dma_start3A_48 = arith.constant 0 : i32
    %dma_start3A_49 = arith.constant 0 : i32
    %dma_start3A_50 = tpu.memref_slice %arg3[%add3A_47, %dma_start3A_48, %dma_start3A_49] : memref<1280x3x128xi32, #tpu.memory_space<hbm>> -> memref<1x3x128xi32, #tpu.memory_space<hbm>>
    %dma_start3A_51 = arith.constant 0 : i32
    %dma_start3A_52 = arith.constant 0 : i32
    %dma_start3A_53 = tpu.memref_slice %arg3[%add3A_47, %dma_start3A_51, %dma_start3A_52] : memref<1280x3x128xi32, #tpu.memory_space<hbm>> -> memref<1x3x128xi32, #tpu.memory_space<hbm>>
    tpu.enqueue_dma source(%dma_start3A_53 : memref<1x3x128xi32, #tpu.memory_space<hbm>>) target(%arg7 : memref<1x3x128xi32, #tpu.memory_space<vmem>>) target_semaphore(%arg15 : memref<!tpu.dma_semaphore, #tpu.memory_space<semaphore_mem>>)
    %dma_wait3A = arith.constant 0 : i32
    %dma_wait3A_54 = arith.constant 0 : i32
    %dma_wait3A_55 = tpu.memref_slice %arg20[%dma_wait3A, %dma_wait3A_54] : memref<10240x128xf32, #tpu.memory_space<vmem_shared>> -> memref<128x128xf32, #tpu.memory_space<vmem_shared>>
    tpu.wait_dma2 semaphore(%arg21 : memref<!tpu.dma_semaphore, #tpu.memory_space<semaphore_mem>>) src(%arg4 : memref<128x128xf32, #tpu.memory_space<hbm>>) dst(%dma_wait3A_55 : memref<128x128xf32, #tpu.memory_space<vmem_shared>>)
    %dma_wait3A_56 = arith.constant 0 : i32
    %dma_wait3A_57 = arith.constant 0 : i32
    %dma_wait3A_58 = tpu.memref_slice %arg20[%dma_wait3A_56, %dma_wait3A_57] : memref<10240x128xf32, #tpu.memory_space<vmem_shared>> -> memref<128x128xf32, #tpu.memory_space<vmem_shared>>
    tpu.wait_dma2 semaphore(%arg21 : memref<!tpu.dma_semaphore, #tpu.memory_space<semaphore_mem>>) src(%arg4 : memref<128x128xf32, #tpu.memory_space<hbm>>) dst(%dma_wait3A_58 : memref<128x128xf32, #tpu.memory_space<vmem_shared>>)
    %dma_wait3A_59 = arith.constant 0 : i32
    %dma_wait3A_60 = arith.constant 0 : i32
    %dma_wait3A_61 = tpu.memref_slice %arg20[%dma_wait3A_59, %dma_wait3A_60] : memref<10240x128xf32, #tpu.memory_space<vmem_shared>> -> memref<128x128xf32, #tpu.memory_space<vmem_shared>>
    tpu.wait_dma2 semaphore(%arg21 : memref<!tpu.dma_semaphore, #tpu.memory_space<semaphore_mem>>) src(%arg4 : memref<128x128xf32, #tpu.memory_space<hbm>>) dst(%dma_wait3A_61 : memref<128x128xf32, #tpu.memory_space<vmem_shared>>)
    %dma_wait3A_62 = arith.constant 0 : i32
    %dma_wait3A_63 = arith.constant 0 : i32
    %dma_wait3A_64 = tpu.memref_slice %arg20[%dma_wait3A_62, %dma_wait3A_63] : memref<10240x128xf32, #tpu.memory_space<vmem_shared>> -> memref<128x128xf32, #tpu.memory_space<vmem_shared>>
    tpu.wait_dma2 semaphore(%arg21 : memref<!tpu.dma_semaphore, #tpu.memory_space<semaphore_mem>>) src(%arg4 : memref<128x128xf32, #tpu.memory_space<hbm>>) dst(%dma_wait3A_64 : memref<128x128xf32, #tpu.memory_space<vmem_shared>>)
    %dma_wait3A_65 = arith.constant 0 : i32
    %dma_wait3A_66 = arith.constant 0 : i32
    %dma_wait3A_67 = tpu.memref_slice %arg20[%dma_wait3A_65, %dma_wait3A_66] : memref<10240x128xf32, #tpu.memory_space<vmem_shared>> -> memref<128x128xf32, #tpu.memory_space<vmem_shared>>
    tpu.wait_dma2 semaphore(%arg21 : memref<!tpu.dma_semaphore, #tpu.memory_space<semaphore_mem>>) src(%arg4 : memref<128x128xf32, #tpu.memory_space<hbm>>) dst(%dma_wait3A_67 : memref<128x128xf32, #tpu.memory_space<vmem_shared>>)
    %barrier3A = arith.constant 0 : index
    tpu.barrier barrier_id(%barrier3A)
    %while3A = arith.constant 0 : i32
    %while3A_68 = arith.constant 0 : i32
    %while3A_69 = arith.subi %select_n3A_8, %while3A_68 : i32
    %while3A_70 = arith.addi %while3A_68, %while3A_69 : i32
    %while3A_71 = arith.constant 1 : i32
    %while3A_72 = arith.divsi %while3A_69, %while3A_71 : i32
    %while3A_73 = arith.muli %while3A_72, %while3A_71 : i32
    %while3A_74 = arith.addi %while3A_68, %while3A_73 : i32
    %while3A_75 = arith.constant 1 : i32
    scf.for %while3A_96 = %while3A_68 to %while3A_74 step %while3A_75  : i32 {
      %mul3A_97 = arith.constant 2 : i32
      %mul3A_98 = arith.muli %while3A_96, %mul3A_97 : i32
      %add3A_99 = arith.addi %select_n3A, %mul3A_98 : i32
      %add3A_100 = arith.constant 0 : i32
      %add3A_101 = arith.addi %add3A_99, %add3A_100 : i32
      %dma_wait3A_102 = arith.constant 0 : i32
      %dma_wait3A_103 = arith.constant 0 : i32
      %dma_wait3A_104 = tpu.memref_slice %arg3[%add3A_101, %dma_wait3A_102, %dma_wait3A_103] : memref<1280x3x128xi32, #tpu.memory_space<hbm>> -> memref<1x3x128xi32, #tpu.memory_space<hbm>>
      %dma_wait3A_105 = arith.constant 0 : i32
      %dma_wait3A_106 = arith.constant 0 : i32
      %dma_wait3A_107 = tpu.memref_slice %arg3[%add3A_101, %dma_wait3A_105, %dma_wait3A_106] : memref<1280x3x128xi32, #tpu.memory_space<hbm>> -> memref<1x3x128xi32, #tpu.memory_space<hbm>>
      tpu.wait_dma2 semaphore(%arg14 : memref<!tpu.dma_semaphore, #tpu.memory_space<semaphore_mem>>) src(%dma_wait3A_107 : memref<1x3x128xi32, #tpu.memory_space<hbm>>) dst(%arg6 : memref<1x3x128xi32, #tpu.memory_space<vmem>>)
      %gt3A = arith.constant 0 : i32
      %gt3A_108 = arith.cmpi sgt, %while3A_96, %gt3A : i32
      %convert_element_type3A = arith.extui %gt3A_108 : i1 to i32
      %cond3A = arith.constant 0 : i32
      %cond3A_109 = arith.cmpi ne, %convert_element_type3A, %cond3A : i32
      scf.if %cond3A_109 {
        %dma_wait3A_779 = arith.constant 0 : i32
        %dma_wait3A_780 = arith.constant 0 : i32
        %dma_wait3A_781 = tpu.memref_slice %arg10[%dma_wait3A_779, %dma_wait3A_780] : memref<1x128xi32, #tpu.memory_space<vmem>> -> memref<1x128xi32, #tpu.memory_space<vmem>>
        %dma_wait3A_782 = tpu.memref_squeeze %dma_wait3A_781 : memref<1x128xi32, #tpu.memory_space<vmem>> -> memref<128xi32, #tpu.memory_space<vmem>>
        %dma_wait3A_783 = arith.constant 0 : i32
        %dma_wait3A_784 = arith.constant 0 : i32
        %dma_wait3A_785 = tpu.memref_slice %arg20[%dma_wait3A_783, %dma_wait3A_784] : memref<10240x128xf32, #tpu.memory_space<vmem_shared>> -> memref<10240x128xf32, #tpu.memory_space<vmem_shared>>
        tpu.wait_indirect_dma semaphore(%arg18 : memref<!tpu.dma_semaphore, #tpu.memory_space<semaphore_mem>>) src(%arg12 : memref<128x128xf32, #tpu.memory_space<vmem>>) dst(%dma_wait3A_785 : memref<10240x128xf32, #tpu.memory_space<vmem_shared>>)
      } else {
      }
      %get3A = arith.constant 0 : i32
      %get3A_110 = arith.constant 1 : i32
      %get3A_111 = arith.index_cast %get3A : i32 to index
      %get3A_112 = arith.index_cast %get3A_110 : i32 to index
      %get3A_113 = arith.constant 0 : index
      %get3A_114 = tpu.vector_load %arg6[%get3A_111, %get3A_112, %get3A_113] {strides = array<i32>} : memref<1x3x128xi32, #tpu.memory_space<vmem>>, vector<1x1x16xi32>,
      %get3A_115 = vector.shape_cast %get3A_114 : vector<1x1x16xi32> to vector<16xi32>
      %mul3A_116 = arith.constant 10240 : i32
      %mul3A_117 = vector.broadcast %mul3A_116 : i32 to vector<16xi32>
      %mul3A_118 = arith.muli %get3A_115, %mul3A_117 : vector<16xi32>
      %get3A_119 = arith.constant 0 : i32
      %get3A_120 = arith.constant 0 : i32
      %get3A_121 = arith.index_cast %get3A_119 : i32 to index
      %get3A_122 = arith.index_cast %get3A_120 : i32 to index
      %get3A_123 = arith.constant 0 : index
      %get3A_124 = tpu.vector_load %arg6[%get3A_121, %get3A_122, %get3A_123] {strides = array<i32>} : memref<1x3x128xi32, #tpu.memory_space<vmem>>, vector<1x1x16xi32>,
      %get3A_125 = vector.shape_cast %get3A_124 : vector<1x1x16xi32> to vector<16xi32>
      %add3A_126 = arith.addi %mul3A_118, %get3A_125 : vector<16xi32>
      %swap3A = arith.constant 0 : i32
      %swap3A_127 = arith.index_cast %swap3A : i32 to index
      %swap3A_128 = arith.constant 0 : index
      %swap3A_129 = tpu.vector_load %arg8[%swap3A_127, %swap3A_128] {strides = array<i32>} : memref<1x128xi32, #tpu.memory_space<vmem>>, vector<1x16xi32>,
      %swap3A_130 = vector.shape_cast %swap3A_129 : vector<1x16xi32> to vector<16xi32>
      %swap3A_131 = vector.shape_cast %add3A_126 : vector<16xi32> to vector<1x16xi32>
      tpu.vector_store %arg8[%swap3A_127, %swap3A_128], %swap3A_131 {strides = array<i32>} : memref<1x128xi32, #tpu.memory_space<vmem>>, vector<1x16xi32>,
      %get3A_132 = arith.constant 0 : i32
      %get3A_133 = arith.constant 2 : i32
      %get3A_134 = arith.index_cast %get3A_132 : i32 to index
      %get3A_135 = arith.index_cast %get3A_133 : i32 to index
      %get3A_136 = arith.constant 0 : index
      %get3A_137 = tpu.vector_load %arg6[%get3A_134, %get3A_135, %get3A_136] {strides = array<i32>} : memref<1x3x128xi32, #tpu.memory_space<vmem>>, vector<1x1x16xi32>,
      %get3A_138 = vector.shape_cast %get3A_137 : vector<1x1x16xi32> to vector<16xi32>
      %swap3A_139 = arith.constant 0 : i32
      %swap3A_140 = arith.index_cast %swap3A_139 : i32 to index
      %swap3A_141 = arith.constant 0 : index
      %swap3A_142 = tpu.vector_load %arg10[%swap3A_140, %swap3A_141] {strides = array<i32>} : memref<1x128xi32, #tpu.memory_space<vmem>>, vector<1x16xi32>,
      %swap3A_143 = vector.shape_cast %swap3A_142 : vector<1x16xi32> to vector<16xi32>
      %swap3A_144 = vector.shape_cast %get3A_138 : vector<16xi32> to vector<1x16xi32>
      tpu.vector_store %arg10[%swap3A_140, %swap3A_141], %swap3A_144 {strides = array<i32>} : memref<1x128xi32, #tpu.memory_space<vmem>>, vector<1x16xi32>,
      %get3A_145 = arith.constant 0 : i32
      %get3A_146 = arith.constant 1 : i32
      %get3A_147 = arith.index_cast %get3A_145 : i32 to index
      %get3A_148 = arith.index_cast %get3A_146 : i32 to index
      %get3A_149 = arith.constant 16 : index
      %get3A_150 = tpu.vector_load %arg6[%get3A_147, %get3A_148, %get3A_149] {strides = array<i32>} : memref<1x3x128xi32, #tpu.memory_space<vmem>>, vector<1x1x16xi32>,
      %get3A_151 = vector.shape_cast %get3A_150 : vector<1x1x16xi32> to vector<16xi32>
      %mul3A_152 = arith.constant 10240 : i32
      %mul3A_153 = vector.broadcast %mul3A_152 : i32 to vector<16xi32>
      %mul3A_154 = arith.muli %get3A_151, %mul3A_153 : vector<16xi32>
      %get3A_155 = arith.constant 0 : i32
      %get3A_156 = arith.constant 0 : i32
      %get3A_157 = arith.index_cast %get3A_155 : i32 to index
      %get3A_158 = arith.index_cast %get3A_156 : i32 to index
      %get3A_159 = arith.constant 16 : index
      %get3A_160 = tpu.vector_load %arg6[%get3A_157, %get3A_158, %get3A_159] {strides = array<i32>} : memref<1x3x128xi32, #tpu.memory_space<vmem>>, vector<1x1x16xi32>,
      %get3A_161 = vector.shape_cast %get3A_160 : vector<1x1x16xi32> to vector<16xi32>
      %add3A_162 = arith.addi %mul3A_154, %get3A_161 : vector<16xi32>
      %swap3A_163 = arith.constant 0 : i32
      %swap3A_164 = arith.index_cast %swap3A_163 : i32 to index
      %swap3A_165 = arith.constant 16 : index
      %swap3A_166 = tpu.vector_load %arg8[%swap3A_164, %swap3A_165] {strides = array<i32>} : memref<1x128xi32, #tpu.memory_space<vmem>>, vector<1x16xi32>,
      %swap3A_167 = vector.shape_cast %swap3A_166 : vector<1x16xi32> to vector<16xi32>
      %swap3A_168 = vector.shape_cast %add3A_162 : vector<16xi32> to vector<1x16xi32>
      tpu.vector_store %arg8[%swap3A_164, %swap3A_165], %swap3A_168 {strides = array<i32>} : memref<1x128xi32, #tpu.memory_space<vmem>>, vector<1x16xi32>,
      %get3A_169 = arith.constant 0 : i32
      %get3A_170 = arith.constant 2 : i32
      %get3A_171 = arith.index_cast %get3A_169 : i32 to index
      %get3A_172 = arith.index_cast %get3A_170 : i32 to index
      %get3A_173 = arith.constant 16 : index
      %get3A_174 = tpu.vector_load %arg6[%get3A_171, %get3A_172, %get3A_173] {strides = array<i32>} : memref<1x3x128xi32, #tpu.memory_space<vmem>>, vector<1x1x16xi32>,
      %get3A_175 = vector.shape_cast %get3A_174 : vector<1x1x16xi32> to vector<16xi32>
      %swap3A_176 = arith.constant 0 : i32
      %swap3A_177 = arith.index_cast %swap3A_176 : i32 to index
      %swap3A_178 = arith.constant 16 : index
      %swap3A_179 = tpu.vector_load %arg10[%swap3A_177, %swap3A_178] {strides = array<i32>} : memref<1x128xi32, #tpu.memory_space<vmem>>, vector<1x16xi32>,
      %swap3A_180 = vector.shape_cast %swap3A_179 : vector<1x16xi32> to vector<16xi32>
      %swap3A_181 = vector.shape_cast %get3A_175 : vector<16xi32> to vector<1x16xi32>
      tpu.vector_store %arg10[%swap3A_177, %swap3A_178], %swap3A_181 {strides = array<i32>} : memref<1x128xi32, #tpu.memory_space<vmem>>, vector<1x16xi32>,
      %get3A_182 = arith.constant 0 : i32
      %get3A_183 = arith.constant 1 : i32
      %get3A_184 = arith.index_cast %get3A_182 : i32 to index
      %get3A_185 = arith.index_cast %get3A_183 : i32 to index
      %get3A_186 = arith.constant 32 : index
      %get3A_187 = tpu.vector_load %arg6[%get3A_184, %get3A_185, %get3A_186] {strides = array<i32>} : memref<1x3x128xi32, #tpu.memory_space<vmem>>, vector<1x1x16xi32>,
      %get3A_188 = vector.shape_cast %get3A_187 : vector<1x1x16xi32> to vector<16xi32>
      %mul3A_189 = arith.constant 10240 : i32
      %mul3A_190 = vector.broadcast %mul3A_189 : i32 to vector<16xi32>
      %mul3A_191 = arith.muli %get3A_188, %mul3A_190 : vector<16xi32>
      %get3A_192 = arith.constant 0 : i32
      %get3A_193 = arith.constant 0 : i32
      %get3A_194 = arith.index_cast %get3A_192 : i32 to index
      %get3A_195 = arith.index_cast %get3A_193 : i32 to index
      %get3A_196 = arith.constant 32 : index
      %get3A_197 = tpu.vector_load %arg6[%get3A_194, %get3A_195, %get3A_196] {strides = array<i32>} : memref<1x3x128xi32, #tpu.memory_space<vmem>>, vector<1x1x16xi32>,
      %get3A_198 = vector.shape_cast %get3A_197 : vector<1x1x16xi32> to vector<16xi32>
      %add3A_199 = arith.addi %mul3A_191, %get3A_198 : vector<16xi32>
      %swap3A_200 = arith.constant 0 : i32
      %swap3A_201 = arith.index_cast %swap3A_200 : i32 to index
      %swap3A_202 = arith.constant 32 : index
      %swap3A_203 = tpu.vector_load %arg8[%swap3A_201, %swap3A_202] {strides = array<i32>} : memref<1x128xi32, #tpu.memory_space<vmem>>, vector<1x16xi32>,
      %swap3A_204 = vector.shape_cast %swap3A_203 : vector<1x16xi32> to vector<16xi32>
      %swap3A_205 = vector.shape_cast %add3A_199 : vector<16xi32> to vector<1x16xi32>
      tpu.vector_store %arg8[%swap3A_201, %swap3A_202], %swap3A_205 {strides = array<i32>} : memref<1x128xi32, #tpu.memory_space<vmem>>, vector<1x16xi32>,
      %get3A_206 = arith.constant 0 : i32
      %get3A_207 = arith.constant 2 : i32
      %get3A_208 = arith.index_cast %get3A_206 : i32 to index
      %get3A_209 = arith.index_cast %get3A_207 : i32 to index
      %get3A_210 = arith.constant 32 : index
      %get3A_211 = tpu.vector_load %arg6[%get3A_208, %get3A_209, %get3A_210] {strides = array<i32>} : memref<1x3x128xi32, #tpu.memory_space<vmem>>, vector<1x1x16xi32>,
      %get3A_212 = vector.shape_cast %get3A_211 : vector<1x1x16xi32> to vector<16xi32>
      %swap3A_213 = arith.constant 0 : i32
      %swap3A_214 = arith.index_cast %swap3A_213 : i32 to index
      %swap3A_215 = arith.constant 32 : index
      %swap3A_216 = tpu.vector_load %arg10[%swap3A_214, %swap3A_215] {strides = array<i32>} : memref<1x128xi32, #tpu.memory_space<vmem>>, vector<1x16xi32>,
      %swap3A_217 = vector.shape_cast %swap3A_216 : vector<1x16xi32> to vector<16xi32>
      %swap3A_218 = vector.shape_cast %get3A_212 : vector<16xi32> to vector<1x16xi32>
      tpu.vector_store %arg10[%swap3A_214, %swap3A_215], %swap3A_218 {strides = array<i32>} : memref<1x128xi32, #tpu.memory_space<vmem>>, vector<1x16xi32>,
      %get3A_219 = arith.constant 0 : i32
      %get3A_220 = arith.constant 1 : i32
      %get3A_221 = arith.index_cast %get3A_219 : i32 to index
      %get3A_222 = arith.index_cast %get3A_220 : i32 to index
      %get3A_223 = arith.constant 48 : index
      %get3A_224 = tpu.vector_load %arg6[%get3A_221, %get3A_222, %get3A_223] {strides = array<i32>} : memref<1x3x128xi32, #tpu.memory_space<vmem>>, vector<1x1x16xi32>,
      %get3A_225 = vector.shape_cast %get3A_224 : vector<1x1x16xi32> to vector<16xi32>
      %mul3A_226 = arith.constant 10240 : i32
      %mul3A_227 = vector.broadcast %mul3A_226 : i32 to vector<16xi32>
      %mul3A_228 = arith.muli %get3A_225, %mul3A_227 : vector<16xi32>
      %get3A_229 = arith.constant 0 : i32
      %get3A_230 = arith.constant 0 : i32
      %get3A_231 = arith.index_cast %get3A_229 : i32 to index
      %get3A_232 = arith.index_cast %get3A_230 : i32 to index
      %get3A_233 = arith.constant 48 : index
      %get3A_234 = tpu.vector_load %arg6[%get3A_231, %get3A_232, %get3A_233] {strides = array<i32>} : memref<1x3x128xi32, #tpu.memory_space<vmem>>, vector<1x1x16xi32>,
      %get3A_235 = vector.shape_cast %get3A_234 : vector<1x1x16xi32> to vector<16xi32>
      %add3A_236 = arith.addi %mul3A_228, %get3A_235 : vector<16xi32>
      %swap3A_237 = arith.constant 0 : i32
      %swap3A_238 = arith.index_cast %swap3A_237 : i32 to index
      %swap3A_239 = arith.constant 48 : index
      %swap3A_240 = tpu.vector_load %arg8[%swap3A_238, %swap3A_239] {strides = array<i32>} : memref<1x128xi32, #tpu.memory_space<vmem>>, vector<1x16xi32>,
      %swap3A_241 = vector.shape_cast %swap3A_240 : vector<1x16xi32> to vector<16xi32>
      %swap3A_242 = vector.shape_cast %add3A_236 : vector<16xi32> to vector<1x16xi32>
      tpu.vector_store %arg8[%swap3A_238, %swap3A_239], %swap3A_242 {strides = array<i32>} : memref<1x128xi32, #tpu.memory_space<vmem>>, vector<1x16xi32>,
      %get3A_243 = arith.constant 0 : i32
      %get3A_244 = arith.constant 2 : i32
      %get3A_245 = arith.index_cast %get3A_243 : i32 to index
      %get3A_246 = arith.index_cast %get3A_244 : i32 to index
      %get3A_247 = arith.constant 48 : index
      %get3A_248 = tpu.vector_load %arg6[%get3A_245, %get3A_246, %get3A_247] {strides = array<i32>} : memref<1x3x128xi32, #tpu.memory_space<vmem>>, vector<1x1x16xi32>,
      %get3A_249 = vector.shape_cast %get3A_248 : vector<1x1x16xi32> to vector<16xi32>
      %swap3A_250 = arith.constant 0 : i32
      %swap3A_251 = arith.index_cast %swap3A_250 : i32 to index
      %swap3A_252 = arith.constant 48 : index
      %swap3A_253 = tpu.vector_load %arg10[%swap3A_251, %swap3A_252] {strides = array<i32>} : memref<1x128xi32, #tpu.memory_space<vmem>>, vector<1x16xi32>,
      %swap3A_254 = vector.shape_cast %swap3A_253 : vector<1x16xi32> to vector<16xi32>
      %swap3A_255 = vector.shape_cast %get3A_249 : vector<16xi32> to vector<1x16xi32>
      tpu.vector_store %arg10[%swap3A_251, %swap3A_252], %swap3A_255 {strides = array<i32>} : memref<1x128xi32, #tpu.memory_space<vmem>>, vector<1x16xi32>,
      %get3A_256 = arith.constant 0 : i32
      %get3A_257 = arith.constant 1 : i32
      %get3A_258 = arith.index_cast %get3A_256 : i32 to index
      %get3A_259 = arith.index_cast %get3A_257 : i32 to index
      %get3A_260 = arith.constant 64 : index
      %get3A_261 = tpu.vector_load %arg6[%get3A_258, %get3A_259, %get3A_260] {strides = array<i32>} : memref<1x3x128xi32, #tpu.memory_space<vmem>>, vector<1x1x16xi32>,
      %get3A_262 = vector.shape_cast %get3A_261 : vector<1x1x16xi32> to vector<16xi32>
      %mul3A_263 = arith.constant 10240 : i32
      %mul3A_264 = vector.broadcast %mul3A_263 : i32 to vector<16xi32>
      %mul3A_265 = arith.muli %get3A_262, %mul3A_264 : vector<16xi32>
      %get3A_266 = arith.constant 0 : i32
      %get3A_267 = arith.constant 0 : i32
      %get3A_268 = arith.index_cast %get3A_266 : i32 to index
      %get3A_269 = arith.index_cast %get3A_267 : i32 to index
      %get3A_270 = arith.constant 64 : index
      %get3A_271 = tpu.vector_load %arg6[%get3A_268, %get3A_269, %get3A_270] {strides = array<i32>} : memref<1x3x128xi32, #tpu.memory_space<vmem>>, vector<1x1x16xi32>,
      %get3A_272 = vector.shape_cast %get3A_271 : vector<1x1x16xi32> to vector<16xi32>
      %add3A_273 = arith.addi %mul3A_265, %get3A_272 : vector<16xi32>
      %swap3A_274 = arith.constant 0 : i32
      %swap3A_275 = arith.index_cast %swap3A_274 : i32 to index
      %swap3A_276 = arith.constant 64 : index
      %swap3A_277 = tpu.vector_load %arg8[%swap3A_275, %swap3A_276] {strides = array<i32>} : memref<1x128xi32, #tpu.memory_space<vmem>>, vector<1x16xi32>,
      %swap3A_278 = vector.shape_cast %swap3A_277 : vector<1x16xi32> to vector<16xi32>
      %swap3A_279 = vector.shape_cast %add3A_273 : vector<16xi32> to vector<1x16xi32>
      tpu.vector_store %arg8[%swap3A_275, %swap3A_276], %swap3A_279 {strides = array<i32>} : memref<1x128xi32, #tpu.memory_space<vmem>>, vector<1x16xi32>,
      %get3A_280 = arith.constant 0 : i32
      %get3A_281 = arith.constant 2 : i32
      %get3A_282 = arith.index_cast %get3A_280 : i32 to index
      %get3A_283 = arith.index_cast %get3A_281 : i32 to index
      %get3A_284 = arith.constant 64 : index
      %get3A_285 = tpu.vector_load %arg6[%get3A_282, %get3A_283, %get3A_284] {strides = array<i32>} : memref<1x3x128xi32, #tpu.memory_space<vmem>>, vector<1x1x16xi32>,
      %get3A_286 = vector.shape_cast %get3A_285 : vector<1x1x16xi32> to vector<16xi32>
      %swap3A_287 = arith.constant 0 : i32
      %swap3A_288 = arith.index_cast %swap3A_287 : i32 to index
      %swap3A_289 = arith.constant 64 : index
      %swap3A_290 = tpu.vector_load %arg10[%swap3A_288, %swap3A_289] {strides = array<i32>} : memref<1x128xi32, #tpu.memory_space<vmem>>, vector<1x16xi32>,
      %swap3A_291 = vector.shape_cast %swap3A_290 : vector<1x16xi32> to vector<16xi32>
      %swap3A_292 = vector.shape_cast %get3A_286 : vector<16xi32> to vector<1x16xi32>
      tpu.vector_store %arg10[%swap3A_288, %swap3A_289], %swap3A_292 {strides = array<i32>} : memref<1x128xi32, #tpu.memory_space<vmem>>, vector<1x16xi32>,
      %get3A_293 = arith.constant 0 : i32
      %get3A_294 = arith.constant 1 : i32
      %get3A_295 = arith.index_cast %get3A_293 : i32 to index
      %get3A_296 = arith.index_cast %get3A_294 : i32 to index
      %get3A_297 = arith.constant 80 : index
      %get3A_298 = tpu.vector_load %arg6[%get3A_295, %get3A_296, %get3A_297] {strides = array<i32>} : memref<1x3x128xi32, #tpu.memory_space<vmem>>, vector<1x1x16xi32>,
      %get3A_299 = vector.shape_cast %get3A_298 : vector<1x1x16xi32> to vector<16xi32>
      %mul3A_300 = arith.constant 10240 : i32
      %mul3A_301 = vector.broadcast %mul3A_300 : i32 to vector<16xi32>
      %mul3A_302 = arith.muli %get3A_299, %mul3A_301 : vector<16xi32>
      %get3A_303 = arith.constant 0 : i32
      %get3A_304 = arith.constant 0 : i32
      %get3A_305 = arith.index_cast %get3A_303 : i32 to index
      %get3A_306 = arith.index_cast %get3A_304 : i32 to index
      %get3A_307 = arith.constant 80 : index
      %get3A_308 = tpu.vector_load %arg6[%get3A_305, %get3A_306, %get3A_307] {strides = array<i32>} : memref<1x3x128xi32, #tpu.memory_space<vmem>>, vector<1x1x16xi32>,
      %get3A_309 = vector.shape_cast %get3A_308 : vector<1x1x16xi32> to vector<16xi32>
      %add3A_310 = arith.addi %mul3A_302, %get3A_309 : vector<16xi32>
      %swap3A_311 = arith.constant 0 : i32
      %swap3A_312 = arith.index_cast %swap3A_311 : i32 to index
      %swap3A_313 = arith.constant 80 : index
      %swap3A_314 = tpu.vector_load %arg8[%swap3A_312, %swap3A_313] {strides = array<i32>} : memref<1x128xi32, #tpu.memory_space<vmem>>, vector<1x16xi32>,
      %swap3A_315 = vector.shape_cast %swap3A_314 : vector<1x16xi32> to vector<16xi32>
      %swap3A_316 = vector.shape_cast %add3A_310 : vector<16xi32> to vector<1x16xi32>
      tpu.vector_store %arg8[%swap3A_312, %swap3A_313], %swap3A_316 {strides = array<i32>} : memref<1x128xi32, #tpu.memory_space<vmem>>, vector<1x16xi32>,
      %get3A_317 = arith.constant 0 : i32
      %get3A_318 = arith.constant 2 : i32
      %get3A_319 = arith.index_cast %get3A_317 : i32 to index
      %get3A_320 = arith.index_cast %get3A_318 : i32 to index
      %get3A_321 = arith.constant 80 : index
      %get3A_322 = tpu.vector_load %arg6[%get3A_319, %get3A_320, %get3A_321] {strides = array<i32>} : memref<1x3x128xi32, #tpu.memory_space<vmem>>, vector<1x1x16xi32>,
      %get3A_323 = vector.shape_cast %get3A_322 : vector<1x1x16xi32> to vector<16xi32>
      %swap3A_324 = arith.constant 0 : i32
      %swap3A_325 = arith.index_cast %swap3A_324 : i32 to index
      %swap3A_326 = arith.constant 80 : index
      %swap3A_327 = tpu.vector_load %arg10[%swap3A_325, %swap3A_326] {strides = array<i32>} : memref<1x128xi32, #tpu.memory_space<vmem>>, vector<1x16xi32>,
      %swap3A_328 = vector.shape_cast %swap3A_327 : vector<1x16xi32> to vector<16xi32>
      %swap3A_329 = vector.shape_cast %get3A_323 : vector<16xi32> to vector<1x16xi32>
      tpu.vector_store %arg10[%swap3A_325, %swap3A_326], %swap3A_329 {strides = array<i32>} : memref<1x128xi32, #tpu.memory_space<vmem>>, vector<1x16xi32>,
      %get3A_330 = arith.constant 0 : i32
      %get3A_331 = arith.constant 1 : i32
      %get3A_332 = arith.index_cast %get3A_330 : i32 to index
      %get3A_333 = arith.index_cast %get3A_331 : i32 to index
      %get3A_334 = arith.constant 96 : index
      %get3A_335 = tpu.vector_load %arg6[%get3A_332, %get3A_333, %get3A_334] {strides = array<i32>} : memref<1x3x128xi32, #tpu.memory_space<vmem>>, vector<1x1x16xi32>,
      %get3A_336 = vector.shape_cast %get3A_335 : vector<1x1x16xi32> to vector<16xi32>
      %mul3A_337 = arith.constant 10240 : i32
      %mul3A_338 = vector.broadcast %mul3A_337 : i32 to vector<16xi32>
      %mul3A_339 = arith.muli %get3A_336, %mul3A_338 : vector<16xi32>
      %get3A_340 = arith.constant 0 : i32
      %get3A_341 = arith.constant 0 : i32
      %get3A_342 = arith.index_cast %get3A_340 : i32 to index
      %get3A_343 = arith.index_cast %get3A_341 : i32 to index
      %get3A_344 = arith.constant 96 : index
      %get3A_345 = tpu.vector_load %arg6[%get3A_342, %get3A_343, %get3A_344] {strides = array<i32>} : memref<1x3x128xi32, #tpu.memory_space<vmem>>, vector<1x1x16xi32>,
      %get3A_346 = vector.shape_cast %get3A_345 : vector<1x1x16xi32> to vector<16xi32>
      %add3A_347 = arith.addi %mul3A_339, %get3A_346 : vector<16xi32>
      %swap3A_348 = arith.constant 0 : i32
      %swap3A_349 = arith.index_cast %swap3A_348 : i32 to index
      %swap3A_350 = arith.constant 96 : index
      %swap3A_351 = tpu.vector_load %arg8[%swap3A_349, %swap3A_350] {strides = array<i32>} : memref<1x128xi32, #tpu.memory_space<vmem>>, vector<1x16xi32>,
      %swap3A_352 = vector.shape_cast %swap3A_351 : vector<1x16xi32> to vector<16xi32>
      %swap3A_353 = vector.shape_cast %add3A_347 : vector<16xi32> to vector<1x16xi32>
      tpu.vector_store %arg8[%swap3A_349, %swap3A_350], %swap3A_353 {strides = array<i32>} : memref<1x128xi32, #tpu.memory_space<vmem>>, vector<1x16xi32>,
      %get3A_354 = arith.constant 0 : i32
      %get3A_355 = arith.constant 2 : i32
      %get3A_356 = arith.index_cast %get3A_354 : i32 to index
      %get3A_357 = arith.index_cast %get3A_355 : i32 to index
      %get3A_358 = arith.constant 96 : index
      %get3A_359 = tpu.vector_load %arg6[%get3A_356, %get3A_357, %get3A_358] {strides = array<i32>} : memref<1x3x128xi32, #tpu.memory_space<vmem>>, vector<1x1x16xi32>,
      %get3A_360 = vector.shape_cast %get3A_359 : vector<1x1x16xi32> to vector<16xi32>
      %swap3A_361 = arith.constant 0 : i32
      %swap3A_362 = arith.index_cast %swap3A_361 : i32 to index
      %swap3A_363 = arith.constant 96 : index
      %swap3A_364 = tpu.vector_load %arg10[%swap3A_362, %swap3A_363] {strides = array<i32>} : memref<1x128xi32, #tpu.memory_space<vmem>>, vector<1x16xi32>,
      %swap3A_365 = vector.shape_cast %swap3A_364 : vector<1x16xi32> to vector<16xi32>
      %swap3A_366 = vector.shape_cast %get3A_360 : vector<16xi32> to vector<1x16xi32>
      tpu.vector_store %arg10[%swap3A_362, %swap3A_363], %swap3A_366 {strides = array<i32>} : memref<1x128xi32, #tpu.memory_space<vmem>>, vector<1x16xi32>,
      %get3A_367 = arith.constant 0 : i32
      %get3A_368 = arith.constant 1 : i32
      %get3A_369 = arith.index_cast %get3A_367 : i32 to index
      %get3A_370 = arith.index_cast %get3A_368 : i32 to index
      %get3A_371 = arith.constant 112 : index
      %get3A_372 = tpu.vector_load %arg6[%get3A_369, %get3A_370, %get3A_371] {strides = array<i32>} : memref<1x3x128xi32, #tpu.memory_space<vmem>>, vector<1x1x16xi32>,
      %get3A_373 = vector.shape_cast %get3A_372 : vector<1x1x16xi32> to vector<16xi32>
      %mul3A_374 = arith.constant 10240 : i32
      %mul3A_375 = vector.broadcast %mul3A_374 : i32 to vector<16xi32>
      %mul3A_376 = arith.muli %get3A_373, %mul3A_375 : vector<16xi32>
      %get3A_377 = arith.constant 0 : i32
      %get3A_378 = arith.constant 0 : i32
      %get3A_379 = arith.index_cast %get3A_377 : i32 to index
      %get3A_380 = arith.index_cast %get3A_378 : i32 to index
      %get3A_381 = arith.constant 112 : index
      %get3A_382 = tpu.vector_load %arg6[%get3A_379, %get3A_380, %get3A_381] {strides = array<i32>} : memref<1x3x128xi32, #tpu.memory_space<vmem>>, vector<1x1x16xi32>,
      %get3A_383 = vector.shape_cast %get3A_382 : vector<1x1x16xi32> to vector<16xi32>
      %add3A_384 = arith.addi %mul3A_376, %get3A_383 : vector<16xi32>
      %swap3A_385 = arith.constant 0 : i32
      %swap3A_386 = arith.index_cast %swap3A_385 : i32 to index
      %swap3A_387 = arith.constant 112 : index
      %swap3A_388 = tpu.vector_load %arg8[%swap3A_386, %swap3A_387] {strides = array<i32>} : memref<1x128xi32, #tpu.memory_space<vmem>>, vector<1x16xi32>,
      %swap3A_389 = vector.shape_cast %swap3A_388 : vector<1x16xi32> to vector<16xi32>
      %swap3A_390 = vector.shape_cast %add3A_384 : vector<16xi32> to vector<1x16xi32>
      tpu.vector_store %arg8[%swap3A_386, %swap3A_387], %swap3A_390 {strides = array<i32>} : memref<1x128xi32, #tpu.memory_space<vmem>>, vector<1x16xi32>,
      %get3A_391 = arith.constant 0 : i32
      %get3A_392 = arith.constant 2 : i32
      %get3A_393 = arith.index_cast %get3A_391 : i32 to index
      %get3A_394 = arith.index_cast %get3A_392 : i32 to index
      %get3A_395 = arith.constant 112 : index
      %get3A_396 = tpu.vector_load %arg6[%get3A_393, %get3A_394, %get3A_395] {strides = array<i32>} : memref<1x3x128xi32, #tpu.memory_space<vmem>>, vector<1x1x16xi32>,
      %get3A_397 = vector.shape_cast %get3A_396 : vector<1x1x16xi32> to vector<16xi32>
      %swap3A_398 = arith.constant 0 : i32
      %swap3A_399 = arith.index_cast %swap3A_398 : i32 to index
      %swap3A_400 = arith.constant 112 : index
      %swap3A_401 = tpu.vector_load %arg10[%swap3A_399, %swap3A_400] {strides = array<i32>} : memref<1x128xi32, #tpu.memory_space<vmem>>, vector<1x16xi32>,
      %swap3A_402 = vector.shape_cast %swap3A_401 : vector<1x16xi32> to vector<16xi32>
      %swap3A_403 = vector.shape_cast %get3A_397 : vector<16xi32> to vector<1x16xi32>
      tpu.vector_store %arg10[%swap3A_399, %swap3A_400], %swap3A_403 {strides = array<i32>} : memref<1x128xi32, #tpu.memory_space<vmem>>, vector<1x16xi32>,
      %dma_start3A_404 = arith.constant 0 : i32
      %dma_start3A_405 = arith.constant 0 : i32
      %dma_start3A_406 = tpu.memref_slice %arg8[%dma_start3A_404, %dma_start3A_405] : memref<1x128xi32, #tpu.memory_space<vmem>> -> memref<1x128xi32, #tpu.memory_space<vmem>>
      %dma_start3A_407 = tpu.memref_squeeze %dma_start3A_406 : memref<1x128xi32, #tpu.memory_space<vmem>> -> memref<128xi32, #tpu.memory_space<vmem>>
      %dma_start3A_408 = arith.constant 0 : i32
      %dma_start3A_409 = arith.constant 0 : i32
      %dma_start3A_410 = tpu.memref_slice %arg2[%dma_start3A_408, %dma_start3A_409] : memref<276480x128xf32, #tpu.memory_space<hbm>> -> memref<276480x128xf32, #tpu.memory_space<hbm>>
      tpu.enqueue_indirect_dma source(%dma_start3A_410 : memref<276480x128xf32, #tpu.memory_space<hbm>>) target(%arg12 : memref<128x128xf32, #tpu.memory_space<vmem>>) offsets(%dma_start3A_407 : memref<128xi32, #tpu.memory_space<vmem>>) semaphore(%arg16 : memref<!tpu.dma_semaphore, #tpu.memory_space<semaphore_mem>>)
      %mul3A_411 = arith.constant 2 : i32
      %mul3A_412 = arith.muli %while3A_96, %mul3A_411 : i32
      %add3A_413 = arith.addi %select_n3A, %mul3A_412 : i32
      %add3A_414 = arith.constant 1 : i32
      %add3A_415 = arith.addi %add3A_413, %add3A_414 : i32
      %dma_wait3A_416 = arith.constant 0 : i32
      %dma_wait3A_417 = arith.constant 0 : i32
      %dma_wait3A_418 = tpu.memref_slice %arg3[%add3A_415, %dma_wait3A_416, %dma_wait3A_417] : memref<1280x3x128xi32, #tpu.memory_space<hbm>> -> memref<1x3x128xi32, #tpu.memory_space<hbm>>
      %dma_wait3A_419 = arith.constant 0 : i32
      %dma_wait3A_420 = arith.constant 0 : i32
      %dma_wait3A_421 = tpu.memref_slice %arg3[%add3A_415, %dma_wait3A_419, %dma_wait3A_420] : memref<1280x3x128xi32, #tpu.memory_space<hbm>> -> memref<1x3x128xi32, #tpu.memory_space<hbm>>
      tpu.wait_dma2 semaphore(%arg15 : memref<!tpu.dma_semaphore, #tpu.memory_space<semaphore_mem>>) src(%dma_wait3A_421 : memref<1x3x128xi32, #tpu.memory_space<hbm>>) dst(%arg7 : memref<1x3x128xi32, #tpu.memory_space<vmem>>)
      %gt3A_422 = arith.constant 0 : i32
      %gt3A_423 = arith.cmpi sgt, %while3A_96, %gt3A_422 : i32
      %convert_element_type3A_424 = arith.extui %gt3A_423 : i1 to i32
      %cond3A_425 = arith.constant 0 : i32
      %cond3A_426 = arith.cmpi ne, %convert_element_type3A_424, %cond3A_425 : i32
      scf.if %cond3A_426 {
        %dma_wait3A_779 = arith.constant 0 : i32
        %dma_wait3A_780 = arith.constant 0 : i32
        %dma_wait3A_781 = tpu.memref_slice %arg11[%dma_wait3A_779, %dma_wait3A_780] : memref<1x128xi32, #tpu.memory_space<vmem>> -> memref<1x128xi32, #tpu.memory_space<vmem>>
        %dma_wait3A_782 = tpu.memref_squeeze %dma_wait3A_781 : memref<1x128xi32, #tpu.memory_space<vmem>> -> memref<128xi32, #tpu.memory_space<vmem>>
        %dma_wait3A_783 = arith.constant 0 : i32
        %dma_wait3A_784 = arith.constant 0 : i32
        %dma_wait3A_785 = tpu.memref_slice %arg20[%dma_wait3A_783, %dma_wait3A_784] : memref<10240x128xf32, #tpu.memory_space<vmem_shared>> -> memref<10240x128xf32, #tpu.memory_space<vmem_shared>>
        tpu.wait_indirect_dma semaphore(%arg19 : memref<!tpu.dma_semaphore, #tpu.memory_space<semaphore_mem>>) src(%arg13 : memref<128x128xf32, #tpu.memory_space<vmem>>) dst(%dma_wait3A_785 : memref<10240x128xf32, #tpu.memory_space<vmem_shared>>)
      } else {
      }
      %get3A_427 = arith.constant 0 : i32
      %get3A_428 = arith.constant 1 : i32
      %get3A_429 = arith.index_cast %get3A_427 : i32 to index
      %get3A_430 = arith.index_cast %get3A_428 : i32 to index
      %get3A_431 = arith.constant 0 : index
      %get3A_432 = tpu.vector_load %arg7[%get3A_429, %get3A_430, %get3A_431] {strides = array<i32>} : memref<1x3x128xi32, #tpu.memory_space<vmem>>, vector<1x1x16xi32>,
      %get3A_433 = vector.shape_cast %get3A_432 : vector<1x1x16xi32> to vector<16xi32>
      %mul3A_434 = arith.constant 10240 : i32
      %mul3A_435 = vector.broadcast %mul3A_434 : i32 to vector<16xi32>
      %mul3A_436 = arith.muli %get3A_433, %mul3A_435 : vector<16xi32>
      %get3A_437 = arith.constant 0 : i32
      %get3A_438 = arith.constant 0 : i32
      %get3A_439 = arith.index_cast %get3A_437 : i32 to index
      %get3A_440 = arith.index_cast %get3A_438 : i32 to index
      %get3A_441 = arith.constant 0 : index
      %get3A_442 = tpu.vector_load %arg7[%get3A_439, %get3A_440, %get3A_441] {strides = array<i32>} : memref<1x3x128xi32, #tpu.memory_space<vmem>>, vector<1x1x16xi32>,
      %get3A_443 = vector.shape_cast %get3A_442 : vector<1x1x16xi32> to vector<16xi32>
      %add3A_444 = arith.addi %mul3A_436, %get3A_443 : vector<16xi32>
      %swap3A_445 = arith.constant 0 : i32
      %swap3A_446 = arith.index_cast %swap3A_445 : i32 to index
      %swap3A_447 = arith.constant 0 : index
      %swap3A_448 = tpu.vector_load %arg9[%swap3A_446, %swap3A_447] {strides = array<i32>} : memref<1x128xi32, #tpu.memory_space<vmem>>, vector<1x16xi32>,
      %swap3A_449 = vector.shape_cast %swap3A_448 : vector<1x16xi32> to vector<16xi32>
      %swap3A_450 = vector.shape_cast %add3A_444 : vector<16xi32> to vector<1x16xi32>
      tpu.vector_store %arg9[%swap3A_446, %swap3A_447], %swap3A_450 {strides = array<i32>} : memref<1x128xi32, #tpu.memory_space<vmem>>, vector<1x16xi32>,
      %get3A_451 = arith.constant 0 : i32
      %get3A_452 = arith.constant 2 : i32
      %get3A_453 = arith.index_cast %get3A_451 : i32 to index
      %get3A_454 = arith.index_cast %get3A_452 : i32 to index
      %get3A_455 = arith.constant 0 : index
      %get3A_456 = tpu.vector_load %arg7[%get3A_453, %get3A_454, %get3A_455] {strides = array<i32>} : memref<1x3x128xi32, #tpu.memory_space<vmem>>, vector<1x1x16xi32>,
      %get3A_457 = vector.shape_cast %get3A_456 : vector<1x1x16xi32> to vector<16xi32>
      %swap3A_458 = arith.constant 0 : i32
      %swap3A_459 = arith.index_cast %swap3A_458 : i32 to index
      %swap3A_460 = arith.constant 0 : index
      %swap3A_461 = tpu.vector_load %arg11[%swap3A_459, %swap3A_460] {strides = array<i32>} : memref<1x128xi32, #tpu.memory_space<vmem>>, vector<1x16xi32>,
      %swap3A_462 = vector.shape_cast %swap3A_461 : vector<1x16xi32> to vector<16xi32>
      %swap3A_463 = vector.shape_cast %get3A_457 : vector<16xi32> to vector<1x16xi32>
      tpu.vector_store %arg11[%swap3A_459, %swap3A_460], %swap3A_463 {strides = array<i32>} : memref<1x128xi32, #tpu.memory_space<vmem>>, vector<1x16xi32>,
      %get3A_464 = arith.constant 0 : i32
      %get3A_465 = arith.constant 1 : i32
      %get3A_466 = arith.index_cast %get3A_464 : i32 to index
      %get3A_467 = arith.index_cast %get3A_465 : i32 to index
      %get3A_468 = arith.constant 16 : index
      %get3A_469 = tpu.vector_load %arg7[%get3A_466, %get3A_467, %get3A_468] {strides = array<i32>} : memref<1x3x128xi32, #tpu.memory_space<vmem>>, vector<1x1x16xi32>,
      %get3A_470 = vector.shape_cast %get3A_469 : vector<1x1x16xi32> to vector<16xi32>
      %mul3A_471 = arith.constant 10240 : i32
      %mul3A_472 = vector.broadcast %mul3A_471 : i32 to vector<16xi32>
      %mul3A_473 = arith.muli %get3A_470, %mul3A_472 : vector<16xi32>
      %get3A_474 = arith.constant 0 : i32
      %get3A_475 = arith.constant 0 : i32
      %get3A_476 = arith.index_cast %get3A_474 : i32 to index
      %get3A_477 = arith.index_cast %get3A_475 : i32 to index
      %get3A_478 = arith.constant 16 : index
      %get3A_479 = tpu.vector_load %arg7[%get3A_476, %get3A_477, %get3A_478] {strides = array<i32>} : memref<1x3x128xi32, #tpu.memory_space<vmem>>, vector<1x1x16xi32>,
      %get3A_480 = vector.shape_cast %get3A_479 : vector<1x1x16xi32> to vector<16xi32>
      %add3A_481 = arith.addi %mul3A_473, %get3A_480 : vector<16xi32>
      %swap3A_482 = arith.constant 0 : i32
      %swap3A_483 = arith.index_cast %swap3A_482 : i32 to index
      %swap3A_484 = arith.constant 16 : index
      %swap3A_485 = tpu.vector_load %arg9[%swap3A_483, %swap3A_484] {strides = array<i32>} : memref<1x128xi32, #tpu.memory_space<vmem>>, vector<1x16xi32>,
      %swap3A_486 = vector.shape_cast %swap3A_485 : vector<1x16xi32> to vector<16xi32>
      %swap3A_487 = vector.shape_cast %add3A_481 : vector<16xi32> to vector<1x16xi32>
      tpu.vector_store %arg9[%swap3A_483, %swap3A_484], %swap3A_487 {strides = array<i32>} : memref<1x128xi32, #tpu.memory_space<vmem>>, vector<1x16xi32>,
      %get3A_488 = arith.constant 0 : i32
      %get3A_489 = arith.constant 2 : i32
      %get3A_490 = arith.index_cast %get3A_488 : i32 to index
      %get3A_491 = arith.index_cast %get3A_489 : i32 to index
      %get3A_492 = arith.constant 16 : index
      %get3A_493 = tpu.vector_load %arg7[%get3A_490, %get3A_491, %get3A_492] {strides = array<i32>} : memref<1x3x128xi32, #tpu.memory_space<vmem>>, vector<1x1x16xi32>,
      %get3A_494 = vector.shape_cast %get3A_493 : vector<1x1x16xi32> to vector<16xi32>
      %swap3A_495 = arith.constant 0 : i32
      %swap3A_496 = arith.index_cast %swap3A_495 : i32 to index
      %swap3A_497 = arith.constant 16 : index
      %swap3A_498 = tpu.vector_load %arg11[%swap3A_496, %swap3A_497] {strides = array<i32>} : memref<1x128xi32, #tpu.memory_space<vmem>>, vector<1x16xi32>,
      %swap3A_499 = vector.shape_cast %swap3A_498 : vector<1x16xi32> to vector<16xi32>
      %swap3A_500 = vector.shape_cast %get3A_494 : vector<16xi32> to vector<1x16xi32>
      tpu.vector_store %arg11[%swap3A_496, %swap3A_497], %swap3A_500 {strides = array<i32>} : memref<1x128xi32, #tpu.memory_space<vmem>>, vector<1x16xi32>,
      %get3A_501 = arith.constant 0 : i32
      %get3A_502 = arith.constant 1 : i32
      %get3A_503 = arith.index_cast %get3A_501 : i32 to index
      %get3A_504 = arith.index_cast %get3A_502 : i32 to index
      %get3A_505 = arith.constant 32 : index
      %get3A_506 = tpu.vector_load %arg7[%get3A_503, %get3A_504, %get3A_505] {strides = array<i32>} : memref<1x3x128xi32, #tpu.memory_space<vmem>>, vector<1x1x16xi32>,
      %get3A_507 = vector.shape_cast %get3A_506 : vector<1x1x16xi32> to vector<16xi32>
      %mul3A_508 = arith.constant 10240 : i32
      %mul3A_509 = vector.broadcast %mul3A_508 : i32 to vector<16xi32>
      %mul3A_510 = arith.muli %get3A_507, %mul3A_509 : vector<16xi32>
      %get3A_511 = arith.constant 0 : i32
      %get3A_512 = arith.constant 0 : i32
      %get3A_513 = arith.index_cast %get3A_511 : i32 to index
      %get3A_514 = arith.index_cast %get3A_512 : i32 to index
      %get3A_515 = arith.constant 32 : index
      %get3A_516 = tpu.vector_load %arg7[%get3A_513, %get3A_514, %get3A_515] {strides = array<i32>} : memref<1x3x128xi32, #tpu.memory_space<vmem>>, vector<1x1x16xi32>,
      %get3A_517 = vector.shape_cast %get3A_516 : vector<1x1x16xi32> to vector<16xi32>
      %add3A_518 = arith.addi %mul3A_510, %get3A_517 : vector<16xi32>
      %swap3A_519 = arith.constant 0 : i32
      %swap3A_520 = arith.index_cast %swap3A_519 : i32 to index
      %swap3A_521 = arith.constant 32 : index
      %swap3A_522 = tpu.vector_load %arg9[%swap3A_520, %swap3A_521] {strides = array<i32>} : memref<1x128xi32, #tpu.memory_space<vmem>>, vector<1x16xi32>,
      %swap3A_523 = vector.shape_cast %swap3A_522 : vector<1x16xi32> to vector<16xi32>
      %swap3A_524 = vector.shape_cast %add3A_518 : vector<16xi32> to vector<1x16xi32>
      tpu.vector_store %arg9[%swap3A_520, %swap3A_521], %swap3A_524 {strides = array<i32>} : memref<1x128xi32, #tpu.memory_space<vmem>>, vector<1x16xi32>,
      %get3A_525 = arith.constant 0 : i32
      %get3A_526 = arith.constant 2 : i32
      %get3A_527 = arith.index_cast %get3A_525 : i32 to index
      %get3A_528 = arith.index_cast %get3A_526 : i32 to index
      %get3A_529 = arith.constant 32 : index
      %get3A_530 = tpu.vector_load %arg7[%get3A_527, %get3A_528, %get3A_529] {strides = array<i32>} : memref<1x3x128xi32, #tpu.memory_space<vmem>>, vector<1x1x16xi32>,
      %get3A_531 = vector.shape_cast %get3A_530 : vector<1x1x16xi32> to vector<16xi32>
      %swap3A_532 = arith.constant 0 : i32
      %swap3A_533 = arith.index_cast %swap3A_532 : i32 to index
      %swap3A_534 = arith.constant 32 : index
      %swap3A_535 = tpu.vector_load %arg11[%swap3A_533, %swap3A_534] {strides = array<i32>} : memref<1x128xi32, #tpu.memory_space<vmem>>, vector<1x16xi32>,
      %swap3A_536 = vector.shape_cast %swap3A_535 : vector<1x16xi32> to vector<16xi32>
      %swap3A_537 = vector.shape_cast %get3A_531 : vector<16xi32> to vector<1x16xi32>
      tpu.vector_store %arg11[%swap3A_533, %swap3A_534], %swap3A_537 {strides = array<i32>} : memref<1x128xi32, #tpu.memory_space<vmem>>, vector<1x16xi32>,
      %get3A_538 = arith.constant 0 : i32
      %get3A_539 = arith.constant 1 : i32
      %get3A_540 = arith.index_cast %get3A_538 : i32 to index
      %get3A_541 = arith.index_cast %get3A_539 : i32 to index
      %get3A_542 = arith.constant 48 : index
      %get3A_543 = tpu.vector_load %arg7[%get3A_540, %get3A_541, %get3A_542] {strides = array<i32>} : memref<1x3x128xi32, #tpu.memory_space<vmem>>, vector<1x1x16xi32>,
      %get3A_544 = vector.shape_cast %get3A_543 : vector<1x1x16xi32> to vector<16xi32>
      %mul3A_545 = arith.constant 10240 : i32
      %mul3A_546 = vector.broadcast %mul3A_545 : i32 to vector<16xi32>
      %mul3A_547 = arith.muli %get3A_544, %mul3A_546 : vector<16xi32>
      %get3A_548 = arith.constant 0 : i32
      %get3A_549 = arith.constant 0 : i32
      %get3A_550 = arith.index_cast %get3A_548 : i32 to index
      %get3A_551 = arith.index_cast %get3A_549 : i32 to index
      %get3A_552 = arith.constant 48 : index
      %get3A_553 = tpu.vector_load %arg7[%get3A_550, %get3A_551, %get3A_552] {strides = array<i32>} : memref<1x3x128xi32, #tpu.memory_space<vmem>>, vector<1x1x16xi32>,
      %get3A_554 = vector.shape_cast %get3A_553 : vector<1x1x16xi32> to vector<16xi32>
      %add3A_555 = arith.addi %mul3A_547, %get3A_554 : vector<16xi32>
      %swap3A_556 = arith.constant 0 : i32
      %swap3A_557 = arith.index_cast %swap3A_556 : i32 to index
      %swap3A_558 = arith.constant 48 : index
      %swap3A_559 = tpu.vector_load %arg9[%swap3A_557, %swap3A_558] {strides = array<i32>} : memref<1x128xi32, #tpu.memory_space<vmem>>, vector<1x16xi32>,
      %swap3A_560 = vector.shape_cast %swap3A_559 : vector<1x16xi32> to vector<16xi32>
      %swap3A_561 = vector.shape_cast %add3A_555 : vector<16xi32> to vector<1x16xi32>
      tpu.vector_store %arg9[%swap3A_557, %swap3A_558], %swap3A_561 {strides = array<i32>} : memref<1x128xi32, #tpu.memory_space<vmem>>, vector<1x16xi32>,
      %get3A_562 = arith.constant 0 : i32
      %get3A_563 = arith.constant 2 : i32
      %get3A_564 = arith.index_cast %get3A_562 : i32 to index
      %get3A_565 = arith.index_cast %get3A_563 : i32 to index
      %get3A_566 = arith.constant 48 : index
      %get3A_567 = tpu.vector_load %arg7[%get3A_564, %get3A_565, %get3A_566] {strides = array<i32>} : memref<1x3x128xi32, #tpu.memory_space<vmem>>, vector<1x1x16xi32>,
      %get3A_568 = vector.shape_cast %get3A_567 : vector<1x1x16xi32> to vector<16xi32>
      %swap3A_569 = arith.constant 0 : i32
      %swap3A_570 = arith.index_cast %swap3A_569 : i32 to index
      %swap3A_571 = arith.constant 48 : index
      %swap3A_572 = tpu.vector_load %arg11[%swap3A_570, %swap3A_571] {strides = array<i32>} : memref<1x128xi32, #tpu.memory_space<vmem>>, vector<1x16xi32>,
      %swap3A_573 = vector.shape_cast %swap3A_572 : vector<1x16xi32> to vector<16xi32>
      %swap3A_574 = vector.shape_cast %get3A_568 : vector<16xi32> to vector<1x16xi32>
      tpu.vector_store %arg11[%swap3A_570, %swap3A_571], %swap3A_574 {strides = array<i32>} : memref<1x128xi32, #tpu.memory_space<vmem>>, vector<1x16xi32>,
      %get3A_575 = arith.constant 0 : i32
      %get3A_576 = arith.constant 1 : i32
      %get3A_577 = arith.index_cast %get3A_575 : i32 to index
      %get3A_578 = arith.index_cast %get3A_576 : i32 to index
      %get3A_579 = arith.constant 64 : index
      %get3A_580 = tpu.vector_load %arg7[%get3A_577, %get3A_578, %get3A_579] {strides = array<i32>} : memref<1x3x128xi32, #tpu.memory_space<vmem>>, vector<1x1x16xi32>,
      %get3A_581 = vector.shape_cast %get3A_580 : vector<1x1x16xi32> to vector<16xi32>
      %mul3A_582 = arith.constant 10240 : i32
      %mul3A_583 = vector.broadcast %mul3A_582 : i32 to vector<16xi32>
      %mul3A_584 = arith.muli %get3A_581, %mul3A_583 : vector<16xi32>
      %get3A_585 = arith.constant 0 : i32
      %get3A_586 = arith.constant 0 : i32
      %get3A_587 = arith.index_cast %get3A_585 : i32 to index
      %get3A_588 = arith.index_cast %get3A_586 : i32 to index
      %get3A_589 = arith.constant 64 : index
      %get3A_590 = tpu.vector_load %arg7[%get3A_587, %get3A_588, %get3A_589] {strides = array<i32>} : memref<1x3x128xi32, #tpu.memory_space<vmem>>, vector<1x1x16xi32>,
      %get3A_591 = vector.shape_cast %get3A_590 : vector<1x1x16xi32> to vector<16xi32>
      %add3A_592 = arith.addi %mul3A_584, %get3A_591 : vector<16xi32>
      %swap3A_593 = arith.constant 0 : i32
      %swap3A_594 = arith.index_cast %swap3A_593 : i32 to index
      %swap3A_595 = arith.constant 64 : index
      %swap3A_596 = tpu.vector_load %arg9[%swap3A_594, %swap3A_595] {strides = array<i32>} : memref<1x128xi32, #tpu.memory_space<vmem>>, vector<1x16xi32>,
      %swap3A_597 = vector.shape_cast %swap3A_596 : vector<1x16xi32> to vector<16xi32>
      %swap3A_598 = vector.shape_cast %add3A_592 : vector<16xi32> to vector<1x16xi32>
      tpu.vector_store %arg9[%swap3A_594, %swap3A_595], %swap3A_598 {strides = array<i32>} : memref<1x128xi32, #tpu.memory_space<vmem>>, vector<1x16xi32>,
      %get3A_599 = arith.constant 0 : i32
      %get3A_600 = arith.constant 2 : i32
      %get3A_601 = arith.index_cast %get3A_599 : i32 to index
      %get3A_602 = arith.index_cast %get3A_600 : i32 to index
      %get3A_603 = arith.constant 64 : index
      %get3A_604 = tpu.vector_load %arg7[%get3A_601, %get3A_602, %get3A_603] {strides = array<i32>} : memref<1x3x128xi32, #tpu.memory_space<vmem>>, vector<1x1x16xi32>,
      %get3A_605 = vector.shape_cast %get3A_604 : vector<1x1x16xi32> to vector<16xi32>
      %swap3A_606 = arith.constant 0 : i32
      %swap3A_607 = arith.index_cast %swap3A_606 : i32 to index
      %swap3A_608 = arith.constant 64 : index
      %swap3A_609 = tpu.vector_load %arg11[%swap3A_607, %swap3A_608] {strides = array<i32>} : memref<1x128xi32, #tpu.memory_space<vmem>>, vector<1x16xi32>,
      %swap3A_610 = vector.shape_cast %swap3A_609 : vector<1x16xi32> to vector<16xi32>
      %swap3A_611 = vector.shape_cast %get3A_605 : vector<16xi32> to vector<1x16xi32>
      tpu.vector_store %arg11[%swap3A_607, %swap3A_608], %swap3A_611 {strides = array<i32>} : memref<1x128xi32, #tpu.memory_space<vmem>>, vector<1x16xi32>,
      %get3A_612 = arith.constant 0 : i32
      %get3A_613 = arith.constant 1 : i32
      %get3A_614 = arith.index_cast %get3A_612 : i32 to index
      %get3A_615 = arith.index_cast %get3A_613 : i32 to index
      %get3A_616 = arith.constant 80 : index
      %get3A_617 = tpu.vector_load %arg7[%get3A_614, %get3A_615, %get3A_616] {strides = array<i32>} : memref<1x3x128xi32, #tpu.memory_space<vmem>>, vector<1x1x16xi32>,
      %get3A_618 = vector.shape_cast %get3A_617 : vector<1x1x16xi32> to vector<16xi32>
      %mul3A_619 = arith.constant 10240 : i32
      %mul3A_620 = vector.broadcast %mul3A_619 : i32 to vector<16xi32>
      %mul3A_621 = arith.muli %get3A_618, %mul3A_620 : vector<16xi32>
      %get3A_622 = arith.constant 0 : i32
      %get3A_623 = arith.constant 0 : i32
      %get3A_624 = arith.index_cast %get3A_622 : i32 to index
      %get3A_625 = arith.index_cast %get3A_623 : i32 to index
      %get3A_626 = arith.constant 80 : index
      %get3A_627 = tpu.vector_load %arg7[%get3A_624, %get3A_625, %get3A_626] {strides = array<i32>} : memref<1x3x128xi32, #tpu.memory_space<vmem>>, vector<1x1x16xi32>,
      %get3A_628 = vector.shape_cast %get3A_627 : vector<1x1x16xi32> to vector<16xi32>
      %add3A_629 = arith.addi %mul3A_621, %get3A_628 : vector<16xi32>
      %swap3A_630 = arith.constant 0 : i32
      %swap3A_631 = arith.index_cast %swap3A_630 : i32 to index
      %swap3A_632 = arith.constant 80 : index
      %swap3A_633 = tpu.vector_load %arg9[%swap3A_631, %swap3A_632] {strides = array<i32>} : memref<1x128xi32, #tpu.memory_space<vmem>>, vector<1x16xi32>,
      %swap3A_634 = vector.shape_cast %swap3A_633 : vector<1x16xi32> to vector<16xi32>
      %swap3A_635 = vector.shape_cast %add3A_629 : vector<16xi32> to vector<1x16xi32>
      tpu.vector_store %arg9[%swap3A_631, %swap3A_632], %swap3A_635 {strides = array<i32>} : memref<1x128xi32, #tpu.memory_space<vmem>>, vector<1x16xi32>,
      %get3A_636 = arith.constant 0 : i32
      %get3A_637 = arith.constant 2 : i32
      %get3A_638 = arith.index_cast %get3A_636 : i32 to index
      %get3A_639 = arith.index_cast %get3A_637 : i32 to index
      %get3A_640 = arith.constant 80 : index
      %get3A_641 = tpu.vector_load %arg7[%get3A_638, %get3A_639, %get3A_640] {strides = array<i32>} : memref<1x3x128xi32, #tpu.memory_space<vmem>>, vector<1x1x16xi32>,
      %get3A_642 = vector.shape_cast %get3A_641 : vector<1x1x16xi32> to vector<16xi32>
      %swap3A_643 = arith.constant 0 : i32
      %swap3A_644 = arith.index_cast %swap3A_643 : i32 to index
      %swap3A_645 = arith.constant 80 : index
      %swap3A_646 = tpu.vector_load %arg11[%swap3A_644, %swap3A_645] {strides = array<i32>} : memref<1x128xi32, #tpu.memory_space<vmem>>, vector<1x16xi32>,
      %swap3A_647 = vector.shape_cast %swap3A_646 : vector<1x16xi32> to vector<16xi32>
      %swap3A_648 = vector.shape_cast %get3A_642 : vector<16xi32> to vector<1x16xi32>
      tpu.vector_store %arg11[%swap3A_644, %swap3A_645], %swap3A_648 {strides = array<i32>} : memref<1x128xi32, #tpu.memory_space<vmem>>, vector<1x16xi32>,
      %get3A_649 = arith.constant 0 : i32
      %get3A_650 = arith.constant 1 : i32
      %get3A_651 = arith.index_cast %get3A_649 : i32 to index
      %get3A_652 = arith.index_cast %get3A_650 : i32 to index
      %get3A_653 = arith.constant 96 : index
      %get3A_654 = tpu.vector_load %arg7[%get3A_651, %get3A_652, %get3A_653] {strides = array<i32>} : memref<1x3x128xi32, #tpu.memory_space<vmem>>, vector<1x1x16xi32>,
      %get3A_655 = vector.shape_cast %get3A_654 : vector<1x1x16xi32> to vector<16xi32>
      %mul3A_656 = arith.constant 10240 : i32
      %mul3A_657 = vector.broadcast %mul3A_656 : i32 to vector<16xi32>
      %mul3A_658 = arith.muli %get3A_655, %mul3A_657 : vector<16xi32>
      %get3A_659 = arith.constant 0 : i32
      %get3A_660 = arith.constant 0 : i32
      %get3A_661 = arith.index_cast %get3A_659 : i32 to index
      %get3A_662 = arith.index_cast %get3A_660 : i32 to index
      %get3A_663 = arith.constant 96 : index
      %get3A_664 = tpu.vector_load %arg7[%get3A_661, %get3A_662, %get3A_663] {strides = array<i32>} : memref<1x3x128xi32, #tpu.memory_space<vmem>>, vector<1x1x16xi32>,
      %get3A_665 = vector.shape_cast %get3A_664 : vector<1x1x16xi32> to vector<16xi32>
      %add3A_666 = arith.addi %mul3A_658, %get3A_665 : vector<16xi32>
      %swap3A_667 = arith.constant 0 : i32
      %swap3A_668 = arith.index_cast %swap3A_667 : i32 to index
      %swap3A_669 = arith.constant 96 : index
      %swap3A_670 = tpu.vector_load %arg9[%swap3A_668, %swap3A_669] {strides = array<i32>} : memref<1x128xi32, #tpu.memory_space<vmem>>, vector<1x16xi32>,
      %swap3A_671 = vector.shape_cast %swap3A_670 : vector<1x16xi32> to vector<16xi32>
      %swap3A_672 = vector.shape_cast %add3A_666 : vector<16xi32> to vector<1x16xi32>
      tpu.vector_store %arg9[%swap3A_668, %swap3A_669], %swap3A_672 {strides = array<i32>} : memref<1x128xi32, #tpu.memory_space<vmem>>, vector<1x16xi32>,
      %get3A_673 = arith.constant 0 : i32
      %get3A_674 = arith.constant 2 : i32
      %get3A_675 = arith.index_cast %get3A_673 : i32 to index
      %get3A_676 = arith.index_cast %get3A_674 : i32 to index
      %get3A_677 = arith.constant 96 : index
      %get3A_678 = tpu.vector_load %arg7[%get3A_675, %get3A_676, %get3A_677] {strides = array<i32>} : memref<1x3x128xi32, #tpu.memory_space<vmem>>, vector<1x1x16xi32>,
      %get3A_679 = vector.shape_cast %get3A_678 : vector<1x1x16xi32> to vector<16xi32>
      %swap3A_680 = arith.constant 0 : i32
      %swap3A_681 = arith.index_cast %swap3A_680 : i32 to index
      %swap3A_682 = arith.constant 96 : index
      %swap3A_683 = tpu.vector_load %arg11[%swap3A_681, %swap3A_682] {strides = array<i32>} : memref<1x128xi32, #tpu.memory_space<vmem>>, vector<1x16xi32>,
      %swap3A_684 = vector.shape_cast %swap3A_683 : vector<1x16xi32> to vector<16xi32>
      %swap3A_685 = vector.shape_cast %get3A_679 : vector<16xi32> to vector<1x16xi32>
      tpu.vector_store %arg11[%swap3A_681, %swap3A_682], %swap3A_685 {strides = array<i32>} : memref<1x128xi32, #tpu.memory_space<vmem>>, vector<1x16xi32>,
      %get3A_686 = arith.constant 0 : i32
      %get3A_687 = arith.constant 1 : i32
      %get3A_688 = arith.index_cast %get3A_686 : i32 to index
      %get3A_689 = arith.index_cast %get3A_687 : i32 to index
      %get3A_690 = arith.constant 112 : index
      %get3A_691 = tpu.vector_load %arg7[%get3A_688, %get3A_689, %get3A_690] {strides = array<i32>} : memref<1x3x128xi32, #tpu.memory_space<vmem>>, vector<1x1x16xi32>,
      %get3A_692 = vector.shape_cast %get3A_691 : vector<1x1x16xi32> to vector<16xi32>
      %mul3A_693 = arith.constant 10240 : i32
      %mul3A_694 = vector.broadcast %mul3A_693 : i32 to vector<16xi32>
      %mul3A_695 = arith.muli %get3A_692, %mul3A_694 : vector<16xi32>
      %get3A_696 = arith.constant 0 : i32
      %get3A_697 = arith.constant 0 : i32
      %get3A_698 = arith.index_cast %get3A_696 : i32 to index
      %get3A_699 = arith.index_cast %get3A_697 : i32 to index
      %get3A_700 = arith.constant 112 : index
      %get3A_701 = tpu.vector_load %arg7[%get3A_698, %get3A_699, %get3A_700] {strides = array<i32>} : memref<1x3x128xi32, #tpu.memory_space<vmem>>, vector<1x1x16xi32>,
      %get3A_702 = vector.shape_cast %get3A_701 : vector<1x1x16xi32> to vector<16xi32>
      %add3A_703 = arith.addi %mul3A_695, %get3A_702 : vector<16xi32>
      %swap3A_704 = arith.constant 0 : i32
      %swap3A_705 = arith.index_cast %swap3A_704 : i32 to index
      %swap3A_706 = arith.constant 112 : index
      %swap3A_707 = tpu.vector_load %arg9[%swap3A_705, %swap3A_706] {strides = array<i32>} : memref<1x128xi32, #tpu.memory_space<vmem>>, vector<1x16xi32>,
      %swap3A_708 = vector.shape_cast %swap3A_707 : vector<1x16xi32> to vector<16xi32>
      %swap3A_709 = vector.shape_cast %add3A_703 : vector<16xi32> to vector<1x16xi32>
      tpu.vector_store %arg9[%swap3A_705, %swap3A_706], %swap3A_709 {strides = array<i32>} : memref<1x128xi32, #tpu.memory_space<vmem>>, vector<1x16xi32>,
      %get3A_710 = arith.constant 0 : i32
      %get3A_711 = arith.constant 2 : i32
      %get3A_712 = arith.index_cast %get3A_710 : i32 to index
      %get3A_713 = arith.index_cast %get3A_711 : i32 to index
      %get3A_714 = arith.constant 112 : index
      %get3A_715 = tpu.vector_load %arg7[%get3A_712, %get3A_713, %get3A_714] {strides = array<i32>} : memref<1x3x128xi32, #tpu.memory_space<vmem>>, vector<1x1x16xi32>,
      %get3A_716 = vector.shape_cast %get3A_715 : vector<1x1x16xi32> to vector<16xi32>
      %swap3A_717 = arith.constant 0 : i32
      %swap3A_718 = arith.index_cast %swap3A_717 : i32 to index
      %swap3A_719 = arith.constant 112 : index
      %swap3A_720 = tpu.vector_load %arg11[%swap3A_718, %swap3A_719] {strides = array<i32>} : memref<1x128xi32, #tpu.memory_space<vmem>>, vector<1x16xi32>,
      %swap3A_721 = vector.shape_cast %swap3A_720 : vector<1x16xi32> to vector<16xi32>
      %swap3A_722 = vector.shape_cast %get3A_716 : vector<16xi32> to vector<1x16xi32>
      tpu.vector_store %arg11[%swap3A_718, %swap3A_719], %swap3A_722 {strides = array<i32>} : memref<1x128xi32, #tpu.memory_space<vmem>>, vector<1x16xi32>,
      %dma_start3A_723 = arith.constant 0 : i32
      %dma_start3A_724 = arith.constant 0 : i32
      %dma_start3A_725 = tpu.memref_slice %arg9[%dma_start3A_723, %dma_start3A_724] : memref<1x128xi32, #tpu.memory_space<vmem>> -> memref<1x128xi32, #tpu.memory_space<vmem>>
      %dma_start3A_726 = tpu.memref_squeeze %dma_start3A_725 : memref<1x128xi32, #tpu.memory_space<vmem>> -> memref<128xi32, #tpu.memory_space<vmem>>
      %dma_start3A_727 = arith.constant 0 : i32
      %dma_start3A_728 = arith.constant 0 : i32
      %dma_start3A_729 = tpu.memref_slice %arg2[%dma_start3A_727, %dma_start3A_728] : memref<276480x128xf32, #tpu.memory_space<hbm>> -> memref<276480x128xf32, #tpu.memory_space<hbm>>
      tpu.enqueue_indirect_dma source(%dma_start3A_729 : memref<276480x128xf32, #tpu.memory_space<hbm>>) target(%arg13 : memref<128x128xf32, #tpu.memory_space<vmem>>) offsets(%dma_start3A_726 : memref<128xi32, #tpu.memory_space<vmem>>) semaphore(%arg17 : memref<!tpu.dma_semaphore, #tpu.memory_space<semaphore_mem>>)
      %mul3A_730 = arith.constant 2 : i32
      %mul3A_731 = arith.muli %while3A_96, %mul3A_730 : i32
      %add3A_732 = arith.addi %select_n3A, %mul3A_731 : i32
      %add3A_733 = arith.constant 0 : i32
      %add3A_734 = arith.addi %add3A_732, %add3A_733 : i32
      %dma_wait3A_735 = arith.constant 0 : i32
      %dma_wait3A_736 = arith.constant 0 : i32
      %dma_wait3A_737 = tpu.memref_slice %arg8[%dma_wait3A_735, %dma_wait3A_736] : memref<1x128xi32, #tpu.memory_space<vmem>> -> memref<1x128xi32, #tpu.memory_space<vmem>>
      %dma_wait3A_738 = tpu.memref_squeeze %dma_wait3A_737 : memref<1x128xi32, #tpu.memory_space<vmem>> -> memref<128xi32, #tpu.memory_space<vmem>>
      %dma_wait3A_739 = arith.constant 0 : i32
      %dma_wait3A_740 = arith.constant 0 : i32
      %dma_wait3A_741 = tpu.memref_slice %arg2[%dma_wait3A_739, %dma_wait3A_740] : memref<276480x128xf32, #tpu.memory_space<hbm>> -> memref<276480x128xf32, #tpu.memory_space<hbm>>
      tpu.wait_indirect_dma semaphore(%arg16 : memref<!tpu.dma_semaphore, #tpu.memory_space<semaphore_mem>>) src(%dma_wait3A_741 : memref<276480x128xf32, #tpu.memory_space<hbm>>) dst(%arg12 : memref<128x128xf32, #tpu.memory_space<vmem>>)
      %dma_start3A_742 = arith.constant 0 : i32
      %dma_start3A_743 = arith.constant 0 : i32
      %dma_start3A_744 = tpu.memref_slice %arg10[%dma_start3A_742, %dma_start3A_743] : memref<1x128xi32, #tpu.memory_space<vmem>> -> memref<1x128xi32, #tpu.memory_space<vmem>>
      %dma_start3A_745 = tpu.memref_squeeze %dma_start3A_744 : memref<1x128xi32, #tpu.memory_space<vmem>> -> memref<128xi32, #tpu.memory_space<vmem>>
      %dma_start3A_746 = arith.constant 0 : i32
      %dma_start3A_747 = arith.constant 0 : i32
      %dma_start3A_748 = tpu.memref_slice %arg20[%dma_start3A_746, %dma_start3A_747] : memref<10240x128xf32, #tpu.memory_space<vmem_shared>> -> memref<10240x128xf32, #tpu.memory_space<vmem_shared>>
      tpu.enqueue_indirect_dma source(%arg12 : memref<128x128xf32, #tpu.memory_space<vmem>>) target(%dma_start3A_748 : memref<10240x128xf32, #tpu.memory_space<vmem_shared>>) offsets(%dma_start3A_745 : memref<128xi32, #tpu.memory_space<vmem>>) semaphore(%arg18 : memref<!tpu.dma_semaphore, #tpu.memory_space<semaphore_mem>>) {add = true}
      %add3A_749 = arith.constant 1 : i32
      %add3A_750 = arith.addi %while3A_96, %add3A_749 : i32
      %lt3A = arith.cmpi slt, %add3A_750, %select_n3A_8 : i32
      %convert_element_type3A_751 = arith.extui %lt3A : i1 to i32
      %cond3A_752 = arith.constant 0 : i32
      %cond3A_753 = arith.cmpi ne, %convert_element_type3A_751, %cond3A_752 : i32
      scf.if %cond3A_753 {
        %add3A_779 = arith.constant 2 : i32
        %add3A_780 = arith.addi %add3A_734, %add3A_779 : i32
        %dma_start3A_781 = arith.constant 0 : i32
        %dma_start3A_782 = arith.constant 0 : i32
        %dma_start3A_783 = tpu.memref_slice %arg3[%add3A_780, %dma_start3A_781, %dma_start3A_782] : memref<1280x3x128xi32, #tpu.memory_space<hbm>> -> memref<1x3x128xi32, #tpu.memory_space<hbm>>
        %dma_start3A_784 = arith.constant 0 : i32
        %dma_start3A_785 = arith.constant 0 : i32
        %dma_start3A_786 = tpu.memref_slice %arg3[%add3A_780, %dma_start3A_784, %dma_start3A_785] : memref<1280x3x128xi32, #tpu.memory_space<hbm>> -> memref<1x3x128xi32, #tpu.memory_space<hbm>>
        tpu.enqueue_dma source(%dma_start3A_786 : memref<1x3x128xi32, #tpu.memory_space<hbm>>) target(%arg6 : memref<1x3x128xi32, #tpu.memory_space<vmem>>) target_semaphore(%arg14 : memref<!tpu.dma_semaphore, #tpu.memory_space<semaphore_mem>>)
      } else {
      }
      %mul3A_754 = arith.constant 2 : i32
      %mul3A_755 = arith.muli %while3A_96, %mul3A_754 : i32
      %add3A_756 = arith.addi %select_n3A, %mul3A_755 : i32
      %add3A_757 = arith.constant 1 : i32
      %add3A_758 = arith.addi %add3A_756, %add3A_757 : i32
      %dma_wait3A_759 = arith.constant 0 : i32
      %dma_wait3A_760 = arith.constant 0 : i32
      %dma_wait3A_761 = tpu.memref_slice %arg9[%dma_wait3A_759, %dma_wait3A_760] : memref<1x128xi32, #tpu.memory_space<vmem>> -> memref<1x128xi32, #tpu.memory_space<vmem>>
      %dma_wait3A_762 = tpu.memref_squeeze %dma_wait3A_761 : memref<1x128xi32, #tpu.memory_space<vmem>> -> memref<128xi32, #tpu.memory_space<vmem>>
      %dma_wait3A_763 = arith.constant 0 : i32
      %dma_wait3A_764 = arith.constant 0 : i32
      %dma_wait3A_765 = tpu.memref_slice %arg2[%dma_wait3A_763, %dma_wait3A_764] : memref<276480x128xf32, #tpu.memory_space<hbm>> -> memref<276480x128xf32, #tpu.memory_space<hbm>>
      tpu.wait_indirect_dma semaphore(%arg17 : memref<!tpu.dma_semaphore, #tpu.memory_space<semaphore_mem>>) src(%dma_wait3A_765 : memref<276480x128xf32, #tpu.memory_space<hbm>>) dst(%arg13 : memref<128x128xf32, #tpu.memory_space<vmem>>)
      %dma_start3A_766 = arith.constant 0 : i32
      %dma_start3A_767 = arith.constant 0 : i32
      %dma_start3A_768 = tpu.memref_slice %arg11[%dma_start3A_766, %dma_start3A_767] : memref<1x128xi32, #tpu.memory_space<vmem>> -> memref<1x128xi32, #tpu.memory_space<vmem>>
      %dma_start3A_769 = tpu.memref_squeeze %dma_start3A_768 : memref<1x128xi32, #tpu.memory_space<vmem>> -> memref<128xi32, #tpu.memory_space<vmem>>
      %dma_start3A_770 = arith.constant 0 : i32
      %dma_start3A_771 = arith.constant 0 : i32
      %dma_start3A_772 = tpu.memref_slice %arg20[%dma_start3A_770, %dma_start3A_771] : memref<10240x128xf32, #tpu.memory_space<vmem_shared>> -> memref<10240x128xf32, #tpu.memory_space<vmem_shared>>
      tpu.enqueue_indirect_dma source(%arg13 : memref<128x128xf32, #tpu.memory_space<vmem>>) target(%dma_start3A_772 : memref<10240x128xf32, #tpu.memory_space<vmem_shared>>) offsets(%dma_start3A_769 : memref<128xi32, #tpu.memory_space<vmem>>) semaphore(%arg19 : memref<!tpu.dma_semaphore, #tpu.memory_space<semaphore_mem>>) {add = true}
      %add3A_773 = arith.constant 1 : i32
      %add3A_774 = arith.addi %while3A_96, %add3A_773 : i32
      %lt3A_775 = arith.cmpi slt, %add3A_774, %select_n3A_8 : i32
      %convert_element_type3A_776 = arith.extui %lt3A_775 : i1 to i32
      %cond3A_777 = arith.constant 0 : i32
      %cond3A_778 = arith.cmpi ne, %convert_element_type3A_776, %cond3A_777 : i32
      scf.if %cond3A_778 {
        %add3A_779 = arith.constant 2 : i32
        %add3A_780 = arith.addi %add3A_758, %add3A_779 : i32
        %dma_start3A_781 = arith.constant 0 : i32
        %dma_start3A_782 = arith.constant 0 : i32
        %dma_start3A_783 = tpu.memref_slice %arg3[%add3A_780, %dma_start3A_781, %dma_start3A_782] : memref<1280x3x128xi32, #tpu.memory_space<hbm>> -> memref<1x3x128xi32, #tpu.memory_space<hbm>>
        %dma_start3A_784 = arith.constant 0 : i32
        %dma_start3A_785 = arith.constant 0 : i32
        %dma_start3A_786 = tpu.memref_slice %arg3[%add3A_780, %dma_start3A_784, %dma_start3A_785] : memref<1280x3x128xi32, #tpu.memory_space<hbm>> -> memref<1x3x128xi32, #tpu.memory_space<hbm>>
        tpu.enqueue_dma source(%dma_start3A_786 : memref<1x3x128xi32, #tpu.memory_space<hbm>>) target(%arg7 : memref<1x3x128xi32, #tpu.memory_space<vmem>>) target_semaphore(%arg15 : memref<!tpu.dma_semaphore, #tpu.memory_space<semaphore_mem>>)
      } else {
      }
    }
    %while3A_76 = arith.constant 1 : i32
    scf.for %while3A_96 = %while3A_74 to %while3A_70 step %while3A_76  : i32 {
      %mul3A_97 = arith.constant 2 : i32
      %mul3A_98 = arith.muli %while3A_96, %mul3A_97 : i32
      %add3A_99 = arith.addi %select_n3A, %mul3A_98 : i32
      %add3A_100 = arith.constant 0 : i32
      %add3A_101 = arith.addi %add3A_99, %add3A_100 : i32
      %dma_wait3A_102 = arith.constant 0 : i32
      %dma_wait3A_103 = arith.constant 0 : i32
      %dma_wait3A_104 = tpu.memref_slice %arg3[%add3A_101, %dma_wait3A_102, %dma_wait3A_103] : memref<1280x3x128xi32, #tpu.memory_space<hbm>> -> memref<1x3x128xi32, #tpu.memory_space<hbm>>
      %dma_wait3A_105 = arith.constant 0 : i32
      %dma_wait3A_106 = arith.constant 0 : i32
      %dma_wait3A_107 = tpu.memref_slice %arg3[%add3A_101, %dma_wait3A_105, %dma_wait3A_106] : memref<1280x3x128xi32, #tpu.memory_space<hbm>> -> memref<1x3x128xi32, #tpu.memory_space<hbm>>
      tpu.wait_dma2 semaphore(%arg14 : memref<!tpu.dma_semaphore, #tpu.memory_space<semaphore_mem>>) src(%dma_wait3A_107 : memref<1x3x128xi32, #tpu.memory_space<hbm>>) dst(%arg6 : memref<1x3x128xi32, #tpu.memory_space<vmem>>)
      %gt3A = arith.constant 0 : i32
      %gt3A_108 = arith.cmpi sgt, %while3A_96, %gt3A : i32
      %convert_element_type3A = arith.extui %gt3A_108 : i1 to i32
      %cond3A = arith.constant 0 : i32
      %cond3A_109 = arith.cmpi ne, %convert_element_type3A, %cond3A : i32
      scf.if %cond3A_109 {
        %dma_wait3A_779 = arith.constant 0 : i32
        %dma_wait3A_780 = arith.constant 0 : i32
        %dma_wait3A_781 = tpu.memref_slice %arg10[%dma_wait3A_779, %dma_wait3A_780] : memref<1x128xi32, #tpu.memory_space<vmem>> -> memref<1x128xi32, #tpu.memory_space<vmem>>
        %dma_wait3A_782 = tpu.memref_squeeze %dma_wait3A_781 : memref<1x128xi32, #tpu.memory_space<vmem>> -> memref<128xi32, #tpu.memory_space<vmem>>
        %dma_wait3A_783 = arith.constant 0 : i32
        %dma_wait3A_784 = arith.constant 0 : i32
        %dma_wait3A_785 = tpu.memref_slice %arg20[%dma_wait3A_783, %dma_wait3A_784] : memref<10240x128xf32, #tpu.memory_space<vmem_shared>> -> memref<10240x128xf32, #tpu.memory_space<vmem_shared>>
        tpu.wait_indirect_dma semaphore(%arg18 : memref<!tpu.dma_semaphore, #tpu.memory_space<semaphore_mem>>) src(%arg12 : memref<128x128xf32, #tpu.memory_space<vmem>>) dst(%dma_wait3A_785 : memref<10240x128xf32, #tpu.memory_space<vmem_shared>>)
      } else {
      }
      %get3A = arith.constant 0 : i32
      %get3A_110 = arith.constant 1 : i32
      %get3A_111 = arith.index_cast %get3A : i32 to index
      %get3A_112 = arith.index_cast %get3A_110 : i32 to index
      %get3A_113 = arith.constant 0 : index
      %get3A_114 = tpu.vector_load %arg6[%get3A_111, %get3A_112, %get3A_113] {strides = array<i32>} : memref<1x3x128xi32, #tpu.memory_space<vmem>>, vector<1x1x16xi32>,
      %get3A_115 = vector.shape_cast %get3A_114 : vector<1x1x16xi32> to vector<16xi32>
      %mul3A_116 = arith.constant 10240 : i32
      %mul3A_117 = vector.broadcast %mul3A_116 : i32 to vector<16xi32>
      %mul3A_118 = arith.muli %get3A_115, %mul3A_117 : vector<16xi32>
      %get3A_119 = arith.constant 0 : i32
      %get3A_120 = arith.constant 0 : i32
      %get3A_121 = arith.index_cast %get3A_119 : i32 to index
      %get3A_122 = arith.index_cast %get3A_120 : i32 to index
      %get3A_123 = arith.constant 0 : index
      %get3A_124 = tpu.vector_load %arg6[%get3A_121, %get3A_122, %get3A_123] {strides = array<i32>} : memref<1x3x128xi32, #tpu.memory_space<vmem>>, vector<1x1x16xi32>,
      %get3A_125 = vector.shape_cast %get3A_124 : vector<1x1x16xi32> to vector<16xi32>
      %add3A_126 = arith.addi %mul3A_118, %get3A_125 : vector<16xi32>
      %swap3A = arith.constant 0 : i32
      %swap3A_127 = arith.index_cast %swap3A : i32 to index
      %swap3A_128 = arith.constant 0 : index
      %swap3A_129 = tpu.vector_load %arg8[%swap3A_127, %swap3A_128] {strides = array<i32>} : memref<1x128xi32, #tpu.memory_space<vmem>>, vector<1x16xi32>,
      %swap3A_130 = vector.shape_cast %swap3A_129 : vector<1x16xi32> to vector<16xi32>
      %swap3A_131 = vector.shape_cast %add3A_126 : vector<16xi32> to vector<1x16xi32>
      tpu.vector_store %arg8[%swap3A_127, %swap3A_128], %swap3A_131 {strides = array<i32>} : memref<1x128xi32, #tpu.memory_space<vmem>>, vector<1x16xi32>,
      %get3A_132 = arith.constant 0 : i32
      %get3A_133 = arith.constant 2 : i32
      %get3A_134 = arith.index_cast %get3A_132 : i32 to index
      %get3A_135 = arith.index_cast %get3A_133 : i32 to index
      %get3A_136 = arith.constant 0 : index
      %get3A_137 = tpu.vector_load %arg6[%get3A_134, %get3A_135, %get3A_136] {strides = array<i32>} : memref<1x3x128xi32, #tpu.memory_space<vmem>>, vector<1x1x16xi32>,
      %get3A_138 = vector.shape_cast %get3A_137 : vector<1x1x16xi32> to vector<16xi32>
      %swap3A_139 = arith.constant 0 : i32
      %swap3A_140 = arith.index_cast %swap3A_139 : i32 to index
      %swap3A_141 = arith.constant 0 : index
      %swap3A_142 = tpu.vector_load %arg10[%swap3A_140, %swap3A_141] {strides = array<i32>} : memref<1x128xi32, #tpu.memory_space<vmem>>, vector<1x16xi32>,
      %swap3A_143 = vector.shape_cast %swap3A_142 : vector<1x16xi32> to vector<16xi32>
      %swap3A_144 = vector.shape_cast %get3A_138 : vector<16xi32> to vector<1x16xi32>
      tpu.vector_store %arg10[%swap3A_140, %swap3A_141], %swap3A_144 {strides = array<i32>} : memref<1x128xi32, #tpu.memory_space<vmem>>, vector<1x16xi32>,
      %get3A_145 = arith.constant 0 : i32
      %get3A_146 = arith.constant 1 : i32
      %get3A_147 = arith.index_cast %get3A_145 : i32 to index
      %get3A_148 = arith.index_cast %get3A_146 : i32 to index
      %get3A_149 = arith.constant 16 : index
      %get3A_150 = tpu.vector_load %arg6[%get3A_147, %get3A_148, %get3A_149] {strides = array<i32>} : memref<1x3x128xi32, #tpu.memory_space<vmem>>, vector<1x1x16xi32>,
      %get3A_151 = vector.shape_cast %get3A_150 : vector<1x1x16xi32> to vector<16xi32>
      %mul3A_152 = arith.constant 10240 : i32
      %mul3A_153 = vector.broadcast %mul3A_152 : i32 to vector<16xi32>
      %mul3A_154 = arith.muli %get3A_151, %mul3A_153 : vector<16xi32>
      %get3A_155 = arith.constant 0 : i32
      %get3A_156 = arith.constant 0 : i32
      %get3A_157 = arith.index_cast %get3A_155 : i32 to index
      %get3A_158 = arith.index_cast %get3A_156 : i32 to index
      %get3A_159 = arith.constant 16 : index
      %get3A_160 = tpu.vector_load %arg6[%get3A_157, %get3A_158, %get3A_159] {strides = array<i32>} : memref<1x3x128xi32, #tpu.memory_space<vmem>>, vector<1x1x16xi32>,
      %get3A_161 = vector.shape_cast %get3A_160 : vector<1x1x16xi32> to vector<16xi32>
      %add3A_162 = arith.addi %mul3A_154, %get3A_161 : vector<16xi32>
      %swap3A_163 = arith.constant 0 : i32
      %swap3A_164 = arith.index_cast %swap3A_163 : i32 to index
      %swap3A_165 = arith.constant 16 : index
      %swap3A_166 = tpu.vector_load %arg8[%swap3A_164, %swap3A_165] {strides = array<i32>} : memref<1x128xi32, #tpu.memory_space<vmem>>, vector<1x16xi32>,
      %swap3A_167 = vector.shape_cast %swap3A_166 : vector<1x16xi32> to vector<16xi32>
      %swap3A_168 = vector.shape_cast %add3A_162 : vector<16xi32> to vector<1x16xi32>
      tpu.vector_store %arg8[%swap3A_164, %swap3A_165], %swap3A_168 {strides = array<i32>} : memref<1x128xi32, #tpu.memory_space<vmem>>, vector<1x16xi32>,
      %get3A_169 = arith.constant 0 : i32
      %get3A_170 = arith.constant 2 : i32
      %get3A_171 = arith.index_cast %get3A_169 : i32 to index
      %get3A_172 = arith.index_cast %get3A_170 : i32 to index
      %get3A_173 = arith.constant 16 : index
      %get3A_174 = tpu.vector_load %arg6[%get3A_171, %get3A_172, %get3A_173] {strides = array<i32>} : memref<1x3x128xi32, #tpu.memory_space<vmem>>, vector<1x1x16xi32>,
      %get3A_175 = vector.shape_cast %get3A_174 : vector<1x1x16xi32> to vector<16xi32>
      %swap3A_176 = arith.constant 0 : i32
      %swap3A_177 = arith.index_cast %swap3A_176 : i32 to index
      %swap3A_178 = arith.constant 16 : index
      %swap3A_179 = tpu.vector_load %arg10[%swap3A_177, %swap3A_178] {strides = array<i32>} : memref<1x128xi32, #tpu.memory_space<vmem>>, vector<1x16xi32>,
      %swap3A_180 = vector.shape_cast %swap3A_179 : vector<1x16xi32> to vector<16xi32>
      %swap3A_181 = vector.shape_cast %get3A_175 : vector<16xi32> to vector<1x16xi32>
      tpu.vector_store %arg10[%swap3A_177, %swap3A_178], %swap3A_181 {strides = array<i32>} : memref<1x128xi32, #tpu.memory_space<vmem>>, vector<1x16xi32>,
      %get3A_182 = arith.constant 0 : i32
      %get3A_183 = arith.constant 1 : i32
      %get3A_184 = arith.index_cast %get3A_182 : i32 to index
      %get3A_185 = arith.index_cast %get3A_183 : i32 to index
      %get3A_186 = arith.constant 32 : index
      %get3A_187 = tpu.vector_load %arg6[%get3A_184, %get3A_185, %get3A_186] {strides = array<i32>} : memref<1x3x128xi32, #tpu.memory_space<vmem>>, vector<1x1x16xi32>,
      %get3A_188 = vector.shape_cast %get3A_187 : vector<1x1x16xi32> to vector<16xi32>
      %mul3A_189 = arith.constant 10240 : i32
      %mul3A_190 = vector.broadcast %mul3A_189 : i32 to vector<16xi32>
      %mul3A_191 = arith.muli %get3A_188, %mul3A_190 : vector<16xi32>
      %get3A_192 = arith.constant 0 : i32
      %get3A_193 = arith.constant 0 : i32
      %get3A_194 = arith.index_cast %get3A_192 : i32 to index
      %get3A_195 = arith.index_cast %get3A_193 : i32 to index
      %get3A_196 = arith.constant 32 : index
      %get3A_197 = tpu.vector_load %arg6[%get3A_194, %get3A_195, %get3A_196] {strides = array<i32>} : memref<1x3x128xi32, #tpu.memory_space<vmem>>, vector<1x1x16xi32>,
      %get3A_198 = vector.shape_cast %get3A_197 : vector<1x1x16xi32> to vector<16xi32>
      %add3A_199 = arith.addi %mul3A_191, %get3A_198 : vector<16xi32>
      %swap3A_200 = arith.constant 0 : i32
      %swap3A_201 = arith.index_cast %swap3A_200 : i32 to index
      %swap3A_202 = arith.constant 32 : index
      %swap3A_203 = tpu.vector_load %arg8[%swap3A_201, %swap3A_202] {strides = array<i32>} : memref<1x128xi32, #tpu.memory_space<vmem>>, vector<1x16xi32>,
      %swap3A_204 = vector.shape_cast %swap3A_203 : vector<1x16xi32> to vector<16xi32>
      %swap3A_205 = vector.shape_cast %add3A_199 : vector<16xi32> to vector<1x16xi32>
      tpu.vector_store %arg8[%swap3A_201, %swap3A_202], %swap3A_205 {strides = array<i32>} : memref<1x128xi32, #tpu.memory_space<vmem>>, vector<1x16xi32>,
      %get3A_206 = arith.constant 0 : i32
      %get3A_207 = arith.constant 2 : i32
      %get3A_208 = arith.index_cast %get3A_206 : i32 to index
      %get3A_209 = arith.index_cast %get3A_207 : i32 to index
      %get3A_210 = arith.constant 32 : index
      %get3A_211 = tpu.vector_load %arg6[%get3A_208, %get3A_209, %get3A_210] {strides = array<i32>} : memref<1x3x128xi32, #tpu.memory_space<vmem>>, vector<1x1x16xi32>,
      %get3A_212 = vector.shape_cast %get3A_211 : vector<1x1x16xi32> to vector<16xi32>
      %swap3A_213 = arith.constant 0 : i32
      %swap3A_214 = arith.index_cast %swap3A_213 : i32 to index
      %swap3A_215 = arith.constant 32 : index
      %swap3A_216 = tpu.vector_load %arg10[%swap3A_214, %swap3A_215] {strides = array<i32>} : memref<1x128xi32, #tpu.memory_space<vmem>>, vector<1x16xi32>,
      %swap3A_217 = vector.shape_cast %swap3A_216 : vector<1x16xi32> to vector<16xi32>
      %swap3A_218 = vector.shape_cast %get3A_212 : vector<16xi32> to vector<1x16xi32>
      tpu.vector_store %arg10[%swap3A_214, %swap3A_215], %swap3A_218 {strides = array<i32>} : memref<1x128xi32, #tpu.memory_space<vmem>>, vector<1x16xi32>,
      %get3A_219 = arith.constant 0 : i32
      %get3A_220 = arith.constant 1 : i32
      %get3A_221 = arith.index_cast %get3A_219 : i32 to index
      %get3A_222 = arith.index_cast %get3A_220 : i32 to index
      %get3A_223 = arith.constant 48 : index
      %get3A_224 = tpu.vector_load %arg6[%get3A_221, %get3A_222, %get3A_223] {strides = array<i32>} : memref<1x3x128xi32, #tpu.memory_space<vmem>>, vector<1x1x16xi32>,
      %get3A_225 = vector.shape_cast %get3A_224 : vector<1x1x16xi32> to vector<16xi32>
      %mul3A_226 = arith.constant 10240 : i32
      %mul3A_227 = vector.broadcast %mul3A_226 : i32 to vector<16xi32>
      %mul3A_228 = arith.muli %get3A_225, %mul3A_227 : vector<16xi32>
      %get3A_229 = arith.constant 0 : i32
      %get3A_230 = arith.constant 0 : i32
      %get3A_231 = arith.index_cast %get3A_229 : i32 to index
      %get3A_232 = arith.index_cast %get3A_230 : i32 to index
      %get3A_233 = arith.constant 48 : index
      %get3A_234 = tpu.vector_load %arg6[%get3A_231, %get3A_232, %get3A_233] {strides = array<i32>} : memref<1x3x128xi32, #tpu.memory_space<vmem>>, vector<1x1x16xi32>,
      %get3A_235 = vector.shape_cast %get3A_234 : vector<1x1x16xi32> to vector<16xi32>
      %add3A_236 = arith.addi %mul3A_228, %get3A_235 : vector<16xi32>
      %swap3A_237 = arith.constant 0 : i32
      %swap3A_238 = arith.index_cast %swap3A_237 : i32 to index
      %swap3A_239 = arith.constant 48 : index
      %swap3A_240 = tpu.vector_load %arg8[%swap3A_238, %swap3A_239] {strides = array<i32>} : memref<1x128xi32, #tpu.memory_space<vmem>>, vector<1x16xi32>,
      %swap3A_241 = vector.shape_cast %swap3A_240 : vector<1x16xi32> to vector<16xi32>
      %swap3A_242 = vector.shape_cast %add3A_236 : vector<16xi32> to vector<1x16xi32>
      tpu.vector_store %arg8[%swap3A_238, %swap3A_239], %swap3A_242 {strides = array<i32>} : memref<1x128xi32, #tpu.memory_space<vmem>>, vector<1x16xi32>,
      %get3A_243 = arith.constant 0 : i32
      %get3A_244 = arith.constant 2 : i32
      %get3A_245 = arith.index_cast %get3A_243 : i32 to index
      %get3A_246 = arith.index_cast %get3A_244 : i32 to index
      %get3A_247 = arith.constant 48 : index
      %get3A_248 = tpu.vector_load %arg6[%get3A_245, %get3A_246, %get3A_247] {strides = array<i32>} : memref<1x3x128xi32, #tpu.memory_space<vmem>>, vector<1x1x16xi32>,
      %get3A_249 = vector.shape_cast %get3A_248 : vector<1x1x16xi32> to vector<16xi32>
      %swap3A_250 = arith.constant 0 : i32
      %swap3A_251 = arith.index_cast %swap3A_250 : i32 to index
      %swap3A_252 = arith.constant 48 : index
      %swap3A_253 = tpu.vector_load %arg10[%swap3A_251, %swap3A_252] {strides = array<i32>} : memref<1x128xi32, #tpu.memory_space<vmem>>, vector<1x16xi32>,
      %swap3A_254 = vector.shape_cast %swap3A_253 : vector<1x16xi32> to vector<16xi32>
      %swap3A_255 = vector.shape_cast %get3A_249 : vector<16xi32> to vector<1x16xi32>
      tpu.vector_store %arg10[%swap3A_251, %swap3A_252], %swap3A_255 {strides = array<i32>} : memref<1x128xi32, #tpu.memory_space<vmem>>, vector<1x16xi32>,
      %get3A_256 = arith.constant 0 : i32
      %get3A_257 = arith.constant 1 : i32
      %get3A_258 = arith.index_cast %get3A_256 : i32 to index
      %get3A_259 = arith.index_cast %get3A_257 : i32 to index
      %get3A_260 = arith.constant 64 : index
      %get3A_261 = tpu.vector_load %arg6[%get3A_258, %get3A_259, %get3A_260] {strides = array<i32>} : memref<1x3x128xi32, #tpu.memory_space<vmem>>, vector<1x1x16xi32>,
      %get3A_262 = vector.shape_cast %get3A_261 : vector<1x1x16xi32> to vector<16xi32>
      %mul3A_263 = arith.constant 10240 : i32
      %mul3A_264 = vector.broadcast %mul3A_263 : i32 to vector<16xi32>
      %mul3A_265 = arith.muli %get3A_262, %mul3A_264 : vector<16xi32>
      %get3A_266 = arith.constant 0 : i32
      %get3A_267 = arith.constant 0 : i32
      %get3A_268 = arith.index_cast %get3A_266 : i32 to index
      %get3A_269 = arith.index_cast %get3A_267 : i32 to index
      %get3A_270 = arith.constant 64 : index
      %get3A_271 = tpu.vector_load %arg6[%get3A_268, %get3A_269, %get3A_270] {strides = array<i32>} : memref<1x3x128xi32, #tpu.memory_space<vmem>>, vector<1x1x16xi32>,
      %get3A_272 = vector.shape_cast %get3A_271 : vector<1x1x16xi32> to vector<16xi32>
      %add3A_273 = arith.addi %mul3A_265, %get3A_272 : vector<16xi32>
      %swap3A_274 = arith.constant 0 : i32
      %swap3A_275 = arith.index_cast %swap3A_274 : i32 to index
      %swap3A_276 = arith.constant 64 : index
      %swap3A_277 = tpu.vector_load %arg8[%swap3A_275, %swap3A_276] {strides = array<i32>} : memref<1x128xi32, #tpu.memory_space<vmem>>, vector<1x16xi32>,
      %swap3A_278 = vector.shape_cast %swap3A_277 : vector<1x16xi32> to vector<16xi32>
      %swap3A_279 = vector.shape_cast %add3A_273 : vector<16xi32> to vector<1x16xi32>
      tpu.vector_store %arg8[%swap3A_275, %swap3A_276], %swap3A_279 {strides = array<i32>} : memref<1x128xi32, #tpu.memory_space<vmem>>, vector<1x16xi32>,
      %get3A_280 = arith.constant 0 : i32
      %get3A_281 = arith.constant 2 : i32
      %get3A_282 = arith.index_cast %get3A_280 : i32 to index
      %get3A_283 = arith.index_cast %get3A_281 : i32 to index
      %get3A_284 = arith.constant 64 : index
      %get3A_285 = tpu.vector_load %arg6[%get3A_282, %get3A_283, %get3A_284] {strides = array<i32>} : memref<1x3x128xi32, #tpu.memory_space<vmem>>, vector<1x1x16xi32>,
      %get3A_286 = vector.shape_cast %get3A_285 : vector<1x1x16xi32> to vector<16xi32>
      %swap3A_287 = arith.constant 0 : i32
      %swap3A_288 = arith.index_cast %swap3A_287 : i32 to index
      %swap3A_289 = arith.constant 64 : index
      %swap3A_290 = tpu.vector_load %arg10[%swap3A_288, %swap3A_289] {strides = array<i32>} : memref<1x128xi32, #tpu.memory_space<vmem>>, vector<1x16xi32>,
      %swap3A_291 = vector.shape_cast %swap3A_290 : vector<1x16xi32> to vector<16xi32>
      %swap3A_292 = vector.shape_cast %get3A_286 : vector<16xi32> to vector<1x16xi32>
      tpu.vector_store %arg10[%swap3A_288, %swap3A_289], %swap3A_292 {strides = array<i32>} : memref<1x128xi32, #tpu.memory_space<vmem>>, vector<1x16xi32>,
      %get3A_293 = arith.constant 0 : i32
      %get3A_294 = arith.constant 1 : i32
      %get3A_295 = arith.index_cast %get3A_293 : i32 to index
      %get3A_296 = arith.index_cast %get3A_294 : i32 to index
      %get3A_297 = arith.constant 80 : index
      %get3A_298 = tpu.vector_load %arg6[%get3A_295, %get3A_296, %get3A_297] {strides = array<i32>} : memref<1x3x128xi32, #tpu.memory_space<vmem>>, vector<1x1x16xi32>,
      %get3A_299 = vector.shape_cast %get3A_298 : vector<1x1x16xi32> to vector<16xi32>
      %mul3A_300 = arith.constant 10240 : i32
      %mul3A_301 = vector.broadcast %mul3A_300 : i32 to vector<16xi32>
      %mul3A_302 = arith.muli %get3A_299, %mul3A_301 : vector<16xi32>
      %get3A_303 = arith.constant 0 : i32
      %get3A_304 = arith.constant 0 : i32
      %get3A_305 = arith.index_cast %get3A_303 : i32 to index
      %get3A_306 = arith.index_cast %get3A_304 : i32 to index
      %get3A_307 = arith.constant 80 : index
      %get3A_308 = tpu.vector_load %arg6[%get3A_305, %get3A_306, %get3A_307] {strides = array<i32>} : memref<1x3x128xi32, #tpu.memory_space<vmem>>, vector<1x1x16xi32>,
      %get3A_309 = vector.shape_cast %get3A_308 : vector<1x1x16xi32> to vector<16xi32>
      %add3A_310 = arith.addi %mul3A_302, %get3A_309 : vector<16xi32>
      %swap3A_311 = arith.constant 0 : i32
      %swap3A_312 = arith.index_cast %swap3A_311 : i32 to index
      %swap3A_313 = arith.constant 80 : index
      %swap3A_314 = tpu.vector_load %arg8[%swap3A_312, %swap3A_313] {strides = array<i32>} : memref<1x128xi32, #tpu.memory_space<vmem>>, vector<1x16xi32>,
      %swap3A_315 = vector.shape_cast %swap3A_314 : vector<1x16xi32> to vector<16xi32>
      %swap3A_316 = vector.shape_cast %add3A_310 : vector<16xi32> to vector<1x16xi32>
      tpu.vector_store %arg8[%swap3A_312, %swap3A_313], %swap3A_316 {strides = array<i32>} : memref<1x128xi32, #tpu.memory_space<vmem>>, vector<1x16xi32>,
      %get3A_317 = arith.constant 0 : i32
      %get3A_318 = arith.constant 2 : i32
      %get3A_319 = arith.index_cast %get3A_317 : i32 to index
      %get3A_320 = arith.index_cast %get3A_318 : i32 to index
      %get3A_321 = arith.constant 80 : index
      %get3A_322 = tpu.vector_load %arg6[%get3A_319, %get3A_320, %get3A_321] {strides = array<i32>} : memref<1x3x128xi32, #tpu.memory_space<vmem>>, vector<1x1x16xi32>,
      %get3A_323 = vector.shape_cast %get3A_322 : vector<1x1x16xi32> to vector<16xi32>
      %swap3A_324 = arith.constant 0 : i32
      %swap3A_325 = arith.index_cast %swap3A_324 : i32 to index
      %swap3A_326 = arith.constant 80 : index
      %swap3A_327 = tpu.vector_load %arg10[%swap3A_325, %swap3A_326] {strides = array<i32>} : memref<1x128xi32, #tpu.memory_space<vmem>>, vector<1x16xi32>,
      %swap3A_328 = vector.shape_cast %swap3A_327 : vector<1x16xi32> to vector<16xi32>
      %swap3A_329 = vector.shape_cast %get3A_323 : vector<16xi32> to vector<1x16xi32>
      tpu.vector_store %arg10[%swap3A_325, %swap3A_326], %swap3A_329 {strides = array<i32>} : memref<1x128xi32, #tpu.memory_space<vmem>>, vector<1x16xi32>,
      %get3A_330 = arith.constant 0 : i32
      %get3A_331 = arith.constant 1 : i32
      %get3A_332 = arith.index_cast %get3A_330 : i32 to index
      %get3A_333 = arith.index_cast %get3A_331 : i32 to index
      %get3A_334 = arith.constant 96 : index
      %get3A_335 = tpu.vector_load %arg6[%get3A_332, %get3A_333, %get3A_334] {strides = array<i32>} : memref<1x3x128xi32, #tpu.memory_space<vmem>>, vector<1x1x16xi32>,
      %get3A_336 = vector.shape_cast %get3A_335 : vector<1x1x16xi32> to vector<16xi32>
      %mul3A_337 = arith.constant 10240 : i32
      %mul3A_338 = vector.broadcast %mul3A_337 : i32 to vector<16xi32>
      %mul3A_339 = arith.muli %get3A_336, %mul3A_338 : vector<16xi32>
      %get3A_340 = arith.constant 0 : i32
      %get3A_341 = arith.constant 0 : i32
      %get3A_342 = arith.index_cast %get3A_340 : i32 to index
      %get3A_343 = arith.index_cast %get3A_341 : i32 to index
      %get3A_344 = arith.constant 96 : index
      %get3A_345 = tpu.vector_load %arg6[%get3A_342, %get3A_343, %get3A_344] {strides = array<i32>} : memref<1x3x128xi32, #tpu.memory_space<vmem>>, vector<1x1x16xi32>,
      %get3A_346 = vector.shape_cast %get3A_345 : vector<1x1x16xi32> to vector<16xi32>
      %add3A_347 = arith.addi %mul3A_339, %get3A_346 : vector<16xi32>
      %swap3A_348 = arith.constant 0 : i32
      %swap3A_349 = arith.index_cast %swap3A_348 : i32 to index
      %swap3A_350 = arith.constant 96 : index
      %swap3A_351 = tpu.vector_load %arg8[%swap3A_349, %swap3A_350] {strides = array<i32>} : memref<1x128xi32, #tpu.memory_space<vmem>>, vector<1x16xi32>,
      %swap3A_352 = vector.shape_cast %swap3A_351 : vector<1x16xi32> to vector<16xi32>
      %swap3A_353 = vector.shape_cast %add3A_347 : vector<16xi32> to vector<1x16xi32>
      tpu.vector_store %arg8[%swap3A_349, %swap3A_350], %swap3A_353 {strides = array<i32>} : memref<1x128xi32, #tpu.memory_space<vmem>>, vector<1x16xi32>,
      %get3A_354 = arith.constant 0 : i32
      %get3A_355 = arith.constant 2 : i32
      %get3A_356 = arith.index_cast %get3A_354 : i32 to index
      %get3A_357 = arith.index_cast %get3A_355 : i32 to index
      %get3A_358 = arith.constant 96 : index
      %get3A_359 = tpu.vector_load %arg6[%get3A_356, %get3A_357, %get3A_358] {strides = array<i32>} : memref<1x3x128xi32, #tpu.memory_space<vmem>>, vector<1x1x16xi32>,
      %get3A_360 = vector.shape_cast %get3A_359 : vector<1x1x16xi32> to vector<16xi32>
      %swap3A_361 = arith.constant 0 : i32
      %swap3A_362 = arith.index_cast %swap3A_361 : i32 to index
      %swap3A_363 = arith.constant 96 : index
      %swap3A_364 = tpu.vector_load %arg10[%swap3A_362, %swap3A_363] {strides = array<i32>} : memref<1x128xi32, #tpu.memory_space<vmem>>, vector<1x16xi32>,
      %swap3A_365 = vector.shape_cast %swap3A_364 : vector<1x16xi32> to vector<16xi32>
      %swap3A_366 = vector.shape_cast %get3A_360 : vector<16xi32> to vector<1x16xi32>
      tpu.vector_store %arg10[%swap3A_362, %swap3A_363], %swap3A_366 {strides = array<i32>} : memref<1x128xi32, #tpu.memory_space<vmem>>, vector<1x16xi32>,
      %get3A_367 = arith.constant 0 : i32
      %get3A_368 = arith.constant 1 : i32
      %get3A_369 = arith.index_cast %get3A_367 : i32 to index
      %get3A_370 = arith.index_cast %get3A_368 : i32 to index
      %get3A_371 = arith.constant 112 : index
      %get3A_372 = tpu.vector_load %arg6[%get3A_369, %get3A_370, %get3A_371] {strides = array<i32>} : memref<1x3x128xi32, #tpu.memory_space<vmem>>, vector<1x1x16xi32>,
      %get3A_373 = vector.shape_cast %get3A_372 : vector<1x1x16xi32> to vector<16xi32>
      %mul3A_374 = arith.constant 10240 : i32
      %mul3A_375 = vector.broadcast %mul3A_374 : i32 to vector<16xi32>
      %mul3A_376 = arith.muli %get3A_373, %mul3A_375 : vector<16xi32>
      %get3A_377 = arith.constant 0 : i32
      %get3A_378 = arith.constant 0 : i32
      %get3A_379 = arith.index_cast %get3A_377 : i32 to index
      %get3A_380 = arith.index_cast %get3A_378 : i32 to index
      %get3A_381 = arith.constant 112 : index
      %get3A_382 = tpu.vector_load %arg6[%get3A_379, %get3A_380, %get3A_381] {strides = array<i32>} : memref<1x3x128xi32, #tpu.memory_space<vmem>>, vector<1x1x16xi32>,
      %get3A_383 = vector.shape_cast %get3A_382 : vector<1x1x16xi32> to vector<16xi32>
      %add3A_384 = arith.addi %mul3A_376, %get3A_383 : vector<16xi32>
      %swap3A_385 = arith.constant 0 : i32
      %swap3A_386 = arith.index_cast %swap3A_385 : i32 to index
      %swap3A_387 = arith.constant 112 : index
      %swap3A_388 = tpu.vector_load %arg8[%swap3A_386, %swap3A_387] {strides = array<i32>} : memref<1x128xi32, #tpu.memory_space<vmem>>, vector<1x16xi32>,
      %swap3A_389 = vector.shape_cast %swap3A_388 : vector<1x16xi32> to vector<16xi32>
      %swap3A_390 = vector.shape_cast %add3A_384 : vector<16xi32> to vector<1x16xi32>
      tpu.vector_store %arg8[%swap3A_386, %swap3A_387], %swap3A_390 {strides = array<i32>} : memref<1x128xi32, #tpu.memory_space<vmem>>, vector<1x16xi32>,
      %get3A_391 = arith.constant 0 : i32
      %get3A_392 = arith.constant 2 : i32
      %get3A_393 = arith.index_cast %get3A_391 : i32 to index
      %get3A_394 = arith.index_cast %get3A_392 : i32 to index
      %get3A_395 = arith.constant 112 : index
      %get3A_396 = tpu.vector_load %arg6[%get3A_393, %get3A_394, %get3A_395] {strides = array<i32>} : memref<1x3x128xi32, #tpu.memory_space<vmem>>, vector<1x1x16xi32>,
      %get3A_397 = vector.shape_cast %get3A_396 : vector<1x1x16xi32> to vector<16xi32>
      %swap3A_398 = arith.constant 0 : i32
      %swap3A_399 = arith.index_cast %swap3A_398 : i32 to index
      %swap3A_400 = arith.constant 112 : index
      %swap3A_401 = tpu.vector_load %arg10[%swap3A_399, %swap3A_400] {strides = array<i32>} : memref<1x128xi32, #tpu.memory_space<vmem>>, vector<1x16xi32>,
      %swap3A_402 = vector.shape_cast %swap3A_401 : vector<1x16xi32> to vector<16xi32>
      %swap3A_403 = vector.shape_cast %get3A_397 : vector<16xi32> to vector<1x16xi32>
      tpu.vector_store %arg10[%swap3A_399, %swap3A_400], %swap3A_403 {strides = array<i32>} : memref<1x128xi32, #tpu.memory_space<vmem>>, vector<1x16xi32>,
      %dma_start3A_404 = arith.constant 0 : i32
      %dma_start3A_405 = arith.constant 0 : i32
      %dma_start3A_406 = tpu.memref_slice %arg8[%dma_start3A_404, %dma_start3A_405] : memref<1x128xi32, #tpu.memory_space<vmem>> -> memref<1x128xi32, #tpu.memory_space<vmem>>
      %dma_start3A_407 = tpu.memref_squeeze %dma_start3A_406 : memref<1x128xi32, #tpu.memory_space<vmem>> -> memref<128xi32, #tpu.memory_space<vmem>>
      %dma_start3A_408 = arith.constant 0 : i32
      %dma_start3A_409 = arith.constant 0 : i32
      %dma_start3A_410 = tpu.memref_slice %arg2[%dma_start3A_408, %dma_start3A_409] : memref<276480x128xf32, #tpu.memory_space<hbm>> -> memref<276480x128xf32, #tpu.memory_space<hbm>>
      tpu.enqueue_indirect_dma source(%dma_start3A_410 : memref<276480x128xf32, #tpu.memory_space<hbm>>) target(%arg12 : memref<128x128xf32, #tpu.memory_space<vmem>>) offsets(%dma_start3A_407 : memref<128xi32, #tpu.memory_space<vmem>>) semaphore(%arg16 : memref<!tpu.dma_semaphore, #tpu.memory_space<semaphore_mem>>)
      %mul3A_411 = arith.constant 2 : i32
      %mul3A_412 = arith.muli %while3A_96, %mul3A_411 : i32
      %add3A_413 = arith.addi %select_n3A, %mul3A_412 : i32
      %add3A_414 = arith.constant 1 : i32
      %add3A_415 = arith.addi %add3A_413, %add3A_414 : i32
      %dma_wait3A_416 = arith.constant 0 : i32
      %dma_wait3A_417 = arith.constant 0 : i32
      %dma_wait3A_418 = tpu.memref_slice %arg3[%add3A_415, %dma_wait3A_416, %dma_wait3A_417] : memref<1280x3x128xi32, #tpu.memory_space<hbm>> -> memref<1x3x128xi32, #tpu.memory_space<hbm>>
      %dma_wait3A_419 = arith.constant 0 : i32
      %dma_wait3A_420 = arith.constant 0 : i32
      %dma_wait3A_421 = tpu.memref_slice %arg3[%add3A_415, %dma_wait3A_419, %dma_wait3A_420] : memref<1280x3x128xi32, #tpu.memory_space<hbm>> -> memref<1x3x128xi32, #tpu.memory_space<hbm>>
      tpu.wait_dma2 semaphore(%arg15 : memref<!tpu.dma_semaphore, #tpu.memory_space<semaphore_mem>>) src(%dma_wait3A_421 : memref<1x3x128xi32, #tpu.memory_space<hbm>>) dst(%arg7 : memref<1x3x128xi32, #tpu.memory_space<vmem>>)
      %gt3A_422 = arith.constant 0 : i32
      %gt3A_423 = arith.cmpi sgt, %while3A_96, %gt3A_422 : i32
      %convert_element_type3A_424 = arith.extui %gt3A_423 : i1 to i32
      %cond3A_425 = arith.constant 0 : i32
      %cond3A_426 = arith.cmpi ne, %convert_element_type3A_424, %cond3A_425 : i32
      scf.if %cond3A_426 {
        %dma_wait3A_779 = arith.constant 0 : i32
        %dma_wait3A_780 = arith.constant 0 : i32
        %dma_wait3A_781 = tpu.memref_slice %arg11[%dma_wait3A_779, %dma_wait3A_780] : memref<1x128xi32, #tpu.memory_space<vmem>> -> memref<1x128xi32, #tpu.memory_space<vmem>>
        %dma_wait3A_782 = tpu.memref_squeeze %dma_wait3A_781 : memref<1x128xi32, #tpu.memory_space<vmem>> -> memref<128xi32, #tpu.memory_space<vmem>>
        %dma_wait3A_783 = arith.constant 0 : i32
        %dma_wait3A_784 = arith.constant 0 : i32
        %dma_wait3A_785 = tpu.memref_slice %arg20[%dma_wait3A_783, %dma_wait3A_784] : memref<10240x128xf32, #tpu.memory_space<vmem_shared>> -> memref<10240x128xf32, #tpu.memory_space<vmem_shared>>
        tpu.wait_indirect_dma semaphore(%arg19 : memref<!tpu.dma_semaphore, #tpu.memory_space<semaphore_mem>>) src(%arg13 : memref<128x128xf32, #tpu.memory_space<vmem>>) dst(%dma_wait3A_785 : memref<10240x128xf32, #tpu.memory_space<vmem_shared>>)
      } else {
      }
      %get3A_427 = arith.constant 0 : i32
      %get3A_428 = arith.constant 1 : i32
      %get3A_429 = arith.index_cast %get3A_427 : i32 to index
      %get3A_430 = arith.index_cast %get3A_428 : i32 to index
      %get3A_431 = arith.constant 0 : index
      %get3A_432 = tpu.vector_load %arg7[%get3A_429, %get3A_430, %get3A_431] {strides = array<i32>} : memref<1x3x128xi32, #tpu.memory_space<vmem>>, vector<1x1x16xi32>,
      %get3A_433 = vector.shape_cast %get3A_432 : vector<1x1x16xi32> to vector<16xi32>
      %mul3A_434 = arith.constant 10240 : i32
      %mul3A_435 = vector.broadcast %mul3A_434 : i32 to vector<16xi32>
      %mul3A_436 = arith.muli %get3A_433, %mul3A_435 : vector<16xi32>
      %get3A_437 = arith.constant 0 : i32
      %get3A_438 = arith.constant 0 : i32
      %get3A_439 = arith.index_cast %get3A_437 : i32 to index
      %get3A_440 = arith.index_cast %get3A_438 : i32 to index
      %get3A_441 = arith.constant 0 : index
      %get3A_442 = tpu.vector_load %arg7[%get3A_439, %get3A_440, %get3A_441] {strides = array<i32>} : memref<1x3x128xi32, #tpu.memory_space<vmem>>, vector<1x1x16xi32>,
      %get3A_443 = vector.shape_cast %get3A_442 : vector<1x1x16xi32> to vector<16xi32>
      %add3A_444 = arith.addi %mul3A_436, %get3A_443 : vector<16xi32>
      %swap3A_445 = arith.constant 0 : i32
      %swap3A_446 = arith.index_cast %swap3A_445 : i32 to index
      %swap3A_447 = arith.constant 0 : index
      %swap3A_448 = tpu.vector_load %arg9[%swap3A_446, %swap3A_447] {strides = array<i32>} : memref<1x128xi32, #tpu.memory_space<vmem>>, vector<1x16xi32>,
      %swap3A_449 = vector.shape_cast %swap3A_448 : vector<1x16xi32> to vector<16xi32>
      %swap3A_450 = vector.shape_cast %add3A_444 : vector<16xi32> to vector<1x16xi32>
      tpu.vector_store %arg9[%swap3A_446, %swap3A_447], %swap3A_450 {strides = array<i32>} : memref<1x128xi32, #tpu.memory_space<vmem>>, vector<1x16xi32>,
      %get3A_451 = arith.constant 0 : i32
      %get3A_452 = arith.constant 2 : i32
      %get3A_453 = arith.index_cast %get3A_451 : i32 to index
      %get3A_454 = arith.index_cast %get3A_452 : i32 to index
      %get3A_455 = arith.constant 0 : index
      %get3A_456 = tpu.vector_load %arg7[%get3A_453, %get3A_454, %get3A_455] {strides = array<i32>} : memref<1x3x128xi32, #tpu.memory_space<vmem>>, vector<1x1x16xi32>,
      %get3A_457 = vector.shape_cast %get3A_456 : vector<1x1x16xi32> to vector<16xi32>
      %swap3A_458 = arith.constant 0 : i32
      %swap3A_459 = arith.index_cast %swap3A_458 : i32 to index
      %swap3A_460 = arith.constant 0 : index
      %swap3A_461 = tpu.vector_load %arg11[%swap3A_459, %swap3A_460] {strides = array<i32>} : memref<1x128xi32, #tpu.memory_space<vmem>>, vector<1x16xi32>,
      %swap3A_462 = vector.shape_cast %swap3A_461 : vector<1x16xi32> to vector<16xi32>
      %swap3A_463 = vector.shape_cast %get3A_457 : vector<16xi32> to vector<1x16xi32>
      tpu.vector_store %arg11[%swap3A_459, %swap3A_460], %swap3A_463 {strides = array<i32>} : memref<1x128xi32, #tpu.memory_space<vmem>>, vector<1x16xi32>,
      %get3A_464 = arith.constant 0 : i32
      %get3A_465 = arith.constant 1 : i32
      %get3A_466 = arith.index_cast %get3A_464 : i32 to index
      %get3A_467 = arith.index_cast %get3A_465 : i32 to index
      %get3A_468 = arith.constant 16 : index
      %get3A_469 = tpu.vector_load %arg7[%get3A_466, %get3A_467, %get3A_468] {strides = array<i32>} : memref<1x3x128xi32, #tpu.memory_space<vmem>>, vector<1x1x16xi32>,
      %get3A_470 = vector.shape_cast %get3A_469 : vector<1x1x16xi32> to vector<16xi32>
      %mul3A_471 = arith.constant 10240 : i32
      %mul3A_472 = vector.broadcast %mul3A_471 : i32 to vector<16xi32>
      %mul3A_473 = arith.muli %get3A_470, %mul3A_472 : vector<16xi32>
      %get3A_474 = arith.constant 0 : i32
      %get3A_475 = arith.constant 0 : i32
      %get3A_476 = arith.index_cast %get3A_474 : i32 to index
      %get3A_477 = arith.index_cast %get3A_475 : i32 to index
      %get3A_478 = arith.constant 16 : index
      %get3A_479 = tpu.vector_load %arg7[%get3A_476, %get3A_477, %get3A_478] {strides = array<i32>} : memref<1x3x128xi32, #tpu.memory_space<vmem>>, vector<1x1x16xi32>,
      %get3A_480 = vector.shape_cast %get3A_479 : vector<1x1x16xi32> to vector<16xi32>
      %add3A_481 = arith.addi %mul3A_473, %get3A_480 : vector<16xi32>
      %swap3A_482 = arith.constant 0 : i32
      %swap3A_483 = arith.index_cast %swap3A_482 : i32 to index
      %swap3A_484 = arith.constant 16 : index
      %swap3A_485 = tpu.vector_load %arg9[%swap3A_483, %swap3A_484] {strides = array<i32>} : memref<1x128xi32, #tpu.memory_space<vmem>>, vector<1x16xi32>,
      %swap3A_486 = vector.shape_cast %swap3A_485 : vector<1x16xi32> to vector<16xi32>
      %swap3A_487 = vector.shape_cast %add3A_481 : vector<16xi32> to vector<1x16xi32>
      tpu.vector_store %arg9[%swap3A_483, %swap3A_484], %swap3A_487 {strides = array<i32>} : memref<1x128xi32, #tpu.memory_space<vmem>>, vector<1x16xi32>,
      %get3A_488 = arith.constant 0 : i32
      %get3A_489 = arith.constant 2 : i32
      %get3A_490 = arith.index_cast %get3A_488 : i32 to index
      %get3A_491 = arith.index_cast %get3A_489 : i32 to index
      %get3A_492 = arith.constant 16 : index
      %get3A_493 = tpu.vector_load %arg7[%get3A_490, %get3A_491, %get3A_492] {strides = array<i32>} : memref<1x3x128xi32, #tpu.memory_space<vmem>>, vector<1x1x16xi32>,
      %get3A_494 = vector.shape_cast %get3A_493 : vector<1x1x16xi32> to vector<16xi32>
      %swap3A_495 = arith.constant 0 : i32
      %swap3A_496 = arith.index_cast %swap3A_495 : i32 to index
      %swap3A_497 = arith.constant 16 : index
      %swap3A_498 = tpu.vector_load %arg11[%swap3A_496, %swap3A_497] {strides = array<i32>} : memref<1x128xi32, #tpu.memory_space<vmem>>, vector<1x16xi32>,
      %swap3A_499 = vector.shape_cast %swap3A_498 : vector<1x16xi32> to vector<16xi32>
      %swap3A_500 = vector.shape_cast %get3A_494 : vector<16xi32> to vector<1x16xi32>
      tpu.vector_store %arg11[%swap3A_496, %swap3A_497], %swap3A_500 {strides = array<i32>} : memref<1x128xi32, #tpu.memory_space<vmem>>, vector<1x16xi32>,
      %get3A_501 = arith.constant 0 : i32
      %get3A_502 = arith.constant 1 : i32
      %get3A_503 = arith.index_cast %get3A_501 : i32 to index
      %get3A_504 = arith.index_cast %get3A_502 : i32 to index
      %get3A_505 = arith.constant 32 : index
      %get3A_506 = tpu.vector_load %arg7[%get3A_503, %get3A_504, %get3A_505] {strides = array<i32>} : memref<1x3x128xi32, #tpu.memory_space<vmem>>, vector<1x1x16xi32>,
      %get3A_507 = vector.shape_cast %get3A_506 : vector<1x1x16xi32> to vector<16xi32>
      %mul3A_508 = arith.constant 10240 : i32
      %mul3A_509 = vector.broadcast %mul3A_508 : i32 to vector<16xi32>
      %mul3A_510 = arith.muli %get3A_507, %mul3A_509 : vector<16xi32>
      %get3A_511 = arith.constant 0 : i32
      %get3A_512 = arith.constant 0 : i32
      %get3A_513 = arith.index_cast %get3A_511 : i32 to index
      %get3A_514 = arith.index_cast %get3A_512 : i32 to index
      %get3A_515 = arith.constant 32 : index
      %get3A_516 = tpu.vector_load %arg7[%get3A_513, %get3A_514, %get3A_515] {strides = array<i32>} : memref<1x3x128xi32, #tpu.memory_space<vmem>>, vector<1x1x16xi32>,
      %get3A_517 = vector.shape_cast %get3A_516 : vector<1x1x16xi32> to vector<16xi32>
      %add3A_518 = arith.addi %mul3A_510, %get3A_517 : vector<16xi32>
      %swap3A_519 = arith.constant 0 : i32
      %swap3A_520 = arith.index_cast %swap3A_519 : i32 to index
      %swap3A_521 = arith.constant 32 : index
      %swap3A_522 = tpu.vector_load %arg9[%swap3A_520, %swap3A_521] {strides = array<i32>} : memref<1x128xi32, #tpu.memory_space<vmem>>, vector<1x16xi32>,
      %swap3A_523 = vector.shape_cast %swap3A_522 : vector<1x16xi32> to vector<16xi32>
      %swap3A_524 = vector.shape_cast %add3A_518 : vector<16xi32> to vector<1x16xi32>
      tpu.vector_store %arg9[%swap3A_520, %swap3A_521], %swap3A_524 {strides = array<i32>} : memref<1x128xi32, #tpu.memory_space<vmem>>, vector<1x16xi32>,
      %get3A_525 = arith.constant 0 : i32
      %get3A_526 = arith.constant 2 : i32
      %get3A_527 = arith.index_cast %get3A_525 : i32 to index
      %get3A_528 = arith.index_cast %get3A_526 : i32 to index
      %get3A_529 = arith.constant 32 : index
      %get3A_530 = tpu.vector_load %arg7[%get3A_527, %get3A_528, %get3A_529] {strides = array<i32>} : memref<1x3x128xi32, #tpu.memory_space<vmem>>, vector<1x1x16xi32>,
      %get3A_531 = vector.shape_cast %get3A_530 : vector<1x1x16xi32> to vector<16xi32>
      %swap3A_532 = arith.constant 0 : i32
      %swap3A_533 = arith.index_cast %swap3A_532 : i32 to index
      %swap3A_534 = arith.constant 32 : index
      %swap3A_535 = tpu.vector_load %arg11[%swap3A_533, %swap3A_534] {strides = array<i32>} : memref<1x128xi32, #tpu.memory_space<vmem>>, vector<1x16xi32>,
      %swap3A_536 = vector.shape_cast %swap3A_535 : vector<1x16xi32> to vector<16xi32>
      %swap3A_537 = vector.shape_cast %get3A_531 : vector<16xi32> to vector<1x16xi32>
      tpu.vector_store %arg11[%swap3A_533, %swap3A_534], %swap3A_537 {strides = array<i32>} : memref<1x128xi32, #tpu.memory_space<vmem>>, vector<1x16xi32>,
      %get3A_538 = arith.constant 0 : i32
      %get3A_539 = arith.constant 1 : i32
      %get3A_540 = arith.index_cast %get3A_538 : i32 to index
      %get3A_541 = arith.index_cast %get3A_539 : i32 to index
      %get3A_542 = arith.constant 48 : index
      %get3A_543 = tpu.vector_load %arg7[%get3A_540, %get3A_541, %get3A_542] {strides = array<i32>} : memref<1x3x128xi32, #tpu.memory_space<vmem>>, vector<1x1x16xi32>,
      %get3A_544 = vector.shape_cast %get3A_543 : vector<1x1x16xi32> to vector<16xi32>
      %mul3A_545 = arith.constant 10240 : i32
      %mul3A_546 = vector.broadcast %mul3A_545 : i32 to vector<16xi32>
      %mul3A_547 = arith.muli %get3A_544, %mul3A_546 : vector<16xi32>
      %get3A_548 = arith.constant 0 : i32
      %get3A_549 = arith.constant 0 : i32
      %get3A_550 = arith.index_cast %get3A_548 : i32 to index
      %get3A_551 = arith.index_cast %get3A_549 : i32 to index
      %get3A_552 = arith.constant 48 : index
      %get3A_553 = tpu.vector_load %arg7[%get3A_550, %get3A_551, %get3A_552] {strides = array<i32>} : memref<1x3x128xi32, #tpu.memory_space<vmem>>, vector<1x1x16xi32>,
      %get3A_554 = vector.shape_cast %get3A_553 : vector<1x1x16xi32> to vector<16xi32>
      %add3A_555 = arith.addi %mul3A_547, %get3A_554 : vector<16xi32>
      %swap3A_556 = arith.constant 0 : i32
      %swap3A_557 = arith.index_cast %swap3A_556 : i32 to index
      %swap3A_558 = arith.constant 48 : index
      %swap3A_559 = tpu.vector_load %arg9[%swap3A_557, %swap3A_558] {strides = array<i32>} : memref<1x128xi32, #tpu.memory_space<vmem>>, vector<1x16xi32>,
      %swap3A_560 = vector.shape_cast %swap3A_559 : vector<1x16xi32> to vector<16xi32>
      %swap3A_561 = vector.shape_cast %add3A_555 : vector<16xi32> to vector<1x16xi32>
      tpu.vector_store %arg9[%swap3A_557, %swap3A_558], %swap3A_561 {strides = array<i32>} : memref<1x128xi32, #tpu.memory_space<vmem>>, vector<1x16xi32>,
      %get3A_562 = arith.constant 0 : i32
      %get3A_563 = arith.constant 2 : i32
      %get3A_564 = arith.index_cast %get3A_562 : i32 to index
      %get3A_565 = arith.index_cast %get3A_563 : i32 to index
      %get3A_566 = arith.constant 48 : index
      %get3A_567 = tpu.vector_load %arg7[%get3A_564, %get3A_565, %get3A_566] {strides = array<i32>} : memref<1x3x128xi32, #tpu.memory_space<vmem>>, vector<1x1x16xi32>,
      %get3A_568 = vector.shape_cast %get3A_567 : vector<1x1x16xi32> to vector<16xi32>
      %swap3A_569 = arith.constant 0 : i32
      %swap3A_570 = arith.index_cast %swap3A_569 : i32 to index
      %swap3A_571 = arith.constant 48 : index
      %swap3A_572 = tpu.vector_load %arg11[%swap3A_570, %swap3A_571] {strides = array<i32>} : memref<1x128xi32, #tpu.memory_space<vmem>>, vector<1x16xi32>,
      %swap3A_573 = vector.shape_cast %swap3A_572 : vector<1x16xi32> to vector<16xi32>
      %swap3A_574 = vector.shape_cast %get3A_568 : vector<16xi32> to vector<1x16xi32>
      tpu.vector_store %arg11[%swap3A_570, %swap3A_571], %swap3A_574 {strides = array<i32>} : memref<1x128xi32, #tpu.memory_space<vmem>>, vector<1x16xi32>,
      %get3A_575 = arith.constant 0 : i32
      %get3A_576 = arith.constant 1 : i32
      %get3A_577 = arith.index_cast %get3A_575 : i32 to index
      %get3A_578 = arith.index_cast %get3A_576 : i32 to index
      %get3A_579 = arith.constant 64 : index
      %get3A_580 = tpu.vector_load %arg7[%get3A_577, %get3A_578, %get3A_579] {strides = array<i32>} : memref<1x3x128xi32, #tpu.memory_space<vmem>>, vector<1x1x16xi32>,
      %get3A_581 = vector.shape_cast %get3A_580 : vector<1x1x16xi32> to vector<16xi32>
      %mul3A_582 = arith.constant 10240 : i32
      %mul3A_583 = vector.broadcast %mul3A_582 : i32 to vector<16xi32>
      %mul3A_584 = arith.muli %get3A_581, %mul3A_583 : vector<16xi32>
      %get3A_585 = arith.constant 0 : i32
      %get3A_586 = arith.constant 0 : i32
      %get3A_587 = arith.index_cast %get3A_585 : i32 to index
      %get3A_588 = arith.index_cast %get3A_586 : i32 to index
      %get3A_589 = arith.constant 64 : index
      %get3A_590 = tpu.vector_load %arg7[%get3A_587, %get3A_588, %get3A_589] {strides = array<i32>} : memref<1x3x128xi32, #tpu.memory_space<vmem>>, vector<1x1x16xi32>,
      %get3A_591 = vector.shape_cast %get3A_590 : vector<1x1x16xi32> to vector<16xi32>
      %add3A_592 = arith.addi %mul3A_584, %get3A_591 : vector<16xi32>
      %swap3A_593 = arith.constant 0 : i32
      %swap3A_594 = arith.index_cast %swap3A_593 : i32 to index
      %swap3A_595 = arith.constant 64 : index
      %swap3A_596 = tpu.vector_load %arg9[%swap3A_594, %swap3A_595] {strides = array<i32>} : memref<1x128xi32, #tpu.memory_space<vmem>>, vector<1x16xi32>,
      %swap3A_597 = vector.shape_cast %swap3A_596 : vector<1x16xi32> to vector<16xi32>
      %swap3A_598 = vector.shape_cast %add3A_592 : vector<16xi32> to vector<1x16xi32>
      tpu.vector_store %arg9[%swap3A_594, %swap3A_595], %swap3A_598 {strides = array<i32>} : memref<1x128xi32, #tpu.memory_space<vmem>>, vector<1x16xi32>,
      %get3A_599 = arith.constant 0 : i32
      %get3A_600 = arith.constant 2 : i32
      %get3A_601 = arith.index_cast %get3A_599 : i32 to index
      %get3A_602 = arith.index_cast %get3A_600 : i32 to index
      %get3A_603 = arith.constant 64 : index
      %get3A_604 = tpu.vector_load %arg7[%get3A_601, %get3A_602, %get3A_603] {strides = array<i32>} : memref<1x3x128xi32, #tpu.memory_space<vmem>>, vector<1x1x16xi32>,
      %get3A_605 = vector.shape_cast %get3A_604 : vector<1x1x16xi32> to vector<16xi32>
      %swap3A_606 = arith.constant 0 : i32
      %swap3A_607 = arith.index_cast %swap3A_606 : i32 to index
      %swap3A_608 = arith.constant 64 : index
      %swap3A_609 = tpu.vector_load %arg11[%swap3A_607, %swap3A_608] {strides = array<i32>} : memref<1x128xi32, #tpu.memory_space<vmem>>, vector<1x16xi32>,
      %swap3A_610 = vector.shape_cast %swap3A_609 : vector<1x16xi32> to vector<16xi32>
      %swap3A_611 = vector.shape_cast %get3A_605 : vector<16xi32> to vector<1x16xi32>
      tpu.vector_store %arg11[%swap3A_607, %swap3A_608], %swap3A_611 {strides = array<i32>} : memref<1x128xi32, #tpu.memory_space<vmem>>, vector<1x16xi32>,
      %get3A_612 = arith.constant 0 : i32
      %get3A_613 = arith.constant 1 : i32
      %get3A_614 = arith.index_cast %get3A_612 : i32 to index
      %get3A_615 = arith.index_cast %get3A_613 : i32 to index
      %get3A_616 = arith.constant 80 : index
      %get3A_617 = tpu.vector_load %arg7[%get3A_614, %get3A_615, %get3A_616] {strides = array<i32>} : memref<1x3x128xi32, #tpu.memory_space<vmem>>, vector<1x1x16xi32>,
      %get3A_618 = vector.shape_cast %get3A_617 : vector<1x1x16xi32> to vector<16xi32>
      %mul3A_619 = arith.constant 10240 : i32
      %mul3A_620 = vector.broadcast %mul3A_619 : i32 to vector<16xi32>
      %mul3A_621 = arith.muli %get3A_618, %mul3A_620 : vector<16xi32>
      %get3A_622 = arith.constant 0 : i32
      %get3A_623 = arith.constant 0 : i32
      %get3A_624 = arith.index_cast %get3A_622 : i32 to index
      %get3A_625 = arith.index_cast %get3A_623 : i32 to index
      %get3A_626 = arith.constant 80 : index
      %get3A_627 = tpu.vector_load %arg7[%get3A_624, %get3A_625, %get3A_626] {strides = array<i32>} : memref<1x3x128xi32, #tpu.memory_space<vmem>>, vector<1x1x16xi32>,
      %get3A_628 = vector.shape_cast %get3A_627 : vector<1x1x16xi32> to vector<16xi32>
      %add3A_629 = arith.addi %mul3A_621, %get3A_628 : vector<16xi32>
      %swap3A_630 = arith.constant 0 : i32
      %swap3A_631 = arith.index_cast %swap3A_630 : i32 to index
      %swap3A_632 = arith.constant 80 : index
      %swap3A_633 = tpu.vector_load %arg9[%swap3A_631, %swap3A_632] {strides = array<i32>} : memref<1x128xi32, #tpu.memory_space<vmem>>, vector<1x16xi32>,
      %swap3A_634 = vector.shape_cast %swap3A_633 : vector<1x16xi32> to vector<16xi32>
      %swap3A_635 = vector.shape_cast %add3A_629 : vector<16xi32> to vector<1x16xi32>
      tpu.vector_store %arg9[%swap3A_631, %swap3A_632], %swap3A_635 {strides = array<i32>} : memref<1x128xi32, #tpu.memory_space<vmem>>, vector<1x16xi32>,
      %get3A_636 = arith.constant 0 : i32
      %get3A_637 = arith.constant 2 : i32
      %get3A_638 = arith.index_cast %get3A_636 : i32 to index
      %get3A_639 = arith.index_cast %get3A_637 : i32 to index
      %get3A_640 = arith.constant 80 : index
      %get3A_641 = tpu.vector_load %arg7[%get3A_638, %get3A_639, %get3A_640] {strides = array<i32>} : memref<1x3x128xi32, #tpu.memory_space<vmem>>, vector<1x1x16xi32>,
      %get3A_642 = vector.shape_cast %get3A_641 : vector<1x1x16xi32> to vector<16xi32>
      %swap3A_643 = arith.constant 0 : i32
      %swap3A_644 = arith.index_cast %swap3A_643 : i32 to index
      %swap3A_645 = arith.constant 80 : index
      %swap3A_646 = tpu.vector_load %arg11[%swap3A_644, %swap3A_645] {strides = array<i32>} : memref<1x128xi32, #tpu.memory_space<vmem>>, vector<1x16xi32>,
      %swap3A_647 = vector.shape_cast %swap3A_646 : vector<1x16xi32> to vector<16xi32>
      %swap3A_648 = vector.shape_cast %get3A_642 : vector<16xi32> to vector<1x16xi32>
      tpu.vector_store %arg11[%swap3A_644, %swap3A_645], %swap3A_648 {strides = array<i32>} : memref<1x128xi32, #tpu.memory_space<vmem>>, vector<1x16xi32>,
      %get3A_649 = arith.constant 0 : i32
      %get3A_650 = arith.constant 1 : i32
      %get3A_651 = arith.index_cast %get3A_649 : i32 to index
      %get3A_652 = arith.index_cast %get3A_650 : i32 to index
      %get3A_653 = arith.constant 96 : index
      %get3A_654 = tpu.vector_load %arg7[%get3A_651, %get3A_652, %get3A_653] {strides = array<i32>} : memref<1x3x128xi32, #tpu.memory_space<vmem>>, vector<1x1x16xi32>,
      %get3A_655 = vector.shape_cast %get3A_654 : vector<1x1x16xi32> to vector<16xi32>
      %mul3A_656 = arith.constant 10240 : i32
      %mul3A_657 = vector.broadcast %mul3A_656 : i32 to vector<16xi32>
      %mul3A_658 = arith.muli %get3A_655, %mul3A_657 : vector<16xi32>
      %get3A_659 = arith.constant 0 : i32
      %get3A_660 = arith.constant 0 : i32
      %get3A_661 = arith.index_cast %get3A_659 : i32 to index
      %get3A_662 = arith.index_cast %get3A_660 : i32 to index
      %get3A_663 = arith.constant 96 : index
      %get3A_664 = tpu.vector_load %arg7[%get3A_661, %get3A_662, %get3A_663] {strides = array<i32>} : memref<1x3x128xi32, #tpu.memory_space<vmem>>, vector<1x1x16xi32>,
      %get3A_665 = vector.shape_cast %get3A_664 : vector<1x1x16xi32> to vector<16xi32>
      %add3A_666 = arith.addi %mul3A_658, %get3A_665 : vector<16xi32>
      %swap3A_667 = arith.constant 0 : i32
      %swap3A_668 = arith.index_cast %swap3A_667 : i32 to index
      %swap3A_669 = arith.constant 96 : index
      %swap3A_670 = tpu.vector_load %arg9[%swap3A_668, %swap3A_669] {strides = array<i32>} : memref<1x128xi32, #tpu.memory_space<vmem>>, vector<1x16xi32>,
      %swap3A_671 = vector.shape_cast %swap3A_670 : vector<1x16xi32> to vector<16xi32>
      %swap3A_672 = vector.shape_cast %add3A_666 : vector<16xi32> to vector<1x16xi32>
      tpu.vector_store %arg9[%swap3A_668, %swap3A_669], %swap3A_672 {strides = array<i32>} : memref<1x128xi32, #tpu.memory_space<vmem>>, vector<1x16xi32>,
      %get3A_673 = arith.constant 0 : i32
      %get3A_674 = arith.constant 2 : i32
      %get3A_675 = arith.index_cast %get3A_673 : i32 to index
      %get3A_676 = arith.index_cast %get3A_674 : i32 to index
      %get3A_677 = arith.constant 96 : index
      %get3A_678 = tpu.vector_load %arg7[%get3A_675, %get3A_676, %get3A_677] {strides = array<i32>} : memref<1x3x128xi32, #tpu.memory_space<vmem>>, vector<1x1x16xi32>,
      %get3A_679 = vector.shape_cast %get3A_678 : vector<1x1x16xi32> to vector<16xi32>
      %swap3A_680 = arith.constant 0 : i32
      %swap3A_681 = arith.index_cast %swap3A_680 : i32 to index
      %swap3A_682 = arith.constant 96 : index
      %swap3A_683 = tpu.vector_load %arg11[%swap3A_681, %swap3A_682] {strides = array<i32>} : memref<1x128xi32, #tpu.memory_space<vmem>>, vector<1x16xi32>,
      %swap3A_684 = vector.shape_cast %swap3A_683 : vector<1x16xi32> to vector<16xi32>
      %swap3A_685 = vector.shape_cast %get3A_679 : vector<16xi32> to vector<1x16xi32>
      tpu.vector_store %arg11[%swap3A_681, %swap3A_682], %swap3A_685 {strides = array<i32>} : memref<1x128xi32, #tpu.memory_space<vmem>>, vector<1x16xi32>,
      %get3A_686 = arith.constant 0 : i32
      %get3A_687 = arith.constant 1 : i32
      %get3A_688 = arith.index_cast %get3A_686 : i32 to index
      %get3A_689 = arith.index_cast %get3A_687 : i32 to index
      %get3A_690 = arith.constant 112 : index
      %get3A_691 = tpu.vector_load %arg7[%get3A_688, %get3A_689, %get3A_690] {strides = array<i32>} : memref<1x3x128xi32, #tpu.memory_space<vmem>>, vector<1x1x16xi32>,
      %get3A_692 = vector.shape_cast %get3A_691 : vector<1x1x16xi32> to vector<16xi32>
      %mul3A_693 = arith.constant 10240 : i32
      %mul3A_694 = vector.broadcast %mul3A_693 : i32 to vector<16xi32>
      %mul3A_695 = arith.muli %get3A_692, %mul3A_694 : vector<16xi32>
      %get3A_696 = arith.constant 0 : i32
      %get3A_697 = arith.constant 0 : i32
      %get3A_698 = arith.index_cast %get3A_696 : i32 to index
      %get3A_699 = arith.index_cast %get3A_697 : i32 to index
      %get3A_700 = arith.constant 112 : index
      %get3A_701 = tpu.vector_load %arg7[%get3A_698, %get3A_699, %get3A_700] {strides = array<i32>} : memref<1x3x128xi32, #tpu.memory_space<vmem>>, vector<1x1x16xi32>,
      %get3A_702 = vector.shape_cast %get3A_701 : vector<1x1x16xi32> to vector<16xi32>
      %add3A_703 = arith.addi %mul3A_695, %get3A_702 : vector<16xi32>
      %swap3A_704 = arith.constant 0 : i32
      %swap3A_705 = arith.index_cast %swap3A_704 : i32 to index
      %swap3A_706 = arith.constant 112 : index
      %swap3A_707 = tpu.vector_load %arg9[%swap3A_705, %swap3A_706] {strides = array<i32>} : memref<1x128xi32, #tpu.memory_space<vmem>>, vector<1x16xi32>,
      %swap3A_708 = vector.shape_cast %swap3A_707 : vector<1x16xi32> to vector<16xi32>
      %swap3A_709 = vector.shape_cast %add3A_703 : vector<16xi32> to vector<1x16xi32>
      tpu.vector_store %arg9[%swap3A_705, %swap3A_706], %swap3A_709 {strides = array<i32>} : memref<1x128xi32, #tpu.memory_space<vmem>>, vector<1x16xi32>,
      %get3A_710 = arith.constant 0 : i32
      %get3A_711 = arith.constant 2 : i32
      %get3A_712 = arith.index_cast %get3A_710 : i32 to index
      %get3A_713 = arith.index_cast %get3A_711 : i32 to index
      %get3A_714 = arith.constant 112 : index
      %get3A_715 = tpu.vector_load %arg7[%get3A_712, %get3A_713, %get3A_714] {strides = array<i32>} : memref<1x3x128xi32, #tpu.memory_space<vmem>>, vector<1x1x16xi32>,
      %get3A_716 = vector.shape_cast %get3A_715 : vector<1x1x16xi32> to vector<16xi32>
      %swap3A_717 = arith.constant 0 : i32
      %swap3A_718 = arith.index_cast %swap3A_717 : i32 to index
      %swap3A_719 = arith.constant 112 : index
      %swap3A_720 = tpu.vector_load %arg11[%swap3A_718, %swap3A_719] {strides = array<i32>} : memref<1x128xi32, #tpu.memory_space<vmem>>, vector<1x16xi32>,
      %swap3A_721 = vector.shape_cast %swap3A_720 : vector<1x16xi32> to vector<16xi32>
      %swap3A_722 = vector.shape_cast %get3A_716 : vector<16xi32> to vector<1x16xi32>
      tpu.vector_store %arg11[%swap3A_718, %swap3A_719], %swap3A_722 {strides = array<i32>} : memref<1x128xi32, #tpu.memory_space<vmem>>, vector<1x16xi32>,
      %dma_start3A_723 = arith.constant 0 : i32
      %dma_start3A_724 = arith.constant 0 : i32
      %dma_start3A_725 = tpu.memref_slice %arg9[%dma_start3A_723, %dma_start3A_724] : memref<1x128xi32, #tpu.memory_space<vmem>> -> memref<1x128xi32, #tpu.memory_space<vmem>>
      %dma_start3A_726 = tpu.memref_squeeze %dma_start3A_725 : memref<1x128xi32, #tpu.memory_space<vmem>> -> memref<128xi32, #tpu.memory_space<vmem>>
      %dma_start3A_727 = arith.constant 0 : i32
      %dma_start3A_728 = arith.constant 0 : i32
      %dma_start3A_729 = tpu.memref_slice %arg2[%dma_start3A_727, %dma_start3A_728] : memref<276480x128xf32, #tpu.memory_space<hbm>> -> memref<276480x128xf32, #tpu.memory_space<hbm>>
      tpu.enqueue_indirect_dma source(%dma_start3A_729 : memref<276480x128xf32, #tpu.memory_space<hbm>>) target(%arg13 : memref<128x128xf32, #tpu.memory_space<vmem>>) offsets(%dma_start3A_726 : memref<128xi32, #tpu.memory_space<vmem>>) semaphore(%arg17 : memref<!tpu.dma_semaphore, #tpu.memory_space<semaphore_mem>>)
      %mul3A_730 = arith.constant 2 : i32
      %mul3A_731 = arith.muli %while3A_96, %mul3A_730 : i32
      %add3A_732 = arith.addi %select_n3A, %mul3A_731 : i32
      %add3A_733 = arith.constant 0 : i32
      %add3A_734 = arith.addi %add3A_732, %add3A_733 : i32
      %dma_wait3A_735 = arith.constant 0 : i32
      %dma_wait3A_736 = arith.constant 0 : i32
      %dma_wait3A_737 = tpu.memref_slice %arg8[%dma_wait3A_735, %dma_wait3A_736] : memref<1x128xi32, #tpu.memory_space<vmem>> -> memref<1x128xi32, #tpu.memory_space<vmem>>
      %dma_wait3A_738 = tpu.memref_squeeze %dma_wait3A_737 : memref<1x128xi32, #tpu.memory_space<vmem>> -> memref<128xi32, #tpu.memory_space<vmem>>
      %dma_wait3A_739 = arith.constant 0 : i32
      %dma_wait3A_740 = arith.constant 0 : i32
      %dma_wait3A_741 = tpu.memref_slice %arg2[%dma_wait3A_739, %dma_wait3A_740] : memref<276480x128xf32, #tpu.memory_space<hbm>> -> memref<276480x128xf32, #tpu.memory_space<hbm>>
      tpu.wait_indirect_dma semaphore(%arg16 : memref<!tpu.dma_semaphore, #tpu.memory_space<semaphore_mem>>) src(%dma_wait3A_741 : memref<276480x128xf32, #tpu.memory_space<hbm>>) dst(%arg12 : memref<128x128xf32, #tpu.memory_space<vmem>>)
      %dma_start3A_742 = arith.constant 0 : i32
      %dma_start3A_743 = arith.constant 0 : i32
      %dma_start3A_744 = tpu.memref_slice %arg10[%dma_start3A_742, %dma_start3A_743] : memref<1x128xi32, #tpu.memory_space<vmem>> -> memref<1x128xi32, #tpu.memory_space<vmem>>
      %dma_start3A_745 = tpu.memref_squeeze %dma_start3A_744 : memref<1x128xi32, #tpu.memory_space<vmem>> -> memref<128xi32, #tpu.memory_space<vmem>>
      %dma_start3A_746 = arith.constant 0 : i32
      %dma_start3A_747 = arith.constant 0 : i32
      %dma_start3A_748 = tpu.memref_slice %arg20[%dma_start3A_746, %dma_start3A_747] : memref<10240x128xf32, #tpu.memory_space<vmem_shared>> -> memref<10240x128xf32, #tpu.memory_space<vmem_shared>>
      tpu.enqueue_indirect_dma source(%arg12 : memref<128x128xf32, #tpu.memory_space<vmem>>) target(%dma_start3A_748 : memref<10240x128xf32, #tpu.memory_space<vmem_shared>>) offsets(%dma_start3A_745 : memref<128xi32, #tpu.memory_space<vmem>>) semaphore(%arg18 : memref<!tpu.dma_semaphore, #tpu.memory_space<semaphore_mem>>) {add = true}
      %add3A_749 = arith.constant 1 : i32
      %add3A_750 = arith.addi %while3A_96, %add3A_749 : i32
      %lt3A = arith.cmpi slt, %add3A_750, %select_n3A_8 : i32
      %convert_element_type3A_751 = arith.extui %lt3A : i1 to i32
      %cond3A_752 = arith.constant 0 : i32
      %cond3A_753 = arith.cmpi ne, %convert_element_type3A_751, %cond3A_752 : i32
      scf.if %cond3A_753 {
        %add3A_779 = arith.constant 2 : i32
        %add3A_780 = arith.addi %add3A_734, %add3A_779 : i32
        %dma_start3A_781 = arith.constant 0 : i32
        %dma_start3A_782 = arith.constant 0 : i32
        %dma_start3A_783 = tpu.memref_slice %arg3[%add3A_780, %dma_start3A_781, %dma_start3A_782] : memref<1280x3x128xi32, #tpu.memory_space<hbm>> -> memref<1x3x128xi32, #tpu.memory_space<hbm>>
        %dma_start3A_784 = arith.constant 0 : i32
        %dma_start3A_785 = arith.constant 0 : i32
        %dma_start3A_786 = tpu.memref_slice %arg3[%add3A_780, %dma_start3A_784, %dma_start3A_785] : memref<1280x3x128xi32, #tpu.memory_space<hbm>> -> memref<1x3x128xi32, #tpu.memory_space<hbm>>
        tpu.enqueue_dma source(%dma_start3A_786 : memref<1x3x128xi32, #tpu.memory_space<hbm>>) target(%arg6 : memref<1x3x128xi32, #tpu.memory_space<vmem>>) target_semaphore(%arg14 : memref<!tpu.dma_semaphore, #tpu.memory_space<semaphore_mem>>)
      } else {
      }
      %mul3A_754 = arith.constant 2 : i32
      %mul3A_755 = arith.muli %while3A_96, %mul3A_754 : i32
      %add3A_756 = arith.addi %select_n3A, %mul3A_755 : i32
      %add3A_757 = arith.constant 1 : i32
      %add3A_758 = arith.addi %add3A_756, %add3A_757 : i32
      %dma_wait3A_759 = arith.constant 0 : i32
      %dma_wait3A_760 = arith.constant 0 : i32
      %dma_wait3A_761 = tpu.memref_slice %arg9[%dma_wait3A_759, %dma_wait3A_760] : memref<1x128xi32, #tpu.memory_space<vmem>> -> memref<1x128xi32, #tpu.memory_space<vmem>>
      %dma_wait3A_762 = tpu.memref_squeeze %dma_wait3A_761 : memref<1x128xi32, #tpu.memory_space<vmem>> -> memref<128xi32, #tpu.memory_space<vmem>>
      %dma_wait3A_763 = arith.constant 0 : i32
      %dma_wait3A_764 = arith.constant 0 : i32
      %dma_wait3A_765 = tpu.memref_slice %arg2[%dma_wait3A_763, %dma_wait3A_764] : memref<276480x128xf32, #tpu.memory_space<hbm>> -> memref<276480x128xf32, #tpu.memory_space<hbm>>
      tpu.wait_indirect_dma semaphore(%arg17 : memref<!tpu.dma_semaphore, #tpu.memory_space<semaphore_mem>>) src(%dma_wait3A_765 : memref<276480x128xf32, #tpu.memory_space<hbm>>) dst(%arg13 : memref<128x128xf32, #tpu.memory_space<vmem>>)
      %dma_start3A_766 = arith.constant 0 : i32
      %dma_start3A_767 = arith.constant 0 : i32
      %dma_start3A_768 = tpu.memref_slice %arg11[%dma_start3A_766, %dma_start3A_767] : memref<1x128xi32, #tpu.memory_space<vmem>> -> memref<1x128xi32, #tpu.memory_space<vmem>>
      %dma_start3A_769 = tpu.memref_squeeze %dma_start3A_768 : memref<1x128xi32, #tpu.memory_space<vmem>> -> memref<128xi32, #tpu.memory_space<vmem>>
      %dma_start3A_770 = arith.constant 0 : i32
      %dma_start3A_771 = arith.constant 0 : i32
      %dma_start3A_772 = tpu.memref_slice %arg20[%dma_start3A_770, %dma_start3A_771] : memref<10240x128xf32, #tpu.memory_space<vmem_shared>> -> memref<10240x128xf32, #tpu.memory_space<vmem_shared>>
      tpu.enqueue_indirect_dma source(%arg13 : memref<128x128xf32, #tpu.memory_space<vmem>>) target(%dma_start3A_772 : memref<10240x128xf32, #tpu.memory_space<vmem_shared>>) offsets(%dma_start3A_769 : memref<128xi32, #tpu.memory_space<vmem>>) semaphore(%arg19 : memref<!tpu.dma_semaphore, #tpu.memory_space<semaphore_mem>>) {add = true}
      %add3A_773 = arith.constant 1 : i32
      %add3A_774 = arith.addi %while3A_96, %add3A_773 : i32
      %lt3A_775 = arith.cmpi slt, %add3A_774, %select_n3A_8 : i32
      %convert_element_type3A_776 = arith.extui %lt3A_775 : i1 to i32
      %cond3A_777 = arith.constant 0 : i32
      %cond3A_778 = arith.cmpi ne, %convert_element_type3A_776, %cond3A_777 : i32
      scf.if %cond3A_778 {
        %add3A_779 = arith.constant 2 : i32
        %add3A_780 = arith.addi %add3A_758, %add3A_779 : i32
        %dma_start3A_781 = arith.constant 0 : i32
        %dma_start3A_782 = arith.constant 0 : i32
        %dma_start3A_783 = tpu.memref_slice %arg3[%add3A_780, %dma_start3A_781, %dma_start3A_782] : memref<1280x3x128xi32, #tpu.memory_space<hbm>> -> memref<1x3x128xi32, #tpu.memory_space<hbm>>
        %dma_start3A_784 = arith.constant 0 : i32
        %dma_start3A_785 = arith.constant 0 : i32
        %dma_start3A_786 = tpu.memref_slice %arg3[%add3A_780, %dma_start3A_784, %dma_start3A_785] : memref<1280x3x128xi32, #tpu.memory_space<hbm>> -> memref<1x3x128xi32, #tpu.memory_space<hbm>>
        tpu.enqueue_dma source(%dma_start3A_786 : memref<1x3x128xi32, #tpu.memory_space<hbm>>) target(%arg7 : memref<1x3x128xi32, #tpu.memory_space<vmem>>) target_semaphore(%arg15 : memref<!tpu.dma_semaphore, #tpu.memory_space<semaphore_mem>>)
      } else {
      }
    }
    %dma_wait3A_77 = arith.constant 0 : i32
    %dma_wait3A_78 = arith.constant 0 : i32
    %dma_wait3A_79 = tpu.memref_slice %arg10[%dma_wait3A_77, %dma_wait3A_78] : memref<1x128xi32, #tpu.memory_space<vmem>> -> memref<1x128xi32, #tpu.memory_space<vmem>>
    %dma_wait3A_80 = tpu.memref_squeeze %dma_wait3A_79 : memref<1x128xi32, #tpu.memory_space<vmem>> -> memref<128xi32, #tpu.memory_space<vmem>>
    %dma_wait3A_81 = arith.constant 0 : i32
    %dma_wait3A_82 = arith.constant 0 : i32
    %dma_wait3A_83 = tpu.memref_slice %arg20[%dma_wait3A_81, %dma_wait3A_82] : memref<10240x128xf32, #tpu.memory_space<vmem_shared>> -> memref<10240x128xf32, #tpu.memory_space<vmem_shared>>
    tpu.wait_indirect_dma semaphore(%arg18 : memref<!tpu.dma_semaphore, #tpu.memory_space<semaphore_mem>>) src(%arg12 : memref<128x128xf32, #tpu.memory_space<vmem>>) dst(%dma_wait3A_83 : memref<10240x128xf32, #tpu.memory_space<vmem_shared>>)
    %dma_wait3A_84 = arith.constant 0 : i32
    %dma_wait3A_85 = arith.constant 0 : i32
    %dma_wait3A_86 = tpu.memref_slice %arg11[%dma_wait3A_84, %dma_wait3A_85] : memref<1x128xi32, #tpu.memory_space<vmem>> -> memref<1x128xi32, #tpu.memory_space<vmem>>
    %dma_wait3A_87 = tpu.memref_squeeze %dma_wait3A_86 : memref<1x128xi32, #tpu.memory_space<vmem>> -> memref<128xi32, #tpu.memory_space<vmem>>
    %dma_wait3A_88 = arith.constant 0 : i32
    %dma_wait3A_89 = arith.constant 0 : i32
    %dma_wait3A_90 = tpu.memref_slice %arg20[%dma_wait3A_88, %dma_wait3A_89] : memref<10240x128xf32, #tpu.memory_space<vmem_shared>> -> memref<10240x128xf32, #tpu.memory_space<vmem_shared>>
    tpu.wait_indirect_dma semaphore(%arg19 : memref<!tpu.dma_semaphore, #tpu.memory_space<semaphore_mem>>) src(%arg13 : memref<128x128xf32, #tpu.memory_space<vmem>>) dst(%dma_wait3A_90 : memref<10240x128xf32, #tpu.memory_space<vmem_shared>>)
    %barrier3A_91 = arith.constant 0 : index
    tpu.barrier barrier_id(%barrier3A_91)
    %mul3A_92 = arith.constant 640 : i32
    %mul3A_93 = arith.muli %arg1, %mul3A_92 : i32
    %mul3A_94 = arith.constant 640 : i32
    %mul3A_95 = arith.muli %arg1, %mul3A_94 : i32
    "tpu.region"() ({
      %run_scoped3A = tpu.sem_alloc : memref<!tpu.dma_semaphore, #tpu.memory_space<semaphore_mem>>
      %dma_start3A_96 = arith.constant 0 : i32
      %dma_start3A_97 = tpu.memref_slice %arg5[%arg0, %mul3A_95, %dma_start3A_96] : memref<2x10240x128xf32, #tpu.memory_space<hbm>> -> memref<1x640x128xf32, #tpu.memory_space<hbm>>
      %dma_start3A_98 = tpu.memref_squeeze %dma_start3A_97 : memref<1x640x128xf32, #tpu.memory_space<hbm>> -> memref<640x128xf32, #tpu.memory_space<hbm>>
      %dma_start3A_99 = arith.constant 0 : i32
      %dma_start3A_100 = tpu.memref_slice %arg20[%mul3A_93, %dma_start3A_99] : memref<10240x128xf32, #tpu.memory_space<vmem_shared>> -> memref<640x128xf32, #tpu.memory_space<vmem_shared>>
      tpu.enqueue_dma source(%dma_start3A_100 : memref<640x128xf32, #tpu.memory_space<vmem_shared>>) target(%dma_start3A_98 : memref<640x128xf32, #tpu.memory_space<hbm>>) target_semaphore(%run_scoped3A : memref<!tpu.dma_semaphore, #tpu.memory_space<semaphore_mem>>)
      %dma_wait3A_101 = arith.constant 0 : i32
      %dma_wait3A_102 = tpu.memref_slice %arg5[%arg0, %mul3A_95, %dma_wait3A_101] : memref<2x10240x128xf32, #tpu.memory_space<hbm>> -> memref<1x640x128xf32, #tpu.memory_space<hbm>>
      %dma_wait3A_103 = tpu.memref_squeeze %dma_wait3A_102 : memref<1x640x128xf32, #tpu.memory_space<hbm>> -> memref<640x128xf32, #tpu.memory_space<hbm>>
      %dma_wait3A_104 = arith.constant 0 : i32
      %dma_wait3A_105 = tpu.memref_slice %arg20[%mul3A_93, %dma_wait3A_104] : memref<10240x128xf32, #tpu.memory_space<vmem_shared>> -> memref<640x128xf32, #tpu.memory_space<vmem_shared>>
      tpu.wait_dma2 semaphore(%run_scoped3A : memref<!tpu.dma_semaphore, #tpu.memory_space<semaphore_mem>>) src(%dma_wait3A_105 : memref<640x128xf32, #tpu.memory_space<vmem_shared>>) dst(%dma_wait3A_103 : memref<640x128xf32, #tpu.memory_space<hbm>>)
      tpu.yield
    }) : () -> ()
    return
  }
}

module attributes {stable_mosaic.version = 14 : i64} {
  func.func @_tc_b(%arg0: memref<1024x128xf32, #tpu.memory_space<vmem>>, %arg1: memref<1x128xf32, #tpu.memory_space<vmem>>, %arg2: memref<1x128xf32, #tpu.memory_space<vmem>>, %arg3: memref<1x128xf32, #tpu.memory_space<vmem>>, %arg4: memref<1x128xf32, #tpu.memory_space<vmem>>, %arg5: memref<640x64xf32, #tpu.memory_space<vmem>>, %arg6: memref<8x192x192xf32, #tpu.memory_space<vmem>>, %arg7: memref<1x192xf32, #tpu.memory_space<vmem>>, %arg8: memref<1x192xf32, #tpu.memory_space<vmem>>, %arg9: memref<8x640x256xf32, #tpu.memory_space<vmem>>) attributes {dimension_semantics = [], scalar_prefetch = 0 : i64, scratch_operands = 0 : i64, tpu.core_type = #tpu.core_type<tc>} {
    %get3A = arith.constant 0 : index
    %get3A_0 = arith.constant 0 : index
    %get3A_1 = vector.load %arg1[%get3A, %get3A_0] : memref<1x128xf32, #tpu.memory_space<vmem>>, vector<1x128xf32>
    %get3A_2 = arith.constant 0 : index
    %get3A_3 = arith.constant 0 : index
    %get3A_4 = vector.load %arg4[%get3A_2, %get3A_3] : memref<1x128xf32, #tpu.memory_space<vmem>>, vector<1x128xf32>
    %add3A = arith.constant 9.99999974E-6 : f32
    %add3A_5 = vector.broadcast %add3A : f32 to vector<1x128xf32>
    %add3A_6 = arith.addf %get3A_4, %add3A_5 : vector<1x128xf32>
    %rsqrt3A = math.rsqrt %add3A_6 : vector<1x128xf32>
    %mul3A = arith.mulf %get3A_1, %rsqrt3A : vector<1x128xf32>
    %get3A_7 = arith.constant 0 : index
    %get3A_8 = arith.constant 0 : index
    %get3A_9 = vector.load %arg2[%get3A_7, %get3A_8] : memref<1x128xf32, #tpu.memory_space<vmem>>, vector<1x128xf32>
    %get3A_10 = arith.constant 0 : index
    %get3A_11 = arith.constant 0 : index
    %get3A_12 = vector.load %arg3[%get3A_10, %get3A_11] : memref<1x128xf32, #tpu.memory_space<vmem>>, vector<1x128xf32>
    %mul3A_13 = arith.mulf %get3A_12, %mul3A : vector<1x128xf32>
    %sub3A = arith.subf %get3A_9, %mul3A_13 : vector<1x128xf32>
    %get3A_14 = arith.constant 0 : index
    %get3A_15 = arith.constant 0 : index
    %get3A_16 = vector.load %arg0[%get3A_14, %get3A_15] : memref<1024x128xf32, #tpu.memory_space<vmem>>, vector<640x128xf32>
    %add3A_17 = vector.broadcast %sub3A : vector<1x128xf32> to vector<640x128xf32>
    %add3A_18 = arith.addf %get3A_16, %add3A_17 : vector<640x128xf32>
    %max3A = arith.constant 0.000000e+00 : f32
    %max3A_19 = vector.broadcast %max3A : f32 to vector<640x128xf32>
    %max3A_20 = arith.maximumf %add3A_18, %max3A_19 : vector<640x128xf32>
    %get3A_21 = arith.constant 0 : index
    %get3A_22 = arith.constant 0 : index
    %get3A_23 = vector.load %arg5[%get3A_21, %get3A_22] : memref<640x64xf32, #tpu.memory_space<vmem>>, vector<640x64xf32>
    %concatenate3A = tpu.concatenate %max3A_20, %get3A_23 in 1 : vector<640x128xf32>, vector<640x64xf32> -> vector<640x192xf32>
    %get3A_24 = arith.constant 0 : index
    %get3A_25 = arith.constant 0 : index
    %get3A_26 = vector.load %arg7[%get3A_24, %get3A_25] : memref<1x192xf32, #tpu.memory_space<vmem>>, vector<1x192xf32>
    %get3A_27 = arith.constant 0 : index
    %get3A_28 = arith.constant 0 : index
    %get3A_29 = vector.load %arg8[%get3A_27, %get3A_28] : memref<1x192xf32, #tpu.memory_space<vmem>>, vector<1x192xf32>
    %add3A_30 = arith.constant 9.99999974E-6 : f32
    %add3A_31 = vector.broadcast %add3A_30 : f32 to vector<1x192xf32>
    %add3A_32 = arith.addf %get3A_29, %add3A_31 : vector<1x192xf32>
    %rsqrt3A_33 = math.rsqrt %add3A_32 : vector<1x192xf32>
    %mul3A_34 = arith.mulf %get3A_26, %rsqrt3A_33 : vector<1x192xf32>
    %broadcast_in_dim3A = arith.constant 0.000000e+00 : f32
    %broadcast_in_dim3A_35 = vector.broadcast %broadcast_in_dim3A : f32 to vector<640x64xf32>
    %get3A_36 = arith.constant 0 : index
    %get3A_37 = arith.constant 0 : index
    %get3A_38 = arith.constant 0 : index
    %get3A_39 = vector.load %arg6[%get3A_36, %get3A_37, %get3A_38] : memref<8x192x192xf32, #tpu.memory_space<vmem>>, vector<1x192x192xf32>
    %get3A_40 = vector.shape_cast %get3A_39 : vector<1x192x192xf32> to vector<192x192xf32>
    %mul3A_41 = vector.broadcast %mul3A_34 : vector<1x192xf32> to vector<192x192xf32>
    %mul3A_42 = arith.mulf %get3A_40, %mul3A_41 : vector<192x192xf32>
    %dot_general3A = arith.constant dense<0.000000e+00> : vector<640x192xf32>
    %dot_general3A_43 = tpu.matmul %concatenate3A, %mul3A_42, %dot_general3A {dimension_numbers = #tpu.dot_dimension_numbers<[1], [0], [0], [1], [0, 0, 1, 1], [], []>, transpose_lhs_hint = false} : vector<640x192xf32>, vector<192x192xf32>, vector<640x192xf32> -> vector<640x192xf32>
    %concatenate3A_44 = tpu.concatenate %dot_general3A_43, %broadcast_in_dim3A_35 in 1 : vector<640x192xf32>, vector<640x64xf32> -> vector<640x256xf32>
    %swap3A = arith.constant 0 : index
    %swap3A_45 = arith.constant 0 : index
    %swap3A_46 = arith.constant 0 : index
    %swap3A_47 = vector.load %arg9[%swap3A, %swap3A_45, %swap3A_46] : memref<8x640x256xf32, #tpu.memory_space<vmem>>, vector<1x640x256xf32>
    %swap3A_48 = vector.shape_cast %swap3A_47 : vector<1x640x256xf32> to vector<640x256xf32>
    %swap3A_49 = vector.shape_cast %concatenate3A_44 : vector<640x256xf32> to vector<1x640x256xf32>
    tpu.vector_store %arg9[%swap3A, %swap3A_45, %swap3A_46], %swap3A_49 {strides = array<i32>} : memref<8x640x256xf32, #tpu.memory_space<vmem>>, vector<1x640x256xf32>,
    %get3A_50 = arith.constant 1 : index
    %get3A_51 = arith.constant 0 : index
    %get3A_52 = arith.constant 0 : index
    %get3A_53 = vector.load %arg6[%get3A_50, %get3A_51, %get3A_52] : memref<8x192x192xf32, #tpu.memory_space<vmem>>, vector<1x192x192xf32>
    %get3A_54 = vector.shape_cast %get3A_53 : vector<1x192x192xf32> to vector<192x192xf32>
    %mul3A_55 = vector.broadcast %mul3A_34 : vector<1x192xf32> to vector<192x192xf32>
    %mul3A_56 = arith.mulf %get3A_54, %mul3A_55 : vector<192x192xf32>
    %dot_general3A_57 = arith.constant dense<0.000000e+00> : vector<640x192xf32>
    %dot_general3A_58 = tpu.matmul %concatenate3A, %mul3A_56, %dot_general3A_57 {dimension_numbers = #tpu.dot_dimension_numbers<[1], [0], [0], [1], [0, 0, 1, 1], [], []>, transpose_lhs_hint = false} : vector<640x192xf32>, vector<192x192xf32>, vector<640x192xf32> -> vector<640x192xf32>
    %concatenate3A_59 = tpu.concatenate %dot_general3A_58, %broadcast_in_dim3A_35 in 1 : vector<640x192xf32>, vector<640x64xf32> -> vector<640x256xf32>
    %swap3A_60 = arith.constant 1 : index
    %swap3A_61 = arith.constant 0 : index
    %swap3A_62 = arith.constant 0 : index
    %swap3A_63 = vector.load %arg9[%swap3A_60, %swap3A_61, %swap3A_62] : memref<8x640x256xf32, #tpu.memory_space<vmem>>, vector<1x640x256xf32>
    %swap3A_64 = vector.shape_cast %swap3A_63 : vector<1x640x256xf32> to vector<640x256xf32>
    %swap3A_65 = vector.shape_cast %concatenate3A_59 : vector<640x256xf32> to vector<1x640x256xf32>
    tpu.vector_store %arg9[%swap3A_60, %swap3A_61, %swap3A_62], %swap3A_65 {strides = array<i32>} : memref<8x640x256xf32, #tpu.memory_space<vmem>>, vector<1x640x256xf32>,
    %get3A_66 = arith.constant 2 : index
    %get3A_67 = arith.constant 0 : index
    %get3A_68 = arith.constant 0 : index
    %get3A_69 = vector.load %arg6[%get3A_66, %get3A_67, %get3A_68] : memref<8x192x192xf32, #tpu.memory_space<vmem>>, vector<1x192x192xf32>
    %get3A_70 = vector.shape_cast %get3A_69 : vector<1x192x192xf32> to vector<192x192xf32>
    %mul3A_71 = vector.broadcast %mul3A_34 : vector<1x192xf32> to vector<192x192xf32>
    %mul3A_72 = arith.mulf %get3A_70, %mul3A_71 : vector<192x192xf32>
    %dot_general3A_73 = arith.constant dense<0.000000e+00> : vector<640x192xf32>
    %dot_general3A_74 = tpu.matmul %concatenate3A, %mul3A_72, %dot_general3A_73 {dimension_numbers = #tpu.dot_dimension_numbers<[1], [0], [0], [1], [0, 0, 1, 1], [], []>, transpose_lhs_hint = false} : vector<640x192xf32>, vector<192x192xf32>, vector<640x192xf32> -> vector<640x192xf32>
    %concatenate3A_75 = tpu.concatenate %dot_general3A_74, %broadcast_in_dim3A_35 in 1 : vector<640x192xf32>, vector<640x64xf32> -> vector<640x256xf32>
    %swap3A_76 = arith.constant 2 : index
    %swap3A_77 = arith.constant 0 : index
    %swap3A_78 = arith.constant 0 : index
    %swap3A_79 = vector.load %arg9[%swap3A_76, %swap3A_77, %swap3A_78] : memref<8x640x256xf32, #tpu.memory_space<vmem>>, vector<1x640x256xf32>
    %swap3A_80 = vector.shape_cast %swap3A_79 : vector<1x640x256xf32> to vector<640x256xf32>
    %swap3A_81 = vector.shape_cast %concatenate3A_75 : vector<640x256xf32> to vector<1x640x256xf32>
    tpu.vector_store %arg9[%swap3A_76, %swap3A_77, %swap3A_78], %swap3A_81 {strides = array<i32>} : memref<8x640x256xf32, #tpu.memory_space<vmem>>, vector<1x640x256xf32>,
    %get3A_82 = arith.constant 3 : index
    %get3A_83 = arith.constant 0 : index
    %get3A_84 = arith.constant 0 : index
    %get3A_85 = vector.load %arg6[%get3A_82, %get3A_83, %get3A_84] : memref<8x192x192xf32, #tpu.memory_space<vmem>>, vector<1x192x192xf32>
    %get3A_86 = vector.shape_cast %get3A_85 : vector<1x192x192xf32> to vector<192x192xf32>
    %mul3A_87 = vector.broadcast %mul3A_34 : vector<1x192xf32> to vector<192x192xf32>
    %mul3A_88 = arith.mulf %get3A_86, %mul3A_87 : vector<192x192xf32>
    %dot_general3A_89 = arith.constant dense<0.000000e+00> : vector<640x192xf32>
    %dot_general3A_90 = tpu.matmul %concatenate3A, %mul3A_88, %dot_general3A_89 {dimension_numbers = #tpu.dot_dimension_numbers<[1], [0], [0], [1], [0, 0, 1, 1], [], []>, transpose_lhs_hint = false} : vector<640x192xf32>, vector<192x192xf32>, vector<640x192xf32> -> vector<640x192xf32>
    %concatenate3A_91 = tpu.concatenate %dot_general3A_90, %broadcast_in_dim3A_35 in 1 : vector<640x192xf32>, vector<640x64xf32> -> vector<640x256xf32>
    %swap3A_92 = arith.constant 3 : index
    %swap3A_93 = arith.constant 0 : index
    %swap3A_94 = arith.constant 0 : index
    %swap3A_95 = vector.load %arg9[%swap3A_92, %swap3A_93, %swap3A_94] : memref<8x640x256xf32, #tpu.memory_space<vmem>>, vector<1x640x256xf32>
    %swap3A_96 = vector.shape_cast %swap3A_95 : vector<1x640x256xf32> to vector<640x256xf32>
    %swap3A_97 = vector.shape_cast %concatenate3A_91 : vector<640x256xf32> to vector<1x640x256xf32>
    tpu.vector_store %arg9[%swap3A_92, %swap3A_93, %swap3A_94], %swap3A_97 {strides = array<i32>} : memref<8x640x256xf32, #tpu.memory_space<vmem>>, vector<1x640x256xf32>,
    %get3A_98 = arith.constant 4 : index
    %get3A_99 = arith.constant 0 : index
    %get3A_100 = arith.constant 0 : index
    %get3A_101 = vector.load %arg6[%get3A_98, %get3A_99, %get3A_100] : memref<8x192x192xf32, #tpu.memory_space<vmem>>, vector<1x192x192xf32>
    %get3A_102 = vector.shape_cast %get3A_101 : vector<1x192x192xf32> to vector<192x192xf32>
    %mul3A_103 = vector.broadcast %mul3A_34 : vector<1x192xf32> to vector<192x192xf32>
    %mul3A_104 = arith.mulf %get3A_102, %mul3A_103 : vector<192x192xf32>
    %dot_general3A_105 = arith.constant dense<0.000000e+00> : vector<640x192xf32>
    %dot_general3A_106 = tpu.matmul %concatenate3A, %mul3A_104, %dot_general3A_105 {dimension_numbers = #tpu.dot_dimension_numbers<[1], [0], [0], [1], [0, 0, 1, 1], [], []>, transpose_lhs_hint = false} : vector<640x192xf32>, vector<192x192xf32>, vector<640x192xf32> -> vector<640x192xf32>
    %concatenate3A_107 = tpu.concatenate %dot_general3A_106, %broadcast_in_dim3A_35 in 1 : vector<640x192xf32>, vector<640x64xf32> -> vector<640x256xf32>
    %swap3A_108 = arith.constant 4 : index
    %swap3A_109 = arith.constant 0 : index
    %swap3A_110 = arith.constant 0 : index
    %swap3A_111 = vector.load %arg9[%swap3A_108, %swap3A_109, %swap3A_110] : memref<8x640x256xf32, #tpu.memory_space<vmem>>, vector<1x640x256xf32>
    %swap3A_112 = vector.shape_cast %swap3A_111 : vector<1x640x256xf32> to vector<640x256xf32>
    %swap3A_113 = vector.shape_cast %concatenate3A_107 : vector<640x256xf32> to vector<1x640x256xf32>
    tpu.vector_store %arg9[%swap3A_108, %swap3A_109, %swap3A_110], %swap3A_113 {strides = array<i32>} : memref<8x640x256xf32, #tpu.memory_space<vmem>>, vector<1x640x256xf32>,
    %get3A_114 = arith.constant 5 : index
    %get3A_115 = arith.constant 0 : index
    %get3A_116 = arith.constant 0 : index
    %get3A_117 = vector.load %arg6[%get3A_114, %get3A_115, %get3A_116] : memref<8x192x192xf32, #tpu.memory_space<vmem>>, vector<1x192x192xf32>
    %get3A_118 = vector.shape_cast %get3A_117 : vector<1x192x192xf32> to vector<192x192xf32>
    %mul3A_119 = vector.broadcast %mul3A_34 : vector<1x192xf32> to vector<192x192xf32>
    %mul3A_120 = arith.mulf %get3A_118, %mul3A_119 : vector<192x192xf32>
    %dot_general3A_121 = arith.constant dense<0.000000e+00> : vector<640x192xf32>
    %dot_general3A_122 = tpu.matmul %concatenate3A, %mul3A_120, %dot_general3A_121 {dimension_numbers = #tpu.dot_dimension_numbers<[1], [0], [0], [1], [0, 0, 1, 1], [], []>, transpose_lhs_hint = false} : vector<640x192xf32>, vector<192x192xf32>, vector<640x192xf32> -> vector<640x192xf32>
    %concatenate3A_123 = tpu.concatenate %dot_general3A_122, %broadcast_in_dim3A_35 in 1 : vector<640x192xf32>, vector<640x64xf32> -> vector<640x256xf32>
    %swap3A_124 = arith.constant 5 : index
    %swap3A_125 = arith.constant 0 : index
    %swap3A_126 = arith.constant 0 : index
    %swap3A_127 = vector.load %arg9[%swap3A_124, %swap3A_125, %swap3A_126] : memref<8x640x256xf32, #tpu.memory_space<vmem>>, vector<1x640x256xf32>
    %swap3A_128 = vector.shape_cast %swap3A_127 : vector<1x640x256xf32> to vector<640x256xf32>
    %swap3A_129 = vector.shape_cast %concatenate3A_123 : vector<640x256xf32> to vector<1x640x256xf32>
    tpu.vector_store %arg9[%swap3A_124, %swap3A_125, %swap3A_126], %swap3A_129 {strides = array<i32>} : memref<8x640x256xf32, #tpu.memory_space<vmem>>, vector<1x640x256xf32>,
    %get3A_130 = arith.constant 6 : index
    %get3A_131 = arith.constant 0 : index
    %get3A_132 = arith.constant 0 : index
    %get3A_133 = vector.load %arg6[%get3A_130, %get3A_131, %get3A_132] : memref<8x192x192xf32, #tpu.memory_space<vmem>>, vector<1x192x192xf32>
    %get3A_134 = vector.shape_cast %get3A_133 : vector<1x192x192xf32> to vector<192x192xf32>
    %mul3A_135 = vector.broadcast %mul3A_34 : vector<1x192xf32> to vector<192x192xf32>
    %mul3A_136 = arith.mulf %get3A_134, %mul3A_135 : vector<192x192xf32>
    %dot_general3A_137 = arith.constant dense<0.000000e+00> : vector<640x192xf32>
    %dot_general3A_138 = tpu.matmul %concatenate3A, %mul3A_136, %dot_general3A_137 {dimension_numbers = #tpu.dot_dimension_numbers<[1], [0], [0], [1], [0, 0, 1, 1], [], []>, transpose_lhs_hint = false} : vector<640x192xf32>, vector<192x192xf32>, vector<640x192xf32> -> vector<640x192xf32>
    %concatenate3A_139 = tpu.concatenate %dot_general3A_138, %broadcast_in_dim3A_35 in 1 : vector<640x192xf32>, vector<640x64xf32> -> vector<640x256xf32>
    %swap3A_140 = arith.constant 6 : index
    %swap3A_141 = arith.constant 0 : index
    %swap3A_142 = arith.constant 0 : index
    %swap3A_143 = vector.load %arg9[%swap3A_140, %swap3A_141, %swap3A_142] : memref<8x640x256xf32, #tpu.memory_space<vmem>>, vector<1x640x256xf32>
    %swap3A_144 = vector.shape_cast %swap3A_143 : vector<1x640x256xf32> to vector<640x256xf32>
    %swap3A_145 = vector.shape_cast %concatenate3A_139 : vector<640x256xf32> to vector<1x640x256xf32>
    tpu.vector_store %arg9[%swap3A_140, %swap3A_141, %swap3A_142], %swap3A_145 {strides = array<i32>} : memref<8x640x256xf32, #tpu.memory_space<vmem>>, vector<1x640x256xf32>,
    %get3A_146 = arith.constant 7 : index
    %get3A_147 = arith.constant 0 : index
    %get3A_148 = arith.constant 0 : index
    %get3A_149 = vector.load %arg6[%get3A_146, %get3A_147, %get3A_148] : memref<8x192x192xf32, #tpu.memory_space<vmem>>, vector<1x192x192xf32>
    %get3A_150 = vector.shape_cast %get3A_149 : vector<1x192x192xf32> to vector<192x192xf32>
    %mul3A_151 = vector.broadcast %mul3A_34 : vector<1x192xf32> to vector<192x192xf32>
    %mul3A_152 = arith.mulf %get3A_150, %mul3A_151 : vector<192x192xf32>
    %dot_general3A_153 = arith.constant dense<0.000000e+00> : vector<640x192xf32>
    %dot_general3A_154 = tpu.matmul %concatenate3A, %mul3A_152, %dot_general3A_153 {dimension_numbers = #tpu.dot_dimension_numbers<[1], [0], [0], [1], [0, 0, 1, 1], [], []>, transpose_lhs_hint = false} : vector<640x192xf32>, vector<192x192xf32>, vector<640x192xf32> -> vector<640x192xf32>
    %concatenate3A_155 = tpu.concatenate %dot_general3A_154, %broadcast_in_dim3A_35 in 1 : vector<640x192xf32>, vector<640x64xf32> -> vector<640x256xf32>
    %swap3A_156 = arith.constant 7 : index
    %swap3A_157 = arith.constant 0 : index
    %swap3A_158 = arith.constant 0 : index
    %swap3A_159 = vector.load %arg9[%swap3A_156, %swap3A_157, %swap3A_158] : memref<8x640x256xf32, #tpu.memory_space<vmem>>, vector<1x640x256xf32>
    %swap3A_160 = vector.shape_cast %swap3A_159 : vector<1x640x256xf32> to vector<640x256xf32>
    %swap3A_161 = vector.shape_cast %concatenate3A_155 : vector<640x256xf32> to vector<1x640x256xf32>
    tpu.vector_store %arg9[%swap3A_156, %swap3A_157, %swap3A_158], %swap3A_161 {strides = array<i32>} : memref<8x640x256xf32, #tpu.memory_space<vmem>>, vector<1x640x256xf32>,
    return
  }
}

module attributes {stable_mosaic.version = 14 : i64} {
  func.func @_tc_a(%arg0: memref<160x128xf32, #tpu.memory_space<vmem>>, %arg1: memref<8x128x128xf32, #tpu.memory_space<vmem>>, %arg2: memref<1x128xf32, #tpu.memory_space<vmem>>, %arg3: memref<1x128xf32, #tpu.memory_space<vmem>>, %arg4: memref<8x160x128xf32, #tpu.memory_space<vmem>>) attributes {dimension_semantics = [], scalar_prefetch = 0 : i64, scratch_operands = 0 : i64, tpu.core_type = #tpu.core_type<tc>} {
    %get3A = arith.constant 0 : index
    %get3A_0 = arith.constant 0 : index
    %get3A_1 = vector.load %arg2[%get3A, %get3A_0] : memref<1x128xf32, #tpu.memory_space<vmem>>, vector<1x128xf32>
    %get3A_2 = arith.constant 0 : index
    %get3A_3 = arith.constant 0 : index
    %get3A_4 = vector.load %arg3[%get3A_2, %get3A_3] : memref<1x128xf32, #tpu.memory_space<vmem>>, vector<1x128xf32>
    %add3A = arith.constant 9.99999974E-6 : f32
    %add3A_5 = vector.broadcast %add3A : f32 to vector<1x128xf32>
    %add3A_6 = arith.addf %get3A_4, %add3A_5 : vector<1x128xf32>
    %rsqrt3A = math.rsqrt %add3A_6 : vector<1x128xf32>
    %mul3A = arith.mulf %get3A_1, %rsqrt3A : vector<1x128xf32>
    %get3A_7 = arith.constant 0 : index
    %get3A_8 = arith.constant 0 : index
    %get3A_9 = vector.load %arg0[%get3A_7, %get3A_8] : memref<160x128xf32, #tpu.memory_space<vmem>>, vector<160x128xf32>
    %get3A_10 = arith.constant 0 : index
    %get3A_11 = arith.constant 0 : index
    %get3A_12 = arith.constant 0 : index
    %get3A_13 = vector.load %arg1[%get3A_10, %get3A_11, %get3A_12] : memref<8x128x128xf32, #tpu.memory_space<vmem>>, vector<1x128x128xf32>
    %get3A_14 = vector.shape_cast %get3A_13 : vector<1x128x128xf32> to vector<128x128xf32>
    %mul3A_15 = vector.broadcast %mul3A : vector<1x128xf32> to vector<128x128xf32>
    %mul3A_16 = arith.mulf %get3A_14, %mul3A_15 : vector<128x128xf32>
    %dot_general3A = arith.constant dense<0.000000e+00> : vector<160x128xf32>
    %dot_general3A_17 = tpu.matmul %get3A_9, %mul3A_16, %dot_general3A {dimension_numbers = #tpu.dot_dimension_numbers<[1], [0], [0], [1], [0, 0, 1, 1], [], []>, transpose_lhs_hint = false} : vector<160x128xf32>, vector<128x128xf32>, vector<160x128xf32> -> vector<160x128xf32>
    %swap3A = arith.constant 0 : index
    %swap3A_18 = arith.constant 0 : index
    %swap3A_19 = arith.constant 0 : index
    %swap3A_20 = vector.load %arg4[%swap3A, %swap3A_18, %swap3A_19] : memref<8x160x128xf32, #tpu.memory_space<vmem>>, vector<1x160x128xf32>
    %swap3A_21 = vector.shape_cast %swap3A_20 : vector<1x160x128xf32> to vector<160x128xf32>
    %swap3A_22 = vector.shape_cast %dot_general3A_17 : vector<160x128xf32> to vector<1x160x128xf32>
    tpu.vector_store %arg4[%swap3A, %swap3A_18, %swap3A_19], %swap3A_22 {strides = array<i32>} : memref<8x160x128xf32, #tpu.memory_space<vmem>>, vector<1x160x128xf32>,
    %get3A_23 = arith.constant 1 : index
    %get3A_24 = arith.constant 0 : index
    %get3A_25 = arith.constant 0 : index
    %get3A_26 = vector.load %arg1[%get3A_23, %get3A_24, %get3A_25] : memref<8x128x128xf32, #tpu.memory_space<vmem>>, vector<1x128x128xf32>
    %get3A_27 = vector.shape_cast %get3A_26 : vector<1x128x128xf32> to vector<128x128xf32>
    %mul3A_28 = vector.broadcast %mul3A : vector<1x128xf32> to vector<128x128xf32>
    %mul3A_29 = arith.mulf %get3A_27, %mul3A_28 : vector<128x128xf32>
    %dot_general3A_30 = arith.constant dense<0.000000e+00> : vector<160x128xf32>
    %dot_general3A_31 = tpu.matmul %get3A_9, %mul3A_29, %dot_general3A_30 {dimension_numbers = #tpu.dot_dimension_numbers<[1], [0], [0], [1], [0, 0, 1, 1], [], []>, transpose_lhs_hint = false} : vector<160x128xf32>, vector<128x128xf32>, vector<160x128xf32> -> vector<160x128xf32>
    %swap3A_32 = arith.constant 1 : index
    %swap3A_33 = arith.constant 0 : index
    %swap3A_34 = arith.constant 0 : index
    %swap3A_35 = vector.load %arg4[%swap3A_32, %swap3A_33, %swap3A_34] : memref<8x160x128xf32, #tpu.memory_space<vmem>>, vector<1x160x128xf32>
    %swap3A_36 = vector.shape_cast %swap3A_35 : vector<1x160x128xf32> to vector<160x128xf32>
    %swap3A_37 = vector.shape_cast %dot_general3A_31 : vector<160x128xf32> to vector<1x160x128xf32>
    tpu.vector_store %arg4[%swap3A_32, %swap3A_33, %swap3A_34], %swap3A_37 {strides = array<i32>} : memref<8x160x128xf32, #tpu.memory_space<vmem>>, vector<1x160x128xf32>,
    %get3A_38 = arith.constant 2 : index
    %get3A_39 = arith.constant 0 : index
    %get3A_40 = arith.constant 0 : index
    %get3A_41 = vector.load %arg1[%get3A_38, %get3A_39, %get3A_40] : memref<8x128x128xf32, #tpu.memory_space<vmem>>, vector<1x128x128xf32>
    %get3A_42 = vector.shape_cast %get3A_41 : vector<1x128x128xf32> to vector<128x128xf32>
    %mul3A_43 = vector.broadcast %mul3A : vector<1x128xf32> to vector<128x128xf32>
    %mul3A_44 = arith.mulf %get3A_42, %mul3A_43 : vector<128x128xf32>
    %dot_general3A_45 = arith.constant dense<0.000000e+00> : vector<160x128xf32>
    %dot_general3A_46 = tpu.matmul %get3A_9, %mul3A_44, %dot_general3A_45 {dimension_numbers = #tpu.dot_dimension_numbers<[1], [0], [0], [1], [0, 0, 1, 1], [], []>, transpose_lhs_hint = false} : vector<160x128xf32>, vector<128x128xf32>, vector<160x128xf32> -> vector<160x128xf32>
    %swap3A_47 = arith.constant 2 : index
    %swap3A_48 = arith.constant 0 : index
    %swap3A_49 = arith.constant 0 : index
    %swap3A_50 = vector.load %arg4[%swap3A_47, %swap3A_48, %swap3A_49] : memref<8x160x128xf32, #tpu.memory_space<vmem>>, vector<1x160x128xf32>
    %swap3A_51 = vector.shape_cast %swap3A_50 : vector<1x160x128xf32> to vector<160x128xf32>
    %swap3A_52 = vector.shape_cast %dot_general3A_46 : vector<160x128xf32> to vector<1x160x128xf32>
    tpu.vector_store %arg4[%swap3A_47, %swap3A_48, %swap3A_49], %swap3A_52 {strides = array<i32>} : memref<8x160x128xf32, #tpu.memory_space<vmem>>, vector<1x160x128xf32>,
    %get3A_53 = arith.constant 3 : index
    %get3A_54 = arith.constant 0 : index
    %get3A_55 = arith.constant 0 : index
    %get3A_56 = vector.load %arg1[%get3A_53, %get3A_54, %get3A_55] : memref<8x128x128xf32, #tpu.memory_space<vmem>>, vector<1x128x128xf32>
    %get3A_57 = vector.shape_cast %get3A_56 : vector<1x128x128xf32> to vector<128x128xf32>
    %mul3A_58 = vector.broadcast %mul3A : vector<1x128xf32> to vector<128x128xf32>
    %mul3A_59 = arith.mulf %get3A_57, %mul3A_58 : vector<128x128xf32>
    %dot_general3A_60 = arith.constant dense<0.000000e+00> : vector<160x128xf32>
    %dot_general3A_61 = tpu.matmul %get3A_9, %mul3A_59, %dot_general3A_60 {dimension_numbers = #tpu.dot_dimension_numbers<[1], [0], [0], [1], [0, 0, 1, 1], [], []>, transpose_lhs_hint = false} : vector<160x128xf32>, vector<128x128xf32>, vector<160x128xf32> -> vector<160x128xf32>
    %swap3A_62 = arith.constant 3 : index
    %swap3A_63 = arith.constant 0 : index
    %swap3A_64 = arith.constant 0 : index
    %swap3A_65 = vector.load %arg4[%swap3A_62, %swap3A_63, %swap3A_64] : memref<8x160x128xf32, #tpu.memory_space<vmem>>, vector<1x160x128xf32>
    %swap3A_66 = vector.shape_cast %swap3A_65 : vector<1x160x128xf32> to vector<160x128xf32>
    %swap3A_67 = vector.shape_cast %dot_general3A_61 : vector<160x128xf32> to vector<1x160x128xf32>
    tpu.vector_store %arg4[%swap3A_62, %swap3A_63, %swap3A_64], %swap3A_67 {strides = array<i32>} : memref<8x160x128xf32, #tpu.memory_space<vmem>>, vector<1x160x128xf32>,
    %get3A_68 = arith.constant 4 : index
    %get3A_69 = arith.constant 0 : index
    %get3A_70 = arith.constant 0 : index
    %get3A_71 = vector.load %arg1[%get3A_68, %get3A_69, %get3A_70] : memref<8x128x128xf32, #tpu.memory_space<vmem>>, vector<1x128x128xf32>
    %get3A_72 = vector.shape_cast %get3A_71 : vector<1x128x128xf32> to vector<128x128xf32>
    %mul3A_73 = vector.broadcast %mul3A : vector<1x128xf32> to vector<128x128xf32>
    %mul3A_74 = arith.mulf %get3A_72, %mul3A_73 : vector<128x128xf32>
    %dot_general3A_75 = arith.constant dense<0.000000e+00> : vector<160x128xf32>
    %dot_general3A_76 = tpu.matmul %get3A_9, %mul3A_74, %dot_general3A_75 {dimension_numbers = #tpu.dot_dimension_numbers<[1], [0], [0], [1], [0, 0, 1, 1], [], []>, transpose_lhs_hint = false} : vector<160x128xf32>, vector<128x128xf32>, vector<160x128xf32> -> vector<160x128xf32>
    %swap3A_77 = arith.constant 4 : index
    %swap3A_78 = arith.constant 0 : index
    %swap3A_79 = arith.constant 0 : index
    %swap3A_80 = vector.load %arg4[%swap3A_77, %swap3A_78, %swap3A_79] : memref<8x160x128xf32, #tpu.memory_space<vmem>>, vector<1x160x128xf32>
    %swap3A_81 = vector.shape_cast %swap3A_80 : vector<1x160x128xf32> to vector<160x128xf32>
    %swap3A_82 = vector.shape_cast %dot_general3A_76 : vector<160x128xf32> to vector<1x160x128xf32>
    tpu.vector_store %arg4[%swap3A_77, %swap3A_78, %swap3A_79], %swap3A_82 {strides = array<i32>} : memref<8x160x128xf32, #tpu.memory_space<vmem>>, vector<1x160x128xf32>,
    %get3A_83 = arith.constant 5 : index
    %get3A_84 = arith.constant 0 : index
    %get3A_85 = arith.constant 0 : index
    %get3A_86 = vector.load %arg1[%get3A_83, %get3A_84, %get3A_85] : memref<8x128x128xf32, #tpu.memory_space<vmem>>, vector<1x128x128xf32>
    %get3A_87 = vector.shape_cast %get3A_86 : vector<1x128x128xf32> to vector<128x128xf32>
    %mul3A_88 = vector.broadcast %mul3A : vector<1x128xf32> to vector<128x128xf32>
    %mul3A_89 = arith.mulf %get3A_87, %mul3A_88 : vector<128x128xf32>
    %dot_general3A_90 = arith.constant dense<0.000000e+00> : vector<160x128xf32>
    %dot_general3A_91 = tpu.matmul %get3A_9, %mul3A_89, %dot_general3A_90 {dimension_numbers = #tpu.dot_dimension_numbers<[1], [0], [0], [1], [0, 0, 1, 1], [], []>, transpose_lhs_hint = false} : vector<160x128xf32>, vector<128x128xf32>, vector<160x128xf32> -> vector<160x128xf32>
    %swap3A_92 = arith.constant 5 : index
    %swap3A_93 = arith.constant 0 : index
    %swap3A_94 = arith.constant 0 : index
    %swap3A_95 = vector.load %arg4[%swap3A_92, %swap3A_93, %swap3A_94] : memref<8x160x128xf32, #tpu.memory_space<vmem>>, vector<1x160x128xf32>
    %swap3A_96 = vector.shape_cast %swap3A_95 : vector<1x160x128xf32> to vector<160x128xf32>
    %swap3A_97 = vector.shape_cast %dot_general3A_91 : vector<160x128xf32> to vector<1x160x128xf32>
    tpu.vector_store %arg4[%swap3A_92, %swap3A_93, %swap3A_94], %swap3A_97 {strides = array<i32>} : memref<8x160x128xf32, #tpu.memory_space<vmem>>, vector<1x160x128xf32>,
    %get3A_98 = arith.constant 6 : index
    %get3A_99 = arith.constant 0 : index
    %get3A_100 = arith.constant 0 : index
    %get3A_101 = vector.load %arg1[%get3A_98, %get3A_99, %get3A_100] : memref<8x128x128xf32, #tpu.memory_space<vmem>>, vector<1x128x128xf32>
    %get3A_102 = vector.shape_cast %get3A_101 : vector<1x128x128xf32> to vector<128x128xf32>
    %mul3A_103 = vector.broadcast %mul3A : vector<1x128xf32> to vector<128x128xf32>
    %mul3A_104 = arith.mulf %get3A_102, %mul3A_103 : vector<128x128xf32>
    %dot_general3A_105 = arith.constant dense<0.000000e+00> : vector<160x128xf32>
    %dot_general3A_106 = tpu.matmul %get3A_9, %mul3A_104, %dot_general3A_105 {dimension_numbers = #tpu.dot_dimension_numbers<[1], [0], [0], [1], [0, 0, 1, 1], [], []>, transpose_lhs_hint = false} : vector<160x128xf32>, vector<128x128xf32>, vector<160x128xf32> -> vector<160x128xf32>
    %swap3A_107 = arith.constant 6 : index
    %swap3A_108 = arith.constant 0 : index
    %swap3A_109 = arith.constant 0 : index
    %swap3A_110 = vector.load %arg4[%swap3A_107, %swap3A_108, %swap3A_109] : memref<8x160x128xf32, #tpu.memory_space<vmem>>, vector<1x160x128xf32>
    %swap3A_111 = vector.shape_cast %swap3A_110 : vector<1x160x128xf32> to vector<160x128xf32>
    %swap3A_112 = vector.shape_cast %dot_general3A_106 : vector<160x128xf32> to vector<1x160x128xf32>
    tpu.vector_store %arg4[%swap3A_107, %swap3A_108, %swap3A_109], %swap3A_112 {strides = array<i32>} : memref<8x160x128xf32, #tpu.memory_space<vmem>>, vector<1x160x128xf32>,
    %get3A_113 = arith.constant 7 : index
    %get3A_114 = arith.constant 0 : index
    %get3A_115 = arith.constant 0 : index
    %get3A_116 = vector.load %arg1[%get3A_113, %get3A_114, %get3A_115] : memref<8x128x128xf32, #tpu.memory_space<vmem>>, vector<1x128x128xf32>
    %get3A_117 = vector.shape_cast %get3A_116 : vector<1x128x128xf32> to vector<128x128xf32>
    %mul3A_118 = vector.broadcast %mul3A : vector<1x128xf32> to vector<128x128xf32>
    %mul3A_119 = arith.mulf %get3A_117, %mul3A_118 : vector<128x128xf32>
    %dot_general3A_120 = arith.constant dense<0.000000e+00> : vector<160x128xf32>
    %dot_general3A_121 = tpu.matmul %get3A_9, %mul3A_119, %dot_general3A_120 {dimension_numbers = #tpu.dot_dimension_numbers<[1], [0], [0], [1], [0, 0, 1, 1], [], []>, transpose_lhs_hint = false} : vector<160x128xf32>, vector<128x128xf32>, vector<160x128xf32> -> vector<160x128xf32>
    %swap3A_122 = arith.constant 7 : index
    %swap3A_123 = arith.constant 0 : index
    %swap3A_124 = arith.constant 0 : index
    %swap3A_125 = vector.load %arg4[%swap3A_122, %swap3A_123, %swap3A_124] : memref<8x160x128xf32, #tpu.memory_space<vmem>>, vector<1x160x128xf32>
    %swap3A_126 = vector.shape_cast %swap3A_125 : vector<1x160x128xf32> to vector<160x128xf32>
    %swap3A_127 = vector.shape_cast %dot_general3A_121 : vector<160x128xf32> to vector<1x160x128xf32>
    tpu.vector_store %arg4[%swap3A_122, %swap3A_123, %swap3A_124], %swap3A_127 {strides = array<i32>} : memref<8x160x128xf32, #tpu.memory_space<vmem>>, vector<1x160x128xf32>,
    return
  }
}

module attributes {stable_mosaic.version = 14 : i64} {
  func.func @_tc_c(%arg0: i32, %arg1: memref<2560x256xf32, #tpu.memory_space<vmem>>, %arg2: memref<1x192xf32, #tpu.memory_space<vmem>>, %arg3: memref<1x192xf32, #tpu.memory_space<vmem>>, %arg4: memref<1x192xf32, #tpu.memory_space<vmem>>, %arg5: memref<1x192xf32, #tpu.memory_space<vmem>>, %arg6: memref<2560x64xf32, #tpu.memory_space<vmem>>, %arg7: memref<1x256x256xf32, #tpu.memory_space<vmem>>, %arg8: memref<1x256xf32, #tpu.memory_space<vmem>>, %arg9: memref<1x256xf32, #tpu.memory_space<vmem>>, %arg10: memref<1x2560x256xf32, #tpu.memory_space<vmem>>) attributes {dimension_semantics = [#tpu.dimension_semantics<arbitrary>], iteration_bounds = array<i64: 8>, scalar_prefetch = 0 : i64, scratch_operands = 0 : i64, tpu.core_type = #tpu.core_type<tc>, window_params = [{pipeline_mode = #tpu.pipeline_mode<synchronous>, transform_indices = @transform_0, window_bounds = array<i64: 2560, 256>}, {pipeline_mode = #tpu.pipeline_mode<synchronous>, transform_indices = @transform_1, window_bounds = array<i64: 1, 192>}, {pipeline_mode = #tpu.pipeline_mode<synchronous>, transform_indices = @transform_2, window_bounds = array<i64: 1, 192>}, {pipeline_mode = #tpu.pipeline_mode<synchronous>, transform_indices = @transform_3, window_bounds = array<i64: 1, 192>}, {pipeline_mode = #tpu.pipeline_mode<synchronous>, transform_indices = @transform_4, window_bounds = array<i64: 1, 192>}, {pipeline_mode = #tpu.pipeline_mode<synchronous>, transform_indices = @transform_5, window_bounds = array<i64: 2560, 64>}, {transform_indices = @transform_6, window_bounds = array<i64: 1, 256, 256>}, {pipeline_mode = #tpu.pipeline_mode<synchronous>, transform_indices = @transform_7, window_bounds = array<i64: 1, 256>}, {pipeline_mode = #tpu.pipeline_mode<synchronous>, transform_indices = @transform_8, window_bounds = array<i64: 1, 256>}, {transform_indices = @transform_9, window_bounds = array<i64: 1, 2560, 256>}]} {
    %get3A = arith.constant 0 : index
    %get3A_0 = arith.constant 0 : index
    %get3A_1 = vector.load %arg2[%get3A, %get3A_0] : memref<1x192xf32, #tpu.memory_space<vmem>>, vector<1x192xf32>
    %get3A_2 = arith.constant 0 : index
    %get3A_3 = arith.constant 0 : index
    %get3A_4 = vector.load %arg5[%get3A_2, %get3A_3] : memref<1x192xf32, #tpu.memory_space<vmem>>, vector<1x192xf32>
    %add3A = arith.constant 9.99999974E-6 : f32
    %add3A_5 = vector.broadcast %add3A : f32 to vector<1x192xf32>
    %add3A_6 = arith.addf %get3A_4, %add3A_5 : vector<1x192xf32>
    %rsqrt3A = math.rsqrt %add3A_6 : vector<1x192xf32>
    %mul3A = arith.mulf %get3A_1, %rsqrt3A : vector<1x192xf32>
    %get3A_7 = arith.constant 0 : index
    %get3A_8 = arith.constant 0 : index
    %get3A_9 = vector.load %arg3[%get3A_7, %get3A_8] : memref<1x192xf32, #tpu.memory_space<vmem>>, vector<1x192xf32>
    %get3A_10 = arith.constant 0 : index
    %get3A_11 = arith.constant 0 : index
    %get3A_12 = vector.load %arg4[%get3A_10, %get3A_11] : memref<1x192xf32, #tpu.memory_space<vmem>>, vector<1x192xf32>
    %mul3A_13 = arith.mulf %get3A_12, %mul3A : vector<1x192xf32>
    %sub3A = arith.subf %get3A_9, %mul3A_13 : vector<1x192xf32>
    %get3A_14 = arith.constant 0 : index
    %get3A_15 = arith.constant 0 : index
    %get3A_16 = vector.load %arg1[%get3A_14, %get3A_15] : memref<2560x256xf32, #tpu.memory_space<vmem>>, vector<2560x192xf32>
    %add3A_17 = vector.broadcast %sub3A : vector<1x192xf32> to vector<2560x192xf32>
    %add3A_18 = arith.addf %get3A_16, %add3A_17 : vector<2560x192xf32>
    %max3A = arith.constant 0.000000e+00 : f32
    %max3A_19 = vector.broadcast %max3A : f32 to vector<2560x192xf32>
    %max3A_20 = arith.maximumf %add3A_18, %max3A_19 : vector<2560x192xf32>
    %get3A_21 = arith.constant 0 : index
    %get3A_22 = arith.constant 0 : index
    %get3A_23 = vector.load %arg6[%get3A_21, %get3A_22] : memref<2560x64xf32, #tpu.memory_space<vmem>>, vector<2560x64xf32>
    %concatenate3A = tpu.concatenate %max3A_20, %get3A_23 in 1 : vector<2560x192xf32>, vector<2560x64xf32> -> vector<2560x256xf32>
    %get3A_24 = arith.constant 0 : index
    %get3A_25 = arith.constant 0 : index
    %get3A_26 = vector.load %arg8[%get3A_24, %get3A_25] : memref<1x256xf32, #tpu.memory_space<vmem>>, vector<1x256xf32>
    %get3A_27 = arith.constant 0 : index
    %get3A_28 = arith.constant 0 : index
    %get3A_29 = vector.load %arg9[%get3A_27, %get3A_28] : memref<1x256xf32, #tpu.memory_space<vmem>>, vector<1x256xf32>
    %add3A_30 = arith.constant 9.99999974E-6 : f32
    %add3A_31 = vector.broadcast %add3A_30 : f32 to vector<1x256xf32>
    %add3A_32 = arith.addf %get3A_29, %add3A_31 : vector<1x256xf32>
    %rsqrt3A_33 = math.rsqrt %add3A_32 : vector<1x256xf32>
    %mul3A_34 = arith.mulf %get3A_26, %rsqrt3A_33 : vector<1x256xf32>
    %get3A_35 = arith.constant 0 : index
    %get3A_36 = arith.constant 0 : index
    %get3A_37 = arith.constant 0 : index
    %get3A_38 = vector.load %arg7[%get3A_35, %get3A_36, %get3A_37] : memref<1x256x256xf32, #tpu.memory_space<vmem>>, vector<1x256x256xf32>
    %get3A_39 = vector.shape_cast %get3A_38 : vector<1x256x256xf32> to vector<256x256xf32>
    %mul3A_40 = vector.broadcast %mul3A_34 : vector<1x256xf32> to vector<256x256xf32>
    %mul3A_41 = arith.mulf %get3A_39, %mul3A_40 : vector<256x256xf32>
    %dot_general3A = arith.constant dense<0.000000e+00> : vector<2560x256xf32>
    %dot_general3A_42 = tpu.matmul %concatenate3A, %mul3A_41, %dot_general3A {dimension_numbers = #tpu.dot_dimension_numbers<[1], [0], [0], [1], [0, 0, 1, 1], [], []>, transpose_lhs_hint = false} : vector<2560x256xf32>, vector<256x256xf32>, vector<2560x256xf32> -> vector<2560x256xf32>
    %swap3A = arith.constant 0 : index
    %swap3A_43 = arith.constant 0 : index
    %swap3A_44 = arith.constant 0 : index
    %swap3A_45 = vector.load %arg10[%swap3A, %swap3A_43, %swap3A_44] : memref<1x2560x256xf32, #tpu.memory_space<vmem>>, vector<1x2560x256xf32>
    %swap3A_46 = vector.shape_cast %swap3A_45 : vector<1x2560x256xf32> to vector<2560x256xf32>
    %swap3A_47 = vector.shape_cast %dot_general3A_42 : vector<2560x256xf32> to vector<1x2560x256xf32>
    tpu.vector_store %arg10[%swap3A, %swap3A_43, %swap3A_44], %swap3A_47 {strides = array<i32>} : memref<1x2560x256xf32, #tpu.memory_space<vmem>>, vector<1x2560x256xf32>,
    return
  }
  func.func @transform_0(%arg0: i32) -> (i32, i32) {
    %c0_i32 = arith.constant 0 : i32
    %c0_i32_0 = arith.constant 0 : i32
    %c0_i32_1 = arith.constant 0 : i32
    return %c0_i32, %c0_i32_0 : i32, i32
  }
  func.func @transform_1(%arg0: i32) -> (i32, i32) {
    %c0_i32 = arith.constant 0 : i32
    %c0_i32_0 = arith.constant 0 : i32
    %c0_i32_1 = arith.constant 0 : i32
    return %c0_i32, %c0_i32_0 : i32, i32
  }
  func.func @transform_2(%arg0: i32) -> (i32, i32) {
    %c0_i32 = arith.constant 0 : i32
    %c0_i32_0 = arith.constant 0 : i32
    %c0_i32_1 = arith.constant 0 : i32
    return %c0_i32, %c0_i32_0 : i32, i32
  }
  func.func @transform_3(%arg0: i32) -> (i32, i32) {
    %c0_i32 = arith.constant 0 : i32
    %c0_i32_0 = arith.constant 0 : i32
    %c0_i32_1 = arith.constant 0 : i32
    return %c0_i32, %c0_i32_0 : i32, i32
  }
  func.func @transform_4(%arg0: i32) -> (i32, i32) {
    %c0_i32 = arith.constant 0 : i32
    %c0_i32_0 = arith.constant 0 : i32
    %c0_i32_1 = arith.constant 0 : i32
    return %c0_i32, %c0_i32_0 : i32, i32
  }
  func.func @transform_5(%arg0: i32) -> (i32, i32) {
    %c0_i32 = arith.constant 0 : i32
    %c0_i32_0 = arith.constant 0 : i32
    %c0_i32_1 = arith.constant 0 : i32
    return %c0_i32, %c0_i32_0 : i32, i32
  }
  func.func @transform_6(%arg0: i32) -> (i32, i32, i32) {
    %c0_i32 = arith.constant 0 : i32
    %c0_i32_0 = arith.constant 0 : i32
    %c0_i32_1 = arith.constant 0 : i32
    return %arg0, %c0_i32, %c0_i32_0 : i32, i32, i32
  }
  func.func @transform_7(%arg0: i32) -> (i32, i32) {
    %c0_i32 = arith.constant 0 : i32
    %c0_i32_0 = arith.constant 0 : i32
    %c0_i32_1 = arith.constant 0 : i32
    return %c0_i32, %c0_i32_0 : i32, i32
  }
  func.func @transform_8(%arg0: i32) -> (i32, i32) {
    %c0_i32 = arith.constant 0 : i32
    %c0_i32_0 = arith.constant 0 : i32
    %c0_i32_1 = arith.constant 0 : i32
    return %c0_i32, %c0_i32_0 : i32, i32
  }
  func.func @transform_9(%arg0: i32) -> (i32, i32, i32) {
    %c0_i32 = arith.constant 0 : i32
    %c0_i32_0 = arith.constant 0 : i32
    %c0_i32_1 = arith.constant 0 : i32
    return %arg0, %c0_i32, %c0_i32_0 : i32, i32, i32
  }
}

module attributes {stable_mosaic.version = 14 : i64} {
  func.func @_tc_d(%arg0: i32, %arg1: i32, %arg2: memref<2048x256xf32, #tpu.memory_space<vmem>>, %arg3: memref<1x256xf32, #tpu.memory_space<vmem>>, %arg4: memref<1x256xf32, #tpu.memory_space<vmem>>, %arg5: memref<1x256xf32, #tpu.memory_space<vmem>>, %arg6: memref<1x256xf32, #tpu.memory_space<vmem>>, %arg7: memref<2048x64xf32, #tpu.memory_space<vmem>>, %arg8: memref<1x320x128xf32, #tpu.memory_space<vmem>>, %arg9: memref<1x128xf32, #tpu.memory_space<vmem>>, %arg10: memref<1x128xf32, #tpu.memory_space<vmem>>, %arg11: memref<1x2048x128xf32, #tpu.memory_space<vmem>>) attributes {dimension_semantics = [#tpu.dimension_semantics<arbitrary>, #tpu.dimension_semantics<arbitrary>], iteration_bounds = array<i64: 5, 27>, scalar_prefetch = 0 : i64, scratch_operands = 0 : i64, tpu.core_type = #tpu.core_type<tc>, window_params = [{transform_indices = @transform_0, window_bounds = array<i64: 2048, 256>}, {pipeline_mode = #tpu.pipeline_mode<synchronous>, transform_indices = @transform_1, window_bounds = array<i64: 1, 256>}, {pipeline_mode = #tpu.pipeline_mode<synchronous>, transform_indices = @transform_2, window_bounds = array<i64: 1, 256>}, {pipeline_mode = #tpu.pipeline_mode<synchronous>, transform_indices = @transform_3, window_bounds = array<i64: 1, 256>}, {pipeline_mode = #tpu.pipeline_mode<synchronous>, transform_indices = @transform_4, window_bounds = array<i64: 1, 256>}, {transform_indices = @transform_5, window_bounds = array<i64: 2048, 64>}, {transform_indices = @transform_6, window_bounds = array<i64: 1, 320, 128>}, {pipeline_mode = #tpu.pipeline_mode<synchronous>, transform_indices = @transform_7, window_bounds = array<i64: 1, 128>}, {pipeline_mode = #tpu.pipeline_mode<synchronous>, transform_indices = @transform_8, window_bounds = array<i64: 1, 128>}, {transform_indices = @transform_9, window_bounds = array<i64: 1, 2048, 128>}]} {
    %get3A = arith.constant 0 : index
    %get3A_0 = arith.constant 0 : index
    %get3A_1 = vector.load %arg3[%get3A, %get3A_0] : memref<1x256xf32, #tpu.memory_space<vmem>>, vector<1x256xf32>
    %get3A_2 = arith.constant 0 : index
    %get3A_3 = arith.constant 0 : index
    %get3A_4 = vector.load %arg6[%get3A_2, %get3A_3] : memref<1x256xf32, #tpu.memory_space<vmem>>, vector<1x256xf32>
    %add3A = arith.constant 9.99999974E-6 : f32
    %add3A_5 = vector.broadcast %add3A : f32 to vector<1x256xf32>
    %add3A_6 = arith.addf %get3A_4, %add3A_5 : vector<1x256xf32>
    %rsqrt3A = math.rsqrt %add3A_6 : vector<1x256xf32>
    %mul3A = arith.mulf %get3A_1, %rsqrt3A : vector<1x256xf32>
    %get3A_7 = arith.constant 0 : index
    %get3A_8 = arith.constant 0 : index
    %get3A_9 = vector.load %arg4[%get3A_7, %get3A_8] : memref<1x256xf32, #tpu.memory_space<vmem>>, vector<1x256xf32>
    %get3A_10 = arith.constant 0 : index
    %get3A_11 = arith.constant 0 : index
    %get3A_12 = vector.load %arg5[%get3A_10, %get3A_11] : memref<1x256xf32, #tpu.memory_space<vmem>>, vector<1x256xf32>
    %mul3A_13 = arith.mulf %get3A_12, %mul3A : vector<1x256xf32>
    %sub3A = arith.subf %get3A_9, %mul3A_13 : vector<1x256xf32>
    %get3A_14 = arith.constant 0 : index
    %get3A_15 = arith.constant 0 : index
    %get3A_16 = vector.load %arg2[%get3A_14, %get3A_15] : memref<2048x256xf32, #tpu.memory_space<vmem>>, vector<2048x256xf32>
    %add3A_17 = vector.broadcast %sub3A : vector<1x256xf32> to vector<2048x256xf32>
    %add3A_18 = arith.addf %get3A_16, %add3A_17 : vector<2048x256xf32>
    %max3A = arith.constant 0.000000e+00 : f32
    %max3A_19 = vector.broadcast %max3A : f32 to vector<2048x256xf32>
    %max3A_20 = arith.maximumf %add3A_18, %max3A_19 : vector<2048x256xf32>
    %get3A_21 = arith.constant 0 : index
    %get3A_22 = arith.constant 0 : index
    %get3A_23 = vector.load %arg7[%get3A_21, %get3A_22] : memref<2048x64xf32, #tpu.memory_space<vmem>>, vector<2048x64xf32>
    %concatenate3A = tpu.concatenate %max3A_20, %get3A_23 in 1 : vector<2048x256xf32>, vector<2048x64xf32> -> vector<2048x320xf32>
    %get3A_24 = arith.constant 0 : index
    %get3A_25 = arith.constant 0 : index
    %get3A_26 = vector.load %arg9[%get3A_24, %get3A_25] : memref<1x128xf32, #tpu.memory_space<vmem>>, vector<1x128xf32>
    %get3A_27 = arith.constant 0 : index
    %get3A_28 = arith.constant 0 : index
    %get3A_29 = vector.load %arg10[%get3A_27, %get3A_28] : memref<1x128xf32, #tpu.memory_space<vmem>>, vector<1x128xf32>
    %add3A_30 = arith.constant 9.99999974E-6 : f32
    %add3A_31 = vector.broadcast %add3A_30 : f32 to vector<1x128xf32>
    %add3A_32 = arith.addf %get3A_29, %add3A_31 : vector<1x128xf32>
    %rsqrt3A_33 = math.rsqrt %add3A_32 : vector<1x128xf32>
    %mul3A_34 = arith.mulf %get3A_26, %rsqrt3A_33 : vector<1x128xf32>
    %get3A_35 = arith.constant 0 : index
    %get3A_36 = arith.constant 0 : index
    %get3A_37 = arith.constant 0 : index
    %get3A_38 = vector.load %arg8[%get3A_35, %get3A_36, %get3A_37] : memref<1x320x128xf32, #tpu.memory_space<vmem>>, vector<1x320x128xf32>
    %get3A_39 = vector.shape_cast %get3A_38 : vector<1x320x128xf32> to vector<320x128xf32>
    %mul3A_40 = vector.broadcast %mul3A_34 : vector<1x128xf32> to vector<320x128xf32>
    %mul3A_41 = arith.mulf %get3A_39, %mul3A_40 : vector<320x128xf32>
    %dot_general3A = arith.constant dense<0.000000e+00> : vector<2048x128xf32>
    %dot_general3A_42 = tpu.matmul %concatenate3A, %mul3A_41, %dot_general3A {dimension_numbers = #tpu.dot_dimension_numbers<[1], [0], [0], [1], [0, 0, 1, 1], [], []>, transpose_lhs_hint = false} : vector<2048x320xf32>, vector<320x128xf32>, vector<2048x128xf32> -> vector<2048x128xf32>
    %swap3A = arith.constant 0 : index
    %swap3A_43 = arith.constant 0 : index
    %swap3A_44 = arith.constant 0 : index
    %swap3A_45 = vector.load %arg11[%swap3A, %swap3A_43, %swap3A_44] : memref<1x2048x128xf32, #tpu.memory_space<vmem>>, vector<1x2048x128xf32>
    %swap3A_46 = vector.shape_cast %swap3A_45 : vector<1x2048x128xf32> to vector<2048x128xf32>
    %swap3A_47 = vector.shape_cast %dot_general3A_42 : vector<2048x128xf32> to vector<1x2048x128xf32>
    tpu.vector_store %arg11[%swap3A, %swap3A_43, %swap3A_44], %swap3A_47 {strides = array<i32>} : memref<1x2048x128xf32, #tpu.memory_space<vmem>>, vector<1x2048x128xf32>,
    return
  }
  func.func @transform_0(%arg0: i32, %arg1: i32) -> (i32, i32) {
    %c0_i32 = arith.constant 0 : i32
    %c0_i32_0 = arith.constant 0 : i32
    return %arg0, %c0_i32 : i32, i32
  }
  func.func @transform_1(%arg0: i32, %arg1: i32) -> (i32, i32) {
    %c0_i32 = arith.constant 0 : i32
    %c0_i32_0 = arith.constant 0 : i32
    %c0_i32_1 = arith.constant 0 : i32
    return %c0_i32, %c0_i32_0 : i32, i32
  }
  func.func @transform_2(%arg0: i32, %arg1: i32) -> (i32, i32) {
    %c0_i32 = arith.constant 0 : i32
    %c0_i32_0 = arith.constant 0 : i32
    %c0_i32_1 = arith.constant 0 : i32
    return %c0_i32, %c0_i32_0 : i32, i32
  }
  func.func @transform_3(%arg0: i32, %arg1: i32) -> (i32, i32) {
    %c0_i32 = arith.constant 0 : i32
    %c0_i32_0 = arith.constant 0 : i32
    %c0_i32_1 = arith.constant 0 : i32
    return %c0_i32, %c0_i32_0 : i32, i32
  }
  func.func @transform_4(%arg0: i32, %arg1: i32) -> (i32, i32) {
    %c0_i32 = arith.constant 0 : i32
    %c0_i32_0 = arith.constant 0 : i32
    %c0_i32_1 = arith.constant 0 : i32
    return %c0_i32, %c0_i32_0 : i32, i32
  }
  func.func @transform_5(%arg0: i32, %arg1: i32) -> (i32, i32) {
    %c0_i32 = arith.constant 0 : i32
    %c0_i32_0 = arith.constant 0 : i32
    return %arg0, %c0_i32 : i32, i32
  }
  func.func @transform_6(%arg0: i32, %arg1: i32) -> (i32, i32, i32) {
    %c0_i32 = arith.constant 0 : i32
    %c0_i32_0 = arith.constant 0 : i32
    %c0_i32_1 = arith.constant 0 : i32
    return %arg1, %c0_i32, %c0_i32_0 : i32, i32, i32
  }
  func.func @transform_7(%arg0: i32, %arg1: i32) -> (i32, i32) {
    %c0_i32 = arith.constant 0 : i32
    %c0_i32_0 = arith.constant 0 : i32
    %c0_i32_1 = arith.constant 0 : i32
    return %c0_i32, %c0_i32_0 : i32, i32
  }
  func.func @transform_8(%arg0: i32, %arg1: i32) -> (i32, i32) {
    %c0_i32 = arith.constant 0 : i32
    %c0_i32_0 = arith.constant 0 : i32
    %c0_i32_1 = arith.constant 0 : i32
    return %c0_i32, %c0_i32_0 : i32, i32
  }
  func.func @transform_9(%arg0: i32, %arg1: i32) -> (i32, i32, i32) {
    %c0_i32 = arith.constant 0 : i32
    %c0_i32_0 = arith.constant 0 : i32
    return %arg1, %arg0, %c0_i32 : i32, i32, i32
  }
}

module attributes {stable_mosaic.version = 14 : i64} {
  func.func @_tc_e(%arg0: memref<2x10240x128xf32, #tpu.memory_space<vmem>>, %arg1: memref<1x128xf32, #tpu.memory_space<vmem>>, %arg2: memref<1x128xf32, #tpu.memory_space<vmem>>, %arg3: memref<1x128xf32, #tpu.memory_space<vmem>>, %arg4: memref<1x128xf32, #tpu.memory_space<vmem>>, %arg5: memref<10000x128xf32, #tpu.memory_space<vmem>>) attributes {dimension_semantics = [], scalar_prefetch = 0 : i64, scratch_operands = 0 : i64, tpu.core_type = #tpu.core_type<tc>} {
    %get3A = arith.constant 0 : index
    %get3A_0 = arith.constant 0 : index
    %get3A_1 = vector.load %arg1[%get3A, %get3A_0] : memref<1x128xf32, #tpu.memory_space<vmem>>, vector<1x128xf32>
    %get3A_2 = arith.constant 0 : index
    %get3A_3 = arith.constant 0 : index
    %get3A_4 = vector.load %arg4[%get3A_2, %get3A_3] : memref<1x128xf32, #tpu.memory_space<vmem>>, vector<1x128xf32>
    %add3A = arith.constant 9.99999974E-6 : f32
    %add3A_5 = vector.broadcast %add3A : f32 to vector<1x128xf32>
    %add3A_6 = arith.addf %get3A_4, %add3A_5 : vector<1x128xf32>
    %rsqrt3A = math.rsqrt %add3A_6 : vector<1x128xf32>
    %mul3A = arith.mulf %get3A_1, %rsqrt3A : vector<1x128xf32>
    %get3A_7 = arith.constant 0 : index
    %get3A_8 = arith.constant 0 : index
    %get3A_9 = vector.load %arg2[%get3A_7, %get3A_8] : memref<1x128xf32, #tpu.memory_space<vmem>>, vector<1x128xf32>
    %get3A_10 = arith.constant 0 : index
    %get3A_11 = arith.constant 0 : index
    %get3A_12 = vector.load %arg3[%get3A_10, %get3A_11] : memref<1x128xf32, #tpu.memory_space<vmem>>, vector<1x128xf32>
    %mul3A_13 = arith.mulf %get3A_12, %mul3A : vector<1x128xf32>
    %sub3A = arith.subf %get3A_9, %mul3A_13 : vector<1x128xf32>
    %get3A_14 = arith.constant 0 : index
    %get3A_15 = arith.constant 0 : index
    %get3A_16 = arith.constant 0 : index
    %get3A_17 = vector.load %arg0[%get3A_14, %get3A_15, %get3A_16] : memref<2x10240x128xf32, #tpu.memory_space<vmem>>, vector<1x10240x128xf32>
    %get3A_18 = vector.shape_cast %get3A_17 : vector<1x10240x128xf32> to vector<10240x128xf32>
    %get3A_19 = arith.constant 1 : index
    %get3A_20 = arith.constant 0 : index
    %get3A_21 = arith.constant 0 : index
    %get3A_22 = vector.load %arg0[%get3A_19, %get3A_20, %get3A_21] : memref<2x10240x128xf32, #tpu.memory_space<vmem>>, vector<1x10240x128xf32>
    %get3A_23 = vector.shape_cast %get3A_22 : vector<1x10240x128xf32> to vector<10240x128xf32>
    %add3A_24 = arith.addf %get3A_18, %get3A_23 : vector<10240x128xf32>
    %slice3A = vector.extract_strided_slice %add3A_24 {offsets = [0, 0], sizes = [10000, 128], strides = [1, 1]} : vector<10240x128xf32> to vector<10000x128xf32>
    %add3A_25 = vector.broadcast %sub3A : vector<1x128xf32> to vector<10000x128xf32>
    %add3A_26 = arith.addf %slice3A, %add3A_25 : vector<10000x128xf32>
    %max3A = arith.constant 0.000000e+00 : f32
    %max3A_27 = vector.broadcast %max3A : f32 to vector<10000x128xf32>
    %max3A_28 = arith.maximumf %add3A_26, %max3A_27 : vector<10000x128xf32>
    %swap3A = arith.constant 0 : index
    %swap3A_29 = arith.constant 0 : index
    %swap3A_30 = vector.load %arg5[%swap3A, %swap3A_29] : memref<10000x128xf32, #tpu.memory_space<vmem>>, vector<10000x128xf32>
    tpu.vector_store %arg5[%swap3A, %swap3A_29], %max3A_28 {strides = array<i32>} : memref<10000x128xf32, #tpu.memory_space<vmem>>, vector<10000x128xf32>,
    return
  }
}

</mosaic_0001>

<sc_bundles>
// kernel: kernel.11.cloned.1.call-start
scs
__scs_entry_jumppad:
0x0: {  	(pc) =	sbr.rel $0x88, $3  }
0x1: {  	(tag) =	ssettag $0x0;
	lr =	simm.s32 $0x1  }
0x2: {  	[smem:$0x3F80] =	sst lr;
	_ =	strace $0xD0000000  }
0x3: {  	_ = 	snop  }
0x4: {  	_ = 	snop  }
0x5: {  	_ = 	snop  }
0x6: {  	_ = 	snop  }
0x7: {  	_ = 	snop  }
__scs_overlays_trampoline_lowered:
0x8: {  	[smem:$0x3F8F] =	sst s0  }
0x9: {  	[smem:$0x3F90] =	sst s1  }
0xa: {  	[smem:$0x3F91] =	sst s2  }
0xb: {  	[smem:$0x3F92] =	sst s3  }
0xc: {  	[smem:$0x3F93] =	sst s4  }
0xd: {  	[smem:$0x3F94] =	sst s5  }
0xe: {  	[smem:$0x3F95] =	sst s6  }
0xf: {  	[smem:$0x3F96] =	sst s7  }
0x10: {  	[smem:$0x3F97] =	sst s8  }
0x11: {  	[smem:$0x3F98] =	sst s9;
	s0 =	simm.s32 @!p0 $0x0  }
0x12: {  	s1 =	sld [smem:$0x3F7E];
	s0 =	simm.s32 @p0 $0x1  }
0x13: {  	[smem:$0x3F99] =	sst s0;
	s0 =	simm.s32 @!p1 $0x0  }
0x14: {  	s2 =	sld [smem:$0x3F7D];
	s0 =	simm.s32 @p1 $0x1  }
0x15: {  	[smem:$0x3F9A] =	sst s0;
	s0 =	simm.s32 @!p2 $0x0  }
0x16: {  	s3 =	sld [smem:$0x3FDB];
	s0 =	simm.s32 @p2 $0x1  }
0x17: {  	s4 =	simm.s32 $0x1BF5;
	[smem:$0x3F9C] =	sst s0  }
0x18: {  	s0 =	sld [smem:$0x3F7F];
	_ =	swait.ge [sflag:s4], $0x0  }
0x19: {  	s7 =	sld [smem:$0x3F80]  }
0x1a: {  	s8 =	sadd.s32 $0xFFFFE003, lr  }
0x1b: {  	s9 =	sadd.s32 $0xFFFFFEF7, lr;
	s5 =	simm.s32 $0xFFFFFFFF;
	p2 =	slt.u32 s8, $0xFFFFF086  }
0x1c: {  	p1 =	slt.u32 s9, $0xF7A;
	s5 =	simm.s32 @!p2 $0x0  }
0x1d: {  	s5 =	simm.s32 @p1 $0x1;
	p0 =	seq.s32 s7, s2  }
0x1e: {  	s7 =	smul.u32 @!p0 $0xF7A, s2;
	p2 =	seq.s32 @!p0 s5, $0x0  }
0x1f: {  	s9 =	smul.u32 $0xF7A, s1;
	s8 =	simm.s32 @!p0 $0x1BF5;
	p2 =	por !p2, p0  }
0x20: {  	[sflag:s8] =	ssyncset.s32 @!p0 $0xFFFFF086;
	s6 =	sadd.s32 @!p0 s3, s7;
	s7 =	simm.s32 @!p0 $0x108  }
0x21: {  	s3 =	sadd.s32 s3, s9;
	s6 =	sadd.s32 @!p0 $0x88, s6;
	s7 =	simm.s32 @p2 $0x1082  }
0x22: {  	[simem:s7], [sflag:s8] =	dma.local @!p0 [hbm:s6], $0xF7A  }
0x23: {  	s9 =	sor.u32 $0xD0000000, s2;
	s6 =	simm.s32 $0x108;
	_ =	swait.ge @!p0 [sflag:s8], $0x0  }
0x24: {  	s3 =	sadd.s32 $0x88, s3;
	s6 =	simm.s32 @!p1 $0x1082;
	[sflag:s4] =	ssyncset.s32 $0xFFFFF086  }
0x25: {  	[simem:s6], [sflag:s4] =	dma.local [hbm:s3], $0xF7A  }
0x26: {  	[smem:$0x3F80] =	sst s1;
	(tag) =	ssettag s2;
	_ =	strace s9  }
0x27: {  	s1 =	sld [smem:$0x3F90]  }
0x28: {  	s2 =	sld [smem:$0x3F91]  }
0x29: {  	s4 =	sld [smem:$0x3F93]  }
0x2a: {  	p0 =	seq.s32 s5, $0x0;
	s5 =	sld [smem:$0x3F94]  }
0x2b: {  	s6 =	sld [smem:$0x3F95]  }
0x2c: {  	s7 =	sld [smem:$0x3F96]  }
0x2d: {  	s3 =	simm.s32 $0x108;
	s8 =	sld [smem:$0x3F97]  }
0x2e: {  	s3 =	simm.s32 @!p0 $0x1082;
	s9 =	sld [smem:$0x3F98]  }
0x2f: {  	lr =	sadd.s32 s0, s3;
	s0 =	sld [smem:$0x3F8F]  }
0x30: {  	s3 =	sld [smem:$0x3F92]  }
0x31: {  	[smem:$0x3F9B] =	sst s10  }
0x32: {  	s10 =	sld [smem:$0x3F99];
	_ =	sdelay $0x3  }
0x33: {  	p0 =	seq.s32 s10, $0x1;
	s10 =	sld [smem:$0x3F9B];
	_ =	sdelay $0x3  }
0x34: {  	[smem:$0x3F9B] =	sst s10  }
0x35: {  	s10 =	sld [smem:$0x3F9A];
	_ =	sdelay $0x3  }
0x36: {  	p1 =	seq.s32 s10, $0x1;
	s10 =	sld [smem:$0x3F9B];
	_ =	sdelay $0x3  }
0x37: {  	[smem:$0x3F9B] =	sst s10  }
0x38: {  	s10 =	sld [smem:$0x3F9C]  }
0x39: {  	_ = 	snop;
	(pc) =	sbr.ind lr, $3  }
0x3a: {  	_ = 	snop  }
0x3b: {  	_ = 	snop  }
0x3c: {  	p2 =	seq.s32 s10, $0x1;
	s10 =	sld [smem:$0x3F9B]  }
0x3d: {  	_ =	shalt  }
0x3e: {  	_ =	shalt  }
0x3f: {  	_ =	shalt  }
0x40: {  	_ =	shalt  }
0x41: {  	_ =	shalt  }
0x42: {  	_ =	shalt  }
0x43: {  	_ =	shalt  }
0x44: {  	_ =	shalt  }
0x45: {  	_ =	shalt  }
0x46: {  	_ =	shalt  }
0x47: {  	_ =	shalt  }
0x48: {  	_ =	shalt  }
0x49: {  	_ =	shalt  }
0x4a: {  	_ =	shalt  }
0x4b: {  	_ =	shalt  }
0x4c: {  	_ =	shalt  }
0x4d: {  	_ =	shalt  }
0x4e: {  	_ =	shalt  }
0x4f: {  	_ =	shalt  }
0x50: {  	_ =	shalt  }
0x51: {  	_ =	shalt  }
0x52: {  	_ =	shalt  }
0x53: {  	_ =	shalt  }
0x54: {  	_ =	shalt  }
0x55: {  	_ =	shalt  }
0x56: {  	_ =	shalt  }
0x57: {  	_ =	shalt  }
0x58: {  	_ =	shalt  }
0x59: {  	_ =	shalt  }
0x5a: {  	_ =	shalt  }
0x5b: {  	_ =	shalt  }
0x5c: {  	_ =	shalt  }
0x5d: {  	_ =	shalt  }
0x5e: {  	_ =	shalt  }
0x5f: {  	_ =	shalt  }
0x60: {  	_ =	shalt  }
0x61: {  	_ =	shalt  }
0x62: {  	_ =	shalt  }
0x63: {  	_ =	shalt  }
0x64: {  	_ =	shalt  }
0x65: {  	_ =	shalt  }
0x66: {  	_ =	shalt  }
0x67: {  	_ =	shalt  }
0x68: {  	_ =	shalt  }
0x69: {  	_ =	shalt  }
0x6a: {  	_ =	shalt  }
0x6b: {  	_ =	shalt  }
0x6c: {  	_ =	shalt  }
0x6d: {  	_ =	shalt  }
0x6e: {  	_ =	shalt  }
0x6f: {  	_ =	shalt  }
0x70: {  	_ =	shalt  }
0x71: {  	_ =	shalt  }
0x72: {  	_ =	shalt  }
0x73: {  	_ =	shalt  }
0x74: {  	_ =	shalt  }
0x75: {  	_ =	shalt  }
0x76: {  	_ =	shalt  }
0x77: {  	_ =	shalt  }
0x78: {  	_ =	shalt  }
0x79: {  	_ =	shalt  }
0x7a: {  	_ =	shalt  }
0x7b: {  	_ =	shalt  }
0x7c: {  	_ =	shalt  }
0x7d: {  	_ =	shalt  }
0x7e: {  	_ =	shalt  }
0x7f: {  	_ =	shalt  }
0x80: {  	_ =	shalt  }
0x81: {  	_ =	shalt  }
0x82: {  	_ =	shalt  }
0x83: {  	_ =	shalt  }
0x84: {  	_ =	shalt  }
0x85: {  	_ =	shalt  }
0x86: {  	_ =	shalt  }
0x87: {  	_ =	shalt  }
.Lfunc_end0:
.L_simem_size_0:
called_computation_lowered:
.L_overlay_start_0:
0x88: {  	s2 =	sld [smem:$0x3FD9]  }
0x89: {  	s3 =	sld [smem:$0x3FFE];
	_ =	sdelay $0x1  }
0x8a: {  	s1 =	srdreg.scid  }
0x8b: {  	s0 =	sand.u32 $0x1, s1  }
0x8c: {  	s17 =	sshll.u32 s0, $0xA;
	s2 =	sadd.s32 s3, s2  }
0x8d: {  	s2 =	sadd.s32 s2, s17  }
0x8e: {  	[smem:$0x3FA7] =	sst s2  }
0x8f: {  	_ = 	snop  }
0x90: {  	s2 =	sld [smem:$0x3FD0];
	(tm) =	ssettm $0x1  }
0x91: {  	s18 =	sld [smem:$0x3FFB];
	_ =	sdelay $0x3  }
0x92: {  	_ =	strace s18  }
0x93: {  	s3 =	sld [smem:$0x3FFC];
	_ =	sdelay $0x3  }
0x94: {  	_ =	strace s3  }
0x95: {  	s3 =	sld [smem:$0x3FFD];
	_ =	sdelay $0x3  }
0x96: {  	_ =	strace s3  }
0x97: {  	_ =	strace $0x8FFFFFFF  }
0x98: {  	s19 =	sld [smem:$0x3FDB];
	_ =	sdelay $0x1  }
0x99: {  	s4 =	simm.s32 $_scs_section_size  }
0x9a: {  	s5 =	simm.s32 $_size__tile_overlayer_lowered;
	s6 =	simm.s32 $_tile_overlayer_lowered  }
0x9b: {  	s22 =	simm.s32 $0x1BFF;
	s21 =	sshll.u32 s6, $0x1;
	s3 =	sadd.s32 s4, s19  }
0x9c: {  	s7 =	simm.s32 $0x0;
	s20 =	sshll.u32 s5, $0x1;
	s5 =	sadd.s32 s21, s3  }
0x9d: {  	[timem:s7], [sflag:s22] =	dma.local [hbm:s5], s20  }
0x9e: {  	_ =	swait.ge [sflag:s22], s20  }
0x9f: {  	s4 =	ssub.s32 $0x0, s20;
	[sflag:s22] =	ssyncset.done $0x0  }
0xa0: {  	[sflag:s22] =	ssyncadd.s32 s4;
	_ =	sdelay $0x1  }
0xa1: {  	s23 =	simm.s32 $0x1B8B  }
0xa2: {  	_ =	swait.ge [sflag:s23], $0x1  }
0xa3: {  	[sflag:s23] =	ssyncset.done $0x0  }
0xa4: {  	s25 =	simm.s32 $0x1B8E;
	s24 =	sld [smem:$0x3FFE];
	[sflag:s23] =	ssyncadd.s32 $0xFFFFFFFF  }
0xa5: {  	s26 =	simm.s32 $execute0_lowered;
	[smem:$0x3FD2] =	sst s25  }
0xa6: {  	s5 =	sshll.u32 s26, $0x1;
	_ =	strace $0x80000046;
	[dreg:$0x1] =	wrdreg $0xFFFFFFFF  }
0xa7: {  	s28 =	simm.s32 $_size_execute0_lowered;
	s3 =	sadd.s32 s3, s5;
	[dreg:$0x0] =	wrdreg $0x0  }
0xa8: {  	s5 =	sshll.u32 s28, $0x1;
	[dreg:$0x2] =	wrdreg s3  }
0xa9: {  	[dreg:$0x3] =	wrdreg s5  }
0xaa: {  	[dreg:$0x4] =	wrdreg $0xC0  }
0xab: {  	_ =	task [dreg:s7], $0x5FFFF  }
0xac: {  	[dreg:$0x1] =	wrdreg $0xFFFFFFFF  }
0xad: {  	[dreg:$0x0] =	wrdreg $0x60  }
0xae: {  	[dreg:$0x2] =	wrdreg s2  }
0xaf: {  	[dreg:$0x3] =	wrdreg s24  }
0xb0: {  	[dreg:$0x4] =	wrdreg $0x9  }
0xb1: {  	_ =	task.clear_ibuf [dreg:s7], $0x5FFFF;
	_ =	strace $0x90000046  }
0xb2: {  	s29 =	simm.s32 $0x9;
	_ =	strace $0x80000048  }
0xb3: {  	_ =	swait.ge [sflag:s29], $0x1  }
0xb4: {  	[sflag:s29] =	ssyncadd.s32 $0xFFFFFFFF  }
0xb5: {  	_ =	strace $0x90000048  }
0xb6: {  	_ =	sfence  }
0xb7: {  	s30 =	sld [smem:$0x0];
	_ =	sdelay $0x2  }
0xb8: {  	s31 =	sshll.u32 s1, $0xD;
	s1 =	sshrl.u32 s1, $0x2  }
0xb9: {  	s3 =	sand.u32 $0x4000, s31;
	s1 =	sadd.s32 s1, s30  }
0xba: {  	s0 =	sor.u32 s3, s0;
	s1 =	sshll.u32 s1, $0x11  }
0xbb: {  	s0 =	sor.u32 s1, s0  }
0xbc: {  	s0 =	sadd.s32 $0x8F2B, s0  }
0xbd: {  	[sflag:s0] =	ssyncadd.remote.s32 $0x1  }
0xbe: {  	_ =	sfence.sel $0xFFFF  }
0xbf: {  	[dreg:$0x0] =	wrdreg $0xFFFFFFFF;
	(pc) =	sbr.abs _section_cstart, $3  }
0xc0: {  	[dreg:$0x1] =	wrdreg $0xFFFFFFFF  }
0xc1: {  	_ =	task.clear_ibuf [dreg:s7], $0x2FFFF;
	_ =	strace $0x9FFFFFFF  }
0xc2: {  	(tm) =	ssettm $0x7FFFFFFF  }
0xc3: {  	_ =	shalt  }
tec
execute0_lowered:
.L_overlay_start_1:
0x0: {  	(tag) =	ssettag $0x1  }
0x1: {  	s1 =	srdreg.scid  }
0x2: {  	s0 =	stileid.u32;
	s8 =	sand.u32 $0x1, s1  }
0x3: {  	s2 =	rddreg [dreg:$0x0];
	s30 =	sshll.u32 s0, $0x6;
	s3 =	sshll.u32 s8, $0x5  }
0x4: {  	s12 =	rddreg [dreg:$0x1];
	s13 =	sor.u32 s3, s30  }
0x5: {  	s1 =	rddreg [dreg:$0x2];
	s3 =	simm.s32 $0x0;
	s4 =	sshrl.u32 s13, $0x3  }
0x6: {  	[smem:$0x7FF] =	sst s3;
	s6 =	sadd.s32 s4, s12  }
0x7: {  	_ =	strace $0x80000047;
	s4 =	simm.s32 $0x2;
	s5 =	sadd.s32 $0x6400, s6  }
0x8: {  	[tilespmem:s3], [sflag:$0x2] =	stream.linear.gather [hbm4b:s5+s3], $0x20, $0x38;
	[tilespmem:$0x1180] =	vst v63  }
0x9: {  	_ =	swait.ge [sflag:s4], $0x20  }
0xa: {  	[sflag:s4] =	ssyncset.done $0x0  }
0xb: {  	s7 =	simm.s32 $0x80;
	s6 =	sadd.s32 $0x6600, s6;
	[sflag:s4] =	ssyncadd.s32 $0xFFFFFFE0  }
0xc: {  	[tilespmem:s7], [sflag:$0x2] =	stream.linear.gather [hbm4b:s6+s3], $0x20, $0x38;
	[tilespmem:$0x1180] =	vst v63  }
0xd: {  	_ =	swait.ge [sflag:s4], $0x20  }
0xe: {  	[sflag:s4] =	ssyncset.done $0x0  }
0xf: {  	[sflag:s4] =	ssyncadd.s32 $0xFFFFFFE0  }
0x10: {  	v0 =	vld [tilespmem:$0x80]  }
0x11: {  	v1 =	vld [tilespmem:$0x90]  }
0x12: {  	v2 =	vld [tilespmem:$0x0]  }
0x13: {  	v3 =	vld [tilespmem:$0x10];
	_ =	sdelay $0x1  }
0x14: {  	s14 =	ssub.s32 $0x2, s8;
	v0 =	vmul.u32 $0xA0, v0  }
0x15: {  	s15 =	sshrl.u32 s14, $0x1;
	v1 =	vmul.u32 $0xA0, v1  }
0x16: {  	s13 =	sshll.u32 s13, $0x4;
	s31 =	ssub.s32 s14, s15;
	v0 =	vadd.s32 v2, v0  }
0x17: {  	s9 =	simm.s32 $0x100;
	s12 =	sadd.s32 s13, s12;
	s13 =	smax.u32 s31, $0x1;
	v63 =	vadd.s32 v3, v1;
	[tilespmem:$0x100] =	vst v0  }
0x18: {  	s10 =	simm.s32 $0x180;
	s8 =	simm.s32 $0x20;
	p0 =	sne.s32 s13, $0x1;
	[tilespmem:$0x110] =	vst v63  }
0x19: {  	[tilespmem:s10], [sflag:$0x1] =	stream.indirect.gather [hbm4b:s2+s8], $0x80, s9, s8, $0xb8;
	[tilespmem:$0x1180] =	vst v63  }
.Ltmp0:
0x1a: {  	s11 =	simm.s32 $0x1;
	(pc) =	sbr.rel @!p0 .LBB2_2-.Ltmp0, $4  }
0x1b: {  	_ =	swait.ge [sflag:s11], $0x1000  }
0x1c: {  	[sflag:s11] =	ssyncset.done $0x0  }
0x1d: {  	s12 =	sadd.s32 $0x6800, s12;
	s13 =	sadd.s32 $0xFFFFFFFF, s13;
	[sflag:s11] =	ssyncadd.s32 $0xFFFFF000  }
0x1e: {  	[hbm4b:s12+s3] =	stream.linear.scatter [tilespmem:s10], [sflag:$0x2], $0x1000, $0x38;
	[tilespmem:$0x1180] =	vst v63  }
.LBB2_1:
0x1f: {  	p0 =	sne.s32 s13, $0x1;
	s13 =	sadd.s32 $0xFFFFFFFF, s13;
	_ =	swait.ge [sflag:s4], $0x1000  }
0x20: {  	[sflag:s4] =	ssyncset.done $0x0  }
0x21: {  	[sflag:s4] =	ssyncadd.s32 $0xFFFFF000  }
0x22: {  	[tilespmem:s3], [sflag:$0x2] =	stream.linear.gather [hbm4b:s5+s3], $0x20, $0x38;
	[tilespmem:$0x1180] =	vst v63  }
0x23: {  	_ =	swait.ge [sflag:s4], $0x20  }
0x24: {  	[sflag:s4] =	ssyncset.done $0x0  }
0x25: {  	[sflag:s4] =	ssyncadd.s32 $0xFFFFFFE0  }
0x26: {  	[tilespmem:s7], [sflag:$0x2] =	stream.linear.gather [hbm4b:s6+s3], $0x20, $0x38;
	[tilespmem:$0x1180] =	vst v63  }
0x27: {  	_ =	swait.ge [sflag:s4], $0x20  }
0x28: {  	[sflag:s4] =	ssyncset.done $0x0  }
0x29: {  	[sflag:s4] =	ssyncadd.s32 $0xFFFFFFE0  }
0x2a: {  	v0 =	vld [tilespmem:$0x80]  }
0x2b: {  	v1 =	vld [tilespmem:$0x90]  }
0x2c: {  	v2 =	vld [tilespmem:$0x0]  }
0x2d: {  	v3 =	vld [tilespmem:$0x10];
	_ =	sdelay $0x1  }
0x2e: {  	v0 =	vmul.u32 $0xA0, v0  }
0x2f: {  	v1 =	vmul.u32 $0xA0, v1  }
0x30: {  	v0 =	vadd.s32 v2, v0  }
0x31: {  	[tilespmem:$0x100] =	vst v0;
	v0 =	vadd.s32 v3, v1  }
0x32: {  	[tilespmem:$0x110] =	vst v0  }
0x33: {  	[tilespmem:s10], [sflag:$0x1] =	stream.indirect.gather [hbm4b:s2+s8], $0x80, s9, s8, $0xb8;
	[tilespmem:$0x1180] =	vst v63  }
.Ltmp1:
0x34: {  	_ = 	snop;
	(pc) =	sbr.rel @p0 .LBB2_1-.Ltmp1, $4  }
0x35: {  	_ =	swait.ge [sflag:s11], $0x1000  }
0x36: {  	[sflag:s11] =	ssyncset.done $0x0  }
0x37: {  	[sflag:s11] =	ssyncadd.s32 $0xFFFFF000  }
0x38: {  	[hbm4b:s12+s3] =	stream.linear.scatter [tilespmem:s10], [sflag:$0x2], $0x1000, $0x38;
	[tilespmem:$0x1180] =	vst v63  }
.LBB2_2:
0x39: {  	_ =	swait.ge [sflag:s4], $0x1000  }
0x3a: {  	[sflag:s4] =	ssyncset.done $0x0  }
0x3b: {  	[sflag:s4] =	ssyncadd.s32 $0xFFFFF000  }
0x3c: {  	_ =	sfence.sel $0x180000  }
0x3d: {  	[bflag:$0x0] =	sbarrier.arrive $0xFFFF  }
0x3e: {  	p0 =	sne.s32 s0, $0x0;
	_ =	strace $0x90000047  }
0x3f: {  	s0 =	sadd.s32 @!p0 $0x100000, s1;
	[bflag:$0x2] =	sbarrier.arrive $0xFFFF  }
0x40: {  	[sflag:s0] =	ssyncadd.tile.s32 @!p0 $0x1;
	_ =	shalt  }
.Lfunc_end2:
_tile_overlayer_lowered:
.L_overlay_start_2:
0x41: {  	(tag) =	ssettag $0x2  }
0x42: {  	s0 =	rddreg [dreg:$0x0];
	s2 =	stileid.u32  }
0x43: {  	s1 =	rddreg [dreg:$0x1];
	p0 =	sne.s32 s2, $0x0  }
0x44: {  	s3 =	rddreg [dreg:$0x2];
	[bflag:$0x3] =	sbarrier.arrive $0xFFFF;
	s2 =	simm.s32 @!p0 $0x1C02  }
0x45: {  	[timem:s3], [sflag:s2] =	dma.local @!p0 [hbm:s0], s1  }
0x46: {  	s0 =	simm.s32 @!p0 $0x2  }
0x47: {  	_ =	swait.ge @!p0 [sflag:s0], s1  }
0x48: {  	s1 =	ssub.s32 @!p0 $0x0, s1;
	[sflag:s0] =	ssyncset.done @!p0 $0x0  }
0x49: {  	[sflag:s0] =	ssyncadd.s32 @!p0 s1  }
0x4a: {  	[bflag:$0x3] =	sbarrier.arrive $0xFFFF  }
0x4b: {  	_ =	shalt  }

// kernel: kernel.14.cloned.1.call-start
scs
__scs_entry_jumppad:
0x0: {  	(pc) =	sbr.rel $0x88, $3  }
0x1: {  	(tag) =	ssettag $0x0;
	lr =	simm.s32 $0x1  }
0x2: {  	[smem:$0x3F80] =	sst lr;
	_ =	strace $0xD0000000  }
0x3: {  	_ = 	snop  }
0x4: {  	_ = 	snop  }
0x5: {  	_ = 	snop  }
0x6: {  	_ = 	snop  }
0x7: {  	_ = 	snop  }
__scs_overlays_trampoline_lowered:
0x8: {  	[smem:$0x3F8F] =	sst s0  }
0x9: {  	[smem:$0x3F90] =	sst s1  }
0xa: {  	[smem:$0x3F91] =	sst s2  }
0xb: {  	[smem:$0x3F92] =	sst s3  }
0xc: {  	[smem:$0x3F93] =	sst s4  }
0xd: {  	[smem:$0x3F94] =	sst s5  }
0xe: {  	[smem:$0x3F95] =	sst s6  }
0xf: {  	[smem:$0x3F96] =	sst s7  }
0x10: {  	[smem:$0x3F97] =	sst s8  }
0x11: {  	[smem:$0x3F98] =	sst s9;
	s0 =	simm.s32 @!p0 $0x0  }
0x12: {  	s1 =	sld [smem:$0x3F7E];
	s0 =	simm.s32 @p0 $0x1  }
0x13: {  	[smem:$0x3F99] =	sst s0;
	s0 =	simm.s32 @!p1 $0x0  }
0x14: {  	s2 =	sld [smem:$0x3F7D];
	s0 =	simm.s32 @p1 $0x1  }
0x15: {  	[smem:$0x3F9A] =	sst s0;
	s0 =	simm.s32 @!p2 $0x0  }
0x16: {  	s3 =	sld [smem:$0x3FDB];
	s0 =	simm.s32 @p2 $0x1  }
0x17: {  	s4 =	simm.s32 $0x1BF5;
	[smem:$0x3F9C] =	sst s0  }
0x18: {  	s0 =	sld [smem:$0x3F7F];
	_ =	swait.ge [sflag:s4], $0x0  }
0x19: {  	s7 =	sld [smem:$0x3F80]  }
0x1a: {  	s8 =	sadd.s32 $0xFFFFE003, lr  }
0x1b: {  	s9 =	sadd.s32 $0xFFFFFEF7, lr;
	s5 =	simm.s32 $0xFFFFFFFF;
	p2 =	slt.u32 s8, $0xFFFFF086  }
0x1c: {  	p1 =	slt.u32 s9, $0xF7A;
	s5 =	simm.s32 @!p2 $0x0  }
0x1d: {  	s5 =	simm.s32 @p1 $0x1;
	p0 =	seq.s32 s7, s2  }
0x1e: {  	s7 =	smul.u32 @!p0 $0xF7A, s2;
	p2 =	seq.s32 @!p0 s5, $0x0  }
0x1f: {  	s9 =	smul.u32 $0xF7A, s1;
	s8 =	simm.s32 @!p0 $0x1BF5;
	p2 =	por !p2, p0  }
0x20: {  	[sflag:s8] =	ssyncset.s32 @!p0 $0xFFFFF086;
	s6 =	sadd.s32 @!p0 s3, s7;
	s7 =	simm.s32 @!p0 $0x108  }
0x21: {  	s3 =	sadd.s32 s3, s9;
	s6 =	sadd.s32 @!p0 $0x88, s6;
	s7 =	simm.s32 @p2 $0x1082  }
0x22: {  	[simem:s7], [sflag:s8] =	dma.local @!p0 [hbm:s6], $0xF7A  }
0x23: {  	s9 =	sor.u32 $0xD0000000, s2;
	s6 =	simm.s32 $0x108;
	_ =	swait.ge @!p0 [sflag:s8], $0x0  }
0x24: {  	s3 =	sadd.s32 $0x88, s3;
	s6 =	simm.s32 @!p1 $0x1082;
	[sflag:s4] =	ssyncset.s32 $0xFFFFF086  }
0x25: {  	[simem:s6], [sflag:s4] =	dma.local [hbm:s3], $0xF7A  }
0x26: {  	[smem:$0x3F80] =	sst s1;
	(tag) =	ssettag s2;
	_ =	strace s9  }
0x27: {  	s1 =	sld [smem:$0x3F90]  }
0x28: {  	s2 =	sld [smem:$0x3F91]  }
0x29: {  	s4 =	sld [smem:$0x3F93]  }
0x2a: {  	p0 =	seq.s32 s5, $0x0;
	s5 =	sld [smem:$0x3F94]  }
0x2b: {  	s6 =	sld [smem:$0x3F95]  }
0x2c: {  	s7 =	sld [smem:$0x3F96]  }
0x2d: {  	s3 =	simm.s32 $0x108;
	s8 =	sld [smem:$0x3F97]  }
0x2e: {  	s3 =	simm.s32 @!p0 $0x1082;
	s9 =	sld [smem:$0x3F98]  }
0x2f: {  	lr =	sadd.s32 s0, s3;
	s0 =	sld [smem:$0x3F8F]  }
0x30: {  	s3 =	sld [smem:$0x3F92]  }
0x31: {  	[smem:$0x3F9B] =	sst s10  }
0x32: {  	s10 =	sld [smem:$0x3F99];
	_ =	sdelay $0x3  }
0x33: {  	p0 =	seq.s32 s10, $0x1;
	s10 =	sld [smem:$0x3F9B];
	_ =	sdelay $0x3  }
0x34: {  	[smem:$0x3F9B] =	sst s10  }
0x35: {  	s10 =	sld [smem:$0x3F9A];
	_ =	sdelay $0x3  }
0x36: {  	p1 =	seq.s32 s10, $0x1;
	s10 =	sld [smem:$0x3F9B];
	_ =	sdelay $0x3  }
0x37: {  	[smem:$0x3F9B] =	sst s10  }
0x38: {  	s10 =	sld [smem:$0x3F9C]  }
0x39: {  	_ = 	snop;
	(pc) =	sbr.ind lr, $3  }
0x3a: {  	_ = 	snop  }
0x3b: {  	_ = 	snop  }
0x3c: {  	p2 =	seq.s32 s10, $0x1;
	s10 =	sld [smem:$0x3F9B]  }
0x3d: {  	_ =	shalt  }
0x3e: {  	_ =	shalt  }
0x3f: {  	_ =	shalt  }
0x40: {  	_ =	shalt  }
0x41: {  	_ =	shalt  }
0x42: {  	_ =	shalt  }
0x43: {  	_ =	shalt  }
0x44: {  	_ =	shalt  }
0x45: {  	_ =	shalt  }
0x46: {  	_ =	shalt  }
0x47: {  	_ =	shalt  }
0x48: {  	_ =	shalt  }
0x49: {  	_ =	shalt  }
0x4a: {  	_ =	shalt  }
0x4b: {  	_ =	shalt  }
0x4c: {  	_ =	shalt  }
0x4d: {  	_ =	shalt  }
0x4e: {  	_ =	shalt  }
0x4f: {  	_ =	shalt  }
0x50: {  	_ =	shalt  }
0x51: {  	_ =	shalt  }
0x52: {  	_ =	shalt  }
0x53: {  	_ =	shalt  }
0x54: {  	_ =	shalt  }
0x55: {  	_ =	shalt  }
0x56: {  	_ =	shalt  }
0x57: {  	_ =	shalt  }
0x58: {  	_ =	shalt  }
0x59: {  	_ =	shalt  }
0x5a: {  	_ =	shalt  }
0x5b: {  	_ =	shalt  }
0x5c: {  	_ =	shalt  }
0x5d: {  	_ =	shalt  }
0x5e: {  	_ =	shalt  }
0x5f: {  	_ =	shalt  }
0x60: {  	_ =	shalt  }
0x61: {  	_ =	shalt  }
0x62: {  	_ =	shalt  }
0x63: {  	_ =	shalt  }
0x64: {  	_ =	shalt  }
0x65: {  	_ =	shalt  }
0x66: {  	_ =	shalt  }
0x67: {  	_ =	shalt  }
0x68: {  	_ =	shalt  }
0x69: {  	_ =	shalt  }
0x6a: {  	_ =	shalt  }
0x6b: {  	_ =	shalt  }
0x6c: {  	_ =	shalt  }
0x6d: {  	_ =	shalt  }
0x6e: {  	_ =	shalt  }
0x6f: {  	_ =	shalt  }
0x70: {  	_ =	shalt  }
0x71: {  	_ =	shalt  }
0x72: {  	_ =	shalt  }
0x73: {  	_ =	shalt  }
0x74: {  	_ =	shalt  }
0x75: {  	_ =	shalt  }
0x76: {  	_ =	shalt  }
0x77: {  	_ =	shalt  }
0x78: {  	_ =	shalt  }
0x79: {  	_ =	shalt  }
0x7a: {  	_ =	shalt  }
0x7b: {  	_ =	shalt  }
0x7c: {  	_ =	shalt  }
0x7d: {  	_ =	shalt  }
0x7e: {  	_ =	shalt  }
0x7f: {  	_ =	shalt  }
0x80: {  	_ =	shalt  }
0x81: {  	_ =	shalt  }
0x82: {  	_ =	shalt  }
0x83: {  	_ =	shalt  }
0x84: {  	_ =	shalt  }
0x85: {  	_ =	shalt  }
0x86: {  	_ =	shalt  }
0x87: {  	_ =	shalt  }
.Lfunc_end0:
.L_simem_size_0:
called_computation.1_lowered:
.L_overlay_start_0:
0x88: {  	s2 =	sld [smem:$0x3FD9]  }
0x89: {  	s3 =	sld [smem:$0x3FFE];
	_ =	sdelay $0x1  }
0x8a: {  	s1 =	srdreg.scid  }
0x8b: {  	s0 =	sand.u32 $0x1, s1  }
0x8c: {  	s17 =	sshll.u32 s0, $0xA;
	s2 =	sadd.s32 s3, s2  }
0x8d: {  	s2 =	sadd.s32 s2, s17  }
0x8e: {  	[smem:$0x3FA7] =	sst s2  }
0x8f: {  	_ = 	snop  }
0x90: {  	s2 =	sld [smem:$0x3FD0];
	(tm) =	ssettm $0x1  }
0x91: {  	s18 =	sld [smem:$0x3FFB];
	_ =	sdelay $0x3  }
0x92: {  	_ =	strace s18  }
0x93: {  	s3 =	sld [smem:$0x3FFC];
	_ =	sdelay $0x3  }
0x94: {  	_ =	strace s3  }
0x95: {  	s3 =	sld [smem:$0x3FFD];
	_ =	sdelay $0x3  }
0x96: {  	_ =	strace s3  }
0x97: {  	_ =	strace $0x8FFFFFFF  }
0x98: {  	s19 =	sld [smem:$0x3FDB];
	_ =	sdelay $0x1  }
0x99: {  	s4 =	simm.s32 $_scs_section_size  }
0x9a: {  	s5 =	simm.s32 $_size__tile_overlayer_lowered;
	s6 =	simm.s32 $_tile_overlayer_lowered  }
0x9b: {  	s22 =	simm.s32 $0x1BFF;
	s21 =	sshll.u32 s6, $0x1;
	s3 =	sadd.s32 s4, s19  }
0x9c: {  	s7 =	simm.s32 $0x0;
	s20 =	sshll.u32 s5, $0x1;
	s5 =	sadd.s32 s21, s3  }
0x9d: {  	[timem:s7], [sflag:s22] =	dma.local [hbm:s5], s20  }
0x9e: {  	_ =	swait.ge [sflag:s22], s20  }
0x9f: {  	s4 =	ssub.s32 $0x0, s20;
	[sflag:s22] =	ssyncset.done $0x0  }
0xa0: {  	[sflag:s22] =	ssyncadd.s32 s4;
	_ =	sdelay $0x1  }
0xa1: {  	s23 =	simm.s32 $0x1B8B  }
0xa2: {  	_ =	swait.ge [sflag:s23], $0x1  }
0xa3: {  	[sflag:s23] =	ssyncset.done $0x0  }
0xa4: {  	s25 =	simm.s32 $0x1B8E;
	s24 =	sld [smem:$0x3FFE];
	[sflag:s23] =	ssyncadd.s32 $0xFFFFFFFF  }
0xa5: {  	s26 =	simm.s32 $execute0_lowered;
	[smem:$0x3FD2] =	sst s25  }
0xa6: {  	s5 =	sshll.u32 s26, $0x1;
	_ =	strace $0x80000049;
	[dreg:$0x1] =	wrdreg $0xFFFFFFFF  }
0xa7: {  	s28 =	simm.s32 $_size_execute0_lowered;
	s3 =	sadd.s32 s3, s5;
	[dreg:$0x0] =	wrdreg $0x0  }
0xa8: {  	s5 =	sshll.u32 s28, $0x1;
	[dreg:$0x2] =	wrdreg s3  }
0xa9: {  	[dreg:$0x3] =	wrdreg s5  }
0xaa: {  	[dreg:$0x4] =	wrdreg $0xC0  }
0xab: {  	_ =	task [dreg:s7], $0x5FFFF  }
0xac: {  	[dreg:$0x1] =	wrdreg $0xFFFFFFFF  }
0xad: {  	[dreg:$0x0] =	wrdreg $0x60  }
0xae: {  	[dreg:$0x2] =	wrdreg s24  }
0xaf: {  	[dreg:$0x3] =	wrdreg s2  }
0xb0: {  	[dreg:$0x4] =	wrdreg $0x9  }
0xb1: {  	_ =	task.clear_ibuf [dreg:s7], $0x5FFFF;
	_ =	strace $0x90000049  }
0xb2: {  	s29 =	simm.s32 $0x9;
	_ =	strace $0x8000004B  }
0xb3: {  	_ =	swait.ge [sflag:s29], $0x1  }
0xb4: {  	[sflag:s29] =	ssyncadd.s32 $0xFFFFFFFF  }
0xb5: {  	_ =	strace $0x9000004B  }
0xb6: {  	_ =	sfence  }
0xb7: {  	s30 =	sld [smem:$0x0];
	_ =	sdelay $0x2  }
0xb8: {  	s31 =	sshll.u32 s1, $0xD;
	s1 =	sshrl.u32 s1, $0x2  }
0xb9: {  	s3 =	sand.u32 $0x4000, s31;
	s1 =	sadd.s32 s1, s30  }
0xba: {  	s0 =	sor.u32 s3, s0;
	s1 =	sshll.u32 s1, $0x11  }
0xbb: {  	s0 =	sor.u32 s1, s0  }
0xbc: {  	s0 =	sadd.s32 $0x8F2B, s0  }
0xbd: {  	[sflag:s0] =	ssyncadd.remote.s32 $0x1  }
0xbe: {  	_ =	sfence.sel $0xFFFF  }
0xbf: {  	[dreg:$0x0] =	wrdreg $0xFFFFFFFF;
	(pc) =	sbr.abs _section_cstart, $3  }
0xc0: {  	[dreg:$0x1] =	wrdreg $0xFFFFFFFF  }
0xc1: {  	_ =	task.clear_ibuf [dreg:s7], $0x2FFFF;
	_ =	strace $0x9FFFFFFF  }
0xc2: {  	(tm) =	ssettm $0x7FFFFFFF  }
0xc3: {  	_ =	shalt  }
tec
execute0_lowered:
.L_overlay_start_1:
0x0: {  	(tag) =	ssettag $0x1  }
0x1: {  	s4 =	rddreg [dreg:$0x0];
	s1 =	srdreg.scid  }
0x2: {  	s0 =	stileid.u32;
	s6 =	rddreg [dreg:$0x1];
	s2 =	simm.s32 $0x0  }
0x3: {  	s10 =	simm.s32 $0x180;
	s11 =	simm.s32 $0x980;
	s12 =	simm.s32 $0x1180  }
0x4: {  	s13 =	simm.s32 $0x1980;
	s14 =	simm.s32 $0x2180;
	s15 =	simm.s32 $0x2980  }
0x5: {  	s16 =	simm.s32 $0x3180;
	s17 =	simm.s32 $0x3980;
	s18 =	simm.s32 $0x4180  }
0x6: {  	s19 =	simm.s32 $0x4980;
	s5 =	sand.u32 $0x1, s1;
	s3 =	sshll.u32 s0, $0x1  }
0x7: {  	s20 =	simm.s32 $0x1;
	s1 =	rddreg [dreg:$0x2];
	s7 =	sor.u32 s5, s3  }
0x8: {  	[smem:$0x7FF] =	sst s2;
	s5 =	ssub.s32 $0x2, s5;
	s8 =	smul.u32 $0xA, s7  }
0x9: {  	_ =	strace $0x8000004A;
	s31 =	sshrl.u32 s5, $0x1;
	s7 =	smul.u32 $0xA00, s7  }
0xa: {  	v2 =	vlaneseq.u32;
	s3 =	sadd.s32 $0xB000, s4;
	s9 =	ssub.s32 s5, s31;
	s8 =	sadd.s32 s8, s4  }
0xb: {  	vm0 =	vmmov $0xffff;
	v1 =	vshrl.u32 v2, $0x3;
	s6 =	sadd.s32 s6, s7;
	s7 =	smax.u32 s9, $0x1;
	s9 =	simm.s32 $0x80  }
0xc: {  	v0 =	vand.u32 $0x7, v2;
	v2 =	vor.u32 $0x8, v2;
	v1 =	vmul.u32 $0x8, v1;
	s4 =	sadd.s32 $0xA800, s8;
	s5 =	sadd.s32 $0xAE00, s8;
	s8 =	simm.s32 $0x2  }
.LBB2_1:
0xd: {  	[tilespmem:s2], [sflag:$0x2] =	stream.linear.gather [hbm4b:s4+s2], $0x50, $0x38;
	[tilespmem:$0x5180] =	vst v63  }
0xe: {  	_ =	swait.ge [sflag:s8], $0x50  }
0xf: {  	[sflag:s8] =	ssyncset.done $0x0  }
0x10: {  	[sflag:s8] =	ssyncadd.s32 $0xFFFFFFB0  }
0x11: {  	[tilespmem:s9], [sflag:$0x2] =	stream.linear.gather [hbm4b:s5+s2], $0x50, $0x38;
	[tilespmem:$0x5180] =	vst v63  }
0x12: {  	_ =	swait.ge [sflag:s8], $0x50  }
0x13: {  	[sflag:s8] =	ssyncset.done $0x0  }
0x14: {  	[sflag:s8] =	ssyncadd.s32 $0xFFFFFFB0  }
0x15: {  	v3 =	vld [tilespmem:$0x80];
	_ =	sdelay $0x1  }
0x16: {  	v4 =	vld [tilespmem:$0x0];
	_ =	sdelay $0x1  }
0x17: {  	v5 =	vld [tilespmem:$0x90]  }
0x18: {  	v6 =	vld [tilespmem:$0x10];
	v3 =	vmul.u32 $0x280, v3  }
0x19: {  	v7 =	vld [tilespmem:$0xA0]  }
0x1a: {  	v8 =	vld [tilespmem:$0x20];
	v3 =	vadd.s32 v4, v3  }
0x1b: {  	v9 =	vld [tilespmem:$0xB0];
	v10 =	vshll.u32 v3, $0x1  }
0x1c: {  	v11 =	vld [tilespmem:$0xC0];
	v4 =	vand.u32 $0x7, v4;
	v10 =	vand.u32 $0xFFFFFFF0, v10  }
0x1d: {  	v12 =	vld [tilespmem:$0x30];
	v5 =	vmul.u32 $0x280, v5;
	v4 =	vor.u32 v4, v10  }
0x1e: {  	v55 =	vld [tilespmem:$0x40];
	v13 =	vperm.xlane v4, v0  }
0x1f: {  	v56 =	vmul.u32 $0x280, v7;
	v5 =	vadd.s32 v6, v5  }
0x20: {  	[tilespmem:$0x100] =	vst v3;
	v3 =	vmul.u32 $0x280, v9;
	v4 =	vperm.xlane v4, v2;
	v57 =	vadd.s32 v1, v13  }
0x21: {  	v59 =	vmul.u32 $0x280, v11;
	v58 =	vadd.s32 v8, v56;
	[tilespmem:$0x110] =	vst v5  }
0x22: {  	[tilespmem:$0x120] =	vst v58;
	v3 =	vadd.s32 v12, v3;
	v4 =	vadd.s32 v1, v4  }
0x23: {  	[tilespmem:$0x130] =	vst v3;
	v3 =	vadd.s32 v55, v59  }
0x24: {  	[tilespmem:$0x140] =	vst v3  }
0x25: {  	[tilespmem:s10], [sflag:$0x1] =	stream.indirect_vreg.gather [hbm4b:s3+s2], $0x80, v57, vm0, $0xb8;
	[tilespmem:$0x5180] =	vst v63  }
0x26: {  	_ = 	snop  }
0x27: {  	[tilespmem:s11], [sflag:$0x1] =	stream.indirect_vreg.gather [hbm4b:s3+s2], $0x80, v4, vm0, $0xb8;
	[tilespmem:$0x5180] =	vst v63  }
0x28: {  	v3 =	vld [tilespmem:$0x110];
	_ =	sdelay $0x4  }
0x29: {  	v60 =	vshll.u32 v3, $0x1  }
0x2a: {  	v3 =	vand.u32 $0x7, v3;
	v4 =	vand.u32 $0xFFFFFFF0, v60  }
0x2b: {  	v3 =	vor.u32 v3, v4  }
0x2c: {  	v4 =	vperm.xlane v3, v0;
	_ =	sdelay $0x1  }
0x2d: {  	v3 =	vperm.xlane v3, v2;
	v4 =	vadd.s32 v1, v4;
	_ =	sdelay $0x1  }
0x2e: {  	v3 =	vadd.s32 v1, v3;
	_ =	sdelay $0x2  }
0x2f: {  	[tilespmem:s12], [sflag:$0x1] =	stream.indirect_vreg.gather [hbm4b:s3+s2], $0x80, v4, vm0, $0xb8;
	[tilespmem:$0x5180] =	vst v63  }
0x30: {  	_ = 	snop  }
0x31: {  	[tilespmem:s13], [sflag:$0x1] =	stream.indirect_vreg.gather [hbm4b:s3+s2], $0x80, v3, vm0, $0xb8;
	[tilespmem:$0x5180] =	vst v63  }
0x32: {  	v3 =	vld [tilespmem:$0x120];
	_ =	sdelay $0x4  }
0x33: {  	v61 =	vshll.u32 v3, $0x1  }
0x34: {  	v3 =	vand.u32 $0x7, v3;
	v4 =	vand.u32 $0xFFFFFFF0, v61  }
0x35: {  	v3 =	vor.u32 v3, v4  }
0x36: {  	v4 =	vperm.xlane v3, v0;
	_ =	sdelay $0x1  }
0x37: {  	v3 =	vperm.xlane v3, v2;
	v4 =	vadd.s32 v1, v4;
	_ =	sdelay $0x1  }
0x38: {  	v3 =	vadd.s32 v1, v3;
	_ =	sdelay $0x2  }
0x39: {  	[tilespmem:s14], [sflag:$0x1] =	stream.indirect_vreg.gather [hbm4b:s3+s2], $0x80, v4, vm0, $0xb8;
	[tilespmem:$0x5180] =	vst v63  }
0x3a: {  	_ = 	snop  }
0x3b: {  	[tilespmem:s15], [sflag:$0x1] =	stream.indirect_vreg.gather [hbm4b:s3+s2], $0x80, v3, vm0, $0xb8;
	[tilespmem:$0x5180] =	vst v63  }
0x3c: {  	v3 =	vld [tilespmem:$0x130];
	_ =	sdelay $0x4  }
0x3d: {  	v62 =	vshll.u32 v3, $0x1  }
0x3e: {  	v3 =	vand.u32 $0x7, v3;
	v4 =	vand.u32 $0xFFFFFFF0, v62  }
0x3f: {  	v3 =	vor.u32 v3, v4  }
0x40: {  	v4 =	vperm.xlane v3, v0;
	_ =	sdelay $0x1  }
0x41: {  	v3 =	vperm.xlane v3, v2;
	v4 =	vadd.s32 v1, v4;
	_ =	sdelay $0x1  }
0x42: {  	v3 =	vadd.s32 v1, v3;
	_ =	sdelay $0x2  }
0x43: {  	[tilespmem:s16], [sflag:$0x1] =	stream.indirect_vreg.gather [hbm4b:s3+s2], $0x80, v4, vm0, $0xb8;
	[tilespmem:$0x5180] =	vst v63  }
0x44: {  	_ = 	snop  }
0x45: {  	[tilespmem:s17], [sflag:$0x1] =	stream.indirect_vreg.gather [hbm4b:s3+s2], $0x80, v3, vm0, $0xb8;
	[tilespmem:$0x5180] =	vst v63  }
0x46: {  	v3 =	vld [tilespmem:$0x140];
	_ =	sdelay $0x4  }
0x47: {  	v63 =	vshll.u32 v3, $0x1  }
0x48: {  	v3 =	vand.u32 $0x7, v3;
	v4 =	vand.u32 $0xFFFFFFF0, v63  }
0x49: {  	v3 =	vor.u32 v3, v4  }
0x4a: {  	v4 =	vperm.xlane v3, v0;
	_ =	sdelay $0x1  }
0x4b: {  	v3 =	vperm.xlane v3, v2;
	v4 =	vadd.s32 v1, v4;
	_ =	sdelay $0x1  }
0x4c: {  	v3 =	vadd.s32 v1, v3;
	_ =	sdelay $0x2  }
0x4d: {  	[tilespmem:s18], [sflag:$0x1] =	stream.indirect_vreg.gather [hbm4b:s3+s2], $0x80, v4, vm0, $0xb8;
	[tilespmem:$0x5180] =	vst v63  }
0x4e: {  	_ = 	snop  }
0x4f: {  	[tilespmem:s19], [sflag:$0x1] =	stream.indirect_vreg.gather [hbm4b:s3+s2], $0x80, v3, vm0, $0xb8;
	[tilespmem:$0x5180] =	vst v63  }
0x50: {  	_ =	swait.ge [sflag:s20], $0x5000  }
0x51: {  	p0 =	sne.s32 s7, $0x1;
	[sflag:s20] =	ssyncset.done $0x0  }
.Ltmp0:
0x52: {  	[sflag:s20] =	ssyncadd.s32 $0xFFFFB000;
	(pc) =	sbr.rel @p0 .LBB2_1-.Ltmp0, $4  }
0x53: {  	[hbm4b:s6+s2] =	stream.linear.scatter [tilespmem:s10], [sflag:$0x2], $0x5000, $0x38;
	[tilespmem:$0x5180] =	vst v63  }
0x54: {  	_ =	swait.ge [sflag:s8], $0x5000  }
0x55: {  	[sflag:s8] =	ssyncset.done $0x0  }
0x56: {  	s7 =	sadd.s32 $0xFFFFFFFF, s7;
	[sflag:s8] =	ssyncadd.s32 $0xFFFFB000  }
0x57: {  	_ =	sfence.sel $0x180000  }
0x58: {  	[bflag:$0x0] =	sbarrier.arrive $0xFFFF  }
0x59: {  	p0 =	sne.s32 s0, $0x0;
	_ =	strace $0x9000004A  }
0x5a: {  	s0 =	sadd.s32 @!p0 $0x100000, s1;
	[bflag:$0x2] =	sbarrier.arrive $0xFFFF  }
0x5b: {  	[sflag:s0] =	ssyncadd.tile.s32 @!p0 $0x1;
	_ =	shalt  }
.Lfunc_end2:
_tile_overlayer_lowered:
.L_overlay_start_2:
0x5c: {  	(tag) =	ssettag $0x2  }
0x5d: {  	s0 =	rddreg [dreg:$0x0];
	s2 =	stileid.u32  }
0x5e: {  	s1 =	rddreg [dreg:$0x1];
	p0 =	sne.s32 s2, $0x0  }
0x5f: {  	s3 =	rddreg [dreg:$0x2];
	[bflag:$0x3] =	sbarrier.arrive $0xFFFF;
	s2 =	simm.s32 @!p0 $0x1C02  }
0x60: {  	[timem:s3], [sflag:s2] =	dma.local @!p0 [hbm:s0], s1  }
0x61: {  	s0 =	simm.s32 @!p0 $0x2  }
0x62: {  	_ =	swait.ge @!p0 [sflag:s0], s1  }
0x63: {  	s1 =	ssub.s32 @!p0 $0x0, s1;
	[sflag:s0] =	ssyncset.done @!p0 $0x0  }
0x64: {  	[sflag:s0] =	ssyncadd.s32 @!p0 s1  }
0x65: {  	[bflag:$0x3] =	sbarrier.arrive $0xFFFF  }
0x66: {  	_ =	shalt  }

// kernel: kernel.17.cloned.1.call-start
scs
__scs_entry_jumppad:
0x0: {  	(pc) =	sbr.rel $0x88, $3  }
0x1: {  	(tag) =	ssettag $0x0;
	lr =	simm.s32 $0x1  }
0x2: {  	[smem:$0x3F80] =	sst lr;
	_ =	strace $0xD0000000  }
0x3: {  	_ = 	snop  }
0x4: {  	_ = 	snop  }
0x5: {  	_ = 	snop  }
0x6: {  	_ = 	snop  }
0x7: {  	_ = 	snop  }
__scs_overlays_trampoline_lowered:
0x8: {  	[smem:$0x3F8F] =	sst s0  }
0x9: {  	[smem:$0x3F90] =	sst s1  }
0xa: {  	[smem:$0x3F91] =	sst s2  }
0xb: {  	[smem:$0x3F92] =	sst s3  }
0xc: {  	[smem:$0x3F93] =	sst s4  }
0xd: {  	[smem:$0x3F94] =	sst s5  }
0xe: {  	[smem:$0x3F95] =	sst s6  }
0xf: {  	[smem:$0x3F96] =	sst s7  }
0x10: {  	[smem:$0x3F97] =	sst s8  }
0x11: {  	[smem:$0x3F98] =	sst s9;
	s0 =	simm.s32 @!p0 $0x0  }
0x12: {  	s1 =	sld [smem:$0x3F7E];
	s0 =	simm.s32 @p0 $0x1  }
0x13: {  	[smem:$0x3F99] =	sst s0;
	s0 =	simm.s32 @!p1 $0x0  }
0x14: {  	s2 =	sld [smem:$0x3F7D];
	s0 =	simm.s32 @p1 $0x1  }
0x15: {  	[smem:$0x3F9A] =	sst s0;
	s0 =	simm.s32 @!p2 $0x0  }
0x16: {  	s3 =	sld [smem:$0x3FDB];
	s0 =	simm.s32 @p2 $0x1  }
0x17: {  	s4 =	simm.s32 $0x1BF5;
	[smem:$0x3F9C] =	sst s0  }
0x18: {  	s0 =	sld [smem:$0x3F7F];
	_ =	swait.ge [sflag:s4], $0x0  }
0x19: {  	s7 =	sld [smem:$0x3F80]  }
0x1a: {  	s8 =	sadd.s32 $0xFFFFE003, lr  }
0x1b: {  	s9 =	sadd.s32 $0xFFFFFEF7, lr;
	s5 =	simm.s32 $0xFFFFFFFF;
	p2 =	slt.u32 s8, $0xFFFFF086  }
0x1c: {  	p1 =	slt.u32 s9, $0xF7A;
	s5 =	simm.s32 @!p2 $0x0  }
0x1d: {  	s5 =	simm.s32 @p1 $0x1;
	p0 =	seq.s32 s7, s2  }
0x1e: {  	s7 =	smul.u32 @!p0 $0xF7A, s2;
	p2 =	seq.s32 @!p0 s5, $0x0  }
0x1f: {  	s9 =	smul.u32 $0xF7A, s1;
	s8 =	simm.s32 @!p0 $0x1BF5;
	p2 =	por !p2, p0  }
0x20: {  	[sflag:s8] =	ssyncset.s32 @!p0 $0xFFFFF086;
	s6 =	sadd.s32 @!p0 s3, s7;
	s7 =	simm.s32 @!p0 $0x108  }
0x21: {  	s3 =	sadd.s32 s3, s9;
	s6 =	sadd.s32 @!p0 $0x88, s6;
	s7 =	simm.s32 @p2 $0x1082  }
0x22: {  	[simem:s7], [sflag:s8] =	dma.local @!p0 [hbm:s6], $0xF7A  }
0x23: {  	s9 =	sor.u32 $0xD0000000, s2;
	s6 =	simm.s32 $0x108;
	_ =	swait.ge @!p0 [sflag:s8], $0x0  }
0x24: {  	s3 =	sadd.s32 $0x88, s3;
	s6 =	simm.s32 @!p1 $0x1082;
	[sflag:s4] =	ssyncset.s32 $0xFFFFF086  }
0x25: {  	[simem:s6], [sflag:s4] =	dma.local [hbm:s3], $0xF7A  }
0x26: {  	[smem:$0x3F80] =	sst s1;
	(tag) =	ssettag s2;
	_ =	strace s9  }
0x27: {  	s1 =	sld [smem:$0x3F90]  }
0x28: {  	s2 =	sld [smem:$0x3F91]  }
0x29: {  	s4 =	sld [smem:$0x3F93]  }
0x2a: {  	p0 =	seq.s32 s5, $0x0;
	s5 =	sld [smem:$0x3F94]  }
0x2b: {  	s6 =	sld [smem:$0x3F95]  }
0x2c: {  	s7 =	sld [smem:$0x3F96]  }
0x2d: {  	s3 =	simm.s32 $0x108;
	s8 =	sld [smem:$0x3F97]  }
0x2e: {  	s3 =	simm.s32 @!p0 $0x1082;
	s9 =	sld [smem:$0x3F98]  }
0x2f: {  	lr =	sadd.s32 s0, s3;
	s0 =	sld [smem:$0x3F8F]  }
0x30: {  	s3 =	sld [smem:$0x3F92]  }
0x31: {  	[smem:$0x3F9B] =	sst s10  }
0x32: {  	s10 =	sld [smem:$0x3F99];
	_ =	sdelay $0x3  }
0x33: {  	p0 =	seq.s32 s10, $0x1;
	s10 =	sld [smem:$0x3F9B];
	_ =	sdelay $0x3  }
0x34: {  	[smem:$0x3F9B] =	sst s10  }
0x35: {  	s10 =	sld [smem:$0x3F9A];
	_ =	sdelay $0x3  }
0x36: {  	p1 =	seq.s32 s10, $0x1;
	s10 =	sld [smem:$0x3F9B];
	_ =	sdelay $0x3  }
0x37: {  	[smem:$0x3F9B] =	sst s10  }
0x38: {  	s10 =	sld [smem:$0x3F9C]  }
0x39: {  	_ = 	snop;
	(pc) =	sbr.ind lr, $3  }
0x3a: {  	_ = 	snop  }
0x3b: {  	_ = 	snop  }
0x3c: {  	p2 =	seq.s32 s10, $0x1;
	s10 =	sld [smem:$0x3F9B]  }
0x3d: {  	_ =	shalt  }
0x3e: {  	_ =	shalt  }
0x3f: {  	_ =	shalt  }
0x40: {  	_ =	shalt  }
0x41: {  	_ =	shalt  }
0x42: {  	_ =	shalt  }
0x43: {  	_ =	shalt  }
0x44: {  	_ =	shalt  }
0x45: {  	_ =	shalt  }
0x46: {  	_ =	shalt  }
0x47: {  	_ =	shalt  }
0x48: {  	_ =	shalt  }
0x49: {  	_ =	shalt  }
0x4a: {  	_ =	shalt  }
0x4b: {  	_ =	shalt  }
0x4c: {  	_ =	shalt  }
0x4d: {  	_ =	shalt  }
0x4e: {  	_ =	shalt  }
0x4f: {  	_ =	shalt  }
0x50: {  	_ =	shalt  }
0x51: {  	_ =	shalt  }
0x52: {  	_ =	shalt  }
0x53: {  	_ =	shalt  }
0x54: {  	_ =	shalt  }
0x55: {  	_ =	shalt  }
0x56: {  	_ =	shalt  }
0x57: {  	_ =	shalt  }
0x58: {  	_ =	shalt  }
0x59: {  	_ =	shalt  }
0x5a: {  	_ =	shalt  }
0x5b: {  	_ =	shalt  }
0x5c: {  	_ =	shalt  }
0x5d: {  	_ =	shalt  }
0x5e: {  	_ =	shalt  }
0x5f: {  	_ =	shalt  }
0x60: {  	_ =	shalt  }
0x61: {  	_ =	shalt  }
0x62: {  	_ =	shalt  }
0x63: {  	_ =	shalt  }
0x64: {  	_ =	shalt  }
0x65: {  	_ =	shalt  }
0x66: {  	_ =	shalt  }
0x67: {  	_ =	shalt  }
0x68: {  	_ =	shalt  }
0x69: {  	_ =	shalt  }
0x6a: {  	_ =	shalt  }
0x6b: {  	_ =	shalt  }
0x6c: {  	_ =	shalt  }
0x6d: {  	_ =	shalt  }
0x6e: {  	_ =	shalt  }
0x6f: {  	_ =	shalt  }
0x70: {  	_ =	shalt  }
0x71: {  	_ =	shalt  }
0x72: {  	_ =	shalt  }
0x73: {  	_ =	shalt  }
0x74: {  	_ =	shalt  }
0x75: {  	_ =	shalt  }
0x76: {  	_ =	shalt  }
0x77: {  	_ =	shalt  }
0x78: {  	_ =	shalt  }
0x79: {  	_ =	shalt  }
0x7a: {  	_ =	shalt  }
0x7b: {  	_ =	shalt  }
0x7c: {  	_ =	shalt  }
0x7d: {  	_ =	shalt  }
0x7e: {  	_ =	shalt  }
0x7f: {  	_ =	shalt  }
0x80: {  	_ =	shalt  }
0x81: {  	_ =	shalt  }
0x82: {  	_ =	shalt  }
0x83: {  	_ =	shalt  }
0x84: {  	_ =	shalt  }
0x85: {  	_ =	shalt  }
0x86: {  	_ =	shalt  }
0x87: {  	_ =	shalt  }
.Lfunc_end0:
.L_simem_size_0:
called_computation.2_lowered:
.L_overlay_start_0:
0x88: {  	s2 =	sld [smem:$0x3FD9]  }
0x89: {  	s3 =	sld [smem:$0x3FFE];
	_ =	sdelay $0x1  }
0x8a: {  	s1 =	srdreg.scid  }
0x8b: {  	s0 =	sand.u32 $0x1, s1  }
0x8c: {  	s16 =	sshll.u32 s0, $0xA;
	s2 =	sadd.s32 s3, s2  }
0x8d: {  	s2 =	sadd.s32 s2, s16  }
0x8e: {  	[smem:$0x3FA7] =	sst s2  }
0x8f: {  	_ = 	snop  }
0x90: {  	(tm) =	ssettm $0x1  }
0x91: {  	s17 =	sld [smem:$0x3FFB];
	_ =	sdelay $0x3  }
0x92: {  	_ =	strace s17  }
0x93: {  	s2 =	sld [smem:$0x3FFC];
	_ =	sdelay $0x3  }
0x94: {  	_ =	strace s2  }
0x95: {  	s2 =	sld [smem:$0x3FFD];
	_ =	sdelay $0x3  }
0x96: {  	_ =	strace s2  }
0x97: {  	_ =	strace $0x8FFFFFFF  }
0x98: {  	s18 =	sld [smem:$0x3FDB];
	_ =	sdelay $0x1  }
0x99: {  	s19 =	simm.s32 $_scs_section_size  }
0x9a: {  	s4 =	simm.s32 $_size__tile_overlayer_lowered;
	s5 =	simm.s32 $_tile_overlayer_lowered  }
0x9b: {  	s22 =	simm.s32 $0x1BFF;
	s21 =	sshll.u32 s5, $0x1;
	s2 =	sadd.s32 s19, s18  }
0x9c: {  	s6 =	simm.s32 $0x0;
	s20 =	sshll.u32 s4, $0x1;
	s4 =	sadd.s32 s21, s2  }
0x9d: {  	[timem:s6], [sflag:s22] =	dma.local [hbm:s4], s20  }
0x9e: {  	_ =	swait.ge [sflag:s22], s20  }
0x9f: {  	s3 =	ssub.s32 $0x0, s20;
	[sflag:s22] =	ssyncset.done $0x0  }
0xa0: {  	[sflag:s22] =	ssyncadd.s32 s3;
	_ =	sdelay $0x1  }
0xa1: {  	s23 =	simm.s32 $0x1B8B  }
0xa2: {  	_ =	swait.ge [sflag:s23], $0x1  }
0xa3: {  	[sflag:s23] =	ssyncset.done $0x0  }
0xa4: {  	s25 =	simm.s32 $0x1B8E;
	s24 =	sld [smem:$0x3FFE];
	[sflag:s23] =	ssyncadd.s32 $0xFFFFFFFF  }
0xa5: {  	s26 =	simm.s32 $execute0_lowered;
	[smem:$0x3FD2] =	sst s25  }
0xa6: {  	s4 =	sshll.u32 s26, $0x1;
	_ =	strace $0x8000004C;
	[dreg:$0x1] =	wrdreg $0xFFFFFFFF  }
0xa7: {  	s28 =	simm.s32 $_size_execute0_lowered;
	s2 =	sadd.s32 s2, s4;
	[dreg:$0x0] =	wrdreg $0x0  }
0xa8: {  	s4 =	sshll.u32 s28, $0x1;
	[dreg:$0x2] =	wrdreg s2  }
0xa9: {  	[dreg:$0x3] =	wrdreg s4  }
0xaa: {  	[dreg:$0x4] =	wrdreg $0xC0  }
0xab: {  	_ =	task [dreg:s6], $0x5FFFF  }
0xac: {  	[dreg:$0x1] =	wrdreg $0xFFFFFFFF  }
0xad: {  	[dreg:$0x0] =	wrdreg $0x60  }
0xae: {  	[dreg:$0x2] =	wrdreg s24  }
0xaf: {  	[dreg:$0x3] =	wrdreg $0x9  }
0xb0: {  	_ =	task.clear_ibuf [dreg:s6], $0x4FFFF;
	_ =	strace $0x9000004C  }
0xb1: {  	s29 =	simm.s32 $0x9;
	_ =	strace $0x8000004E  }
0xb2: {  	_ =	swait.ge [sflag:s29], $0x1  }
0xb3: {  	[sflag:s29] =	ssyncadd.s32 $0xFFFFFFFF  }
0xb4: {  	_ =	strace $0x9000004E  }
0xb5: {  	_ =	sfence  }
0xb6: {  	s30 =	sld [smem:$0x0];
	_ =	sdelay $0x2  }
0xb7: {  	s31 =	sshll.u32 s1, $0xD;
	s1 =	sshrl.u32 s1, $0x2  }
0xb8: {  	s3 =	sand.u32 $0x4000, s31;
	s1 =	sadd.s32 s1, s30  }
0xb9: {  	s0 =	sor.u32 s3, s0;
	s1 =	sshll.u32 s1, $0x11  }
0xba: {  	s0 =	sor.u32 s1, s0  }
0xbb: {  	s0 =	sadd.s32 $0x8F2B, s0  }
0xbc: {  	[sflag:s0] =	ssyncadd.remote.s32 $0x1  }
0xbd: {  	_ =	sfence.sel $0xFFFF  }
0xbe: {  	[dreg:$0x0] =	wrdreg $0xFFFFFFFF;
	(pc) =	sbr.abs _section_cstart, $3  }
0xbf: {  	[dreg:$0x1] =	wrdreg $0xFFFFFFFF  }
0xc0: {  	_ =	task.clear_ibuf [dreg:s6], $0x2FFFF;
	_ =	strace $0x9FFFFFFF  }
0xc1: {  	(tm) =	ssettm $0x7FFFFFFF  }
tec
execute0_lowered:
.L_overlay_start_1:
0x0: {  	(tag) =	ssettag $0x1  }
0x1: {  	s4 =	rddreg [dreg:$0x0]  }
0x2: {  	s0 =	rddreg [dreg:$0x1]  }
0x3: {  	s3 =	srdreg.scid;
	s1 =	stileid.u32;
	s2 =	simm.s32 $0x0  }
0x4: {  	s12 =	simm.s32 $0x180;
	s13 =	simm.s32 $0x500;
	s14 =	simm.s32 $0xD00  }
0x5: {  	s15 =	simm.s32 $0x1500;
	s16 =	simm.s32 $0x1D00;
	s17 =	simm.s32 $0x2500  }
0x6: {  	s18 =	simm.s32 $0x2D00;
	s19 =	simm.s32 $0x3500;
	s20 =	simm.s32 $0x3D00  }
0x7: {  	s21 =	simm.s32 $0x4500;
	s5 =	sand.u32 $0x1, s3;
	s30 =	sshll.u32 s1, $0x1  }
0x8: {  	s22 =	simm.s32 $0x4D00;
	s23 =	simm.s32 $0x1;
	s6 =	sor.u32 s5, s30  }
0x9: {  	[smem:$0x7FF] =	sst s2;
	s3 =	sadd.s32 $0x6C00, s4;
	s7 =	smul.u32 $0x28, s6  }
0xa: {  	s9 =	sadd.s32 $0xA6C00, s4;
	s5 =	ssub.s32 $0x2, s5;
	s8 =	smul.u32 $0x14000, s6  }
0xb: {  	_ =	strace $0x8000004D;
	s31 =	sshrl.u32 s5, $0x1;
	s6 =	smul.u32 $0x2800, s6  }
0xc: {  	s10 =	ssub.s32 s5, s31;
	s7 =	sadd.s32 s7, s4;
	s8 =	sshrl.u32 s8, $0x3  }
0xd: {  	v2 =	vlaneseq.u32;
	s6 =	sadd.s32 s9, s6;
	s10 =	smax.u32 s10, $0x1;
	s11 =	sadd.s32 s9, s8  }
0xe: {  	vm0 =	vmmov $0xffff;
	v1 =	vshrl.u32 v2, $0x3;
	s4 =	sadd.s32 $0x6400, s7;
	s5 =	sadd.s32 $0x6A00, s7;
	s7 =	sadd.s32 $0xA00, s11  }
0xf: {  	v0 =	vand.u32 $0x7, v2;
	v2 =	vor.u32 $0x8, v2;
	v1 =	vmul.u32 $0x8, v1;
	s8 =	sadd.s32 $0x1400, s11;
	s9 =	sadd.s32 $0x1E00, s11;
	s11 =	simm.s32 $0x2  }
.LBB2_1:
0x10: {  	[tilespmem:s2], [sflag:$0x2] =	stream.linear.gather [hbm4b:s4+s2], $0x140, $0x38;
	[tilespmem:$0x5500] =	vst v63  }
0x11: {  	_ =	swait.ge [sflag:s11], $0x140  }
0x12: {  	[sflag:s11] =	ssyncset.done $0x0  }
0x13: {  	[sflag:s11] =	ssyncadd.s32 $0xFFFFFEC0  }
0x14: {  	[tilespmem:s12], [sflag:$0x2] =	stream.linear.gather [hbm4b:s5+s2], $0x140, $0x38;
	[tilespmem:$0x5500] =	vst v63  }
0x15: {  	_ =	swait.ge [sflag:s11], $0x140  }
0x16: {  	[sflag:s11] =	ssyncset.done $0x0  }
0x17: {  	[sflag:s11] =	ssyncadd.s32 $0xFFFFFEC0  }
0x18: {  	v3 =	vld [tilespmem:$0x180];
	_ =	sdelay $0x1  }
0x19: {  	v4 =	vld [tilespmem:$0x0];
	_ =	sdelay $0x1  }
0x1a: {  	v5 =	vld [tilespmem:$0x190]  }
0x1b: {  	v6 =	vld [tilespmem:$0x10];
	v3 =	vmul.u32 $0xA00, v3  }
0x1c: {  	v7 =	vld [tilespmem:$0x1A0]  }
0x1d: {  	v8 =	vld [tilespmem:$0x20];
	v3 =	vadd.s32 v4, v3  }
0x1e: {  	v9 =	vld [tilespmem:$0x1B0];
	v10 =	vshll.u32 v3, $0x1  }
0x1f: {  	v11 =	vld [tilespmem:$0x1C0];
	v4 =	vand.u32 $0x7, v4;
	v10 =	vand.u32 $0xFFFFFFF0, v10  }
0x20: {  	v12 =	vld [tilespmem:$0x30];
	v5 =	vmul.u32 $0xA00, v5;
	v4 =	vor.u32 v4, v10  }
0x21: {  	v46 =	vld [tilespmem:$0x40];
	v13 =	vperm.xlane v4, v0  }
0x22: {  	v47 =	vmul.u32 $0xA00, v7;
	v5 =	vadd.s32 v6, v5  }
0x23: {  	[tilespmem:$0x300] =	vst v3;
	v3 =	vmul.u32 $0xA00, v9;
	v4 =	vperm.xlane v4, v2;
	v48 =	vadd.s32 v1, v13  }
0x24: {  	v50 =	vmul.u32 $0xA00, v11;
	v49 =	vadd.s32 v8, v47;
	[tilespmem:$0x310] =	vst v5  }
0x25: {  	[tilespmem:$0x320] =	vst v49;
	v3 =	vadd.s32 v12, v3;
	v4 =	vadd.s32 v1, v4  }
0x26: {  	[tilespmem:$0x330] =	vst v3;
	v3 =	vadd.s32 v46, v50  }
0x27: {  	[tilespmem:$0x340] =	vst v3  }
0x28: {  	[tilespmem:s13], [sflag:$0x1] =	stream.indirect_vreg.gather [hbm4b:s3+s2], $0x80, v48, vm0, $0xb8;
	[tilespmem:$0x5500] =	vst v63  }
0x29: {  	_ = 	snop  }
0x2a: {  	[tilespmem:s14], [sflag:$0x1] =	stream.indirect_vreg.gather [hbm4b:s3+s2], $0x80, v4, vm0, $0xb8;
	[tilespmem:$0x5500] =	vst v63  }
0x2b: {  	v3 =	vld [tilespmem:$0x310];
	_ =	sdelay $0x4  }
0x2c: {  	v51 =	vshll.u32 v3, $0x1  }
0x2d: {  	v3 =	vand.u32 $0x7, v3;
	v4 =	vand.u32 $0xFFFFFFF0, v51  }
0x2e: {  	v3 =	vor.u32 v3, v4  }
0x2f: {  	v4 =	vperm.xlane v3, v0;
	_ =	sdelay $0x1  }
0x30: {  	v3 =	vperm.xlane v3, v2;
	v4 =	vadd.s32 v1, v4;
	_ =	sdelay $0x1  }
0x31: {  	v3 =	vadd.s32 v1, v3;
	_ =	sdelay $0x2  }
0x32: {  	[tilespmem:s15], [sflag:$0x1] =	stream.indirect_vreg.gather [hbm4b:s3+s2], $0x80, v4, vm0, $0xb8;
	[tilespmem:$0x5500] =	vst v63  }
0x33: {  	_ = 	snop  }
0x34: {  	[tilespmem:s16], [sflag:$0x1] =	stream.indirect_vreg.gather [hbm4b:s3+s2], $0x80, v3, vm0, $0xb8;
	[tilespmem:$0x5500] =	vst v63  }
0x35: {  	v3 =	vld [tilespmem:$0x320];
	_ =	sdelay $0x4  }
0x36: {  	v52 =	vshll.u32 v3, $0x1  }
0x37: {  	v3 =	vand.u32 $0x7, v3;
	v4 =	vand.u32 $0xFFFFFFF0, v52  }
0x38: {  	v3 =	vor.u32 v3, v4  }
0x39: {  	v4 =	vperm.xlane v3, v0;
	_ =	sdelay $0x1  }
0x3a: {  	v3 =	vperm.xlane v3, v2;
	v4 =	vadd.s32 v1, v4;
	_ =	sdelay $0x1  }
0x3b: {  	v3 =	vadd.s32 v1, v3;
	_ =	sdelay $0x2  }
0x3c: {  	[tilespmem:s17], [sflag:$0x1] =	stream.indirect_vreg.gather [hbm4b:s3+s2], $0x80, v4, vm0, $0xb8;
	[tilespmem:$0x5500] =	vst v63  }
0x3d: {  	_ = 	snop  }
0x3e: {  	[tilespmem:s18], [sflag:$0x1] =	stream.indirect_vreg.gather [hbm4b:s3+s2], $0x80, v3, vm0, $0xb8;
	[tilespmem:$0x5500] =	vst v63  }
0x3f: {  	v3 =	vld [tilespmem:$0x330];
	_ =	sdelay $0x4  }
0x40: {  	v53 =	vshll.u32 v3, $0x1  }
0x41: {  	v3 =	vand.u32 $0x7, v3;
	v4 =	vand.u32 $0xFFFFFFF0, v53  }
0x42: {  	v3 =	vor.u32 v3, v4  }
0x43: {  	v4 =	vperm.xlane v3, v0;
	_ =	sdelay $0x1  }
0x44: {  	v3 =	vperm.xlane v3, v2;
	v4 =	vadd.s32 v1, v4;
	_ =	sdelay $0x1  }
0x45: {  	v3 =	vadd.s32 v1, v3;
	_ =	sdelay $0x2  }
0x46: {  	[tilespmem:s19], [sflag:$0x1] =	stream.indirect_vreg.gather [hbm4b:s3+s2], $0x80, v4, vm0, $0xb8;
	[tilespmem:$0x5500] =	vst v63  }
0x47: {  	_ = 	snop  }
0x48: {  	[tilespmem:s20], [sflag:$0x1] =	stream.indirect_vreg.gather [hbm4b:s3+s2], $0x80, v3, vm0, $0xb8;
	[tilespmem:$0x5500] =	vst v63  }
0x49: {  	v3 =	vld [tilespmem:$0x340];
	_ =	sdelay $0x4  }
0x4a: {  	v54 =	vshll.u32 v3, $0x1  }
0x4b: {  	v3 =	vand.u32 $0x7, v3;
	v4 =	vand.u32 $0xFFFFFFF0, v54  }
0x4c: {  	v3 =	vor.u32 v3, v4  }
0x4d: {  	v4 =	vperm.xlane v3, v0;
	_ =	sdelay $0x1  }
0x4e: {  	v3 =	vperm.xlane v3, v2;
	v4 =	vadd.s32 v1, v4;
	_ =	sdelay $0x1  }
0x4f: {  	v3 =	vadd.s32 v1, v3;
	_ =	sdelay $0x2  }
0x50: {  	[tilespmem:s21], [sflag:$0x1] =	stream.indirect_vreg.gather [hbm4b:s3+s2], $0x80, v4, vm0, $0xb8;
	[tilespmem:$0x5500] =	vst v63  }
0x51: {  	_ = 	snop  }
0x52: {  	[tilespmem:s22], [sflag:$0x1] =	stream.indirect_vreg.gather [hbm4b:s3+s2], $0x80, v3, vm0, $0xb8;
	[tilespmem:$0x5500] =	vst v63  }
0x53: {  	_ =	swait.ge [sflag:s23], $0x5000  }
0x54: {  	[sflag:s23] =	ssyncset.done $0x0  }
0x55: {  	[sflag:s23] =	ssyncadd.s32 $0xFFFFB000  }
0x56: {  	[hbm4b:s6+s2] =	stream.linear.scatter [tilespmem:s13], [sflag:$0x2], $0x5000, $0x38;
	[tilespmem:$0x5500] =	vst v63  }
0x57: {  	_ =	swait.ge [sflag:s11], $0x5000  }
0x58: {  	[sflag:s11] =	ssyncset.done $0x0  }
0x59: {  	[sflag:s11] =	ssyncadd.s32 $0xFFFFB000  }
0x5a: {  	v3 =	vld [tilespmem:$0x1D0];
	_ =	sdelay $0x1  }
0x5b: {  	v55 =	vld [tilespmem:$0x50];
	_ =	sdelay $0x1  }
0x5c: {  	v56 =	vld [tilespmem:$0x1E0]  }
0x5d: {  	v57 =	vld [tilespmem:$0x60];
	v3 =	vmul.u32 $0xA00, v3  }
0x5e: {  	v58 =	vld [tilespmem:$0x1F0]  }
0x5f: {  	v59 =	vld [tilespmem:$0x70];
	v3 =	vadd.s32 v55, v3  }
0x60: {  	v60 =	vld [tilespmem:$0x200];
	v61 =	vshll.u32 v3, $0x1  }
0x61: {  	v62 =	vld [tilespmem:$0x210];
	v4 =	vand.u32 $0x7, v55;
	v10 =	vand.u32 $0xFFFFFFF0, v61  }
0x62: {  	v63 =	vld [tilespmem:$0x80];
	v5 =	vmul.u32 $0xA00, v56;
	v4 =	vor.u32 v4, v10  }
0x63: {  	v16 =	vld [tilespmem:$0x90];
	v17 =	vperm.xlane v4, v0  }
0x64: {  	v18 =	vmul.u32 $0xA00, v58;
	v5 =	vadd.s32 v57, v5  }
0x65: {  	[tilespmem:$0x380] =	vst v3;
	v3 =	vmul.u32 $0xA00, v60;
	v4 =	vperm.xlane v4, v2;
	v19 =	vadd.s32 v1, v17  }
0x66: {  	v21 =	vmul.u32 $0xA00, v62;
	v20 =	vadd.s32 v59, v18;
	[tilespmem:$0x390] =	vst v5  }
0x67: {  	[tilespmem:$0x3A0] =	vst v20;
	v3 =	vadd.s32 v63, v3;
	v4 =	vadd.s32 v1, v4  }
0x68: {  	[tilespmem:$0x3B0] =	vst v3;
	v3 =	vadd.s32 v16, v21  }
0x69: {  	[tilespmem:$0x3C0] =	vst v3  }
0x6a: {  	[tilespmem:s13], [sflag:$0x1] =	stream.indirect_vreg.gather [hbm4b:s3+s2], $0x80, v19, vm0, $0xb8;
	[tilespmem:$0x5500] =	vst v63  }
0x6b: {  	_ = 	snop  }
0x6c: {  	[tilespmem:s14], [sflag:$0x1] =	stream.indirect_vreg.gather [hbm4b:s3+s2], $0x80, v4, vm0, $0xb8;
	[tilespmem:$0x5500] =	vst v63  }
0x6d: {  	v3 =	vld [tilespmem:$0x390];
	_ =	sdelay $0x4  }
0x6e: {  	v22 =	vshll.u32 v3, $0x1  }
0x6f: {  	v3 =	vand.u32 $0x7, v3;
	v4 =	vand.u32 $0xFFFFFFF0, v22  }
0x70: {  	v3 =	vor.u32 v3, v4  }
0x71: {  	v4 =	vperm.xlane v3, v0;
	_ =	sdelay $0x1  }
0x72: {  	v3 =	vperm.xlane v3, v2;
	v4 =	vadd.s32 v1, v4;
	_ =	sdelay $0x1  }
0x73: {  	v3 =	vadd.s32 v1, v3;
	_ =	sdelay $0x2  }
0x74: {  	[tilespmem:s15], [sflag:$0x1] =	stream.indirect_vreg.gather [hbm4b:s3+s2], $0x80, v4, vm0, $0xb8;
	[tilespmem:$0x5500] =	vst v63  }
0x75: {  	_ = 	snop  }
0x76: {  	[tilespmem:s16], [sflag:$0x1] =	stream.indirect_vreg.gather [hbm4b:s3+s2], $0x80, v3, vm0, $0xb8;
	[tilespmem:$0x5500] =	vst v63  }
0x77: {  	v3 =	vld [tilespmem:$0x3A0];
	_ =	sdelay $0x4  }
0x78: {  	v23 =	vshll.u32 v3, $0x1  }
0x79: {  	v3 =	vand.u32 $0x7, v3;
	v4 =	vand.u32 $0xFFFFFFF0, v23  }
0x7a: {  	v3 =	vor.u32 v3, v4  }
0x7b: {  	v4 =	vperm.xlane v3, v0;
	_ =	sdelay $0x1  }
0x7c: {  	v3 =	vperm.xlane v3, v2;
	v4 =	vadd.s32 v1, v4;
	_ =	sdelay $0x1  }
0x7d: {  	v3 =	vadd.s32 v1, v3;
	_ =	sdelay $0x2  }
0x7e: {  	[tilespmem:s17], [sflag:$0x1] =	stream.indirect_vreg.gather [hbm4b:s3+s2], $0x80, v4, vm0, $0xb8;
	[tilespmem:$0x5500] =	vst v63  }
0x7f: {  	_ = 	snop  }
0x80: {  	[tilespmem:s18], [sflag:$0x1] =	stream.indirect_vreg.gather [hbm4b:s3+s2], $0x80, v3, vm0, $0xb8;
	[tilespmem:$0x5500] =	vst v63  }
0x81: {  	v3 =	vld [tilespmem:$0x3B0];
	_ =	sdelay $0x4  }
0x82: {  	v24 =	vshll.u32 v3, $0x1  }
0x83: {  	v3 =	vand.u32 $0x7, v3;
	v4 =	vand.u32 $0xFFFFFFF0, v24  }
0x84: {  	v3 =	vor.u32 v3, v4  }
0x85: {  	v4 =	vperm.xlane v3, v0;
	_ =	sdelay $0x1  }
0x86: {  	v3 =	vperm.xlane v3, v2;
	v4 =	vadd.s32 v1, v4;
	_ =	sdelay $0x1  }
0x87: {  	v3 =	vadd.s32 v1, v3;
	_ =	sdelay $0x2  }
0x88: {  	[tilespmem:s19], [sflag:$0x1] =	stream.indirect_vreg.gather [hbm4b:s3+s2], $0x80, v4, vm0, $0xb8;
	[tilespmem:$0x5500] =	vst v63  }
0x89: {  	_ = 	snop  }
0x8a: {  	[tilespmem:s20], [sflag:$0x1] =	stream.indirect_vreg.gather [hbm4b:s3+s2], $0x80, v3, vm0, $0xb8;
	[tilespmem:$0x5500] =	vst v63  }
0x8b: {  	v3 =	vld [tilespmem:$0x3C0];
	_ =	sdelay $0x4  }
0x8c: {  	v25 =	vshll.u32 v3, $0x1  }
0x8d: {  	v3 =	vand.u32 $0x7, v3;
	v4 =	vand.u32 $0xFFFFFFF0, v25  }
0x8e: {  	v3 =	vor.u32 v3, v4  }
0x8f: {  	v4 =	vperm.xlane v3, v0;
	_ =	sdelay $0x1  }
0x90: {  	v3 =	vperm.xlane v3, v2;
	v4 =	vadd.s32 v1, v4;
	_ =	sdelay $0x1  }
0x91: {  	v3 =	vadd.s32 v1, v3;
	_ =	sdelay $0x2  }
0x92: {  	[tilespmem:s21], [sflag:$0x1] =	stream.indirect_vreg.gather [hbm4b:s3+s2], $0x80, v4, vm0, $0xb8;
	[tilespmem:$0x5500] =	vst v63  }
0x93: {  	_ = 	snop  }
0x94: {  	[tilespmem:s22], [sflag:$0x1] =	stream.indirect_vreg.gather [hbm4b:s3+s2], $0x80, v3, vm0, $0xb8;
	[tilespmem:$0x5500] =	vst v63  }
0x95: {  	_ =	swait.ge [sflag:s23], $0x5000  }
0x96: {  	[sflag:s23] =	ssyncset.done $0x0  }
0x97: {  	[sflag:s23] =	ssyncadd.s32 $0xFFFFB000  }
0x98: {  	[hbm4b:s7+s2] =	stream.linear.scatter [tilespmem:s13], [sflag:$0x2], $0x5000, $0x38;
	[tilespmem:$0x5500] =	vst v63  }
0x99: {  	_ =	swait.ge [sflag:s11], $0x5000  }
0x9a: {  	[sflag:s11] =	ssyncset.done $0x0  }
0x9b: {  	[sflag:s11] =	ssyncadd.s32 $0xFFFFB000  }
0x9c: {  	v3 =	vld [tilespmem:$0x220];
	_ =	sdelay $0x1  }
0x9d: {  	v26 =	vld [tilespmem:$0xA0];
	_ =	sdelay $0x1  }
0x9e: {  	v27 =	vld [tilespmem:$0x230]  }
0x9f: {  	v28 =	vld [tilespmem:$0xB0];
	v3 =	vmul.u32 $0xA00, v3  }
0xa0: {  	v29 =	vld [tilespmem:$0x240]  }
0xa1: {  	v30 =	vld [tilespmem:$0xC0];
	v3 =	vadd.s32 v26, v3  }
0xa2: {  	v31 =	vld [tilespmem:$0x250];
	v32 =	vshll.u32 v3, $0x1  }
0xa3: {  	v33 =	vld [tilespmem:$0x260];
	v4 =	vand.u32 $0x7, v26;
	v10 =	vand.u32 $0xFFFFFFF0, v32  }
0xa4: {  	v34 =	vld [tilespmem:$0xD0];
	v5 =	vmul.u32 $0xA00, v27;
	v4 =	vor.u32 v4, v10  }
0xa5: {  	v35 =	vld [tilespmem:$0xE0];
	v36 =	vperm.xlane v4, v0  }
0xa6: {  	v37 =	vmul.u32 $0xA00, v29;
	v5 =	vadd.s32 v28, v5  }
0xa7: {  	[tilespmem:$0x400] =	vst v3;
	v3 =	vmul.u32 $0xA00, v31;
	v4 =	vperm.xlane v4, v2;
	v38 =	vadd.s32 v1, v36  }
0xa8: {  	v40 =	vmul.u32 $0xA00, v33;
	v39 =	vadd.s32 v30, v37;
	[tilespmem:$0x410] =	vst v5  }
0xa9: {  	[tilespmem:$0x420] =	vst v39;
	v3 =	vadd.s32 v34, v3;
	v4 =	vadd.s32 v1, v4  }
0xaa: {  	[tilespmem:$0x430] =	vst v3;
	v3 =	vadd.s32 v35, v40  }
0xab: {  	[tilespmem:$0x440] =	vst v3  }
0xac: {  	[tilespmem:s13], [sflag:$0x1] =	stream.indirect_vreg.gather [hbm4b:s3+s2], $0x80, v38, vm0, $0xb8;
	[tilespmem:$0x5500] =	vst v63  }
0xad: {  	_ = 	snop  }
0xae: {  	[tilespmem:s14], [sflag:$0x1] =	stream.indirect_vreg.gather [hbm4b:s3+s2], $0x80, v4, vm0, $0xb8;
	[tilespmem:$0x5500] =	vst v63  }
0xaf: {  	v3 =	vld [tilespmem:$0x410];
	_ =	sdelay $0x4  }
0xb0: {  	v41 =	vshll.u32 v3, $0x1  }
0xb1: {  	v3 =	vand.u32 $0x7, v3;
	v4 =	vand.u32 $0xFFFFFFF0, v41  }
0xb2: {  	v3 =	vor.u32 v3, v4  }
0xb3: {  	v4 =	vperm.xlane v3, v0;
	_ =	sdelay $0x1  }
0xb4: {  	v3 =	vperm.xlane v3, v2;
	v4 =	vadd.s32 v1, v4;
	_ =	sdelay $0x1  }
0xb5: {  	v3 =	vadd.s32 v1, v3;
	_ =	sdelay $0x2  }
0xb6: {  	[tilespmem:s15], [sflag:$0x1] =	stream.indirect_vreg.gather [hbm4b:s3+s2], $0x80, v4, vm0, $0xb8;
	[tilespmem:$0x5500] =	vst v63  }
0xb7: {  	_ = 	snop  }
0xb8: {  	[tilespmem:s16], [sflag:$0x1] =	stream.indirect_vreg.gather [hbm4b:s3+s2], $0x80, v3, vm0, $0xb8;
	[tilespmem:$0x5500] =	vst v63  }
0xb9: {  	v3 =	vld [tilespmem:$0x420];
	_ =	sdelay $0x4  }
0xba: {  	v42 =	vshll.u32 v3, $0x1  }
0xbb: {  	v3 =	vand.u32 $0x7, v3;
	v4 =	vand.u32 $0xFFFFFFF0, v42  }
0xbc: {  	v3 =	vor.u32 v3, v4  }
0xbd: {  	v4 =	vperm.xlane v3, v0;
	_ =	sdelay $0x1  }
0xbe: {  	v3 =	vperm.xlane v3, v2;
	v4 =	vadd.s32 v1, v4;
	_ =	sdelay $0x1  }
0xbf: {  	v3 =	vadd.s32 v1, v3;
	_ =	sdelay $0x2  }
0xc0: {  	[tilespmem:s17], [sflag:$0x1] =	stream.indirect_vreg.gather [hbm4b:s3+s2], $0x80, v4, vm0, $0xb8;
	[tilespmem:$0x5500] =	vst v63  }
0xc1: {  	_ = 	snop  }
0xc2: {  	[tilespmem:s18], [sflag:$0x1] =	stream.indirect_vreg.gather [hbm4b:s3+s2], $0x80, v3, vm0, $0xb8;
	[tilespmem:$0x5500] =	vst v63  }
0xc3: {  	v3 =	vld [tilespmem:$0x430];
	_ =	sdelay $0x4  }
0xc4: {  	v43 =	vshll.u32 v3, $0x1  }
0xc5: {  	v3 =	vand.u32 $0x7, v3;
	v4 =	vand.u32 $0xFFFFFFF0, v43  }
0xc6: {  	v3 =	vor.u32 v3, v4  }
0xc7: {  	v4 =	vperm.xlane v3, v0;
	_ =	sdelay $0x1  }
0xc8: {  	v3 =	vperm.xlane v3, v2;
	v4 =	vadd.s32 v1, v4;
	_ =	sdelay $0x1  }
0xc9: {  	v3 =	vadd.s32 v1, v3;
	_ =	sdelay $0x2  }
0xca: {  	[tilespmem:s19], [sflag:$0x1] =	stream.indirect_vreg.gather [hbm4b:s3+s2], $0x80, v4, vm0, $0xb8;
	[tilespmem:$0x5500] =	vst v63  }
0xcb: {  	_ = 	snop  }
0xcc: {  	[tilespmem:s20], [sflag:$0x1] =	stream.indirect_vreg.gather [hbm4b:s3+s2], $0x80, v3, vm0, $0xb8;
	[tilespmem:$0x5500] =	vst v63  }
0xcd: {  	v3 =	vld [tilespmem:$0x440];
	_ =	sdelay $0x4  }
0xce: {  	v44 =	vshll.u32 v3, $0x1  }
0xcf: {  	v3 =	vand.u32 $0x7, v3;
	v4 =	vand.u32 $0xFFFFFFF0, v44  }
0xd0: {  	v3 =	vor.u32 v3, v4  }
0xd1: {  	v4 =	vperm.xlane v3, v0;
	_ =	sdelay $0x1  }
0xd2: {  	v3 =	vperm.xlane v3, v2;
	v4 =	vadd.s32 v1, v4;
	_ =	sdelay $0x1  }
0xd3: {  	v3 =	vadd.s32 v1, v3;
	_ =	sdelay $0x2  }
0xd4: {  	[tilespmem:s21], [sflag:$0x1] =	stream.indirect_vreg.gather [hbm4b:s3+s2], $0x80, v4, vm0, $0xb8;
	[tilespmem:$0x5500] =	vst v63  }
0xd5: {  	_ = 	snop  }
0xd6: {  	[tilespmem:s22], [sflag:$0x1] =	stream.indirect_vreg.gather [hbm4b:s3+s2], $0x80, v3, vm0, $0xb8;
	[tilespmem:$0x5500] =	vst v63  }
0xd7: {  	_ =	swait.ge [sflag:s23], $0x5000  }
0xd8: {  	[sflag:s23] =	ssyncset.done $0x0  }
0xd9: {  	[sflag:s23] =	ssyncadd.s32 $0xFFFFB000  }
0xda: {  	[hbm4b:s8+s2] =	stream.linear.scatter [tilespmem:s13], [sflag:$0x2], $0x5000, $0x38;
	[tilespmem:$0x5500] =	vst v63  }
0xdb: {  	_ =	swait.ge [sflag:s11], $0x5000  }
0xdc: {  	[sflag:s11] =	ssyncset.done $0x0  }
0xdd: {  	[sflag:s11] =	ssyncadd.s32 $0xFFFFB000  }
0xde: {  	v3 =	vld [tilespmem:$0x270];
	_ =	sdelay $0x1  }
0xdf: {  	v45 =	vld [tilespmem:$0xF0];
	_ =	sdelay $0x1  }
0xe0: {  	v46 =	vld [tilespmem:$0x280]  }
0xe1: {  	v47 =	vld [tilespmem:$0x100];
	v3 =	vmul.u32 $0xA00, v3  }
0xe2: {  	v48 =	vld [tilespmem:$0x290]  }
0xe3: {  	v49 =	vld [tilespmem:$0x110];
	v3 =	vadd.s32 v45, v3  }
0xe4: {  	v50 =	vld [tilespmem:$0x2A0];
	v51 =	vshll.u32 v3, $0x1  }
0xe5: {  	v52 =	vld [tilespmem:$0x2B0];
	v4 =	vand.u32 $0x7, v45;
	v10 =	vand.u32 $0xFFFFFFF0, v51  }
0xe6: {  	v53 =	vld [tilespmem:$0x120];
	v5 =	vmul.u32 $0xA00, v46;
	v4 =	vor.u32 v4, v10  }
0xe7: {  	v54 =	vld [tilespmem:$0x130];
	v55 =	vperm.xlane v4, v0  }
0xe8: {  	v56 =	vmul.u32 $0xA00, v48;
	v5 =	vadd.s32 v47, v5  }
0xe9: {  	[tilespmem:$0x480] =	vst v3;
	v3 =	vmul.u32 $0xA00, v50;
	v4 =	vperm.xlane v4, v2;
	v57 =	vadd.s32 v1, v55  }
0xea: {  	v59 =	vmul.u32 $0xA00, v52;
	v58 =	vadd.s32 v49, v56;
	[tilespmem:$0x490] =	vst v5  }
0xeb: {  	[tilespmem:$0x4A0] =	vst v58;
	v3 =	vadd.s32 v53, v3;
	v4 =	vadd.s32 v1, v4  }
0xec: {  	[tilespmem:$0x4B0] =	vst v3;
	v3 =	vadd.s32 v54, v59  }
0xed: {  	[tilespmem:$0x4C0] =	vst v3  }
0xee: {  	[tilespmem:s13], [sflag:$0x1] =	stream.indirect_vreg.gather [hbm4b:s3+s2], $0x80, v57, vm0, $0xb8;
	[tilespmem:$0x5500] =	vst v63  }
0xef: {  	_ = 	snop  }
0xf0: {  	[tilespmem:s14], [sflag:$0x1] =	stream.indirect_vreg.gather [hbm4b:s3+s2], $0x80, v4, vm0, $0xb8;
	[tilespmem:$0x5500] =	vst v63  }
0xf1: {  	v3 =	vld [tilespmem:$0x490];
	_ =	sdelay $0x4  }
0xf2: {  	v60 =	vshll.u32 v3, $0x1  }
0xf3: {  	v3 =	vand.u32 $0x7, v3;
	v4 =	vand.u32 $0xFFFFFFF0, v60  }
0xf4: {  	v3 =	vor.u32 v3, v4  }
0xf5: {  	v4 =	vperm.xlane v3, v0;
	_ =	sdelay $0x1  }
0xf6: {  	v3 =	vperm.xlane v3, v2;
	v4 =	vadd.s32 v1, v4;
	_ =	sdelay $0x1  }
0xf7: {  	v3 =	vadd.s32 v1, v3;
	_ =	sdelay $0x2  }
0xf8: {  	[tilespmem:s15], [sflag:$0x1] =	stream.indirect_vreg.gather [hbm4b:s3+s2], $0x80, v4, vm0, $0xb8;
	[tilespmem:$0x5500] =	vst v63  }
0xf9: {  	_ = 	snop  }
0xfa: {  	[tilespmem:s16], [sflag:$0x1] =	stream.indirect_vreg.gather [hbm4b:s3+s2], $0x80, v3, vm0, $0xb8;
	[tilespmem:$0x5500] =	vst v63  }
0xfb: {  	v3 =	vld [tilespmem:$0x4A0];
	_ =	sdelay $0x4  }
0xfc: {  	v61 =	vshll.u32 v3, $0x1  }
0xfd: {  	v3 =	vand.u32 $0x7, v3;
	v4 =	vand.u32 $0xFFFFFFF0, v61  }
0xfe: {  	v3 =	vor.u32 v3, v4  }
0xff: {  	v4 =	vperm.xlane v3, v0;
	_ =	sdelay $0x1  }
0x100: {  	v3 =	vperm.xlane v3, v2;
	v4 =	vadd.s32 v1, v4;
	_ =	sdelay $0x1  }
0x101: {  	v3 =	vadd.s32 v1, v3;
	_ =	sdelay $0x2  }
0x102: {  	[tilespmem:s17], [sflag:$0x1] =	stream.indirect_vreg.gather [hbm4b:s3+s2], $0x80, v4, vm0, $0xb8;
	[tilespmem:$0x5500] =	vst v63  }
0x103: {  	_ = 	snop  }
0x104: {  	[tilespmem:s18], [sflag:$0x1] =	stream.indirect_vreg.gather [hbm4b:s3+s2], $0x80, v3, vm0, $0xb8;
	[tilespmem:$0x5500] =	vst v63  }
0x105: {  	v3 =	vld [tilespmem:$0x4B0];
	_ =	sdelay $0x4  }
0x106: {  	v62 =	vshll.u32 v3, $0x1  }
0x107: {  	v3 =	vand.u32 $0x7, v3;
	v4 =	vand.u32 $0xFFFFFFF0, v62  }
0x108: {  	v3 =	vor.u32 v3, v4  }
0x109: {  	v4 =	vperm.xlane v3, v0;
	_ =	sdelay $0x1  }
0x10a: {  	v3 =	vperm.xlane v3, v2;
	v4 =	vadd.s32 v1, v4;
	_ =	sdelay $0x1  }
0x10b: {  	v3 =	vadd.s32 v1, v3;
	_ =	sdelay $0x2  }
0x10c: {  	[tilespmem:s19], [sflag:$0x1] =	stream.indirect_vreg.gather [hbm4b:s3+s2], $0x80, v4, vm0, $0xb8;
	[tilespmem:$0x5500] =	vst v63  }
0x10d: {  	_ = 	snop  }
0x10e: {  	[tilespmem:s20], [sflag:$0x1] =	stream.indirect_vreg.gather [hbm4b:s3+s2], $0x80, v3, vm0, $0xb8;
	[tilespmem:$0x5500] =	vst v63  }
0x10f: {  	v3 =	vld [tilespmem:$0x4C0];
	_ =	sdelay $0x4  }
0x110: {  	v63 =	vshll.u32 v3, $0x1  }
0x111: {  	v3 =	vand.u32 $0x7, v3;
	v4 =	vand.u32 $0xFFFFFFF0, v63  }
0x112: {  	v3 =	vor.u32 v3, v4  }
0x113: {  	v4 =	vperm.xlane v3, v0;
	_ =	sdelay $0x1  }
0x114: {  	v3 =	vperm.xlane v3, v2;
	v4 =	vadd.s32 v1, v4;
	_ =	sdelay $0x1  }
0x115: {  	v3 =	vadd.s32 v1, v3;
	_ =	sdelay $0x2  }
0x116: {  	[tilespmem:s21], [sflag:$0x1] =	stream.indirect_vreg.gather [hbm4b:s3+s2], $0x80, v4, vm0, $0xb8;
	[tilespmem:$0x5500] =	vst v63  }
0x117: {  	_ = 	snop  }
0x118: {  	[tilespmem:s22], [sflag:$0x1] =	stream.indirect_vreg.gather [hbm4b:s3+s2], $0x80, v3, vm0, $0xb8;
	[tilespmem:$0x5500] =	vst v63  }
0x119: {  	_ =	swait.ge [sflag:s23], $0x5000  }
0x11a: {  	p0 =	sne.s32 s10, $0x1;
	[sflag:s23] =	ssyncset.done $0x0  }
.Ltmp0:
0x11b: {  	[sflag:s23] =	ssyncadd.s32 $0xFFFFB000;
	(pc) =	sbr.rel @p0 .LBB2_1-.Ltmp0, $4  }
0x11c: {  	[hbm4b:s9+s2] =	stream.linear.scatter [tilespmem:s13], [sflag:$0x2], $0x5000, $0x38;
	[tilespmem:$0x5500] =	vst v63  }
0x11d: {  	_ =	swait.ge [sflag:s11], $0x5000  }
0x11e: {  	[sflag:s11] =	ssyncset.done $0x0  }
0x11f: {  	s10 =	sadd.s32 $0xFFFFFFFF, s10;
	[sflag:s11] =	ssyncadd.s32 $0xFFFFB000  }
0x120: {  	_ =	sfence.sel $0x180000  }
0x121: {  	[bflag:$0x0] =	sbarrier.arrive $0xFFFF  }
0x122: {  	p0 =	sne.s32 s1, $0x0;
	_ =	strace $0x9000004D  }
0x123: {  	s0 =	sadd.s32 @!p0 $0x100000, s0;
	[bflag:$0x2] =	sbarrier.arrive $0xFFFF  }
0x124: {  	[sflag:s0] =	ssyncadd.tile.s32 @!p0 $0x1;
	_ =	shalt  }
.Lfunc_end2:
_tile_overlayer_lowered:
.L_overlay_start_2:
0x125: {  	(tag) =	ssettag $0x2  }
0x126: {  	s0 =	rddreg [dreg:$0x0];
	s2 =	stileid.u32  }
0x127: {  	s1 =	rddreg [dreg:$0x1];
	p0 =	sne.s32 s2, $0x0  }
0x128: {  	s3 =	rddreg [dreg:$0x2];
	[bflag:$0x3] =	sbarrier.arrive $0xFFFF;
	s2 =	simm.s32 @!p0 $0x1C02  }
0x129: {  	[timem:s3], [sflag:s2] =	dma.local @!p0 [hbm:s0], s1  }
0x12a: {  	s0 =	simm.s32 @!p0 $0x2  }
0x12b: {  	_ =	swait.ge @!p0 [sflag:s0], s1  }
0x12c: {  	s1 =	ssub.s32 @!p0 $0x0, s1;
	[sflag:s0] =	ssyncset.done @!p0 $0x0  }
0x12d: {  	[sflag:s0] =	ssyncadd.s32 @!p0 s1  }
0x12e: {  	[bflag:$0x3] =	sbarrier.arrive $0xFFFF  }
0x12f: {  	_ =	shalt  }

// kernel: kernel.20.cloned.1.call-start
scs
__scs_entry_jumppad:
0x0: {  	(pc) =	sbr.rel $0x88, $3  }
0x1: {  	(tag) =	ssettag $0x0;
	lr =	simm.s32 $0x1  }
0x2: {  	[smem:$0x3F80] =	sst lr;
	_ =	strace $0xD0000000  }
0x3: {  	_ = 	snop  }
0x4: {  	_ = 	snop  }
0x5: {  	_ = 	snop  }
0x6: {  	_ = 	snop  }
0x7: {  	_ = 	snop  }
__scs_overlays_trampoline_lowered:
0x8: {  	[smem:$0x3F8F] =	sst s0  }
0x9: {  	[smem:$0x3F90] =	sst s1  }
0xa: {  	[smem:$0x3F91] =	sst s2  }
0xb: {  	[smem:$0x3F92] =	sst s3  }
0xc: {  	[smem:$0x3F93] =	sst s4  }
0xd: {  	[smem:$0x3F94] =	sst s5  }
0xe: {  	[smem:$0x3F95] =	sst s6  }
0xf: {  	[smem:$0x3F96] =	sst s7  }
0x10: {  	[smem:$0x3F97] =	sst s8  }
0x11: {  	[smem:$0x3F98] =	sst s9;
	s0 =	simm.s32 @!p0 $0x0  }
0x12: {  	s1 =	sld [smem:$0x3F7E];
	s0 =	simm.s32 @p0 $0x1  }
0x13: {  	[smem:$0x3F99] =	sst s0;
	s0 =	simm.s32 @!p1 $0x0  }
0x14: {  	s2 =	sld [smem:$0x3F7D];
	s0 =	simm.s32 @p1 $0x1  }
0x15: {  	[smem:$0x3F9A] =	sst s0;
	s0 =	simm.s32 @!p2 $0x0  }
0x16: {  	s3 =	sld [smem:$0x3FDB];
	s0 =	simm.s32 @p2 $0x1  }
0x17: {  	s4 =	simm.s32 $0x1BF5;
	[smem:$0x3F9C] =	sst s0  }
0x18: {  	s0 =	sld [smem:$0x3F7F];
	_ =	swait.ge [sflag:s4], $0x0  }
0x19: {  	s7 =	sld [smem:$0x3F80]  }
0x1a: {  	s8 =	sadd.s32 $0xFFFFE003, lr  }
0x1b: {  	s9 =	sadd.s32 $0xFFFFFEF7, lr;
	s5 =	simm.s32 $0xFFFFFFFF;
	p2 =	slt.u32 s8, $0xFFFFF086  }
0x1c: {  	p1 =	slt.u32 s9, $0xF7A;
	s5 =	simm.s32 @!p2 $0x0  }
0x1d: {  	s5 =	simm.s32 @p1 $0x1;
	p0 =	seq.s32 s7, s2  }
0x1e: {  	s7 =	smul.u32 @!p0 $0xF7A, s2;
	p2 =	seq.s32 @!p0 s5, $0x0  }
0x1f: {  	s9 =	smul.u32 $0xF7A, s1;
	s8 =	simm.s32 @!p0 $0x1BF5;
	p2 =	por !p2, p0  }
0x20: {  	[sflag:s8] =	ssyncset.s32 @!p0 $0xFFFFF086;
	s6 =	sadd.s32 @!p0 s3, s7;
	s7 =	simm.s32 @!p0 $0x108  }
0x21: {  	s3 =	sadd.s32 s3, s9;
	s6 =	sadd.s32 @!p0 $0x88, s6;
	s7 =	simm.s32 @p2 $0x1082  }
0x22: {  	[simem:s7], [sflag:s8] =	dma.local @!p0 [hbm:s6], $0xF7A  }
0x23: {  	s9 =	sor.u32 $0xD0000000, s2;
	s6 =	simm.s32 $0x108;
	_ =	swait.ge @!p0 [sflag:s8], $0x0  }
0x24: {  	s3 =	sadd.s32 $0x88, s3;
	s6 =	simm.s32 @!p1 $0x1082;
	[sflag:s4] =	ssyncset.s32 $0xFFFFF086  }
0x25: {  	[simem:s6], [sflag:s4] =	dma.local [hbm:s3], $0xF7A  }
0x26: {  	[smem:$0x3F80] =	sst s1;
	(tag) =	ssettag s2;
	_ =	strace s9  }
0x27: {  	s1 =	sld [smem:$0x3F90]  }
0x28: {  	s2 =	sld [smem:$0x3F91]  }
0x29: {  	s4 =	sld [smem:$0x3F93]  }
0x2a: {  	p0 =	seq.s32 s5, $0x0;
	s5 =	sld [smem:$0x3F94]  }
0x2b: {  	s6 =	sld [smem:$0x3F95]  }
0x2c: {  	s7 =	sld [smem:$0x3F96]  }
0x2d: {  	s3 =	simm.s32 $0x108;
	s8 =	sld [smem:$0x3F97]  }
0x2e: {  	s3 =	simm.s32 @!p0 $0x1082;
	s9 =	sld [smem:$0x3F98]  }
0x2f: {  	lr =	sadd.s32 s0, s3;
	s0 =	sld [smem:$0x3F8F]  }
0x30: {  	s3 =	sld [smem:$0x3F92]  }
0x31: {  	[smem:$0x3F9B] =	sst s10  }
0x32: {  	s10 =	sld [smem:$0x3F99];
	_ =	sdelay $0x3  }
0x33: {  	p0 =	seq.s32 s10, $0x1;
	s10 =	sld [smem:$0x3F9B];
	_ =	sdelay $0x3  }
0x34: {  	[smem:$0x3F9B] =	sst s10  }
0x35: {  	s10 =	sld [smem:$0x3F9A];
	_ =	sdelay $0x3  }
0x36: {  	p1 =	seq.s32 s10, $0x1;
	s10 =	sld [smem:$0x3F9B];
	_ =	sdelay $0x3  }
0x37: {  	[smem:$0x3F9B] =	sst s10  }
0x38: {  	s10 =	sld [smem:$0x3F9C]  }
0x39: {  	_ = 	snop;
	(pc) =	sbr.ind lr, $3  }
0x3a: {  	_ = 	snop  }
0x3b: {  	_ = 	snop  }
0x3c: {  	p2 =	seq.s32 s10, $0x1;
	s10 =	sld [smem:$0x3F9B]  }
0x3d: {  	_ =	shalt  }
0x3e: {  	_ =	shalt  }
0x3f: {  	_ =	shalt  }
0x40: {  	_ =	shalt  }
0x41: {  	_ =	shalt  }
0x42: {  	_ =	shalt  }
0x43: {  	_ =	shalt  }
0x44: {  	_ =	shalt  }
0x45: {  	_ =	shalt  }
0x46: {  	_ =	shalt  }
0x47: {  	_ =	shalt  }
0x48: {  	_ =	shalt  }
0x49: {  	_ =	shalt  }
0x4a: {  	_ =	shalt  }
0x4b: {  	_ =	shalt  }
0x4c: {  	_ =	shalt  }
0x4d: {  	_ =	shalt  }
0x4e: {  	_ =	shalt  }
0x4f: {  	_ =	shalt  }
0x50: {  	_ =	shalt  }
0x51: {  	_ =	shalt  }
0x52: {  	_ =	shalt  }
0x53: {  	_ =	shalt  }
0x54: {  	_ =	shalt  }
0x55: {  	_ =	shalt  }
0x56: {  	_ =	shalt  }
0x57: {  	_ =	shalt  }
0x58: {  	_ =	shalt  }
0x59: {  	_ =	shalt  }
0x5a: {  	_ =	shalt  }
0x5b: {  	_ =	shalt  }
0x5c: {  	_ =	shalt  }
0x5d: {  	_ =	shalt  }
0x5e: {  	_ =	shalt  }
0x5f: {  	_ =	shalt  }
0x60: {  	_ =	shalt  }
0x61: {  	_ =	shalt  }
0x62: {  	_ =	shalt  }
0x63: {  	_ =	shalt  }
0x64: {  	_ =	shalt  }
0x65: {  	_ =	shalt  }
0x66: {  	_ =	shalt  }
0x67: {  	_ =	shalt  }
0x68: {  	_ =	shalt  }
0x69: {  	_ =	shalt  }
0x6a: {  	_ =	shalt  }
0x6b: {  	_ =	shalt  }
0x6c: {  	_ =	shalt  }
0x6d: {  	_ =	shalt  }
0x6e: {  	_ =	shalt  }
0x6f: {  	_ =	shalt  }
0x70: {  	_ =	shalt  }
0x71: {  	_ =	shalt  }
0x72: {  	_ =	shalt  }
0x73: {  	_ =	shalt  }
0x74: {  	_ =	shalt  }
0x75: {  	_ =	shalt  }
0x76: {  	_ =	shalt  }
0x77: {  	_ =	shalt  }
0x78: {  	_ =	shalt  }
0x79: {  	_ =	shalt  }
0x7a: {  	_ =	shalt  }
0x7b: {  	_ =	shalt  }
0x7c: {  	_ =	shalt  }
0x7d: {  	_ =	shalt  }
0x7e: {  	_ =	shalt  }
0x7f: {  	_ =	shalt  }
0x80: {  	_ =	shalt  }
0x81: {  	_ =	shalt  }
0x82: {  	_ =	shalt  }
0x83: {  	_ =	shalt  }
0x84: {  	_ =	shalt  }
0x85: {  	_ =	shalt  }
0x86: {  	_ =	shalt  }
0x87: {  	_ =	shalt  }
.Lfunc_end0:
.L_simem_size_0:
called_computation.3_lowered:
.L_overlay_start_0:
0x88: {  	s2 =	sld [smem:$0x3FD9]  }
0x89: {  	s3 =	sld [smem:$0x3FFE];
	_ =	sdelay $0x1  }
0x8a: {  	s1 =	srdreg.scid  }
0x8b: {  	s0 =	sand.u32 $0x1, s1  }
0x8c: {  	s17 =	sshll.u32 s0, $0xA;
	s2 =	sadd.s32 s3, s2  }
0x8d: {  	s2 =	sadd.s32 s2, s17  }
0x8e: {  	[smem:$0x3FA7] =	sst s2  }
0x8f: {  	_ = 	snop  }
0x90: {  	s2 =	sld [smem:$0x3FD0];
	(tm) =	ssettm $0x1  }
0x91: {  	s18 =	sld [smem:$0x3FFB];
	_ =	sdelay $0x3  }
0x92: {  	_ =	strace s18  }
0x93: {  	s3 =	sld [smem:$0x3FFC];
	_ =	sdelay $0x3  }
0x94: {  	_ =	strace s3  }
0x95: {  	s3 =	sld [smem:$0x3FFD];
	_ =	sdelay $0x3  }
0x96: {  	_ =	strace s3  }
0x97: {  	_ =	strace $0x8FFFFFFF  }
0x98: {  	s19 =	sld [smem:$0x3FDB];
	_ =	sdelay $0x1  }
0x99: {  	s4 =	simm.s32 $_scs_section_size  }
0x9a: {  	s5 =	simm.s32 $_size__tile_overlayer_lowered;
	s6 =	simm.s32 $_tile_overlayer_lowered  }
0x9b: {  	s22 =	simm.s32 $0x1BFF;
	s21 =	sshll.u32 s6, $0x1;
	s3 =	sadd.s32 s4, s19  }
0x9c: {  	s7 =	simm.s32 $0x0;
	s20 =	sshll.u32 s5, $0x1;
	s5 =	sadd.s32 s21, s3  }
0x9d: {  	[timem:s7], [sflag:s22] =	dma.local [hbm:s5], s20  }
0x9e: {  	_ =	swait.ge [sflag:s22], s20  }
0x9f: {  	s4 =	ssub.s32 $0x0, s20;
	[sflag:s22] =	ssyncset.done $0x0  }
0xa0: {  	[sflag:s22] =	ssyncadd.s32 s4;
	_ =	sdelay $0x1  }
0xa1: {  	s23 =	simm.s32 $0x1B8B  }
0xa2: {  	_ =	swait.ge [sflag:s23], $0x1  }
0xa3: {  	[sflag:s23] =	ssyncset.done $0x0  }
0xa4: {  	s25 =	simm.s32 $0x1B8E;
	s24 =	sld [smem:$0x3FFE];
	[sflag:s23] =	ssyncadd.s32 $0xFFFFFFFF  }
0xa5: {  	s26 =	simm.s32 $execute0_lowered;
	[smem:$0x3FD2] =	sst s25  }
0xa6: {  	s5 =	sshll.u32 s26, $0x1;
	_ =	strace $0x8000004F;
	[dreg:$0x1] =	wrdreg $0xFFFFFFFF  }
0xa7: {  	s28 =	simm.s32 $_size_execute0_lowered;
	s3 =	sadd.s32 s3, s5;
	[dreg:$0x0] =	wrdreg $0x0  }
0xa8: {  	s5 =	sshll.u32 s28, $0x1;
	[dreg:$0x2] =	wrdreg s3  }
0xa9: {  	[dreg:$0x3] =	wrdreg s5  }
0xaa: {  	[dreg:$0x4] =	wrdreg $0xC0  }
0xab: {  	_ =	task [dreg:s7], $0x5FFFF  }
0xac: {  	[dreg:$0x1] =	wrdreg $0xFFFFFFFF  }
0xad: {  	[dreg:$0x0] =	wrdreg $0x60  }
0xae: {  	[dreg:$0x2] =	wrdreg s24  }
0xaf: {  	[dreg:$0x3] =	wrdreg s2  }
0xb0: {  	[dreg:$0x4] =	wrdreg $0x86000  }
0xb1: {  	[dreg:$0x5] =	wrdreg $0x9  }
0xb2: {  	_ =	task.clear_ibuf [dreg:s7], $0x6FFFF;
	_ =	strace $0x9000004F  }
0xb3: {  	s29 =	simm.s32 $0x9;
	_ =	strace $0x80000051  }
0xb4: {  	_ =	swait.ge [sflag:s29], $0x1  }
0xb5: {  	[sflag:s29] =	ssyncadd.s32 $0xFFFFFFFF  }
0xb6: {  	_ =	strace $0x90000051  }
0xb7: {  	_ =	sfence  }
0xb8: {  	s30 =	sld [smem:$0x0];
	_ =	sdelay $0x2  }
0xb9: {  	s31 =	sshll.u32 s1, $0xD;
	s1 =	sshrl.u32 s1, $0x2  }
0xba: {  	s3 =	sand.u32 $0x4000, s31;
	s1 =	sadd.s32 s1, s30  }
0xbb: {  	s0 =	sor.u32 s3, s0;
	s1 =	sshll.u32 s1, $0x11  }
0xbc: {  	s0 =	sor.u32 s1, s0  }
0xbd: {  	s0 =	sadd.s32 $0x8F2B, s0  }
0xbe: {  	[sflag:s0] =	ssyncadd.remote.s32 $0x1  }
0xbf: {  	_ =	sfence.sel $0xFFFF  }
0xc0: {  	[dreg:$0x0] =	wrdreg $0xFFFFFFFF;
	(pc) =	sbr.abs _section_cstart, $3  }
0xc1: {  	[dreg:$0x1] =	wrdreg $0xFFFFFFFF  }
0xc2: {  	_ =	task.clear_ibuf [dreg:s7], $0x2FFFF;
	_ =	strace $0x9FFFFFFF  }
0xc3: {  	(tm) =	ssettm $0x7FFFFFFF  }
tec
execute0_lowered:
.L_overlay_start_1:
0x0: {  	(tag) =	ssettag $0x1  }
0x1: {  	s0 =	rddreg [dreg:$0x0]  }
0x2: {  	s2 =	rddreg [dreg:$0x1]  }
0x3: {  	s1 =	rddreg [dreg:$0x2];
	s4 =	simm.s32 $0x0;
	s12 =	stileid.u32  }
0x4: {  	s3 =	srdreg.scid;
	s28 =	simm.s32 $0x4600;
	s7 =	smul.u32 $0x14000, s12  }
0x5: {  	s29 =	simm.s32 $0x3;
	s30 =	simm.s32 $0x500;
	s8 =	smul.u32 $0x14, s12  }
0x6: {  	[smem:$0x7FF] =	sst s4;
	s3 =	sand.u32 $0x1, s3;
	s10 =	smul.u32 $0x3C, s12  }
0x7: {  	s4 =	sadd.s32 $0x6400, s0;
	s5 =	sadd.s32 $0x43E400, s0;
	s20 =	smul.u32 $0x50000, s12  }
0x8: {  	s21 =	sshll.u32 s12, $0x6;
	s6 =	smul.u32 $0x140000, s3;
	_ =	strace $0x80000050  }
0x9: {  	s19 =	ssub.s32 $0x2, s3;
	p0 =	seq.s32 s3, $0x0;
	[dreg:$0x4] =	wrdreg s21  }
0xa: {  	s9 =	sshrl.u32 s19, $0x1;
	s3 =	sadd.s32 $0x3C0, s8;
	s8 =	sshrl.u32 s20, $0x2  }
0xb: {  	s20 =	simm.s32 $0x7;
	s6 =	sadd.s32 s7, s6;
	s11 =	ssub.s32 s19, s9  }
0xc: {  	s3 =	smov.u32 @p0 s10;
	s22 =	sadd.s32 s8, s1;
	s8 =	sor.u32 $0x1C07, s21  }
0xd: {  	s21 =	simm.s32 $0x1;
	s19 =	simm.s32 $0x0;
	s6 =	sshrl.u32 s6, $0x3  }
0xe: {  	s13 =	sadd.s32 $0x4000, s22;
	s15 =	sadd.s32 $0x8000, s22;
	s3 =	sshll.u32 s3, $0x6  }
0xf: {  	s17 =	sadd.s32 $0xC000, s22;
	s18 =	sadd.s32 $0x10000, s22;
	s23 =	smax.u32 s11, $0x1  }
0x10: {  	s14 =	sshrl.u32 s22, $0x3;
	s22 =	simm.s32 $0x80;
	s0 =	sadd.s32 s6, s0  }
0x11: {  	s6 =	simm.s32 $0x1E;
	s2 =	sadd.s32 s2, s3;
	[dreg:$0x8] =	wrdreg s23  }
0x12: {  	s24 =	sshrl.u32 s13, $0x3;
	s25 =	sshrl.u32 s15, $0x3;
	[dreg:$0x5] =	wrdreg s2  }
0x13: {  	s26 =	sshrl.u32 s17, $0x3;
	s31 =	sshrl.u32 s18, $0x3;
	[dreg:$0x9] =	wrdreg s24  }
0x14: {  	s23 =	simm.s32 $0x400;
	s6 =	simm.s32 @!p0 $0xA;
	[dreg:$0xa] =	wrdreg s25  }
0x15: {  	s3 =	sadd.s32 $0x40, s2;
	s0 =	sadd.s32 $0x43EC00, s0;
	[dreg:$0xb] =	wrdreg s26  }
0x16: {  	s12 =	sadd.s32 $0x80, s2;
	[dreg:$0xc] =	wrdreg s31;
	s24 =	simm.s32 $0x600  }
0x17: {  	s25 =	simm.s32 $0x2;
	s26 =	simm.s32 $0x480;
	[dreg:$0x6] =	wrdreg s3  }
0x18: {  	s2 =	simm.s32 $0x8;
	[dreg:$0x7] =	wrdreg s0;
	s0 =	simm.s32 $0x6  }
.LBB2_1:
0x19: {  	[spmem:s14], [sflag:s8] =	dma.local [hbm:s5], $0x800  }
0x1a: {  	s3 =	rddreg [dreg:$0x9]  }
0x1b: {  	[spmem:s3], [sflag:s8] =	dma.local [hbm:s5], $0x800  }
0x1c: {  	s3 =	rddreg [dreg:$0xa]  }
0x1d: {  	[spmem:s3], [sflag:s8] =	dma.local [hbm:s5], $0x800  }
0x1e: {  	s3 =	rddreg [dreg:$0xb]  }
0x1f: {  	[spmem:s3], [sflag:s8] =	dma.local [hbm:s5], $0x800  }
0x20: {  	s3 =	rddreg [dreg:$0xc]  }
0x21: {  	[spmem:s3], [sflag:s8] =	dma.local [hbm:s5], $0x800  }
0x22: {  	s18 =	simm.s32 $0x0;
	s7 =	rddreg [dreg:$0x5]  }
0x23: {  	[tilespmem:s18], [sflag:$0x1] =	stream.linear.gather [hbm4b:s7+s18], $0x180, $0x38;
	[tilespmem:$0x1C600] =	vst v63  }
0x24: {  	s9 =	simm.s32 $0x200;
	s31 =	rddreg [dreg:$0x6]  }
0x25: {  	[tilespmem:s9], [sflag:$0x2] =	stream.linear.gather [hbm4b:s31+s18], $0x180, $0x38;
	[tilespmem:$0x1C600] =	vst v63  }
0x26: {  	_ =	swait.ge [sflag:s20], $0x800  }
0x27: {  	[sflag:s20] =	ssyncset.done $0x0  }
0x28: {  	[sflag:s20] =	ssyncadd.s32 $0xFFFFF800  }
0x29: {  	_ =	swait.ge [sflag:s20], $0x800  }
0x2a: {  	[sflag:s20] =	ssyncset.done $0x0  }
0x2b: {  	[sflag:s20] =	ssyncadd.s32 $0xFFFFF800  }
0x2c: {  	_ =	swait.ge [sflag:s20], $0x800  }
0x2d: {  	[sflag:s20] =	ssyncset.done $0x0  }
0x2e: {  	[sflag:s20] =	ssyncadd.s32 $0xFFFFF800  }
0x2f: {  	_ =	swait.ge [sflag:s20], $0x800  }
0x30: {  	[sflag:s20] =	ssyncset.done $0x0  }
0x31: {  	[sflag:s20] =	ssyncadd.s32 $0xFFFFF800  }
0x32: {  	_ =	swait.ge [sflag:s20], $0x800  }
0x33: {  	[sflag:s20] =	ssyncset.done $0x0  }
0x34: {  	[sflag:s20] =	ssyncadd.s32 $0xFFFFF800  }
0x35: {  	[bflag:$0x0] =	sbarrier.arrive $0xFFFF  }
0x36: {  	_ =	swait.ge [sflag:s21], $0x180  }
0x37: {  	p0 =	por $0x1, $0x1;
	[sflag:s21] =	ssyncset.done $0x0  }
0x38: {  	s3 =	simm.s32 @!p0 $0x5;
	[sflag:s21] =	ssyncadd.s32 $0xFFFFFE80  }
0x39: {  	_ =	swait.ge @!p0 [sflag:s3], $0x4000  }
0x3a: {  	[sflag:s3] =	ssyncset.done @!p0 $0x0  }
0x3b: {  	[sflag:s3] =	ssyncadd.s32 @!p0 $0xFFFFC000  }
0x3c: {  	v0 =	vld [tilespmem:$0x0]  }
0x3d: {  	v1 =	vld [tilespmem:$0x50]  }
0x3e: {  	v2 =	vld [tilespmem:$0x40]  }
0x3f: {  	v3 =	vld [tilespmem:$0x30]  }
0x40: {  	v4 =	vld [tilespmem:$0x20]  }
0x41: {  	v5 =	vld [tilespmem:$0xD0]  }
0x42: {  	v6 =	vld [tilespmem:$0xC0]  }
0x43: {  	v7 =	vld [tilespmem:$0xB0]  }
0x44: {  	v8 =	vld [tilespmem:$0x70]  }
0x45: {  	v58 =	vld [tilespmem:$0x110]  }
0x46: {  	v60 =	vld [tilespmem:$0x100]  }
0x47: {  	v61 =	vld [tilespmem:$0x120]  }
0x48: {  	v9 =	vld [tilespmem:$0xA0]  }
0x49: {  	v10 =	vld [tilespmem:$0xF0]  }
0x4a: {  	v11 =	vld [tilespmem:$0x90];
	v5 =	vmul.u32 $0x2800, v5;
	[tilespmem:$0x510] =	vst v58  }
0x4b: {  	v12 =	vld [tilespmem:$0xE0];
	v6 =	vmul.u32 $0x2800, v6;
	[tilespmem:$0x500] =	vst v60  }
0x4c: {  	v13 =	vld [tilespmem:$0x10];
	v7 =	vmul.u32 $0x2800, v7;
	[tilespmem:$0x520] =	vst v61;
	v1 =	vadd.s32 v1, v5  }
0x4d: {  	v56 =	vld [tilespmem:$0x60];
	v2 =	vadd.s32 v2, v6;
	[tilespmem:$0x450] =	vst v1;
	v1 =	vmul.u32 $0x2800, v9  }
0x4e: {  	v57 =	vld [tilespmem:$0x80];
	v3 =	vadd.s32 v3, v7;
	[tilespmem:$0x440] =	vst v2;
	v2 =	vmul.u32 $0x2800, v10  }
0x4f: {  	v62 =	vld [tilespmem:$0x170];
	[tilespmem:$0x430] =	vst v3;
	v3 =	vmul.u32 $0x2800, v11;
	v1 =	vadd.s32 v4, v1  }
0x50: {  	v63 =	vld [tilespmem:$0x150];
	v59 =	vmul.u32 $0x2800, v12;
	v2 =	vadd.s32 v8, v2;
	[tilespmem:$0x420] =	vst v1  }
0x51: {  	v3 =	vadd.s32 v13, v3;
	v1 =	vld [tilespmem:$0x130];
	[tilespmem:$0x470] =	vst v2  }
0x52: {  	v2 =	vld [tilespmem:$0x140];
	[tilespmem:$0x410] =	vst v3;
	v3 =	vadd.s32 v56, v59  }
0x53: {  	[tilespmem:$0x460] =	vst v3;
	v3 =	vld [tilespmem:$0x160]  }
0x54: {  	[tilespmem:$0x570] =	vst v62  }
0x55: {  	[tilespmem:$0x550] =	vst v63  }
0x56: {  	[tilespmem:$0x530] =	vst v1;
	v1 =	vmul.u32 $0x2800, v57  }
0x57: {  	[tilespmem:$0x540] =	vst v2  }
0x58: {  	[tilespmem:$0x560] =	vst v3;
	v0 =	vadd.s32 v0, v1  }
0x59: {  	[tilespmem:$0x400] =	vst v0  }
0x5a: {  	[tilespmem:s24], [sflag:$0x3] =	stream.indirect.gather [hbm4b:s4+s22], $0x80, s23, s22, $0xb8;
	[tilespmem:$0x1C600] =	vst v63  }
0x5b: {  	_ =	swait.ge [sflag:s25], $0x180  }
0x5c: {  	[sflag:s25] =	ssyncset.done $0x0  }
0x5d: {  	s3 =	simm.s32 @!p0 $0x6;
	[sflag:s25] =	ssyncadd.s32 $0xFFFFFE80  }
0x5e: {  	_ =	swait.ge @!p0 [sflag:s3], $0x4000  }
0x5f: {  	[sflag:s3] =	ssyncset.done @!p0 $0x0  }
0x60: {  	[sflag:s3] =	ssyncadd.s32 @!p0 $0xFFFFC000;
	p0 =	sne.s32 s6, $0x1  }
.Ltmp0:
0x61: {  	_ = 	snop;
	(pc) =	sbr.rel @!p0 .LBB2_3-.Ltmp0, $3  }
0x62: {  	_ =	sdelay $0x1  }
0x63: {  	s10 =	simm.s32 $0x1;
	v0 =	vld [tilespmem:$0x210]  }
0x64: {  	s11 =	simm.s32 $0x1;
	s13 =	smov.u32 s12;
	s3 =	smov.u32 s12;
	v1 =	vld [tilespmem:$0x220]  }
.LBB2_2:
0x65: {  	v2 =	vld [tilespmem:$0x200];
	s3 =	sadd.s32 $0x80, s3;
	s15 =	smov.u32 s11;
	s11 =	sadd.s32 $0x1, s11  }
0x66: {  	p0 =	sne.s32 s6, s11;
	v3 =	vld [tilespmem:$0x240]  }
0x67: {  	v4 =	vld [tilespmem:$0x270]  }
0x68: {  	v5 =	vld [tilespmem:$0x230]  }
0x69: {  	v6 =	vld [tilespmem:$0x2C0]  }
0x6a: {  	v7 =	vld [tilespmem:$0x2F0]  }
0x6b: {  	v8 =	vld [tilespmem:$0x250]  }
0x6c: {  	v9 =	vld [tilespmem:$0x280]  }
0x6d: {  	v10 =	vld [tilespmem:$0x2B0]  }
0x6e: {  	v6 =	vmul.u32 $0x2800, v6;
	v11 =	vld [tilespmem:$0x2D0]  }
0x6f: {  	v12 =	vld [tilespmem:$0x2E0];
	v7 =	vmul.u32 $0x2800, v7  }
0x70: {  	v13 =	vld [tilespmem:$0x2A0];
	v3 =	vadd.s32 v3, v6  }
0x71: {  	v6 =	vmul.u32 $0x2800, v9;
	v9 =	vld [tilespmem:$0x290];
	[tilespmem:$0x4C0] =	vst v3;
	v3 =	vadd.s32 v4, v7  }
0x72: {  	v4 =	vmul.u32 $0x2800, v10;
	v7 =	vld [tilespmem:$0x260];
	[tilespmem:$0x4F0] =	vst v3  }
0x73: {  	v2 =	vadd.s32 v2, v6;
	v3 =	vld [tilespmem:$0x300];
	v6 =	vmul.u32 $0x2800, v11  }
0x74: {  	[tilespmem:$0x480] =	vst v2;
	v2 =	vld [tilespmem:$0x310];
	v4 =	vadd.s32 v5, v4  }
0x75: {  	v5 =	vmul.u32 $0x2800, v13;
	v10 =	vld [tilespmem:$0x320];
	[tilespmem:$0x4B0] =	vst v4;
	v4 =	vadd.s32 v8, v6;
	v6 =	vmul.u32 $0x2800, v12  }
0x76: {  	v8 =	vmul.u32 $0x2800, v9;
	v9 =	vld [tilespmem:$0x330];
	[tilespmem:$0x4D0] =	vst v4  }
0x77: {  	v1 =	vadd.s32 v1, v5;
	v4 =	vld [tilespmem:$0x340];
	v5 =	vadd.s32 v7, v6  }
0x78: {  	[tilespmem:$0x580] =	vst v3;
	v0 =	vadd.s32 v0, v8;
	v3 =	vld [tilespmem:$0x350]  }
0x79: {  	[tilespmem:$0x4E0] =	vst v5;
	v5 =	vld [tilespmem:$0x360]  }
0x7a: {  	[tilespmem:$0x4A0] =	vst v1;
	v1 =	vld [tilespmem:$0x370]  }
0x7b: {  	[tilespmem:$0x5B0] =	vst v9  }
0x7c: {  	[tilespmem:$0x5C0] =	vst v4  }
0x7d: {  	[tilespmem:$0x5D0] =	vst v3  }
0x7e: {  	[tilespmem:$0x590] =	vst v2  }
0x7f: {  	[tilespmem:$0x5E0] =	vst v5  }
0x80: {  	[tilespmem:$0x5A0] =	vst v10  }
0x81: {  	[tilespmem:$0x5F0] =	vst v1  }
0x82: {  	[tilespmem:$0x490] =	vst v0  }
0x83: {  	[tilespmem:s28], [sflag:$0x4] =	stream.indirect.gather [hbm4b:s4+s22], $0x80, s26, s22, $0xb8;
	[tilespmem:$0x1C600] =	vst v63  }
0x84: {  	_ =	swait.ge [sflag:s29], $0x4000  }
0x85: {  	p1 =	sge.u32 s10, s6;
	s10 =	smov.u32 s11;
	[sflag:s29] =	ssyncset.done $0x0  }
0x86: {  	s7 =	simm.s32 @p1 $0x4;
	[sflag:s29] =	ssyncadd.s32 $0xFFFFC000  }
0x87: {  	[spmem:s1] =	stream.indirect.scatter.add.f32 [tilespmem:s24], [sflag:$0x5], $0x80, s30, s22, $0xb8;
	[tilespmem:$0x1C600] =	vst v63  }
0x88: {  	s16 =	simm.s32 @p1 $0x4600;
	_ =	swait.ge @p1 [sflag:s7], $0x4000  }
0x89: {  	s17 =	simm.s32 @p1 $0x80;
	s18 =	simm.s32 @p1 $0x580;
	[sflag:s7] =	ssyncset.done @p1 $0x0  }
0x8a: {  	[sflag:s7] =	ssyncadd.s32 @p1 $0xFFFFC000;
	s7 =	simm.s32 @!p1 $0x0  }
0x8b: {  	[spmem:s1] =	stream.indirect.scatter.add.f32 @p1 [tilespmem:s16], [sflag:$0x6], $0x80, s18, s17, $0xb8;
	[tilespmem:$0x1C600] =	vst v63  }
0x8c: {  	s16 =	simm.s32 @!p1 $0x4  }
0x8d: {  	[tilespmem:s7], [sflag:$0x1] =	stream.linear.gather @!p1 [hbm4b:s13+s7], $0x180, $0x38;
	[tilespmem:$0x1C600] =	vst v63  }
0x8e: {  	s17 =	simm.s32 @!p1 $0x4600;
	_ =	swait.ge @!p1 [sflag:s16], $0x4000  }
0x8f: {  	s9 =	simm.s32 @!p1 $0x580;
	s18 =	simm.s32 @!p1 $0x80;
	[sflag:s16] =	ssyncset.done @!p1 $0x0  }
0x90: {  	s31 =	simm.s32 @!p1 $0x200;
	[sflag:s16] =	ssyncadd.s32 @!p1 $0xFFFFC000;
	s16 =	sadd.s32 @!p1 $0x40, s13  }
0x91: {  	[spmem:s1] =	stream.indirect.scatter.add.f32 @!p1 [tilespmem:s17], [sflag:$0x6], $0x80, s9, s18, $0xb8;
	[tilespmem:$0x1C600] =	vst v63  }
0x92: {  	s13 =	smov.u32 s3  }
0x93: {  	[tilespmem:s31], [sflag:$0x2] =	stream.linear.gather @!p1 [hbm4b:s16+s7], $0x180, $0x38;
	[tilespmem:$0x1C600] =	vst v63  }
0x94: {  	_ =	swait.ge [sflag:s21], $0x180  }
0x95: {  	p1 =	seq.s32 s15, $0x0;
	[sflag:s21] =	ssyncset.done $0x0  }
0x96: {  	s7 =	simm.s32 @!p1 $0x5;
	[sflag:s21] =	ssyncadd.s32 $0xFFFFFE80  }
0x97: {  	_ =	swait.ge @!p1 [sflag:s7], $0x4000  }
0x98: {  	[sflag:s7] =	ssyncset.done @!p1 $0x0  }
0x99: {  	[sflag:s7] =	ssyncadd.s32 @!p1 $0xFFFFC000  }
0x9a: {  	v0 =	vld [tilespmem:$0x0]  }
0x9b: {  	v1 =	vld [tilespmem:$0x60]  }
0x9c: {  	v2 =	vld [tilespmem:$0x50]  }
0x9d: {  	v3 =	vld [tilespmem:$0x40]  }
0x9e: {  	v4 =	vld [tilespmem:$0x30]  }
0x9f: {  	v5 =	vld [tilespmem:$0x20]  }
0xa0: {  	v6 =	vld [tilespmem:$0x10]  }
0xa1: {  	v7 =	vld [tilespmem:$0xD0]  }
0xa2: {  	v8 =	vld [tilespmem:$0xC0]  }
0xa3: {  	v9 =	vld [tilespmem:$0xB0]  }
0xa4: {  	v10 =	vld [tilespmem:$0x70]  }
0xa5: {  	v11 =	vld [tilespmem:$0xA0]  }
0xa6: {  	v7 =	vmul.u32 $0x2800, v7;
	v12 =	vld [tilespmem:$0xF0]  }
0xa7: {  	v13 =	vld [tilespmem:$0x90];
	v8 =	vmul.u32 $0x2800, v8  }
0xa8: {  	v9 =	vmul.u32 $0x2800, v9;
	v2 =	vadd.s32 v2, v7;
	v7 =	vld [tilespmem:$0xE0]  }
0xa9: {  	v14 =	vld [tilespmem:$0x80];
	v3 =	vadd.s32 v3, v8;
	[tilespmem:$0x450] =	vst v2  }
0xaa: {  	v2 =	vld [tilespmem:$0x100];
	v8 =	vmul.u32 $0x2800, v11;
	v4 =	vadd.s32 v4, v9;
	[tilespmem:$0x440] =	vst v3  }
0xab: {  	v3 =	vld [tilespmem:$0x110];
	[tilespmem:$0x430] =	vst v4;
	v4 =	vmul.u32 $0x2800, v12  }
0xac: {  	v9 =	vmul.u32 $0x2800, v13;
	v5 =	vadd.s32 v5, v8;
	v8 =	vld [tilespmem:$0x120]  }
0xad: {  	[tilespmem:$0x420] =	vst v5;
	v5 =	vld [tilespmem:$0x130];
	v7 =	vmul.u32 $0x2800, v7;
	v4 =	vadd.s32 v10, v4  }
0xae: {  	v10 =	vmul.u32 $0x2800, v14;
	v6 =	vadd.s32 v6, v9;
	v9 =	vld [tilespmem:$0x140];
	[tilespmem:$0x470] =	vst v4  }
0xaf: {  	[tilespmem:$0x410] =	vst v6;
	v4 =	vld [tilespmem:$0x150];
	v1 =	vadd.s32 v1, v7  }
0xb0: {  	[tilespmem:$0x460] =	vst v1;
	v1 =	vld [tilespmem:$0x160]  }
0xb1: {  	v0 =	vadd.s32 v0, v10;
	[tilespmem:$0x510] =	vst v3;
	v3 =	vld [tilespmem:$0x170]  }
0xb2: {  	[tilespmem:$0x530] =	vst v5  }
0xb3: {  	[tilespmem:$0x500] =	vst v2  }
0xb4: {  	[tilespmem:$0x540] =	vst v9  }
0xb5: {  	[tilespmem:$0x560] =	vst v1  }
0xb6: {  	[tilespmem:$0x400] =	vst v0  }
0xb7: {  	[tilespmem:$0x520] =	vst v8  }
0xb8: {  	[tilespmem:$0x570] =	vst v3  }
0xb9: {  	[tilespmem:$0x550] =	vst v4  }
0xba: {  	[tilespmem:s24], [sflag:$0x3] =	stream.indirect.gather [hbm4b:s4+s22], $0x80, s23, s22, $0xb8;
	[tilespmem:$0x1C600] =	vst v63  }
0xbb: {  	_ =	swait.ge [sflag:s25], $0x180  }
0xbc: {  	[sflag:s25] =	ssyncset.done $0x0  }
0xbd: {  	s7 =	simm.s32 @!p1 $0x6;
	[sflag:s25] =	ssyncadd.s32 $0xFFFFFE80  }
.Ltmp1:
0xbe: {  	_ =	swait.ge @!p1 [sflag:s7], $0x4000;
	(pc) =	sbr.rel @p0 .LBB2_2-.Ltmp1, $4  }
0xbf: {  	[sflag:s7] =	ssyncset.done @!p1 $0x0  }
0xc0: {  	[sflag:s7] =	ssyncadd.s32 @!p1 $0xFFFFC000  }
0xc1: {  	v0 =	vld [tilespmem:$0x210]  }
0xc2: {  	v1 =	vld [tilespmem:$0x220]  }
.LBB2_3:
0xc3: {  	v2 =	vld [tilespmem:$0x200]  }
0xc4: {  	v3 =	vld [tilespmem:$0x240]  }
0xc5: {  	v4 =	vld [tilespmem:$0x270]  }
0xc6: {  	v5 =	vld [tilespmem:$0x230]  }
0xc7: {  	v6 =	vld [tilespmem:$0x2C0]  }
0xc8: {  	v7 =	vld [tilespmem:$0x2F0]  }
0xc9: {  	v8 =	vld [tilespmem:$0x250]  }
0xca: {  	v9 =	vld [tilespmem:$0x280]  }
0xcb: {  	v49 =	vld [tilespmem:$0x300]  }
0xcc: {  	v55 =	vld [tilespmem:$0x330]  }
0xcd: {  	v57 =	vld [tilespmem:$0x340]  }
0xce: {  	v58 =	vld [tilespmem:$0x350]  }
0xcf: {  	v59 =	vld [tilespmem:$0x310]  }
0xd0: {  	v60 =	vld [tilespmem:$0x360];
	[tilespmem:$0x580] =	vst v49  }
0xd1: {  	v61 =	vld [tilespmem:$0x320];
	[tilespmem:$0x5B0] =	vst v55  }
0xd2: {  	v62 =	vld [tilespmem:$0x370];
	[tilespmem:$0x5C0] =	vst v57  }
0xd3: {  	v10 =	vld [tilespmem:$0x2B0];
	[tilespmem:$0x5D0] =	vst v58  }
0xd4: {  	v11 =	vld [tilespmem:$0x2D0];
	[tilespmem:$0x590] =	vst v59  }
0xd5: {  	v13 =	vld [tilespmem:$0x2A0];
	v6 =	vmul.u32 $0x2800, v6;
	[tilespmem:$0x5E0] =	vst v60  }
0xd6: {  	v51 =	vld [tilespmem:$0x290];
	v7 =	vmul.u32 $0x2800, v7;
	[tilespmem:$0x5A0] =	vst v61  }
0xd7: {  	v12 =	vld [tilespmem:$0x2E0];
	v45 =	vmul.u32 $0x2800, v9;
	[tilespmem:$0x5F0] =	vst v62;
	v3 =	vadd.s32 v3, v6  }
0xd8: {  	v48 =	vmul.u32 $0x2800, v10;
	v47 =	vadd.s32 v4, v7;
	[tilespmem:$0x4C0] =	vst v3  }
0xd9: {  	v46 =	vld [tilespmem:$0x260];
	v50 =	vmul.u32 $0x2800, v11;
	v2 =	vadd.s32 v2, v45;
	[tilespmem:$0x4F0] =	vst v47  }
0xda: {  	v56 =	vmul.u32 $0x2800, v13;
	v52 =	vadd.s32 v5, v48;
	[tilespmem:$0x480] =	vst v2  }
0xdb: {  	v63 =	vmul.u32 $0x2800, v51;
	v53 =	vadd.s32 v8, v50;
	[tilespmem:$0x4B0] =	vst v52  }
0xdc: {  	v54 =	vmul.u32 $0x2800, v12;
	v1 =	vadd.s32 v1, v56;
	[tilespmem:$0x4D0] =	vst v53  }
0xdd: {  	v0 =	vadd.s32 v0, v63;
	[tilespmem:$0x4A0] =	vst v1  }
0xde: {  	v3 =	vadd.s32 v46, v54;
	[tilespmem:$0x490] =	vst v0  }
0xdf: {  	[tilespmem:$0x4E0] =	vst v3  }
0xe0: {  	[tilespmem:s28], [sflag:$0x4] =	stream.indirect.gather [hbm4b:s4+s22], $0x80, s26, s22, $0xb8;
	[tilespmem:$0x1C600] =	vst v63  }
0xe1: {  	_ =	swait.ge [sflag:s29], $0x4000  }
0xe2: {  	p0 =	sge.u32 s10, s6;
	[sflag:s29] =	ssyncset.done $0x0  }
0xe3: {  	s3 =	simm.s32 @p0 $0x4;
	[sflag:s29] =	ssyncadd.s32 $0xFFFFC000  }
0xe4: {  	[spmem:s1] =	stream.indirect.scatter.add.f32 [tilespmem:s24], [sflag:$0x5], $0x80, s30, s22, $0xb8;
	[tilespmem:$0x1C600] =	vst v63  }
0xe5: {  	_ =	swait.ge @p0 [sflag:s3], $0x4000  }
0xe6: {  	s7 =	simm.s32 @p0 $0x4600;
	[sflag:s3] =	ssyncset.done @p0 $0x0  }
0xe7: {  	s9 =	simm.s32 @p0 $0x80;
	s10 =	simm.s32 @p0 $0x580;
	[sflag:s3] =	ssyncadd.s32 @p0 $0xFFFFC000  }
0xe8: {  	[spmem:s1] =	stream.indirect.scatter.add.f32 @p0 [tilespmem:s7], [sflag:$0x6], $0x80, s10, s9, $0xb8;
	[tilespmem:$0x1C600] =	vst v63  }
0xe9: {  	s3 =	simm.s32 @!p0 $0x0;
	s7 =	simm.s32 @!p0 $0x4  }
0xea: {  	[tilespmem:s3], [sflag:$0x1] =	stream.linear.gather @!p0 [hbm4b:s13+s3], $0x180, $0x38;
	[tilespmem:$0x1C600] =	vst v63  }
0xeb: {  	_ =	swait.ge @!p0 [sflag:s7], $0x4000  }
0xec: {  	s11 =	simm.s32 @!p0 $0x580;
	[sflag:s7] =	ssyncset.done @!p0 $0x0  }
0xed: {  	s9 =	simm.s32 @!p0 $0x4600;
	s10 =	simm.s32 @!p0 $0x80;
	[sflag:s7] =	ssyncadd.s32 @!p0 $0xFFFFC000  }
0xee: {  	[spmem:s1] =	stream.indirect.scatter.add.f32 @!p0 [tilespmem:s9], [sflag:$0x6], $0x80, s11, s10, $0xb8;
	[tilespmem:$0x1C600] =	vst v63  }
0xef: {  	s16 =	simm.s32 $0x5;
	s7 =	sadd.s32 @!p0 $0x40, s13;
	s9 =	simm.s32 @!p0 $0x200  }
0xf0: {  	[tilespmem:s9], [sflag:$0x2] =	stream.linear.gather @!p0 [hbm4b:s7+s3], $0x180, $0x38;
	[tilespmem:$0x1C600] =	vst v63  }
0xf1: {  	_ =	swait.ge [sflag:s16], $0x4000  }
0xf2: {  	[sflag:s16] =	ssyncset.done $0x0  }
0xf3: {  	[sflag:s16] =	ssyncadd.s32 $0xFFFFC000  }
0xf4: {  	_ =	swait.ge [sflag:s0], $0x4000  }
0xf5: {  	[sflag:s0] =	ssyncset.done $0x0  }
0xf6: {  	[sflag:s0] =	ssyncadd.s32 $0xFFFFC000  }
0xf7: {  	[bflag:$0x0] =	sbarrier.arrive $0xFFFF  }
0xf8: {  	s17 =	rddreg [dreg:$0x4]  }
0xf9: {  	s18 =	rddreg [dreg:$0x7];
	s3 =	sor.u32 $0x1C08, s17  }
0xfa: {  	[hbm:s18], [sflag:s3] =	dma.local [spmem:s14], $0x2800  }
0xfb: {  	_ =	swait.ge [sflag:s2], $0x2800  }
0xfc: {  	s19 =	sadd.s32 $0x1, s19;
	s31 =	rddreg [dreg:$0x8]  }
0xfd: {  	p0 =	sne.s32 s19, s31  }
.Ltmp2:
0xfe: {  	_ = 	snop;
	(pc) =	sbr.rel @p0 .LBB2_1-.Ltmp2, $3  }
0xff: {  	_ =	sdelay $0x1  }
0x100: {  	[sflag:s2] =	ssyncset.done $0x0  }
0x101: {  	[sflag:s2] =	ssyncadd.s32 $0xFFFFD800  }
0x102: {  	_ =	sfence.sel $0x180000  }
0x103: {  	[bflag:$0x0] =	sbarrier.arrive $0xFFFF  }
0x104: {  	_ =	strace $0x90000050  }
0x105: {  	s0 =	stileid.u32;
	[bflag:$0x2] =	sbarrier.arrive $0xFFFF  }
0x106: {  	p0 =	sne.s32 s0, $0x0;
	s0 =	rddreg [dreg:$0x3]  }
0x107: {  	s0 =	sadd.s32 @!p0 $0x100000, s0  }
0x108: {  	[sflag:s0] =	ssyncadd.tile.s32 @!p0 $0x1;
	_ =	shalt  }
.Lfunc_end2:
_tile_overlayer_lowered:
.L_overlay_start_2:
0x109: {  	(tag) =	ssettag $0x2  }
0x10a: {  	s0 =	rddreg [dreg:$0x0];
	s2 =	stileid.u32  }
0x10b: {  	s1 =	rddreg [dreg:$0x1];
	p0 =	sne.s32 s2, $0x0  }
0x10c: {  	s3 =	rddreg [dreg:$0x2];
	[bflag:$0x3] =	sbarrier.arrive $0xFFFF;
	s2 =	simm.s32 @!p0 $0x1C08  }
0x10d: {  	[timem:s3], [sflag:s2] =	dma.local @!p0 [hbm:s0], s1  }
0x10e: {  	s0 =	simm.s32 @!p0 $0x8  }
0x10f: {  	_ =	swait.ge @!p0 [sflag:s0], s1  }
0x110: {  	s1 =	ssub.s32 @!p0 $0x0, s1;
	[sflag:s0] =	ssyncset.done @!p0 $0x0  }
0x111: {  	[sflag:s0] =	ssyncadd.s32 @!p0 s1  }
0x112: {  	[bflag:$0x3] =	sbarrier.arrive $0xFFFF  }
0x113: {  	_ =	shalt  }

</sc_bundles>
